<compile_context>
chip_gen: v7x
topology: tpu7x:2x2x1
jax: 0.10.2.dev20260603
libtpu: 0.0.44.dev20260713+nightly
codegen_flags: <defaults>
</compile_context>

<pallas_src>
import functools

import jax
import jax.numpy as jnp
from jax import lax
from jax.experimental import pallas as pl
from jax.experimental.pallas import tpu as pltpu
from jax.experimental.pallas import tpu_sc as plsc

ROWS = 64
N = 32768
K = 256
L = 16
NVREG = N // L
NC = 2
NS = 16
ROWS_PER_W = ROWS // (NC * NS)
CAND_CAP = N + L
MASK7F = 0x7FFFFFFF


def _key(xv):
    i = lax.bitcast_convert_type(xv, jnp.int32)
    m = lax.shift_right_arithmetic(i, jnp.full((L,), 31, jnp.int32))
    return lax.bitwise_xor(i, lax.bitwise_and(m, _splat(MASK7F)))


def _splat(val):
    return jnp.full((L,), val, jnp.int32)


def _sload(ref, idx):
    v = plsc.load_gather(ref, [_splat(idx)])
    return jnp.max(v)


def _scount(mask):
    return jnp.max(plsc.all_reduce_population_count(mask))


def _zero_hist(hist):
    def body(c, _):
        hist[pl.ds(c * L, L)] = jnp.zeros((L,), jnp.int32)
        return 0

    lax.fori_loop(0, 256, body, 0)


def _crossing(hist, cum, k_rem):

    def chunk(c, carry):
        acc = jnp.zeros((L,), jnp.int32)
        for lane in range(L):
            acc = acc + hist[pl.ds(lane * 256 + c * L, L)]
        cs = plsc.cumsum(acc) + carry
        cum[pl.ds(c * L, L)] = cs
        return jnp.max(cs)

    n_act = lax.fori_loop(0, 256 // L, chunk, jnp.int32(0))
    target = n_act - k_rem

    def cnt(c, dacc):
        cs = cum[pl.ds(c * L, L)]
        return dacc + _scount(cs <= target)

    d = lax.fori_loop(0, 256 // L, cnt, jnp.int32(0))
    cum_d = _sload(cum, d)
    k_rem_new = k_rem - (n_act - cum_d)
    return d, k_rem_new


def _row_topk(xrow, cand_s, cand_i, hist, cum, eq_i, fk_s, fk_i, out_s,
              out_i, outv_v):
    lane = lax.iota(jnp.int32, L)
    ones = jnp.ones((L,), jnp.int32)
    tmask = jnp.ones((L,), jnp.bool_)

    _zero_hist(hist)

    def scan_a(v, _):
        s = _key(xrow[pl.ds(v * L, L)])
        d = lax.shift_right_arithmetic(s, jnp.full((L,), 24, jnp.int32)) + 128
        plsc.addupdate_scatter(hist, [lane * 256 + d], ones, mask=tmask)
        return 0

    lax.fori_loop(0, NVREG, scan_a, 0)
    m0 = lane == 0
    d1, k_rem = _crossing(hist, cum, jnp.int32(K))
    t1 = lax.shift_left(d1 - 128, 24)
    t1v = _splat(t1)

    c16v = _splat(L)

    def scan_b(v, carry):
        cnt_v, idxv = carry
        s = _key(xrow[pl.ds(v * L, L)])
        m = s >= t1v
        posn = cnt_v * L + lane
        plsc.store_scatter(cand_s, [posn], s, mask=m)
        plsc.store_scatter(cand_i, [posn], idxv, mask=m)
        return cnt_v + m.astype(jnp.int32), idxv + c16v

    cnt_v, _ = lax.fori_loop(0, NVREG, scan_b,
                             (jnp.zeros((L,), jnp.int32), lane))
    nc_vregs = jnp.max(cnt_v)

    pfx = t1
    for lvl in range(3):
        sh = 16 - 8 * lvl
        hibits = 8 * (lvl + 1)
        _zero_hist(hist)
        pfx_v = _splat(pfx)
        shv = jnp.full((L,), sh, jnp.int32)
        hiv = jnp.full((L,), 32 - hibits, jnp.int32)

        def scan_l(v, _, pfx_v=pfx_v, shv=shv, hiv=hiv):
            s = cand_s[pl.ds(v * L, L)]
            val = _splat(v) < cnt_v
            act = (lax.shift_right_logical(lax.bitwise_xor(s, pfx_v), hiv)
                   == 0) & val
            d = lax.bitwise_and(
                lax.shift_right_arithmetic(s, shv), _splat(0xFF))
            plsc.addupdate_scatter(hist, [lane * 256 + d],
                                   act.astype(jnp.int32), mask=tmask)
            return 0

        lax.fori_loop(0, nc_vregs, scan_l, 0)
        d_l, k_rem = _crossing(hist, cum, k_rem)
        pfx = lax.bitwise_or(pfx, lax.shift_left(d_l, sh))

    s_star = pfx
    r_star = k_rem
    s_star_v = _splat(s_star)

    def scan_f(v, carry):
        fpos, epos = carry
        s = cand_s[pl.ds(v * L, L)]
        iv = cand_i[pl.ds(v * L, L)]
        val = _splat(v) < cnt_v
        m_gt = (s > s_star_v) & val
        m_eq = (s == s_star_v) & val
        plsc.store_compressed(fk_s.at[pl.ds(fpos, L)], s, mask=m_gt)
        plsc.store_compressed(fk_i.at[pl.ds(fpos, L)], iv, mask=m_gt)
        plsc.store_compressed(eq_i.at[pl.ds(epos, L)], iv, mask=m_eq)
        return fpos + _scount(m_gt), epos + _scount(m_eq)

    fpos, n_eq = lax.fori_loop(0, nc_vregs, scan_f,
                               (jnp.int32(0), jnp.int32(0)))
    fpos_v = _splat(fpos)
    rstar_v = _splat(r_star)
    neq_v = _splat(n_eq)
    ev = (n_eq + L - 1) // L

    def eq_body(e, _):
        ie_v = _splat(_sload(eq_i, e))

        def eq_inner(r, cnt):
            iv = eq_i[pl.ds(r * L, L)]
            val = (_splat(r * L) + lane) < neq_v
            return cnt + ((iv < ie_v) & val).astype(jnp.int32)

        cnt = lax.fori_loop(0, ev, eq_inner, jnp.zeros((L,), jnp.int32))
        rank_v = _splat(jnp.sum(cnt))
        keep = m0 & (rank_v < rstar_v)
        plsc.store_scatter(fk_s, [fpos_v + rank_v], s_star_v, mask=keep)
        plsc.store_scatter(fk_i, [fpos_v + rank_v], ie_v, mask=keep)
        return 0

    lax.fori_loop(0, n_eq, eq_body, 0)


    zv = jnp.zeros((L,), jnp.int32)

    def rank_body(h, _):
        i0 = h * 4
        sv = [_splat(_sload(fk_s, i0 + t)) for t in range(4)]
        iv = [_splat(_sload(fk_i, i0 + t)) for t in range(4)]

        def inner(j, carry):
            s = fk_s[pl.ds(j * L, L)]
            idx = fk_i[pl.ds(j * L, L)]
            return tuple(
                c + ((s > sv[t])
                     | ((s == sv[t]) & (idx < iv[t]))).astype(jnp.int32)
                for t, c in enumerate(carry))

        cnts = lax.fori_loop(0, K // L, inner, (zv, zv, zv, zv))
        for t in range(4):
            rv = _splat(jnp.sum(cnts[t]))
            plsc.store_scatter(out_s, [rv], sv[t], mask=m0)
            plsc.store_scatter(out_i, [rv], iv[t], mask=m0)
        return 0

    lax.fori_loop(0, K // 4, rank_body, 0)

    def outconv(c, _):
        s = out_s[pl.ds(c * L, L)]
        m = lax.shift_right_arithmetic(s, jnp.full((L,), 31, jnp.int32))
        i = lax.bitwise_xor(s, lax.bitwise_and(m, _splat(MASK7F)))
        outv_v[pl.ds(c * L, L)] = lax.bitcast_convert_type(i, jnp.float32) * 2.0
        return 0

    lax.fori_loop(0, K // L, outconv, 0)


def _make_kernel():
    mesh = plsc.VectorSubcoreMesh(core_axis_name="c", subcore_axis_name="s")

    @functools.partial(
        pl.kernel,
        out_type=(
            jax.ShapeDtypeStruct((ROWS, K), jnp.float32),
            jax.ShapeDtypeStruct((ROWS, K), jnp.int32),
        ),
        mesh=mesh,
        compiler_params=pltpu.CompilerParams(needs_layout_passes=False),
        scratch_types=[
            pltpu.VMEM((N,), jnp.float32),
            pltpu.VMEM((CAND_CAP,), jnp.int32),
            pltpu.VMEM((CAND_CAP,), jnp.int32),
            pltpu.VMEM((4096,), jnp.int32),
            pltpu.VMEM((256,), jnp.int32),
            pltpu.VMEM((4096,), jnp.int32),
            pltpu.VMEM((K + L,), jnp.int32),
            pltpu.VMEM((K + L,), jnp.int32),
            pltpu.VMEM((K,), jnp.int32),
            pltpu.VMEM((K,), jnp.int32),
            pltpu.VMEM((K,), jnp.float32),
        ],
    )
    def topk_kernel(x_hbm, outv_hbm, outi_hbm, xrow, cand_s, cand_i, hist,
                    cum, eq_i, fk_s, fk_i, out_s, out_i, outv_v):
        wid = lax.axis_index("s") * NC + lax.axis_index("c")
        for r in range(ROWS_PER_W):
            row = wid * ROWS_PER_W + r
            pltpu.sync_copy(x_hbm.at[row], xrow)
            _row_topk(xrow, cand_s, cand_i, hist, cum, eq_i, fk_s, fk_i,
                      out_s, out_i, outv_v)
            pltpu.sync_copy(outv_v, outv_hbm.at[row])
            pltpu.sync_copy(out_i, outi_hbm.at[row])

    return topk_kernel


_topk = _make_kernel()


@jax.jit
def kernel(tensor):
    values, indices = _topk(tensor)
    return (values, indices)

# --- scband reference (transcript-rebuilt; emitter-appended) ---
"""Pipeline reference for scband-simple-topk-model-2997887172884 (READ-ONLY COPY).

The authoritative reference and input builder live on the scoring server;
editing this copy changes nothing except your own understanding.
"""

import jax, jax.numpy as jnp
import numpy as np

COUNT = 256

def setup_inputs(seed: int = 0) -> dict:
    key = jax.random.key(seed)
    tensor = jax.random.normal(key, (64, 32768), dtype=jnp.float32)
    return {"tensor": tensor}

def reference(tensor):
    # Faithful translation of SimpleTopkModel.forward:
    #   tensor = tensor + tensor
    #   return torch.topk(tensor, count)  -> (values, indices)
    t = tensor + tensor
    values, indices = jax.lax.top_k(t, COUNT)
    return (values, indices)

if __name__ == "__main__":
    import jax
    _d = setup_inputs()
    print(jax.jit(kernel)(*tuple(_d.values())))

</pallas_src>

<mosaic_0001>
#map = affine_map<(d0, d1) -> (0, 0)>
module attributes {stable_mosaic.version = 14 : i64} {
  func.func @topk_kernel(%arg0: i32, %arg1: i32, %arg2: memref<64x32768xf32, #tpu.memory_space<hbm>>, %arg3: memref<64x256xf32, #tpu.memory_space<hbm>>, %arg4: memref<64x256xi32, #tpu.memory_space<hbm>>, %arg5: memref<32768xf32, #tpu.memory_space<vmem>>, %arg6: memref<32784xi32, #tpu.memory_space<vmem>>, %arg7: memref<32784xi32, #tpu.memory_space<vmem>>, %arg8: memref<4096xi32, #tpu.memory_space<vmem>>, %arg9: memref<256xi32, #tpu.memory_space<vmem>>, %arg10: memref<4096xi32, #tpu.memory_space<vmem>>, %arg11: memref<272xi32, #tpu.memory_space<vmem>>, %arg12: memref<272xi32, #tpu.memory_space<vmem>>, %arg13: memref<256xi32, #tpu.memory_space<vmem>>, %arg14: memref<256xi32, #tpu.memory_space<vmem>>, %arg15: memref<256xf32, #tpu.memory_space<vmem>>) attributes {dimension_semantics = [#tpu.dimension_semantics<core_parallel>, #tpu.dimension_semantics<subcore_parallel>], iteration_bounds = array<i64: 2, 16>, scalar_prefetch = 0 : i64, scratch_operands = 11 : i64, tpu.core_type = #tpu.core_type<sc_vector_subcore>, window_params = [{transform_indices = #map}, {transform_indices = #map}, {transform_indices = #map}]} {
    %mul3A = arith.constant 2 : i32
    %mul3A_0 = arith.muli %arg1, %mul3A : i32
    %add3A = arith.addi %mul3A_0, %arg0 : i32
    %mul3A_1 = arith.constant 2 : i32
    %mul3A_2 = arith.muli %add3A, %mul3A_1 : i32
    %add3A_3 = arith.constant 0 : i32
    %add3A_4 = arith.addi %mul3A_2, %add3A_3 : i32
    "tpu.region"() ({
      %run_scoped3A = tpu.sem_alloc : memref<!tpu.dma_semaphore, #tpu.memory_space<semaphore_mem>>
      %dma_start3A = arith.constant 0 : i32
      %dma_start3A_610 = tpu.memref_slice %arg2[%add3A_4, %dma_start3A] : memref<64x32768xf32, #tpu.memory_space<hbm>> -> memref<1x32768xf32, #tpu.memory_space<hbm>>
      %dma_start3A_611 = tpu.memref_squeeze %dma_start3A_610 : memref<1x32768xf32, #tpu.memory_space<hbm>> -> memref<32768xf32, #tpu.memory_space<hbm>>
      %dma_start3A_612 = arith.constant 0 : i32
      %dma_start3A_613 = tpu.memref_slice %arg2[%add3A_4, %dma_start3A_612] : memref<64x32768xf32, #tpu.memory_space<hbm>> -> memref<1x32768xf32, #tpu.memory_space<hbm>>
      %dma_start3A_614 = tpu.memref_squeeze %dma_start3A_613 : memref<1x32768xf32, #tpu.memory_space<hbm>> -> memref<32768xf32, #tpu.memory_space<hbm>>
      tpu.enqueue_dma source(%dma_start3A_614 : memref<32768xf32, #tpu.memory_space<hbm>>) target(%arg5 : memref<32768xf32, #tpu.memory_space<vmem>>) target_semaphore(%run_scoped3A : memref<!tpu.dma_semaphore, #tpu.memory_space<semaphore_mem>>)
      %dma_wait3A = arith.constant 0 : i32
      %dma_wait3A_615 = tpu.memref_slice %arg2[%add3A_4, %dma_wait3A] : memref<64x32768xf32, #tpu.memory_space<hbm>> -> memref<1x32768xf32, #tpu.memory_space<hbm>>
      %dma_wait3A_616 = tpu.memref_squeeze %dma_wait3A_615 : memref<1x32768xf32, #tpu.memory_space<hbm>> -> memref<32768xf32, #tpu.memory_space<hbm>>
      %dma_wait3A_617 = arith.constant 0 : i32
      %dma_wait3A_618 = tpu.memref_slice %arg2[%add3A_4, %dma_wait3A_617] : memref<64x32768xf32, #tpu.memory_space<hbm>> -> memref<1x32768xf32, #tpu.memory_space<hbm>>
      %dma_wait3A_619 = tpu.memref_squeeze %dma_wait3A_618 : memref<1x32768xf32, #tpu.memory_space<hbm>> -> memref<32768xf32, #tpu.memory_space<hbm>>
      tpu.wait_dma2 semaphore(%run_scoped3A : memref<!tpu.dma_semaphore, #tpu.memory_space<semaphore_mem>>) src(%dma_wait3A_619 : memref<32768xf32, #tpu.memory_space<hbm>>) dst(%arg5 : memref<32768xf32, #tpu.memory_space<vmem>>)
      tpu.yield
    }) : () -> ()
    %iota3A = tpu.iota {dimensions = array<i32: 0>} : vector<16xi32>
    %broadcast_in_dim3A = arith.constant 1 : i32
    %broadcast_in_dim3A_5 = vector.broadcast %broadcast_in_dim3A : i32 to vector<16xi32>
    %broadcast_in_dim3A_6 = arith.constant true
    %broadcast_in_dim3A_7 = vector.broadcast %broadcast_in_dim3A_6 : i1 to vector<16xi1>
    %scan3A = arith.constant 0 : i32
    %scan3A_8 = arith.constant 0 : i32
    %scan3A_9 = arith.constant 256 : i32
    %scan3A_10 = arith.addi %scan3A_8, %scan3A_9 : i32
    %scan3A_11 = arith.constant 1 : i32
    %scan3A_12 = scf.for %scan3A_610 = %scan3A_8 to %scan3A_10 step %scan3A_11 iter_args(%scan3A_611 = %scan3A) -> (i32)  : i32 {
      %broadcast_in_dim3A_612 = arith.constant 0 : i32
      %broadcast_in_dim3A_613 = vector.broadcast %broadcast_in_dim3A_612 : i32 to vector<16xi32>
      %mul3A_614 = arith.constant 16 : i32
      %mul3A_615 = arith.muli %scan3A_610, %mul3A_614 : i32
      %swap3A = arith.index_cast %mul3A_615 : i32 to index
      %swap3A_616 = tpu.vector_load %arg8[%swap3A] {strides = array<i32>} : memref<4096xi32, #tpu.memory_space<vmem>>, vector<16xi32>,
      tpu.vector_store %arg8[%swap3A], %broadcast_in_dim3A_613 {strides = array<i32>} : memref<4096xi32, #tpu.memory_space<vmem>>, vector<16xi32>,
      %scan3A_617 = arith.constant 0 : i32
      scf.yield %scan3A_617 : i32
    }
    %scan3A_13 = arith.constant 256 : i32
    %scan3A_14 = arith.constant 0 : i32
    %scan3A_15 = arith.constant 0 : i32
    %scan3A_16 = arith.constant 2048 : i32
    %scan3A_17 = arith.addi %scan3A_15, %scan3A_16 : i32
    %scan3A_18 = arith.constant 1 : i32
    %scan3A_19 = scf.for %scan3A_610 = %scan3A_15 to %scan3A_17 step %scan3A_18 iter_args(%scan3A_611 = %scan3A_14) -> (i32)  : i32 {
      %mul3A_612 = arith.constant 16 : i32
      %mul3A_613 = arith.muli %scan3A_610, %mul3A_612 : i32
      %get3A = arith.index_cast %mul3A_613 : i32 to index
      %get3A_614 = tpu.vector_load %arg5[%get3A] {strides = array<i32>} : memref<32768xf32, #tpu.memory_space<vmem>>, vector<16xf32>,
      %bitcast_convert_type3A = tpu.bitcast %get3A_614 : vector<16xf32> -> vector<16xi32>
      %broadcast_in_dim3A_615 = arith.constant 31 : i32
      %broadcast_in_dim3A_616 = vector.broadcast %broadcast_in_dim3A_615 : i32 to vector<16xi32>
      %shift_right_arithmetic3A = arith.shrsi %bitcast_convert_type3A, %broadcast_in_dim3A_616 : vector<16xi32>
      %broadcast_in_dim3A_617 = arith.constant 2147483647 : i32
      %broadcast_in_dim3A_618 = vector.broadcast %broadcast_in_dim3A_617 : i32 to vector<16xi32>
      %and3A_619 = arith.andi %shift_right_arithmetic3A, %broadcast_in_dim3A_618 : vector<16xi32>
      %xor3A = arith.xori %bitcast_convert_type3A, %and3A_619 : vector<16xi32>
      %broadcast_in_dim3A_620 = arith.constant 24 : i32
      %broadcast_in_dim3A_621 = vector.broadcast %broadcast_in_dim3A_620 : i32 to vector<16xi32>
      %shift_right_arithmetic3A_622 = arith.shrsi %xor3A, %broadcast_in_dim3A_621 : vector<16xi32>
      %add3A_623 = arith.constant 128 : i32
      %add3A_624 = vector.broadcast %add3A_623 : i32 to vector<16xi32>
      %add3A_625 = arith.addi %shift_right_arithmetic3A_622, %add3A_624 : vector<16xi32>
      %mul3A_626 = arith.constant 256 : i32
      %mul3A_627 = vector.broadcast %mul3A_626 : i32 to vector<16xi32>
      %mul3A_628 = arith.muli %iota3A, %mul3A_627 : vector<16xi32>
      %add3A_629 = arith.addi %mul3A_628, %add3A_625 : vector<16xi32>
      tpu.vector_store_idx %arg8[%add3A_629], %broadcast_in_dim3A_5 masked %broadcast_in_dim3A_7 {add = true} : memref<4096xi32, #tpu.memory_space<vmem>>[vector<16xi32>], vector<16xi32>, vector<16xi1>
      %scan3A_630 = arith.constant 0 : i32
      scf.yield %scan3A_630 : i32
    }
    %scan3A_20 = arith.constant 2048 : i32
    %eq3A = arith.constant 0 : i32
    %eq3A_21 = vector.broadcast %eq3A : i32 to vector<16xi32>
    %eq3A_22 = arith.cmpi eq, %iota3A, %eq3A_21 : vector<16xi32>
    %scan3A_23 = arith.constant 0 : i32
    %scan3A_24 = arith.constant 0 : i32
    %scan3A_25 = arith.constant 16 : i32
    %scan3A_26 = arith.addi %scan3A_24, %scan3A_25 : i32
    %scan3A_27 = arith.constant 1 : i32
    %scan3A_28 = scf.for %scan3A_610 = %scan3A_24 to %scan3A_26 step %scan3A_27 iter_args(%scan3A_611 = %scan3A_23) -> (i32)  : i32 {
      %broadcast_in_dim3A_612 = arith.constant 0 : i32
      %broadcast_in_dim3A_613 = vector.broadcast %broadcast_in_dim3A_612 : i32 to vector<16xi32>
      %mul3A_614 = arith.constant 16 : i32
      %mul3A_615 = arith.muli %scan3A_610, %mul3A_614 : i32
      %add3A_616 = arith.constant 0 : i32
      %add3A_617 = arith.addi %add3A_616, %mul3A_615 : i32
      %get3A = arith.index_cast %add3A_617 : i32 to index
      %get3A_618 = tpu.vector_load %arg8[%get3A] {strides = array<i32>} : memref<4096xi32, #tpu.memory_space<vmem>>, vector<16xi32>,
      %add3A_619 = arith.addi %broadcast_in_dim3A_613, %get3A_618 : vector<16xi32>
      %mul3A_620 = arith.constant 16 : i32
      %mul3A_621 = arith.muli %scan3A_610, %mul3A_620 : i32
      %add3A_622 = arith.constant 256 : i32
      %add3A_623 = arith.addi %add3A_622, %mul3A_621 : i32
      %get3A_624 = arith.index_cast %add3A_623 : i32 to index
      %get3A_625 = tpu.vector_load %arg8[%get3A_624] {strides = array<i32>} : memref<4096xi32, #tpu.memory_space<vmem>>, vector<16xi32>,
      %add3A_626 = arith.addi %add3A_619, %get3A_625 : vector<16xi32>
      %mul3A_627 = arith.constant 16 : i32
      %mul3A_628 = arith.muli %scan3A_610, %mul3A_627 : i32
      %add3A_629 = arith.constant 512 : i32
      %add3A_630 = arith.addi %add3A_629, %mul3A_628 : i32
      %get3A_631 = arith.index_cast %add3A_630 : i32 to index
      %get3A_632 = tpu.vector_load %arg8[%get3A_631] {strides = array<i32>} : memref<4096xi32, #tpu.memory_space<vmem>>, vector<16xi32>,
      %add3A_633 = arith.addi %add3A_626, %get3A_632 : vector<16xi32>
      %mul3A_634 = arith.constant 16 : i32
      %mul3A_635 = arith.muli %scan3A_610, %mul3A_634 : i32
      %add3A_636 = arith.constant 768 : i32
      %add3A_637 = arith.addi %add3A_636, %mul3A_635 : i32
      %get3A_638 = arith.index_cast %add3A_637 : i32 to index
      %get3A_639 = tpu.vector_load %arg8[%get3A_638] {strides = array<i32>} : memref<4096xi32, #tpu.memory_space<vmem>>, vector<16xi32>,
      %add3A_640 = arith.addi %add3A_633, %get3A_639 : vector<16xi32>
      %mul3A_641 = arith.constant 16 : i32
      %mul3A_642 = arith.muli %scan3A_610, %mul3A_641 : i32
      %add3A_643 = arith.constant 1024 : i32
      %add3A_644 = arith.addi %add3A_643, %mul3A_642 : i32
      %get3A_645 = arith.index_cast %add3A_644 : i32 to index
      %get3A_646 = tpu.vector_load %arg8[%get3A_645] {strides = array<i32>} : memref<4096xi32, #tpu.memory_space<vmem>>, vector<16xi32>,
      %add3A_647 = arith.addi %add3A_640, %get3A_646 : vector<16xi32>
      %mul3A_648 = arith.constant 16 : i32
      %mul3A_649 = arith.muli %scan3A_610, %mul3A_648 : i32
      %add3A_650 = arith.constant 1280 : i32
      %add3A_651 = arith.addi %add3A_650, %mul3A_649 : i32
      %get3A_652 = arith.index_cast %add3A_651 : i32 to index
      %get3A_653 = tpu.vector_load %arg8[%get3A_652] {strides = array<i32>} : memref<4096xi32, #tpu.memory_space<vmem>>, vector<16xi32>,
      %add3A_654 = arith.addi %add3A_647, %get3A_653 : vector<16xi32>
      %mul3A_655 = arith.constant 16 : i32
      %mul3A_656 = arith.muli %scan3A_610, %mul3A_655 : i32
      %add3A_657 = arith.constant 1536 : i32
      %add3A_658 = arith.addi %add3A_657, %mul3A_656 : i32
      %get3A_659 = arith.index_cast %add3A_658 : i32 to index
      %get3A_660 = tpu.vector_load %arg8[%get3A_659] {strides = array<i32>} : memref<4096xi32, #tpu.memory_space<vmem>>, vector<16xi32>,
      %add3A_661 = arith.addi %add3A_654, %get3A_660 : vector<16xi32>
      %mul3A_662 = arith.constant 16 : i32
      %mul3A_663 = arith.muli %scan3A_610, %mul3A_662 : i32
      %add3A_664 = arith.constant 1792 : i32
      %add3A_665 = arith.addi %add3A_664, %mul3A_663 : i32
      %get3A_666 = arith.index_cast %add3A_665 : i32 to index
      %get3A_667 = tpu.vector_load %arg8[%get3A_666] {strides = array<i32>} : memref<4096xi32, #tpu.memory_space<vmem>>, vector<16xi32>,
      %add3A_668 = arith.addi %add3A_661, %get3A_667 : vector<16xi32>
      %mul3A_669 = arith.constant 16 : i32
      %mul3A_670 = arith.muli %scan3A_610, %mul3A_669 : i32
      %add3A_671 = arith.constant 2048 : i32
      %add3A_672 = arith.addi %add3A_671, %mul3A_670 : i32
      %get3A_673 = arith.index_cast %add3A_672 : i32 to index
      %get3A_674 = tpu.vector_load %arg8[%get3A_673] {strides = array<i32>} : memref<4096xi32, #tpu.memory_space<vmem>>, vector<16xi32>,
      %add3A_675 = arith.addi %add3A_668, %get3A_674 : vector<16xi32>
      %mul3A_676 = arith.constant 16 : i32
      %mul3A_677 = arith.muli %scan3A_610, %mul3A_676 : i32
      %add3A_678 = arith.constant 2304 : i32
      %add3A_679 = arith.addi %add3A_678, %mul3A_677 : i32
      %get3A_680 = arith.index_cast %add3A_679 : i32 to index
      %get3A_681 = tpu.vector_load %arg8[%get3A_680] {strides = array<i32>} : memref<4096xi32, #tpu.memory_space<vmem>>, vector<16xi32>,
      %add3A_682 = arith.addi %add3A_675, %get3A_681 : vector<16xi32>
      %mul3A_683 = arith.constant 16 : i32
      %mul3A_684 = arith.muli %scan3A_610, %mul3A_683 : i32
      %add3A_685 = arith.constant 2560 : i32
      %add3A_686 = arith.addi %add3A_685, %mul3A_684 : i32
      %get3A_687 = arith.index_cast %add3A_686 : i32 to index
      %get3A_688 = tpu.vector_load %arg8[%get3A_687] {strides = array<i32>} : memref<4096xi32, #tpu.memory_space<vmem>>, vector<16xi32>,
      %add3A_689 = arith.addi %add3A_682, %get3A_688 : vector<16xi32>
      %mul3A_690 = arith.constant 16 : i32
      %mul3A_691 = arith.muli %scan3A_610, %mul3A_690 : i32
      %add3A_692 = arith.constant 2816 : i32
      %add3A_693 = arith.addi %add3A_692, %mul3A_691 : i32
      %get3A_694 = arith.index_cast %add3A_693 : i32 to index
      %get3A_695 = tpu.vector_load %arg8[%get3A_694] {strides = array<i32>} : memref<4096xi32, #tpu.memory_space<vmem>>, vector<16xi32>,
      %add3A_696 = arith.addi %add3A_689, %get3A_695 : vector<16xi32>
      %mul3A_697 = arith.constant 16 : i32
      %mul3A_698 = arith.muli %scan3A_610, %mul3A_697 : i32
      %add3A_699 = arith.constant 3072 : i32
      %add3A_700 = arith.addi %add3A_699, %mul3A_698 : i32
      %get3A_701 = arith.index_cast %add3A_700 : i32 to index
      %get3A_702 = tpu.vector_load %arg8[%get3A_701] {strides = array<i32>} : memref<4096xi32, #tpu.memory_space<vmem>>, vector<16xi32>,
      %add3A_703 = arith.addi %add3A_696, %get3A_702 : vector<16xi32>
      %mul3A_704 = arith.constant 16 : i32
      %mul3A_705 = arith.muli %scan3A_610, %mul3A_704 : i32
      %add3A_706 = arith.constant 3328 : i32
      %add3A_707 = arith.addi %add3A_706, %mul3A_705 : i32
      %get3A_708 = arith.index_cast %add3A_707 : i32 to index
      %get3A_709 = tpu.vector_load %arg8[%get3A_708] {strides = array<i32>} : memref<4096xi32, #tpu.memory_space<vmem>>, vector<16xi32>,
      %add3A_710 = arith.addi %add3A_703, %get3A_709 : vector<16xi32>
      %mul3A_711 = arith.constant 16 : i32
      %mul3A_712 = arith.muli %scan3A_610, %mul3A_711 : i32
      %add3A_713 = arith.constant 3584 : i32
      %add3A_714 = arith.addi %add3A_713, %mul3A_712 : i32
      %get3A_715 = arith.index_cast %add3A_714 : i32 to index
      %get3A_716 = tpu.vector_load %arg8[%get3A_715] {strides = array<i32>} : memref<4096xi32, #tpu.memory_space<vmem>>, vector<16xi32>,
      %add3A_717 = arith.addi %add3A_710, %get3A_716 : vector<16xi32>
      %mul3A_718 = arith.constant 16 : i32
      %mul3A_719 = arith.muli %scan3A_610, %mul3A_718 : i32
      %add3A_720 = arith.constant 3840 : i32
      %add3A_721 = arith.addi %add3A_720, %mul3A_719 : i32
      %get3A_722 = arith.index_cast %add3A_721 : i32 to index
      %get3A_723 = tpu.vector_load %arg8[%get3A_722] {strides = array<i32>} : memref<4096xi32, #tpu.memory_space<vmem>>, vector<16xi32>,
      %add3A_724 = arith.addi %add3A_717, %get3A_723 : vector<16xi32>
      %broadcast_in_dim3A_725 = arith.constant true
      %broadcast_in_dim3A_726 = vector.broadcast %broadcast_in_dim3A_725 : i1 to vector<16xi1>
      %masked_cumsum3A = tpu.scan <sum>, %add3A_724 masked %broadcast_in_dim3A_726 : vector<16xi32>, vector<16xi1> -> vector<16xi32>
      %add3A_727 = vector.broadcast %scan3A_611 : i32 to vector<16xi32>
      %add3A_728 = arith.addi %masked_cumsum3A, %add3A_727 : vector<16xi32>
      %mul3A_729 = arith.constant 16 : i32
      %mul3A_730 = arith.muli %scan3A_610, %mul3A_729 : i32
      %swap3A = arith.index_cast %mul3A_730 : i32 to index
      %swap3A_731 = tpu.vector_load %arg9[%swap3A] {strides = array<i32>} : memref<256xi32, #tpu.memory_space<vmem>>, vector<16xi32>,
      tpu.vector_store %arg9[%swap3A], %add3A_728 {strides = array<i32>} : memref<256xi32, #tpu.memory_space<vmem>>, vector<16xi32>,
      %reduce_max3A_732 = arith.constant true
      %reduce_max3A_733 = vector.broadcast %reduce_max3A_732 : i1 to vector<16xi1>
      %reduce_max3A_734 = arith.constant -2147483648 : i32
      %reduce_max3A_735 = vector.broadcast %reduce_max3A_734 : i32 to vector<16xi32>
      %reduce_max3A_736 = arith.xori %add3A_728, %reduce_max3A_735 : vector<16xi32>
      %reduce_max3A_737 = tpu.scan <max>, %reduce_max3A_736 masked %reduce_max3A_733 : vector<16xi32>, vector<16xi1> -> vector<16xi32>
      %reduce_max3A_738 = arith.xori %reduce_max3A_737, %reduce_max3A_735 : vector<16xi32>
      %reduce_max3A_739 = vector.extract %reduce_max3A_738[15] : i32 from vector<16xi32>
      scf.yield %reduce_max3A_739 : i32
    }
    %scan3A_29 = arith.constant 16 : i32
    %sub3A = arith.constant 256 : i32
    %sub3A_30 = arith.subi %scan3A_28, %sub3A : i32
    %scan3A_31 = arith.constant 0 : i32
    %scan3A_32 = arith.constant 0 : i32
    %scan3A_33 = arith.constant 16 : i32
    %scan3A_34 = arith.addi %scan3A_32, %scan3A_33 : i32
    %scan3A_35 = arith.constant 1 : i32
    %scan3A_36 = scf.for %scan3A_610 = %scan3A_32 to %scan3A_34 step %scan3A_35 iter_args(%scan3A_611 = %scan3A_31) -> (i32)  : i32 {
      %mul3A_612 = arith.constant 16 : i32
      %mul3A_613 = arith.muli %scan3A_610, %mul3A_612 : i32
      %get3A = arith.index_cast %mul3A_613 : i32 to index
      %get3A_614 = tpu.vector_load %arg9[%get3A] {strides = array<i32>} : memref<256xi32, #tpu.memory_space<vmem>>, vector<16xi32>,
      %le3A = vector.broadcast %sub3A_30 : i32 to vector<16xi32>
      %le3A_615 = arith.cmpi sle, %get3A_614, %le3A : vector<16xi32>
      %all_reduce_population_count3A = tpu.all_reduce %le3A_615 {dim = 0 : i64, kind = #tpu.reduction_kind<sum>} : vector<16xi1> -> vector<16xi32>
      %reduce_max3A_616 = arith.constant true
      %reduce_max3A_617 = vector.broadcast %reduce_max3A_616 : i1 to vector<16xi1>
      %reduce_max3A_618 = arith.constant -2147483648 : i32
      %reduce_max3A_619 = vector.broadcast %reduce_max3A_618 : i32 to vector<16xi32>
      %reduce_max3A_620 = arith.xori %all_reduce_population_count3A, %reduce_max3A_619 : vector<16xi32>
      %reduce_max3A_621 = tpu.scan <max>, %reduce_max3A_620 masked %reduce_max3A_617 : vector<16xi32>, vector<16xi1> -> vector<16xi32>
      %reduce_max3A_622 = arith.xori %reduce_max3A_621, %reduce_max3A_619 : vector<16xi32>
      %reduce_max3A_623 = vector.extract %reduce_max3A_622[15] : i32 from vector<16xi32>
      %add3A_624 = arith.addi %scan3A_611, %reduce_max3A_623 : i32
      scf.yield %add3A_624 : i32
    }
    %scan3A_37 = arith.constant 16 : i32
    %broadcast_in_dim3A_38 = vector.broadcast %scan3A_36 : i32 to vector<16xi32>
    %gather3A = tpu.vector_load_idx %arg9[%broadcast_in_dim3A_38] : memref<256xi32, #tpu.memory_space<vmem>>[vector<16xi32>], vector<16xi32>,
    %reduce_max3A = arith.constant true
    %reduce_max3A_39 = vector.broadcast %reduce_max3A : i1 to vector<16xi1>
    %reduce_max3A_40 = arith.constant -2147483648 : i32
    %reduce_max3A_41 = vector.broadcast %reduce_max3A_40 : i32 to vector<16xi32>
    %reduce_max3A_42 = arith.xori %gather3A, %reduce_max3A_41 : vector<16xi32>
    %reduce_max3A_43 = tpu.scan <max>, %reduce_max3A_42 masked %reduce_max3A_39 : vector<16xi32>, vector<16xi1> -> vector<16xi32>
    %reduce_max3A_44 = arith.xori %reduce_max3A_43, %reduce_max3A_41 : vector<16xi32>
    %reduce_max3A_45 = vector.extract %reduce_max3A_44[15] : i32 from vector<16xi32>
    %sub3A_46 = arith.subi %scan3A_28, %reduce_max3A_45 : i32
    %sub3A_47 = arith.constant 256 : i32
    %sub3A_48 = arith.subi %sub3A_47, %sub3A_46 : i32
    %sub3A_49 = arith.constant 128 : i32
    %sub3A_50 = arith.subi %scan3A_36, %sub3A_49 : i32
    %shift_left3A = arith.constant 24 : i32
    %shift_left3A_51 = arith.shli %sub3A_50, %shift_left3A : i32
    %broadcast_in_dim3A_52 = vector.broadcast %shift_left3A_51 : i32 to vector<16xi32>
    %broadcast_in_dim3A_53 = arith.constant 16 : i32
    %broadcast_in_dim3A_54 = vector.broadcast %broadcast_in_dim3A_53 : i32 to vector<16xi32>
    %broadcast_in_dim3A_55 = arith.constant 0 : i32
    %broadcast_in_dim3A_56 = vector.broadcast %broadcast_in_dim3A_55 : i32 to vector<16xi32>
    %scan3A_57 = arith.constant 0 : i32
    %scan3A_58 = arith.constant 2048 : i32
    %scan3A_59 = arith.addi %scan3A_57, %scan3A_58 : i32
    %scan3A_60 = arith.constant 1 : i32
    %scan3A_61:2 = scf.for %scan3A_610 = %scan3A_57 to %scan3A_59 step %scan3A_60 iter_args(%scan3A_611 = %broadcast_in_dim3A_56, %scan3A_612 = %iota3A) -> (vector<16xi32>, vector<16xi32>)  : i32 {
      %mul3A_613 = arith.constant 16 : i32
      %mul3A_614 = arith.muli %scan3A_610, %mul3A_613 : i32
      %get3A = arith.index_cast %mul3A_614 : i32 to index
      %get3A_615 = tpu.vector_load %arg5[%get3A] {strides = array<i32>} : memref<32768xf32, #tpu.memory_space<vmem>>, vector<16xf32>,
      %bitcast_convert_type3A = tpu.bitcast %get3A_615 : vector<16xf32> -> vector<16xi32>
      %broadcast_in_dim3A_616 = arith.constant 31 : i32
      %broadcast_in_dim3A_617 = vector.broadcast %broadcast_in_dim3A_616 : i32 to vector<16xi32>
      %shift_right_arithmetic3A = arith.shrsi %bitcast_convert_type3A, %broadcast_in_dim3A_617 : vector<16xi32>
      %broadcast_in_dim3A_618 = arith.constant 2147483647 : i32
      %broadcast_in_dim3A_619 = vector.broadcast %broadcast_in_dim3A_618 : i32 to vector<16xi32>
      %and3A_620 = arith.andi %shift_right_arithmetic3A, %broadcast_in_dim3A_619 : vector<16xi32>
      %xor3A = arith.xori %bitcast_convert_type3A, %and3A_620 : vector<16xi32>
      %ge3A = arith.cmpi sge, %xor3A, %broadcast_in_dim3A_52 : vector<16xi32>
      %mul3A_621 = arith.constant 16 : i32
      %mul3A_622 = vector.broadcast %mul3A_621 : i32 to vector<16xi32>
      %mul3A_623 = arith.muli %scan3A_611, %mul3A_622 : vector<16xi32>
      %add3A_624 = arith.addi %mul3A_623, %iota3A : vector<16xi32>
      tpu.vector_store_idx %arg6[%add3A_624], %xor3A masked %ge3A : memref<32784xi32, #tpu.memory_space<vmem>>[vector<16xi32>], vector<16xi32>, vector<16xi1>
      tpu.vector_store_idx %arg7[%add3A_624], %scan3A_612 masked %ge3A : memref<32784xi32, #tpu.memory_space<vmem>>[vector<16xi32>], vector<16xi32>, vector<16xi1>
      %convert_element_type3A = arith.extui %ge3A : vector<16xi1> to vector<16xi32>
      %add3A_625 = arith.addi %scan3A_611, %convert_element_type3A : vector<16xi32>
      %add3A_626 = arith.addi %scan3A_612, %broadcast_in_dim3A_54 : vector<16xi32>
      scf.yield %add3A_625, %add3A_626 : vector<16xi32>, vector<16xi32>
    }
    %scan3A_62 = arith.constant 2048 : i32
    %reduce_max3A_63 = arith.constant true
    %reduce_max3A_64 = vector.broadcast %reduce_max3A_63 : i1 to vector<16xi1>
    %reduce_max3A_65 = arith.constant -2147483648 : i32
    %reduce_max3A_66 = vector.broadcast %reduce_max3A_65 : i32 to vector<16xi32>
    %reduce_max3A_67 = arith.xori %scan3A_61#0, %reduce_max3A_66 : vector<16xi32>
    %reduce_max3A_68 = tpu.scan <max>, %reduce_max3A_67 masked %reduce_max3A_64 : vector<16xi32>, vector<16xi1> -> vector<16xi32>
    %reduce_max3A_69 = arith.xori %reduce_max3A_68, %reduce_max3A_66 : vector<16xi32>
    %reduce_max3A_70 = vector.extract %reduce_max3A_69[15] : i32 from vector<16xi32>
    %scan3A_71 = arith.constant 0 : i32
    %scan3A_72 = arith.constant 0 : i32
    %scan3A_73 = arith.constant 256 : i32
    %scan3A_74 = arith.addi %scan3A_72, %scan3A_73 : i32
    %scan3A_75 = arith.constant 1 : i32
    %scan3A_76 = scf.for %scan3A_610 = %scan3A_72 to %scan3A_74 step %scan3A_75 iter_args(%scan3A_611 = %scan3A_71) -> (i32)  : i32 {
      %broadcast_in_dim3A_612 = arith.constant 0 : i32
      %broadcast_in_dim3A_613 = vector.broadcast %broadcast_in_dim3A_612 : i32 to vector<16xi32>
      %mul3A_614 = arith.constant 16 : i32
      %mul3A_615 = arith.muli %scan3A_610, %mul3A_614 : i32
      %swap3A = arith.index_cast %mul3A_615 : i32 to index
      %swap3A_616 = tpu.vector_load %arg8[%swap3A] {strides = array<i32>} : memref<4096xi32, #tpu.memory_space<vmem>>, vector<16xi32>,
      tpu.vector_store %arg8[%swap3A], %broadcast_in_dim3A_613 {strides = array<i32>} : memref<4096xi32, #tpu.memory_space<vmem>>, vector<16xi32>,
      %scan3A_617 = arith.constant 0 : i32
      scf.yield %scan3A_617 : i32
    }
    %scan3A_77 = arith.constant 256 : i32
    %broadcast_in_dim3A_78 = vector.broadcast %shift_left3A_51 : i32 to vector<16xi32>
    %broadcast_in_dim3A_79 = arith.constant 16 : i32
    %broadcast_in_dim3A_80 = vector.broadcast %broadcast_in_dim3A_79 : i32 to vector<16xi32>
    %broadcast_in_dim3A_81 = arith.constant 24 : i32
    %broadcast_in_dim3A_82 = vector.broadcast %broadcast_in_dim3A_81 : i32 to vector<16xi32>
    %while3A = arith.constant 0 : i32
    %while3A_83 = arith.constant 0 : i32
    %while3A_84 = arith.subi %reduce_max3A_70, %while3A : i32
    %while3A_85 = arith.addi %while3A, %while3A_84 : i32
    %while3A_86 = arith.constant 1 : i32
    %while3A_87 = arith.divsi %while3A_84, %while3A_86 : i32
    %while3A_88 = arith.muli %while3A_87, %while3A_86 : i32
    %while3A_89 = arith.addi %while3A, %while3A_88 : i32
    %while3A_90 = arith.constant 1 : i32
    %while3A_91 = scf.for %while3A_610 = %while3A to %while3A_89 step %while3A_90 iter_args(%while3A_611 = %while3A_83) -> (i32)  : i32 {
      %mul3A_612 = arith.constant 16 : i32
      %mul3A_613 = arith.muli %while3A_610, %mul3A_612 : i32
      %get3A = arith.index_cast %mul3A_613 : i32 to index
      %get3A_614 = tpu.vector_load %arg6[%get3A] {strides = array<i32>} : memref<32784xi32, #tpu.memory_space<vmem>>, vector<16xi32>,
      %broadcast_in_dim3A_615 = vector.broadcast %while3A_610 : i32 to vector<16xi32>
      %lt3A = arith.cmpi slt, %broadcast_in_dim3A_615, %scan3A_61#0 : vector<16xi32>
      %xor3A = arith.xori %get3A_614, %broadcast_in_dim3A_78 : vector<16xi32>
      %shift_right_logical3A = arith.shrui %xor3A, %broadcast_in_dim3A_82 : vector<16xi32>
      %eq3A_616 = arith.constant 0 : i32
      %eq3A_617 = vector.broadcast %eq3A_616 : i32 to vector<16xi32>
      %eq3A_618 = arith.cmpi eq, %shift_right_logical3A, %eq3A_617 : vector<16xi32>
      %and3A_619 = arith.andi %eq3A_618, %lt3A : vector<16xi1>
      %shift_right_arithmetic3A = arith.shrsi %get3A_614, %broadcast_in_dim3A_80 : vector<16xi32>
      %broadcast_in_dim3A_620 = arith.constant 255 : i32
      %broadcast_in_dim3A_621 = vector.broadcast %broadcast_in_dim3A_620 : i32 to vector<16xi32>
      %and3A_622 = arith.andi %shift_right_arithmetic3A, %broadcast_in_dim3A_621 : vector<16xi32>
      %mul3A_623 = arith.constant 256 : i32
      %mul3A_624 = vector.broadcast %mul3A_623 : i32 to vector<16xi32>
      %mul3A_625 = arith.muli %iota3A, %mul3A_624 : vector<16xi32>
      %add3A_626 = arith.addi %mul3A_625, %and3A_622 : vector<16xi32>
      %convert_element_type3A = arith.extui %and3A_619 : vector<16xi1> to vector<16xi32>
      tpu.vector_store_idx %arg8[%add3A_626], %convert_element_type3A masked %broadcast_in_dim3A_7 {add = true} : memref<4096xi32, #tpu.memory_space<vmem>>[vector<16xi32>], vector<16xi32>, vector<16xi1>
      %while3A_627 = arith.constant 0 : i32
      scf.yield %while3A_627 : i32
    }
    %while3A_92 = arith.constant 1 : i32
    %while3A_93 = scf.for %while3A_610 = %while3A_89 to %while3A_85 step %while3A_92 iter_args(%while3A_611 = %while3A_91) -> (i32)  : i32 {
      %mul3A_612 = arith.constant 16 : i32
      %mul3A_613 = arith.muli %while3A_610, %mul3A_612 : i32
      %get3A = arith.index_cast %mul3A_613 : i32 to index
      %get3A_614 = tpu.vector_load %arg6[%get3A] {strides = array<i32>} : memref<32784xi32, #tpu.memory_space<vmem>>, vector<16xi32>,
      %broadcast_in_dim3A_615 = vector.broadcast %while3A_610 : i32 to vector<16xi32>
      %lt3A = arith.cmpi slt, %broadcast_in_dim3A_615, %scan3A_61#0 : vector<16xi32>
      %xor3A = arith.xori %get3A_614, %broadcast_in_dim3A_78 : vector<16xi32>
      %shift_right_logical3A = arith.shrui %xor3A, %broadcast_in_dim3A_82 : vector<16xi32>
      %eq3A_616 = arith.constant 0 : i32
      %eq3A_617 = vector.broadcast %eq3A_616 : i32 to vector<16xi32>
      %eq3A_618 = arith.cmpi eq, %shift_right_logical3A, %eq3A_617 : vector<16xi32>
      %and3A_619 = arith.andi %eq3A_618, %lt3A : vector<16xi1>
      %shift_right_arithmetic3A = arith.shrsi %get3A_614, %broadcast_in_dim3A_80 : vector<16xi32>
      %broadcast_in_dim3A_620 = arith.constant 255 : i32
      %broadcast_in_dim3A_621 = vector.broadcast %broadcast_in_dim3A_620 : i32 to vector<16xi32>
      %and3A_622 = arith.andi %shift_right_arithmetic3A, %broadcast_in_dim3A_621 : vector<16xi32>
      %mul3A_623 = arith.constant 256 : i32
      %mul3A_624 = vector.broadcast %mul3A_623 : i32 to vector<16xi32>
      %mul3A_625 = arith.muli %iota3A, %mul3A_624 : vector<16xi32>
      %add3A_626 = arith.addi %mul3A_625, %and3A_622 : vector<16xi32>
      %convert_element_type3A = arith.extui %and3A_619 : vector<16xi1> to vector<16xi32>
      tpu.vector_store_idx %arg8[%add3A_626], %convert_element_type3A masked %broadcast_in_dim3A_7 {add = true} : memref<4096xi32, #tpu.memory_space<vmem>>[vector<16xi32>], vector<16xi32>, vector<16xi1>
      %while3A_627 = arith.constant 0 : i32
      scf.yield %while3A_627 : i32
    }
    %scan3A_94 = arith.constant 0 : i32
    %scan3A_95 = arith.constant 0 : i32
    %scan3A_96 = arith.constant 16 : i32
    %scan3A_97 = arith.addi %scan3A_95, %scan3A_96 : i32
    %scan3A_98 = arith.constant 1 : i32
    %scan3A_99 = scf.for %scan3A_610 = %scan3A_95 to %scan3A_97 step %scan3A_98 iter_args(%scan3A_611 = %scan3A_94) -> (i32)  : i32 {
      %broadcast_in_dim3A_612 = arith.constant 0 : i32
      %broadcast_in_dim3A_613 = vector.broadcast %broadcast_in_dim3A_612 : i32 to vector<16xi32>
      %mul3A_614 = arith.constant 16 : i32
      %mul3A_615 = arith.muli %scan3A_610, %mul3A_614 : i32
      %add3A_616 = arith.constant 0 : i32
      %add3A_617 = arith.addi %add3A_616, %mul3A_615 : i32
      %get3A = arith.index_cast %add3A_617 : i32 to index
      %get3A_618 = tpu.vector_load %arg8[%get3A] {strides = array<i32>} : memref<4096xi32, #tpu.memory_space<vmem>>, vector<16xi32>,
      %add3A_619 = arith.addi %broadcast_in_dim3A_613, %get3A_618 : vector<16xi32>
      %mul3A_620 = arith.constant 16 : i32
      %mul3A_621 = arith.muli %scan3A_610, %mul3A_620 : i32
      %add3A_622 = arith.constant 256 : i32
      %add3A_623 = arith.addi %add3A_622, %mul3A_621 : i32
      %get3A_624 = arith.index_cast %add3A_623 : i32 to index
      %get3A_625 = tpu.vector_load %arg8[%get3A_624] {strides = array<i32>} : memref<4096xi32, #tpu.memory_space<vmem>>, vector<16xi32>,
      %add3A_626 = arith.addi %add3A_619, %get3A_625 : vector<16xi32>
      %mul3A_627 = arith.constant 16 : i32
      %mul3A_628 = arith.muli %scan3A_610, %mul3A_627 : i32
      %add3A_629 = arith.constant 512 : i32
      %add3A_630 = arith.addi %add3A_629, %mul3A_628 : i32
      %get3A_631 = arith.index_cast %add3A_630 : i32 to index
      %get3A_632 = tpu.vector_load %arg8[%get3A_631] {strides = array<i32>} : memref<4096xi32, #tpu.memory_space<vmem>>, vector<16xi32>,
      %add3A_633 = arith.addi %add3A_626, %get3A_632 : vector<16xi32>
      %mul3A_634 = arith.constant 16 : i32
      %mul3A_635 = arith.muli %scan3A_610, %mul3A_634 : i32
      %add3A_636 = arith.constant 768 : i32
      %add3A_637 = arith.addi %add3A_636, %mul3A_635 : i32
      %get3A_638 = arith.index_cast %add3A_637 : i32 to index
      %get3A_639 = tpu.vector_load %arg8[%get3A_638] {strides = array<i32>} : memref<4096xi32, #tpu.memory_space<vmem>>, vector<16xi32>,
      %add3A_640 = arith.addi %add3A_633, %get3A_639 : vector<16xi32>
      %mul3A_641 = arith.constant 16 : i32
      %mul3A_642 = arith.muli %scan3A_610, %mul3A_641 : i32
      %add3A_643 = arith.constant 1024 : i32
      %add3A_644 = arith.addi %add3A_643, %mul3A_642 : i32
      %get3A_645 = arith.index_cast %add3A_644 : i32 to index
      %get3A_646 = tpu.vector_load %arg8[%get3A_645] {strides = array<i32>} : memref<4096xi32, #tpu.memory_space<vmem>>, vector<16xi32>,
      %add3A_647 = arith.addi %add3A_640, %get3A_646 : vector<16xi32>
      %mul3A_648 = arith.constant 16 : i32
      %mul3A_649 = arith.muli %scan3A_610, %mul3A_648 : i32
      %add3A_650 = arith.constant 1280 : i32
      %add3A_651 = arith.addi %add3A_650, %mul3A_649 : i32
      %get3A_652 = arith.index_cast %add3A_651 : i32 to index
      %get3A_653 = tpu.vector_load %arg8[%get3A_652] {strides = array<i32>} : memref<4096xi32, #tpu.memory_space<vmem>>, vector<16xi32>,
      %add3A_654 = arith.addi %add3A_647, %get3A_653 : vector<16xi32>
      %mul3A_655 = arith.constant 16 : i32
      %mul3A_656 = arith.muli %scan3A_610, %mul3A_655 : i32
      %add3A_657 = arith.constant 1536 : i32
      %add3A_658 = arith.addi %add3A_657, %mul3A_656 : i32
      %get3A_659 = arith.index_cast %add3A_658 : i32 to index
      %get3A_660 = tpu.vector_load %arg8[%get3A_659] {strides = array<i32>} : memref<4096xi32, #tpu.memory_space<vmem>>, vector<16xi32>,
      %add3A_661 = arith.addi %add3A_654, %get3A_660 : vector<16xi32>
      %mul3A_662 = arith.constant 16 : i32
      %mul3A_663 = arith.muli %scan3A_610, %mul3A_662 : i32
      %add3A_664 = arith.constant 1792 : i32
      %add3A_665 = arith.addi %add3A_664, %mul3A_663 : i32
      %get3A_666 = arith.index_cast %add3A_665 : i32 to index
      %get3A_667 = tpu.vector_load %arg8[%get3A_666] {strides = array<i32>} : memref<4096xi32, #tpu.memory_space<vmem>>, vector<16xi32>,
      %add3A_668 = arith.addi %add3A_661, %get3A_667 : vector<16xi32>
      %mul3A_669 = arith.constant 16 : i32
      %mul3A_670 = arith.muli %scan3A_610, %mul3A_669 : i32
      %add3A_671 = arith.constant 2048 : i32
      %add3A_672 = arith.addi %add3A_671, %mul3A_670 : i32
      %get3A_673 = arith.index_cast %add3A_672 : i32 to index
      %get3A_674 = tpu.vector_load %arg8[%get3A_673] {strides = array<i32>} : memref<4096xi32, #tpu.memory_space<vmem>>, vector<16xi32>,
      %add3A_675 = arith.addi %add3A_668, %get3A_674 : vector<16xi32>
      %mul3A_676 = arith.constant 16 : i32
      %mul3A_677 = arith.muli %scan3A_610, %mul3A_676 : i32
      %add3A_678 = arith.constant 2304 : i32
      %add3A_679 = arith.addi %add3A_678, %mul3A_677 : i32
      %get3A_680 = arith.index_cast %add3A_679 : i32 to index
      %get3A_681 = tpu.vector_load %arg8[%get3A_680] {strides = array<i32>} : memref<4096xi32, #tpu.memory_space<vmem>>, vector<16xi32>,
      %add3A_682 = arith.addi %add3A_675, %get3A_681 : vector<16xi32>
      %mul3A_683 = arith.constant 16 : i32
      %mul3A_684 = arith.muli %scan3A_610, %mul3A_683 : i32
      %add3A_685 = arith.constant 2560 : i32
      %add3A_686 = arith.addi %add3A_685, %mul3A_684 : i32
      %get3A_687 = arith.index_cast %add3A_686 : i32 to index
      %get3A_688 = tpu.vector_load %arg8[%get3A_687] {strides = array<i32>} : memref<4096xi32, #tpu.memory_space<vmem>>, vector<16xi32>,
      %add3A_689 = arith.addi %add3A_682, %get3A_688 : vector<16xi32>
      %mul3A_690 = arith.constant 16 : i32
      %mul3A_691 = arith.muli %scan3A_610, %mul3A_690 : i32
      %add3A_692 = arith.constant 2816 : i32
      %add3A_693 = arith.addi %add3A_692, %mul3A_691 : i32
      %get3A_694 = arith.index_cast %add3A_693 : i32 to index
      %get3A_695 = tpu.vector_load %arg8[%get3A_694] {strides = array<i32>} : memref<4096xi32, #tpu.memory_space<vmem>>, vector<16xi32>,
      %add3A_696 = arith.addi %add3A_689, %get3A_695 : vector<16xi32>
      %mul3A_697 = arith.constant 16 : i32
      %mul3A_698 = arith.muli %scan3A_610, %mul3A_697 : i32
      %add3A_699 = arith.constant 3072 : i32
      %add3A_700 = arith.addi %add3A_699, %mul3A_698 : i32
      %get3A_701 = arith.index_cast %add3A_700 : i32 to index
      %get3A_702 = tpu.vector_load %arg8[%get3A_701] {strides = array<i32>} : memref<4096xi32, #tpu.memory_space<vmem>>, vector<16xi32>,
      %add3A_703 = arith.addi %add3A_696, %get3A_702 : vector<16xi32>
      %mul3A_704 = arith.constant 16 : i32
      %mul3A_705 = arith.muli %scan3A_610, %mul3A_704 : i32
      %add3A_706 = arith.constant 3328 : i32
      %add3A_707 = arith.addi %add3A_706, %mul3A_705 : i32
      %get3A_708 = arith.index_cast %add3A_707 : i32 to index
      %get3A_709 = tpu.vector_load %arg8[%get3A_708] {strides = array<i32>} : memref<4096xi32, #tpu.memory_space<vmem>>, vector<16xi32>,
      %add3A_710 = arith.addi %add3A_703, %get3A_709 : vector<16xi32>
      %mul3A_711 = arith.constant 16 : i32
      %mul3A_712 = arith.muli %scan3A_610, %mul3A_711 : i32
      %add3A_713 = arith.constant 3584 : i32
      %add3A_714 = arith.addi %add3A_713, %mul3A_712 : i32
      %get3A_715 = arith.index_cast %add3A_714 : i32 to index
      %get3A_716 = tpu.vector_load %arg8[%get3A_715] {strides = array<i32>} : memref<4096xi32, #tpu.memory_space<vmem>>, vector<16xi32>,
      %add3A_717 = arith.addi %add3A_710, %get3A_716 : vector<16xi32>
      %mul3A_718 = arith.constant 16 : i32
      %mul3A_719 = arith.muli %scan3A_610, %mul3A_718 : i32
      %add3A_720 = arith.constant 3840 : i32
      %add3A_721 = arith.addi %add3A_720, %mul3A_719 : i32
      %get3A_722 = arith.index_cast %add3A_721 : i32 to index
      %get3A_723 = tpu.vector_load %arg8[%get3A_722] {strides = array<i32>} : memref<4096xi32, #tpu.memory_space<vmem>>, vector<16xi32>,
      %add3A_724 = arith.addi %add3A_717, %get3A_723 : vector<16xi32>
      %broadcast_in_dim3A_725 = arith.constant true
      %broadcast_in_dim3A_726 = vector.broadcast %broadcast_in_dim3A_725 : i1 to vector<16xi1>
      %masked_cumsum3A = tpu.scan <sum>, %add3A_724 masked %broadcast_in_dim3A_726 : vector<16xi32>, vector<16xi1> -> vector<16xi32>
      %add3A_727 = vector.broadcast %scan3A_611 : i32 to vector<16xi32>
      %add3A_728 = arith.addi %masked_cumsum3A, %add3A_727 : vector<16xi32>
      %mul3A_729 = arith.constant 16 : i32
      %mul3A_730 = arith.muli %scan3A_610, %mul3A_729 : i32
      %swap3A = arith.index_cast %mul3A_730 : i32 to index
      %swap3A_731 = tpu.vector_load %arg9[%swap3A] {strides = array<i32>} : memref<256xi32, #tpu.memory_space<vmem>>, vector<16xi32>,
      tpu.vector_store %arg9[%swap3A], %add3A_728 {strides = array<i32>} : memref<256xi32, #tpu.memory_space<vmem>>, vector<16xi32>,
      %reduce_max3A_732 = arith.constant true
      %reduce_max3A_733 = vector.broadcast %reduce_max3A_732 : i1 to vector<16xi1>
      %reduce_max3A_734 = arith.constant -2147483648 : i32
      %reduce_max3A_735 = vector.broadcast %reduce_max3A_734 : i32 to vector<16xi32>
      %reduce_max3A_736 = arith.xori %add3A_728, %reduce_max3A_735 : vector<16xi32>
      %reduce_max3A_737 = tpu.scan <max>, %reduce_max3A_736 masked %reduce_max3A_733 : vector<16xi32>, vector<16xi1> -> vector<16xi32>
      %reduce_max3A_738 = arith.xori %reduce_max3A_737, %reduce_max3A_735 : vector<16xi32>
      %reduce_max3A_739 = vector.extract %reduce_max3A_738[15] : i32 from vector<16xi32>
      scf.yield %reduce_max3A_739 : i32
    }
    %scan3A_100 = arith.constant 16 : i32
    %sub3A_101 = arith.subi %scan3A_99, %sub3A_48 : i32
    %scan3A_102 = arith.constant 0 : i32
    %scan3A_103 = arith.constant 0 : i32
    %scan3A_104 = arith.constant 16 : i32
    %scan3A_105 = arith.addi %scan3A_103, %scan3A_104 : i32
    %scan3A_106 = arith.constant 1 : i32
    %scan3A_107 = scf.for %scan3A_610 = %scan3A_103 to %scan3A_105 step %scan3A_106 iter_args(%scan3A_611 = %scan3A_102) -> (i32)  : i32 {
      %mul3A_612 = arith.constant 16 : i32
      %mul3A_613 = arith.muli %scan3A_610, %mul3A_612 : i32
      %get3A = arith.index_cast %mul3A_613 : i32 to index
      %get3A_614 = tpu.vector_load %arg9[%get3A] {strides = array<i32>} : memref<256xi32, #tpu.memory_space<vmem>>, vector<16xi32>,
      %le3A = vector.broadcast %sub3A_101 : i32 to vector<16xi32>
      %le3A_615 = arith.cmpi sle, %get3A_614, %le3A : vector<16xi32>
      %all_reduce_population_count3A = tpu.all_reduce %le3A_615 {dim = 0 : i64, kind = #tpu.reduction_kind<sum>} : vector<16xi1> -> vector<16xi32>
      %reduce_max3A_616 = arith.constant true
      %reduce_max3A_617 = vector.broadcast %reduce_max3A_616 : i1 to vector<16xi1>
      %reduce_max3A_618 = arith.constant -2147483648 : i32
      %reduce_max3A_619 = vector.broadcast %reduce_max3A_618 : i32 to vector<16xi32>
      %reduce_max3A_620 = arith.xori %all_reduce_population_count3A, %reduce_max3A_619 : vector<16xi32>
      %reduce_max3A_621 = tpu.scan <max>, %reduce_max3A_620 masked %reduce_max3A_617 : vector<16xi32>, vector<16xi1> -> vector<16xi32>
      %reduce_max3A_622 = arith.xori %reduce_max3A_621, %reduce_max3A_619 : vector<16xi32>
      %reduce_max3A_623 = vector.extract %reduce_max3A_622[15] : i32 from vector<16xi32>
      %add3A_624 = arith.addi %scan3A_611, %reduce_max3A_623 : i32
      scf.yield %add3A_624 : i32
    }
    %scan3A_108 = arith.constant 16 : i32
    %broadcast_in_dim3A_109 = vector.broadcast %scan3A_107 : i32 to vector<16xi32>
    %gather3A_110 = tpu.vector_load_idx %arg9[%broadcast_in_dim3A_109] : memref<256xi32, #tpu.memory_space<vmem>>[vector<16xi32>], vector<16xi32>,
    %reduce_max3A_111 = arith.constant true
    %reduce_max3A_112 = vector.broadcast %reduce_max3A_111 : i1 to vector<16xi1>
    %reduce_max3A_113 = arith.constant -2147483648 : i32
    %reduce_max3A_114 = vector.broadcast %reduce_max3A_113 : i32 to vector<16xi32>
    %reduce_max3A_115 = arith.xori %gather3A_110, %reduce_max3A_114 : vector<16xi32>
    %reduce_max3A_116 = tpu.scan <max>, %reduce_max3A_115 masked %reduce_max3A_112 : vector<16xi32>, vector<16xi1> -> vector<16xi32>
    %reduce_max3A_117 = arith.xori %reduce_max3A_116, %reduce_max3A_114 : vector<16xi32>
    %reduce_max3A_118 = vector.extract %reduce_max3A_117[15] : i32 from vector<16xi32>
    %sub3A_119 = arith.subi %scan3A_99, %reduce_max3A_118 : i32
    %sub3A_120 = arith.subi %sub3A_48, %sub3A_119 : i32
    %shift_left3A_121 = arith.constant 16 : i32
    %shift_left3A_122 = arith.shli %scan3A_107, %shift_left3A_121 : i32
    %or3A = arith.ori %shift_left3A_51, %shift_left3A_122 : i32
    %scan3A_123 = arith.constant 0 : i32
    %scan3A_124 = arith.constant 0 : i32
    %scan3A_125 = arith.constant 256 : i32
    %scan3A_126 = arith.addi %scan3A_124, %scan3A_125 : i32
    %scan3A_127 = arith.constant 1 : i32
    %scan3A_128 = scf.for %scan3A_610 = %scan3A_124 to %scan3A_126 step %scan3A_127 iter_args(%scan3A_611 = %scan3A_123) -> (i32)  : i32 {
      %broadcast_in_dim3A_612 = arith.constant 0 : i32
      %broadcast_in_dim3A_613 = vector.broadcast %broadcast_in_dim3A_612 : i32 to vector<16xi32>
      %mul3A_614 = arith.constant 16 : i32
      %mul3A_615 = arith.muli %scan3A_610, %mul3A_614 : i32
      %swap3A = arith.index_cast %mul3A_615 : i32 to index
      %swap3A_616 = tpu.vector_load %arg8[%swap3A] {strides = array<i32>} : memref<4096xi32, #tpu.memory_space<vmem>>, vector<16xi32>,
      tpu.vector_store %arg8[%swap3A], %broadcast_in_dim3A_613 {strides = array<i32>} : memref<4096xi32, #tpu.memory_space<vmem>>, vector<16xi32>,
      %scan3A_617 = arith.constant 0 : i32
      scf.yield %scan3A_617 : i32
    }
    %scan3A_129 = arith.constant 256 : i32
    %broadcast_in_dim3A_130 = vector.broadcast %or3A : i32 to vector<16xi32>
    %broadcast_in_dim3A_131 = arith.constant 8 : i32
    %broadcast_in_dim3A_132 = vector.broadcast %broadcast_in_dim3A_131 : i32 to vector<16xi32>
    %broadcast_in_dim3A_133 = arith.constant 16 : i32
    %broadcast_in_dim3A_134 = vector.broadcast %broadcast_in_dim3A_133 : i32 to vector<16xi32>
    %while3A_135 = arith.constant 0 : i32
    %while3A_136 = arith.constant 0 : i32
    %while3A_137 = arith.subi %reduce_max3A_70, %while3A_135 : i32
    %while3A_138 = arith.addi %while3A_135, %while3A_137 : i32
    %while3A_139 = arith.constant 1 : i32
    %while3A_140 = arith.divsi %while3A_137, %while3A_139 : i32
    %while3A_141 = arith.muli %while3A_140, %while3A_139 : i32
    %while3A_142 = arith.addi %while3A_135, %while3A_141 : i32
    %while3A_143 = arith.constant 1 : i32
    %while3A_144 = scf.for %while3A_610 = %while3A_135 to %while3A_142 step %while3A_143 iter_args(%while3A_611 = %while3A_136) -> (i32)  : i32 {
      %mul3A_612 = arith.constant 16 : i32
      %mul3A_613 = arith.muli %while3A_610, %mul3A_612 : i32
      %get3A = arith.index_cast %mul3A_613 : i32 to index
      %get3A_614 = tpu.vector_load %arg6[%get3A] {strides = array<i32>} : memref<32784xi32, #tpu.memory_space<vmem>>, vector<16xi32>,
      %broadcast_in_dim3A_615 = vector.broadcast %while3A_610 : i32 to vector<16xi32>
      %lt3A = arith.cmpi slt, %broadcast_in_dim3A_615, %scan3A_61#0 : vector<16xi32>
      %xor3A = arith.xori %get3A_614, %broadcast_in_dim3A_130 : vector<16xi32>
      %shift_right_logical3A = arith.shrui %xor3A, %broadcast_in_dim3A_134 : vector<16xi32>
      %eq3A_616 = arith.constant 0 : i32
      %eq3A_617 = vector.broadcast %eq3A_616 : i32 to vector<16xi32>
      %eq3A_618 = arith.cmpi eq, %shift_right_logical3A, %eq3A_617 : vector<16xi32>
      %and3A_619 = arith.andi %eq3A_618, %lt3A : vector<16xi1>
      %shift_right_arithmetic3A = arith.shrsi %get3A_614, %broadcast_in_dim3A_132 : vector<16xi32>
      %broadcast_in_dim3A_620 = arith.constant 255 : i32
      %broadcast_in_dim3A_621 = vector.broadcast %broadcast_in_dim3A_620 : i32 to vector<16xi32>
      %and3A_622 = arith.andi %shift_right_arithmetic3A, %broadcast_in_dim3A_621 : vector<16xi32>
      %mul3A_623 = arith.constant 256 : i32
      %mul3A_624 = vector.broadcast %mul3A_623 : i32 to vector<16xi32>
      %mul3A_625 = arith.muli %iota3A, %mul3A_624 : vector<16xi32>
      %add3A_626 = arith.addi %mul3A_625, %and3A_622 : vector<16xi32>
      %convert_element_type3A = arith.extui %and3A_619 : vector<16xi1> to vector<16xi32>
      tpu.vector_store_idx %arg8[%add3A_626], %convert_element_type3A masked %broadcast_in_dim3A_7 {add = true} : memref<4096xi32, #tpu.memory_space<vmem>>[vector<16xi32>], vector<16xi32>, vector<16xi1>
      %while3A_627 = arith.constant 0 : i32
      scf.yield %while3A_627 : i32
    }
    %while3A_145 = arith.constant 1 : i32
    %while3A_146 = scf.for %while3A_610 = %while3A_142 to %while3A_138 step %while3A_145 iter_args(%while3A_611 = %while3A_144) -> (i32)  : i32 {
      %mul3A_612 = arith.constant 16 : i32
      %mul3A_613 = arith.muli %while3A_610, %mul3A_612 : i32
      %get3A = arith.index_cast %mul3A_613 : i32 to index
      %get3A_614 = tpu.vector_load %arg6[%get3A] {strides = array<i32>} : memref<32784xi32, #tpu.memory_space<vmem>>, vector<16xi32>,
      %broadcast_in_dim3A_615 = vector.broadcast %while3A_610 : i32 to vector<16xi32>
      %lt3A = arith.cmpi slt, %broadcast_in_dim3A_615, %scan3A_61#0 : vector<16xi32>
      %xor3A = arith.xori %get3A_614, %broadcast_in_dim3A_130 : vector<16xi32>
      %shift_right_logical3A = arith.shrui %xor3A, %broadcast_in_dim3A_134 : vector<16xi32>
      %eq3A_616 = arith.constant 0 : i32
      %eq3A_617 = vector.broadcast %eq3A_616 : i32 to vector<16xi32>
      %eq3A_618 = arith.cmpi eq, %shift_right_logical3A, %eq3A_617 : vector<16xi32>
      %and3A_619 = arith.andi %eq3A_618, %lt3A : vector<16xi1>
      %shift_right_arithmetic3A = arith.shrsi %get3A_614, %broadcast_in_dim3A_132 : vector<16xi32>
      %broadcast_in_dim3A_620 = arith.constant 255 : i32
      %broadcast_in_dim3A_621 = vector.broadcast %broadcast_in_dim3A_620 : i32 to vector<16xi32>
      %and3A_622 = arith.andi %shift_right_arithmetic3A, %broadcast_in_dim3A_621 : vector<16xi32>
      %mul3A_623 = arith.constant 256 : i32
      %mul3A_624 = vector.broadcast %mul3A_623 : i32 to vector<16xi32>
      %mul3A_625 = arith.muli %iota3A, %mul3A_624 : vector<16xi32>
      %add3A_626 = arith.addi %mul3A_625, %and3A_622 : vector<16xi32>
      %convert_element_type3A = arith.extui %and3A_619 : vector<16xi1> to vector<16xi32>
      tpu.vector_store_idx %arg8[%add3A_626], %convert_element_type3A masked %broadcast_in_dim3A_7 {add = true} : memref<4096xi32, #tpu.memory_space<vmem>>[vector<16xi32>], vector<16xi32>, vector<16xi1>
      %while3A_627 = arith.constant 0 : i32
      scf.yield %while3A_627 : i32
    }
    %scan3A_147 = arith.constant 0 : i32
    %scan3A_148 = arith.constant 0 : i32
    %scan3A_149 = arith.constant 16 : i32
    %scan3A_150 = arith.addi %scan3A_148, %scan3A_149 : i32
    %scan3A_151 = arith.constant 1 : i32
    %scan3A_152 = scf.for %scan3A_610 = %scan3A_148 to %scan3A_150 step %scan3A_151 iter_args(%scan3A_611 = %scan3A_147) -> (i32)  : i32 {
      %broadcast_in_dim3A_612 = arith.constant 0 : i32
      %broadcast_in_dim3A_613 = vector.broadcast %broadcast_in_dim3A_612 : i32 to vector<16xi32>
      %mul3A_614 = arith.constant 16 : i32
      %mul3A_615 = arith.muli %scan3A_610, %mul3A_614 : i32
      %add3A_616 = arith.constant 0 : i32
      %add3A_617 = arith.addi %add3A_616, %mul3A_615 : i32
      %get3A = arith.index_cast %add3A_617 : i32 to index
      %get3A_618 = tpu.vector_load %arg8[%get3A] {strides = array<i32>} : memref<4096xi32, #tpu.memory_space<vmem>>, vector<16xi32>,
      %add3A_619 = arith.addi %broadcast_in_dim3A_613, %get3A_618 : vector<16xi32>
      %mul3A_620 = arith.constant 16 : i32
      %mul3A_621 = arith.muli %scan3A_610, %mul3A_620 : i32
      %add3A_622 = arith.constant 256 : i32
      %add3A_623 = arith.addi %add3A_622, %mul3A_621 : i32
      %get3A_624 = arith.index_cast %add3A_623 : i32 to index
      %get3A_625 = tpu.vector_load %arg8[%get3A_624] {strides = array<i32>} : memref<4096xi32, #tpu.memory_space<vmem>>, vector<16xi32>,
      %add3A_626 = arith.addi %add3A_619, %get3A_625 : vector<16xi32>
      %mul3A_627 = arith.constant 16 : i32
      %mul3A_628 = arith.muli %scan3A_610, %mul3A_627 : i32
      %add3A_629 = arith.constant 512 : i32
      %add3A_630 = arith.addi %add3A_629, %mul3A_628 : i32
      %get3A_631 = arith.index_cast %add3A_630 : i32 to index
      %get3A_632 = tpu.vector_load %arg8[%get3A_631] {strides = array<i32>} : memref<4096xi32, #tpu.memory_space<vmem>>, vector<16xi32>,
      %add3A_633 = arith.addi %add3A_626, %get3A_632 : vector<16xi32>
      %mul3A_634 = arith.constant 16 : i32
      %mul3A_635 = arith.muli %scan3A_610, %mul3A_634 : i32
      %add3A_636 = arith.constant 768 : i32
      %add3A_637 = arith.addi %add3A_636, %mul3A_635 : i32
      %get3A_638 = arith.index_cast %add3A_637 : i32 to index
      %get3A_639 = tpu.vector_load %arg8[%get3A_638] {strides = array<i32>} : memref<4096xi32, #tpu.memory_space<vmem>>, vector<16xi32>,
      %add3A_640 = arith.addi %add3A_633, %get3A_639 : vector<16xi32>
      %mul3A_641 = arith.constant 16 : i32
      %mul3A_642 = arith.muli %scan3A_610, %mul3A_641 : i32
      %add3A_643 = arith.constant 1024 : i32
      %add3A_644 = arith.addi %add3A_643, %mul3A_642 : i32
      %get3A_645 = arith.index_cast %add3A_644 : i32 to index
      %get3A_646 = tpu.vector_load %arg8[%get3A_645] {strides = array<i32>} : memref<4096xi32, #tpu.memory_space<vmem>>, vector<16xi32>,
      %add3A_647 = arith.addi %add3A_640, %get3A_646 : vector<16xi32>
      %mul3A_648 = arith.constant 16 : i32
      %mul3A_649 = arith.muli %scan3A_610, %mul3A_648 : i32
      %add3A_650 = arith.constant 1280 : i32
      %add3A_651 = arith.addi %add3A_650, %mul3A_649 : i32
      %get3A_652 = arith.index_cast %add3A_651 : i32 to index
      %get3A_653 = tpu.vector_load %arg8[%get3A_652] {strides = array<i32>} : memref<4096xi32, #tpu.memory_space<vmem>>, vector<16xi32>,
      %add3A_654 = arith.addi %add3A_647, %get3A_653 : vector<16xi32>
      %mul3A_655 = arith.constant 16 : i32
      %mul3A_656 = arith.muli %scan3A_610, %mul3A_655 : i32
      %add3A_657 = arith.constant 1536 : i32
      %add3A_658 = arith.addi %add3A_657, %mul3A_656 : i32
      %get3A_659 = arith.index_cast %add3A_658 : i32 to index
      %get3A_660 = tpu.vector_load %arg8[%get3A_659] {strides = array<i32>} : memref<4096xi32, #tpu.memory_space<vmem>>, vector<16xi32>,
      %add3A_661 = arith.addi %add3A_654, %get3A_660 : vector<16xi32>
      %mul3A_662 = arith.constant 16 : i32
      %mul3A_663 = arith.muli %scan3A_610, %mul3A_662 : i32
      %add3A_664 = arith.constant 1792 : i32
      %add3A_665 = arith.addi %add3A_664, %mul3A_663 : i32
      %get3A_666 = arith.index_cast %add3A_665 : i32 to index
      %get3A_667 = tpu.vector_load %arg8[%get3A_666] {strides = array<i32>} : memref<4096xi32, #tpu.memory_space<vmem>>, vector<16xi32>,
      %add3A_668 = arith.addi %add3A_661, %get3A_667 : vector<16xi32>
      %mul3A_669 = arith.constant 16 : i32
      %mul3A_670 = arith.muli %scan3A_610, %mul3A_669 : i32
      %add3A_671 = arith.constant 2048 : i32
      %add3A_672 = arith.addi %add3A_671, %mul3A_670 : i32
      %get3A_673 = arith.index_cast %add3A_672 : i32 to index
      %get3A_674 = tpu.vector_load %arg8[%get3A_673] {strides = array<i32>} : memref<4096xi32, #tpu.memory_space<vmem>>, vector<16xi32>,
      %add3A_675 = arith.addi %add3A_668, %get3A_674 : vector<16xi32>
      %mul3A_676 = arith.constant 16 : i32
      %mul3A_677 = arith.muli %scan3A_610, %mul3A_676 : i32
      %add3A_678 = arith.constant 2304 : i32
      %add3A_679 = arith.addi %add3A_678, %mul3A_677 : i32
      %get3A_680 = arith.index_cast %add3A_679 : i32 to index
      %get3A_681 = tpu.vector_load %arg8[%get3A_680] {strides = array<i32>} : memref<4096xi32, #tpu.memory_space<vmem>>, vector<16xi32>,
      %add3A_682 = arith.addi %add3A_675, %get3A_681 : vector<16xi32>
      %mul3A_683 = arith.constant 16 : i32
      %mul3A_684 = arith.muli %scan3A_610, %mul3A_683 : i32
      %add3A_685 = arith.constant 2560 : i32
      %add3A_686 = arith.addi %add3A_685, %mul3A_684 : i32
      %get3A_687 = arith.index_cast %add3A_686 : i32 to index
      %get3A_688 = tpu.vector_load %arg8[%get3A_687] {strides = array<i32>} : memref<4096xi32, #tpu.memory_space<vmem>>, vector<16xi32>,
      %add3A_689 = arith.addi %add3A_682, %get3A_688 : vector<16xi32>
      %mul3A_690 = arith.constant 16 : i32
      %mul3A_691 = arith.muli %scan3A_610, %mul3A_690 : i32
      %add3A_692 = arith.constant 2816 : i32
      %add3A_693 = arith.addi %add3A_692, %mul3A_691 : i32
      %get3A_694 = arith.index_cast %add3A_693 : i32 to index
      %get3A_695 = tpu.vector_load %arg8[%get3A_694] {strides = array<i32>} : memref<4096xi32, #tpu.memory_space<vmem>>, vector<16xi32>,
      %add3A_696 = arith.addi %add3A_689, %get3A_695 : vector<16xi32>
      %mul3A_697 = arith.constant 16 : i32
      %mul3A_698 = arith.muli %scan3A_610, %mul3A_697 : i32
      %add3A_699 = arith.constant 3072 : i32
      %add3A_700 = arith.addi %add3A_699, %mul3A_698 : i32
      %get3A_701 = arith.index_cast %add3A_700 : i32 to index
      %get3A_702 = tpu.vector_load %arg8[%get3A_701] {strides = array<i32>} : memref<4096xi32, #tpu.memory_space<vmem>>, vector<16xi32>,
      %add3A_703 = arith.addi %add3A_696, %get3A_702 : vector<16xi32>
      %mul3A_704 = arith.constant 16 : i32
      %mul3A_705 = arith.muli %scan3A_610, %mul3A_704 : i32
      %add3A_706 = arith.constant 3328 : i32
      %add3A_707 = arith.addi %add3A_706, %mul3A_705 : i32
      %get3A_708 = arith.index_cast %add3A_707 : i32 to index
      %get3A_709 = tpu.vector_load %arg8[%get3A_708] {strides = array<i32>} : memref<4096xi32, #tpu.memory_space<vmem>>, vector<16xi32>,
      %add3A_710 = arith.addi %add3A_703, %get3A_709 : vector<16xi32>
      %mul3A_711 = arith.constant 16 : i32
      %mul3A_712 = arith.muli %scan3A_610, %mul3A_711 : i32
      %add3A_713 = arith.constant 3584 : i32
      %add3A_714 = arith.addi %add3A_713, %mul3A_712 : i32
      %get3A_715 = arith.index_cast %add3A_714 : i32 to index
      %get3A_716 = tpu.vector_load %arg8[%get3A_715] {strides = array<i32>} : memref<4096xi32, #tpu.memory_space<vmem>>, vector<16xi32>,
      %add3A_717 = arith.addi %add3A_710, %get3A_716 : vector<16xi32>
      %mul3A_718 = arith.constant 16 : i32
      %mul3A_719 = arith.muli %scan3A_610, %mul3A_718 : i32
      %add3A_720 = arith.constant 3840 : i32
      %add3A_721 = arith.addi %add3A_720, %mul3A_719 : i32
      %get3A_722 = arith.index_cast %add3A_721 : i32 to index
      %get3A_723 = tpu.vector_load %arg8[%get3A_722] {strides = array<i32>} : memref<4096xi32, #tpu.memory_space<vmem>>, vector<16xi32>,
      %add3A_724 = arith.addi %add3A_717, %get3A_723 : vector<16xi32>
      %broadcast_in_dim3A_725 = arith.constant true
      %broadcast_in_dim3A_726 = vector.broadcast %broadcast_in_dim3A_725 : i1 to vector<16xi1>
      %masked_cumsum3A = tpu.scan <sum>, %add3A_724 masked %broadcast_in_dim3A_726 : vector<16xi32>, vector<16xi1> -> vector<16xi32>
      %add3A_727 = vector.broadcast %scan3A_611 : i32 to vector<16xi32>
      %add3A_728 = arith.addi %masked_cumsum3A, %add3A_727 : vector<16xi32>
      %mul3A_729 = arith.constant 16 : i32
      %mul3A_730 = arith.muli %scan3A_610, %mul3A_729 : i32
      %swap3A = arith.index_cast %mul3A_730 : i32 to index
      %swap3A_731 = tpu.vector_load %arg9[%swap3A] {strides = array<i32>} : memref<256xi32, #tpu.memory_space<vmem>>, vector<16xi32>,
      tpu.vector_store %arg9[%swap3A], %add3A_728 {strides = array<i32>} : memref<256xi32, #tpu.memory_space<vmem>>, vector<16xi32>,
      %reduce_max3A_732 = arith.constant true
      %reduce_max3A_733 = vector.broadcast %reduce_max3A_732 : i1 to vector<16xi1>
      %reduce_max3A_734 = arith.constant -2147483648 : i32
      %reduce_max3A_735 = vector.broadcast %reduce_max3A_734 : i32 to vector<16xi32>
      %reduce_max3A_736 = arith.xori %add3A_728, %reduce_max3A_735 : vector<16xi32>
      %reduce_max3A_737 = tpu.scan <max>, %reduce_max3A_736 masked %reduce_max3A_733 : vector<16xi32>, vector<16xi1> -> vector<16xi32>
      %reduce_max3A_738 = arith.xori %reduce_max3A_737, %reduce_max3A_735 : vector<16xi32>
      %reduce_max3A_739 = vector.extract %reduce_max3A_738[15] : i32 from vector<16xi32>
      scf.yield %reduce_max3A_739 : i32
    }
    %scan3A_153 = arith.constant 16 : i32
    %sub3A_154 = arith.subi %scan3A_152, %sub3A_120 : i32
    %scan3A_155 = arith.constant 0 : i32
    %scan3A_156 = arith.constant 0 : i32
    %scan3A_157 = arith.constant 16 : i32
    %scan3A_158 = arith.addi %scan3A_156, %scan3A_157 : i32
    %scan3A_159 = arith.constant 1 : i32
    %scan3A_160 = scf.for %scan3A_610 = %scan3A_156 to %scan3A_158 step %scan3A_159 iter_args(%scan3A_611 = %scan3A_155) -> (i32)  : i32 {
      %mul3A_612 = arith.constant 16 : i32
      %mul3A_613 = arith.muli %scan3A_610, %mul3A_612 : i32
      %get3A = arith.index_cast %mul3A_613 : i32 to index
      %get3A_614 = tpu.vector_load %arg9[%get3A] {strides = array<i32>} : memref<256xi32, #tpu.memory_space<vmem>>, vector<16xi32>,
      %le3A = vector.broadcast %sub3A_154 : i32 to vector<16xi32>
      %le3A_615 = arith.cmpi sle, %get3A_614, %le3A : vector<16xi32>
      %all_reduce_population_count3A = tpu.all_reduce %le3A_615 {dim = 0 : i64, kind = #tpu.reduction_kind<sum>} : vector<16xi1> -> vector<16xi32>
      %reduce_max3A_616 = arith.constant true
      %reduce_max3A_617 = vector.broadcast %reduce_max3A_616 : i1 to vector<16xi1>
      %reduce_max3A_618 = arith.constant -2147483648 : i32
      %reduce_max3A_619 = vector.broadcast %reduce_max3A_618 : i32 to vector<16xi32>
      %reduce_max3A_620 = arith.xori %all_reduce_population_count3A, %reduce_max3A_619 : vector<16xi32>
      %reduce_max3A_621 = tpu.scan <max>, %reduce_max3A_620 masked %reduce_max3A_617 : vector<16xi32>, vector<16xi1> -> vector<16xi32>
      %reduce_max3A_622 = arith.xori %reduce_max3A_621, %reduce_max3A_619 : vector<16xi32>
      %reduce_max3A_623 = vector.extract %reduce_max3A_622[15] : i32 from vector<16xi32>
      %add3A_624 = arith.addi %scan3A_611, %reduce_max3A_623 : i32
      scf.yield %add3A_624 : i32
    }
    %scan3A_161 = arith.constant 16 : i32
    %broadcast_in_dim3A_162 = vector.broadcast %scan3A_160 : i32 to vector<16xi32>
    %gather3A_163 = tpu.vector_load_idx %arg9[%broadcast_in_dim3A_162] : memref<256xi32, #tpu.memory_space<vmem>>[vector<16xi32>], vector<16xi32>,
    %reduce_max3A_164 = arith.constant true
    %reduce_max3A_165 = vector.broadcast %reduce_max3A_164 : i1 to vector<16xi1>
    %reduce_max3A_166 = arith.constant -2147483648 : i32
    %reduce_max3A_167 = vector.broadcast %reduce_max3A_166 : i32 to vector<16xi32>
    %reduce_max3A_168 = arith.xori %gather3A_163, %reduce_max3A_167 : vector<16xi32>
    %reduce_max3A_169 = tpu.scan <max>, %reduce_max3A_168 masked %reduce_max3A_165 : vector<16xi32>, vector<16xi1> -> vector<16xi32>
    %reduce_max3A_170 = arith.xori %reduce_max3A_169, %reduce_max3A_167 : vector<16xi32>
    %reduce_max3A_171 = vector.extract %reduce_max3A_170[15] : i32 from vector<16xi32>
    %sub3A_172 = arith.subi %scan3A_152, %reduce_max3A_171 : i32
    %sub3A_173 = arith.subi %sub3A_120, %sub3A_172 : i32
    %shift_left3A_174 = arith.constant 8 : i32
    %shift_left3A_175 = arith.shli %scan3A_160, %shift_left3A_174 : i32
    %or3A_176 = arith.ori %or3A, %shift_left3A_175 : i32
    %scan3A_177 = arith.constant 0 : i32
    %scan3A_178 = arith.constant 0 : i32
    %scan3A_179 = arith.constant 256 : i32
    %scan3A_180 = arith.addi %scan3A_178, %scan3A_179 : i32
    %scan3A_181 = arith.constant 1 : i32
    %scan3A_182 = scf.for %scan3A_610 = %scan3A_178 to %scan3A_180 step %scan3A_181 iter_args(%scan3A_611 = %scan3A_177) -> (i32)  : i32 {
      %broadcast_in_dim3A_612 = arith.constant 0 : i32
      %broadcast_in_dim3A_613 = vector.broadcast %broadcast_in_dim3A_612 : i32 to vector<16xi32>
      %mul3A_614 = arith.constant 16 : i32
      %mul3A_615 = arith.muli %scan3A_610, %mul3A_614 : i32
      %swap3A = arith.index_cast %mul3A_615 : i32 to index
      %swap3A_616 = tpu.vector_load %arg8[%swap3A] {strides = array<i32>} : memref<4096xi32, #tpu.memory_space<vmem>>, vector<16xi32>,
      tpu.vector_store %arg8[%swap3A], %broadcast_in_dim3A_613 {strides = array<i32>} : memref<4096xi32, #tpu.memory_space<vmem>>, vector<16xi32>,
      %scan3A_617 = arith.constant 0 : i32
      scf.yield %scan3A_617 : i32
    }
    %scan3A_183 = arith.constant 256 : i32
    %broadcast_in_dim3A_184 = vector.broadcast %or3A_176 : i32 to vector<16xi32>
    %broadcast_in_dim3A_185 = arith.constant 0 : i32
    %broadcast_in_dim3A_186 = vector.broadcast %broadcast_in_dim3A_185 : i32 to vector<16xi32>
    %broadcast_in_dim3A_187 = arith.constant 8 : i32
    %broadcast_in_dim3A_188 = vector.broadcast %broadcast_in_dim3A_187 : i32 to vector<16xi32>
    %while3A_189 = arith.constant 0 : i32
    %while3A_190 = arith.constant 0 : i32
    %while3A_191 = arith.subi %reduce_max3A_70, %while3A_189 : i32
    %while3A_192 = arith.addi %while3A_189, %while3A_191 : i32
    %while3A_193 = arith.constant 1 : i32
    %while3A_194 = arith.divsi %while3A_191, %while3A_193 : i32
    %while3A_195 = arith.muli %while3A_194, %while3A_193 : i32
    %while3A_196 = arith.addi %while3A_189, %while3A_195 : i32
    %while3A_197 = arith.constant 1 : i32
    %while3A_198 = scf.for %while3A_610 = %while3A_189 to %while3A_196 step %while3A_197 iter_args(%while3A_611 = %while3A_190) -> (i32)  : i32 {
      %mul3A_612 = arith.constant 16 : i32
      %mul3A_613 = arith.muli %while3A_610, %mul3A_612 : i32
      %get3A = arith.index_cast %mul3A_613 : i32 to index
      %get3A_614 = tpu.vector_load %arg6[%get3A] {strides = array<i32>} : memref<32784xi32, #tpu.memory_space<vmem>>, vector<16xi32>,
      %broadcast_in_dim3A_615 = vector.broadcast %while3A_610 : i32 to vector<16xi32>
      %lt3A = arith.cmpi slt, %broadcast_in_dim3A_615, %scan3A_61#0 : vector<16xi32>
      %xor3A = arith.xori %get3A_614, %broadcast_in_dim3A_184 : vector<16xi32>
      %shift_right_logical3A = arith.shrui %xor3A, %broadcast_in_dim3A_188 : vector<16xi32>
      %eq3A_616 = arith.constant 0 : i32
      %eq3A_617 = vector.broadcast %eq3A_616 : i32 to vector<16xi32>
      %eq3A_618 = arith.cmpi eq, %shift_right_logical3A, %eq3A_617 : vector<16xi32>
      %and3A_619 = arith.andi %eq3A_618, %lt3A : vector<16xi1>
      %shift_right_arithmetic3A = arith.shrsi %get3A_614, %broadcast_in_dim3A_186 : vector<16xi32>
      %broadcast_in_dim3A_620 = arith.constant 255 : i32
      %broadcast_in_dim3A_621 = vector.broadcast %broadcast_in_dim3A_620 : i32 to vector<16xi32>
      %and3A_622 = arith.andi %shift_right_arithmetic3A, %broadcast_in_dim3A_621 : vector<16xi32>
      %mul3A_623 = arith.constant 256 : i32
      %mul3A_624 = vector.broadcast %mul3A_623 : i32 to vector<16xi32>
      %mul3A_625 = arith.muli %iota3A, %mul3A_624 : vector<16xi32>
      %add3A_626 = arith.addi %mul3A_625, %and3A_622 : vector<16xi32>
      %convert_element_type3A = arith.extui %and3A_619 : vector<16xi1> to vector<16xi32>
      tpu.vector_store_idx %arg8[%add3A_626], %convert_element_type3A masked %broadcast_in_dim3A_7 {add = true} : memref<4096xi32, #tpu.memory_space<vmem>>[vector<16xi32>], vector<16xi32>, vector<16xi1>
      %while3A_627 = arith.constant 0 : i32
      scf.yield %while3A_627 : i32
    }
    %while3A_199 = arith.constant 1 : i32
    %while3A_200 = scf.for %while3A_610 = %while3A_196 to %while3A_192 step %while3A_199 iter_args(%while3A_611 = %while3A_198) -> (i32)  : i32 {
      %mul3A_612 = arith.constant 16 : i32
      %mul3A_613 = arith.muli %while3A_610, %mul3A_612 : i32
      %get3A = arith.index_cast %mul3A_613 : i32 to index
      %get3A_614 = tpu.vector_load %arg6[%get3A] {strides = array<i32>} : memref<32784xi32, #tpu.memory_space<vmem>>, vector<16xi32>,
      %broadcast_in_dim3A_615 = vector.broadcast %while3A_610 : i32 to vector<16xi32>
      %lt3A = arith.cmpi slt, %broadcast_in_dim3A_615, %scan3A_61#0 : vector<16xi32>
      %xor3A = arith.xori %get3A_614, %broadcast_in_dim3A_184 : vector<16xi32>
      %shift_right_logical3A = arith.shrui %xor3A, %broadcast_in_dim3A_188 : vector<16xi32>
      %eq3A_616 = arith.constant 0 : i32
      %eq3A_617 = vector.broadcast %eq3A_616 : i32 to vector<16xi32>
      %eq3A_618 = arith.cmpi eq, %shift_right_logical3A, %eq3A_617 : vector<16xi32>
      %and3A_619 = arith.andi %eq3A_618, %lt3A : vector<16xi1>
      %shift_right_arithmetic3A = arith.shrsi %get3A_614, %broadcast_in_dim3A_186 : vector<16xi32>
      %broadcast_in_dim3A_620 = arith.constant 255 : i32
      %broadcast_in_dim3A_621 = vector.broadcast %broadcast_in_dim3A_620 : i32 to vector<16xi32>
      %and3A_622 = arith.andi %shift_right_arithmetic3A, %broadcast_in_dim3A_621 : vector<16xi32>
      %mul3A_623 = arith.constant 256 : i32
      %mul3A_624 = vector.broadcast %mul3A_623 : i32 to vector<16xi32>
      %mul3A_625 = arith.muli %iota3A, %mul3A_624 : vector<16xi32>
      %add3A_626 = arith.addi %mul3A_625, %and3A_622 : vector<16xi32>
      %convert_element_type3A = arith.extui %and3A_619 : vector<16xi1> to vector<16xi32>
      tpu.vector_store_idx %arg8[%add3A_626], %convert_element_type3A masked %broadcast_in_dim3A_7 {add = true} : memref<4096xi32, #tpu.memory_space<vmem>>[vector<16xi32>], vector<16xi32>, vector<16xi1>
      %while3A_627 = arith.constant 0 : i32
      scf.yield %while3A_627 : i32
    }
    %scan3A_201 = arith.constant 0 : i32
    %scan3A_202 = arith.constant 0 : i32
    %scan3A_203 = arith.constant 16 : i32
    %scan3A_204 = arith.addi %scan3A_202, %scan3A_203 : i32
    %scan3A_205 = arith.constant 1 : i32
    %scan3A_206 = scf.for %scan3A_610 = %scan3A_202 to %scan3A_204 step %scan3A_205 iter_args(%scan3A_611 = %scan3A_201) -> (i32)  : i32 {
      %broadcast_in_dim3A_612 = arith.constant 0 : i32
      %broadcast_in_dim3A_613 = vector.broadcast %broadcast_in_dim3A_612 : i32 to vector<16xi32>
      %mul3A_614 = arith.constant 16 : i32
      %mul3A_615 = arith.muli %scan3A_610, %mul3A_614 : i32
      %add3A_616 = arith.constant 0 : i32
      %add3A_617 = arith.addi %add3A_616, %mul3A_615 : i32
      %get3A = arith.index_cast %add3A_617 : i32 to index
      %get3A_618 = tpu.vector_load %arg8[%get3A] {strides = array<i32>} : memref<4096xi32, #tpu.memory_space<vmem>>, vector<16xi32>,
      %add3A_619 = arith.addi %broadcast_in_dim3A_613, %get3A_618 : vector<16xi32>
      %mul3A_620 = arith.constant 16 : i32
      %mul3A_621 = arith.muli %scan3A_610, %mul3A_620 : i32
      %add3A_622 = arith.constant 256 : i32
      %add3A_623 = arith.addi %add3A_622, %mul3A_621 : i32
      %get3A_624 = arith.index_cast %add3A_623 : i32 to index
      %get3A_625 = tpu.vector_load %arg8[%get3A_624] {strides = array<i32>} : memref<4096xi32, #tpu.memory_space<vmem>>, vector<16xi32>,
      %add3A_626 = arith.addi %add3A_619, %get3A_625 : vector<16xi32>
      %mul3A_627 = arith.constant 16 : i32
      %mul3A_628 = arith.muli %scan3A_610, %mul3A_627 : i32
      %add3A_629 = arith.constant 512 : i32
      %add3A_630 = arith.addi %add3A_629, %mul3A_628 : i32
      %get3A_631 = arith.index_cast %add3A_630 : i32 to index
      %get3A_632 = tpu.vector_load %arg8[%get3A_631] {strides = array<i32>} : memref<4096xi32, #tpu.memory_space<vmem>>, vector<16xi32>,
      %add3A_633 = arith.addi %add3A_626, %get3A_632 : vector<16xi32>
      %mul3A_634 = arith.constant 16 : i32
      %mul3A_635 = arith.muli %scan3A_610, %mul3A_634 : i32
      %add3A_636 = arith.constant 768 : i32
      %add3A_637 = arith.addi %add3A_636, %mul3A_635 : i32
      %get3A_638 = arith.index_cast %add3A_637 : i32 to index
      %get3A_639 = tpu.vector_load %arg8[%get3A_638] {strides = array<i32>} : memref<4096xi32, #tpu.memory_space<vmem>>, vector<16xi32>,
      %add3A_640 = arith.addi %add3A_633, %get3A_639 : vector<16xi32>
      %mul3A_641 = arith.constant 16 : i32
      %mul3A_642 = arith.muli %scan3A_610, %mul3A_641 : i32
      %add3A_643 = arith.constant 1024 : i32
      %add3A_644 = arith.addi %add3A_643, %mul3A_642 : i32
      %get3A_645 = arith.index_cast %add3A_644 : i32 to index
      %get3A_646 = tpu.vector_load %arg8[%get3A_645] {strides = array<i32>} : memref<4096xi32, #tpu.memory_space<vmem>>, vector<16xi32>,
      %add3A_647 = arith.addi %add3A_640, %get3A_646 : vector<16xi32>
      %mul3A_648 = arith.constant 16 : i32
      %mul3A_649 = arith.muli %scan3A_610, %mul3A_648 : i32
      %add3A_650 = arith.constant 1280 : i32
      %add3A_651 = arith.addi %add3A_650, %mul3A_649 : i32
      %get3A_652 = arith.index_cast %add3A_651 : i32 to index
      %get3A_653 = tpu.vector_load %arg8[%get3A_652] {strides = array<i32>} : memref<4096xi32, #tpu.memory_space<vmem>>, vector<16xi32>,
      %add3A_654 = arith.addi %add3A_647, %get3A_653 : vector<16xi32>
      %mul3A_655 = arith.constant 16 : i32
      %mul3A_656 = arith.muli %scan3A_610, %mul3A_655 : i32
      %add3A_657 = arith.constant 1536 : i32
      %add3A_658 = arith.addi %add3A_657, %mul3A_656 : i32
      %get3A_659 = arith.index_cast %add3A_658 : i32 to index
      %get3A_660 = tpu.vector_load %arg8[%get3A_659] {strides = array<i32>} : memref<4096xi32, #tpu.memory_space<vmem>>, vector<16xi32>,
      %add3A_661 = arith.addi %add3A_654, %get3A_660 : vector<16xi32>
      %mul3A_662 = arith.constant 16 : i32
      %mul3A_663 = arith.muli %scan3A_610, %mul3A_662 : i32
      %add3A_664 = arith.constant 1792 : i32
      %add3A_665 = arith.addi %add3A_664, %mul3A_663 : i32
      %get3A_666 = arith.index_cast %add3A_665 : i32 to index
      %get3A_667 = tpu.vector_load %arg8[%get3A_666] {strides = array<i32>} : memref<4096xi32, #tpu.memory_space<vmem>>, vector<16xi32>,
      %add3A_668 = arith.addi %add3A_661, %get3A_667 : vector<16xi32>
      %mul3A_669 = arith.constant 16 : i32
      %mul3A_670 = arith.muli %scan3A_610, %mul3A_669 : i32
      %add3A_671 = arith.constant 2048 : i32
      %add3A_672 = arith.addi %add3A_671, %mul3A_670 : i32
      %get3A_673 = arith.index_cast %add3A_672 : i32 to index
      %get3A_674 = tpu.vector_load %arg8[%get3A_673] {strides = array<i32>} : memref<4096xi32, #tpu.memory_space<vmem>>, vector<16xi32>,
      %add3A_675 = arith.addi %add3A_668, %get3A_674 : vector<16xi32>
      %mul3A_676 = arith.constant 16 : i32
      %mul3A_677 = arith.muli %scan3A_610, %mul3A_676 : i32
      %add3A_678 = arith.constant 2304 : i32
      %add3A_679 = arith.addi %add3A_678, %mul3A_677 : i32
      %get3A_680 = arith.index_cast %add3A_679 : i32 to index
      %get3A_681 = tpu.vector_load %arg8[%get3A_680] {strides = array<i32>} : memref<4096xi32, #tpu.memory_space<vmem>>, vector<16xi32>,
      %add3A_682 = arith.addi %add3A_675, %get3A_681 : vector<16xi32>
      %mul3A_683 = arith.constant 16 : i32
      %mul3A_684 = arith.muli %scan3A_610, %mul3A_683 : i32
      %add3A_685 = arith.constant 2560 : i32
      %add3A_686 = arith.addi %add3A_685, %mul3A_684 : i32
      %get3A_687 = arith.index_cast %add3A_686 : i32 to index
      %get3A_688 = tpu.vector_load %arg8[%get3A_687] {strides = array<i32>} : memref<4096xi32, #tpu.memory_space<vmem>>, vector<16xi32>,
      %add3A_689 = arith.addi %add3A_682, %get3A_688 : vector<16xi32>
      %mul3A_690 = arith.constant 16 : i32
      %mul3A_691 = arith.muli %scan3A_610, %mul3A_690 : i32
      %add3A_692 = arith.constant 2816 : i32
      %add3A_693 = arith.addi %add3A_692, %mul3A_691 : i32
      %get3A_694 = arith.index_cast %add3A_693 : i32 to index
      %get3A_695 = tpu.vector_load %arg8[%get3A_694] {strides = array<i32>} : memref<4096xi32, #tpu.memory_space<vmem>>, vector<16xi32>,
      %add3A_696 = arith.addi %add3A_689, %get3A_695 : vector<16xi32>
      %mul3A_697 = arith.constant 16 : i32
      %mul3A_698 = arith.muli %scan3A_610, %mul3A_697 : i32
      %add3A_699 = arith.constant 3072 : i32
      %add3A_700 = arith.addi %add3A_699, %mul3A_698 : i32
      %get3A_701 = arith.index_cast %add3A_700 : i32 to index
      %get3A_702 = tpu.vector_load %arg8[%get3A_701] {strides = array<i32>} : memref<4096xi32, #tpu.memory_space<vmem>>, vector<16xi32>,
      %add3A_703 = arith.addi %add3A_696, %get3A_702 : vector<16xi32>
      %mul3A_704 = arith.constant 16 : i32
      %mul3A_705 = arith.muli %scan3A_610, %mul3A_704 : i32
      %add3A_706 = arith.constant 3328 : i32
      %add3A_707 = arith.addi %add3A_706, %mul3A_705 : i32
      %get3A_708 = arith.index_cast %add3A_707 : i32 to index
      %get3A_709 = tpu.vector_load %arg8[%get3A_708] {strides = array<i32>} : memref<4096xi32, #tpu.memory_space<vmem>>, vector<16xi32>,
      %add3A_710 = arith.addi %add3A_703, %get3A_709 : vector<16xi32>
      %mul3A_711 = arith.constant 16 : i32
      %mul3A_712 = arith.muli %scan3A_610, %mul3A_711 : i32
      %add3A_713 = arith.constant 3584 : i32
      %add3A_714 = arith.addi %add3A_713, %mul3A_712 : i32
      %get3A_715 = arith.index_cast %add3A_714 : i32 to index
      %get3A_716 = tpu.vector_load %arg8[%get3A_715] {strides = array<i32>} : memref<4096xi32, #tpu.memory_space<vmem>>, vector<16xi32>,
      %add3A_717 = arith.addi %add3A_710, %get3A_716 : vector<16xi32>
      %mul3A_718 = arith.constant 16 : i32
      %mul3A_719 = arith.muli %scan3A_610, %mul3A_718 : i32
      %add3A_720 = arith.constant 3840 : i32
      %add3A_721 = arith.addi %add3A_720, %mul3A_719 : i32
      %get3A_722 = arith.index_cast %add3A_721 : i32 to index
      %get3A_723 = tpu.vector_load %arg8[%get3A_722] {strides = array<i32>} : memref<4096xi32, #tpu.memory_space<vmem>>, vector<16xi32>,
      %add3A_724 = arith.addi %add3A_717, %get3A_723 : vector<16xi32>
      %broadcast_in_dim3A_725 = arith.constant true
      %broadcast_in_dim3A_726 = vector.broadcast %broadcast_in_dim3A_725 : i1 to vector<16xi1>
      %masked_cumsum3A = tpu.scan <sum>, %add3A_724 masked %broadcast_in_dim3A_726 : vector<16xi32>, vector<16xi1> -> vector<16xi32>
      %add3A_727 = vector.broadcast %scan3A_611 : i32 to vector<16xi32>
      %add3A_728 = arith.addi %masked_cumsum3A, %add3A_727 : vector<16xi32>
      %mul3A_729 = arith.constant 16 : i32
      %mul3A_730 = arith.muli %scan3A_610, %mul3A_729 : i32
      %swap3A = arith.index_cast %mul3A_730 : i32 to index
      %swap3A_731 = tpu.vector_load %arg9[%swap3A] {strides = array<i32>} : memref<256xi32, #tpu.memory_space<vmem>>, vector<16xi32>,
      tpu.vector_store %arg9[%swap3A], %add3A_728 {strides = array<i32>} : memref<256xi32, #tpu.memory_space<vmem>>, vector<16xi32>,
      %reduce_max3A_732 = arith.constant true
      %reduce_max3A_733 = vector.broadcast %reduce_max3A_732 : i1 to vector<16xi1>
      %reduce_max3A_734 = arith.constant -2147483648 : i32
      %reduce_max3A_735 = vector.broadcast %reduce_max3A_734 : i32 to vector<16xi32>
      %reduce_max3A_736 = arith.xori %add3A_728, %reduce_max3A_735 : vector<16xi32>
      %reduce_max3A_737 = tpu.scan <max>, %reduce_max3A_736 masked %reduce_max3A_733 : vector<16xi32>, vector<16xi1> -> vector<16xi32>
      %reduce_max3A_738 = arith.xori %reduce_max3A_737, %reduce_max3A_735 : vector<16xi32>
      %reduce_max3A_739 = vector.extract %reduce_max3A_738[15] : i32 from vector<16xi32>
      scf.yield %reduce_max3A_739 : i32
    }
    %scan3A_207 = arith.constant 16 : i32
    %sub3A_208 = arith.subi %scan3A_206, %sub3A_173 : i32
    %scan3A_209 = arith.constant 0 : i32
    %scan3A_210 = arith.constant 0 : i32
    %scan3A_211 = arith.constant 16 : i32
    %scan3A_212 = arith.addi %scan3A_210, %scan3A_211 : i32
    %scan3A_213 = arith.constant 1 : i32
    %scan3A_214 = scf.for %scan3A_610 = %scan3A_210 to %scan3A_212 step %scan3A_213 iter_args(%scan3A_611 = %scan3A_209) -> (i32)  : i32 {
      %mul3A_612 = arith.constant 16 : i32
      %mul3A_613 = arith.muli %scan3A_610, %mul3A_612 : i32
      %get3A = arith.index_cast %mul3A_613 : i32 to index
      %get3A_614 = tpu.vector_load %arg9[%get3A] {strides = array<i32>} : memref<256xi32, #tpu.memory_space<vmem>>, vector<16xi32>,
      %le3A = vector.broadcast %sub3A_208 : i32 to vector<16xi32>
      %le3A_615 = arith.cmpi sle, %get3A_614, %le3A : vector<16xi32>
      %all_reduce_population_count3A = tpu.all_reduce %le3A_615 {dim = 0 : i64, kind = #tpu.reduction_kind<sum>} : vector<16xi1> -> vector<16xi32>
      %reduce_max3A_616 = arith.constant true
      %reduce_max3A_617 = vector.broadcast %reduce_max3A_616 : i1 to vector<16xi1>
      %reduce_max3A_618 = arith.constant -2147483648 : i32
      %reduce_max3A_619 = vector.broadcast %reduce_max3A_618 : i32 to vector<16xi32>
      %reduce_max3A_620 = arith.xori %all_reduce_population_count3A, %reduce_max3A_619 : vector<16xi32>
      %reduce_max3A_621 = tpu.scan <max>, %reduce_max3A_620 masked %reduce_max3A_617 : vector<16xi32>, vector<16xi1> -> vector<16xi32>
      %reduce_max3A_622 = arith.xori %reduce_max3A_621, %reduce_max3A_619 : vector<16xi32>
      %reduce_max3A_623 = vector.extract %reduce_max3A_622[15] : i32 from vector<16xi32>
      %add3A_624 = arith.addi %scan3A_611, %reduce_max3A_623 : i32
      scf.yield %add3A_624 : i32
    }
    %scan3A_215 = arith.constant 16 : i32
    %broadcast_in_dim3A_216 = vector.broadcast %scan3A_214 : i32 to vector<16xi32>
    %gather3A_217 = tpu.vector_load_idx %arg9[%broadcast_in_dim3A_216] : memref<256xi32, #tpu.memory_space<vmem>>[vector<16xi32>], vector<16xi32>,
    %reduce_max3A_218 = arith.constant true
    %reduce_max3A_219 = vector.broadcast %reduce_max3A_218 : i1 to vector<16xi1>
    %reduce_max3A_220 = arith.constant -2147483648 : i32
    %reduce_max3A_221 = vector.broadcast %reduce_max3A_220 : i32 to vector<16xi32>
    %reduce_max3A_222 = arith.xori %gather3A_217, %reduce_max3A_221 : vector<16xi32>
    %reduce_max3A_223 = tpu.scan <max>, %reduce_max3A_222 masked %reduce_max3A_219 : vector<16xi32>, vector<16xi1> -> vector<16xi32>
    %reduce_max3A_224 = arith.xori %reduce_max3A_223, %reduce_max3A_221 : vector<16xi32>
    %reduce_max3A_225 = vector.extract %reduce_max3A_224[15] : i32 from vector<16xi32>
    %sub3A_226 = arith.subi %scan3A_206, %reduce_max3A_225 : i32
    %sub3A_227 = arith.subi %sub3A_173, %sub3A_226 : i32
    %shift_left3A_228 = arith.constant 0 : i32
    %shift_left3A_229 = arith.shli %scan3A_214, %shift_left3A_228 : i32
    %or3A_230 = arith.ori %or3A_176, %shift_left3A_229 : i32
    %broadcast_in_dim3A_231 = vector.broadcast %or3A_230 : i32 to vector<16xi32>
    %while3A_232 = arith.constant 0 : i32
    %while3A_233 = arith.constant 0 : i32
    %while3A_234 = arith.constant 0 : i32
    %while3A_235 = arith.subi %reduce_max3A_70, %while3A_232 : i32
    %while3A_236 = arith.addi %while3A_232, %while3A_235 : i32
    %while3A_237 = arith.constant 1 : i32
    %while3A_238 = arith.divsi %while3A_235, %while3A_237 : i32
    %while3A_239 = arith.muli %while3A_238, %while3A_237 : i32
    %while3A_240 = arith.addi %while3A_232, %while3A_239 : i32
    %while3A_241 = arith.constant 1 : i32
    %while3A_242:2 = scf.for %while3A_610 = %while3A_232 to %while3A_240 step %while3A_241 iter_args(%while3A_611 = %while3A_233, %while3A_612 = %while3A_234) -> (i32, i32)  : i32 {
      %mul3A_613 = arith.constant 16 : i32
      %mul3A_614 = arith.muli %while3A_610, %mul3A_613 : i32
      %get3A = arith.index_cast %mul3A_614 : i32 to index
      %get3A_615 = tpu.vector_load %arg6[%get3A] {strides = array<i32>} : memref<32784xi32, #tpu.memory_space<vmem>>, vector<16xi32>,
      %mul3A_616 = arith.constant 16 : i32
      %mul3A_617 = arith.muli %while3A_610, %mul3A_616 : i32
      %get3A_618 = arith.index_cast %mul3A_617 : i32 to index
      %get3A_619 = tpu.vector_load %arg7[%get3A_618] {strides = array<i32>} : memref<32784xi32, #tpu.memory_space<vmem>>, vector<16xi32>,
      %broadcast_in_dim3A_620 = vector.broadcast %while3A_610 : i32 to vector<16xi32>
      %lt3A = arith.cmpi slt, %broadcast_in_dim3A_620, %scan3A_61#0 : vector<16xi32>
      %gt3A = arith.cmpi sgt, %get3A_615, %broadcast_in_dim3A_231 : vector<16xi32>
      %and3A_621 = arith.andi %gt3A, %lt3A : vector<16xi1>
      %eq3A_622 = arith.cmpi eq, %get3A_615, %broadcast_in_dim3A_231 : vector<16xi32>
      %and3A_623 = arith.andi %eq3A_622, %lt3A : vector<16xi1>
      %swap3A = arith.index_cast %while3A_611 : i32 to index
      %swap3A_624 = tpu.vector_load %arg11[%swap3A] masked %and3A_621 {strides = array<i32>} : memref<272xi32, #tpu.memory_space<vmem>>, vector<16xi32>, vector<16xi1>
      tpu.vector_store %arg11[%swap3A], %get3A_615 masked %and3A_621 {strides = array<i32>} : memref<272xi32, #tpu.memory_space<vmem>>, vector<16xi32>, vector<16xi1>
      %swap3A_625 = arith.index_cast %while3A_611 : i32 to index
      %swap3A_626 = tpu.vector_load %arg12[%swap3A_625] masked %and3A_621 {strides = array<i32>} : memref<272xi32, #tpu.memory_space<vmem>>, vector<16xi32>, vector<16xi1>
      tpu.vector_store %arg12[%swap3A_625], %get3A_619 masked %and3A_621 {strides = array<i32>} : memref<272xi32, #tpu.memory_space<vmem>>, vector<16xi32>, vector<16xi1>
      %swap3A_627 = arith.index_cast %while3A_612 : i32 to index
      %swap3A_628 = tpu.vector_load %arg10[%swap3A_627] masked %and3A_623 {strides = array<i32>} : memref<4096xi32, #tpu.memory_space<vmem>>, vector<16xi32>, vector<16xi1>
      tpu.vector_store %arg10[%swap3A_627], %get3A_619 masked %and3A_623 {strides = array<i32>} : memref<4096xi32, #tpu.memory_space<vmem>>, vector<16xi32>, vector<16xi1>
      %all_reduce_population_count3A = tpu.all_reduce %and3A_621 {dim = 0 : i64, kind = #tpu.reduction_kind<sum>} : vector<16xi1> -> vector<16xi32>
      %reduce_max3A_629 = arith.constant true
      %reduce_max3A_630 = vector.broadcast %reduce_max3A_629 : i1 to vector<16xi1>
      %reduce_max3A_631 = arith.constant -2147483648 : i32
      %reduce_max3A_632 = vector.broadcast %reduce_max3A_631 : i32 to vector<16xi32>
      %reduce_max3A_633 = arith.xori %all_reduce_population_count3A, %reduce_max3A_632 : vector<16xi32>
      %reduce_max3A_634 = tpu.scan <max>, %reduce_max3A_633 masked %reduce_max3A_630 : vector<16xi32>, vector<16xi1> -> vector<16xi32>
      %reduce_max3A_635 = arith.xori %reduce_max3A_634, %reduce_max3A_632 : vector<16xi32>
      %reduce_max3A_636 = vector.extract %reduce_max3A_635[15] : i32 from vector<16xi32>
      %add3A_637 = arith.addi %while3A_611, %reduce_max3A_636 : i32
      %all_reduce_population_count3A_638 = tpu.all_reduce %and3A_623 {dim = 0 : i64, kind = #tpu.reduction_kind<sum>} : vector<16xi1> -> vector<16xi32>
      %reduce_max3A_639 = arith.constant true
      %reduce_max3A_640 = vector.broadcast %reduce_max3A_639 : i1 to vector<16xi1>
      %reduce_max3A_641 = arith.constant -2147483648 : i32
      %reduce_max3A_642 = vector.broadcast %reduce_max3A_641 : i32 to vector<16xi32>
      %reduce_max3A_643 = arith.xori %all_reduce_population_count3A_638, %reduce_max3A_642 : vector<16xi32>
      %reduce_max3A_644 = tpu.scan <max>, %reduce_max3A_643 masked %reduce_max3A_640 : vector<16xi32>, vector<16xi1> -> vector<16xi32>
      %reduce_max3A_645 = arith.xori %reduce_max3A_644, %reduce_max3A_642 : vector<16xi32>
      %reduce_max3A_646 = vector.extract %reduce_max3A_645[15] : i32 from vector<16xi32>
      %add3A_647 = arith.addi %while3A_612, %reduce_max3A_646 : i32
      scf.yield %add3A_637, %add3A_647 : i32, i32
    }
    %while3A_243 = arith.constant 1 : i32
    %while3A_244:2 = scf.for %while3A_610 = %while3A_240 to %while3A_236 step %while3A_243 iter_args(%while3A_611 = %while3A_242#0, %while3A_612 = %while3A_242#1) -> (i32, i32)  : i32 {
      %mul3A_613 = arith.constant 16 : i32
      %mul3A_614 = arith.muli %while3A_610, %mul3A_613 : i32
      %get3A = arith.index_cast %mul3A_614 : i32 to index
      %get3A_615 = tpu.vector_load %arg6[%get3A] {strides = array<i32>} : memref<32784xi32, #tpu.memory_space<vmem>>, vector<16xi32>,
      %mul3A_616 = arith.constant 16 : i32
      %mul3A_617 = arith.muli %while3A_610, %mul3A_616 : i32
      %get3A_618 = arith.index_cast %mul3A_617 : i32 to index
      %get3A_619 = tpu.vector_load %arg7[%get3A_618] {strides = array<i32>} : memref<32784xi32, #tpu.memory_space<vmem>>, vector<16xi32>,
      %broadcast_in_dim3A_620 = vector.broadcast %while3A_610 : i32 to vector<16xi32>
      %lt3A = arith.cmpi slt, %broadcast_in_dim3A_620, %scan3A_61#0 : vector<16xi32>
      %gt3A = arith.cmpi sgt, %get3A_615, %broadcast_in_dim3A_231 : vector<16xi32>
      %and3A_621 = arith.andi %gt3A, %lt3A : vector<16xi1>
      %eq3A_622 = arith.cmpi eq, %get3A_615, %broadcast_in_dim3A_231 : vector<16xi32>
      %and3A_623 = arith.andi %eq3A_622, %lt3A : vector<16xi1>
      %swap3A = arith.index_cast %while3A_611 : i32 to index
      %swap3A_624 = tpu.vector_load %arg11[%swap3A] masked %and3A_621 {strides = array<i32>} : memref<272xi32, #tpu.memory_space<vmem>>, vector<16xi32>, vector<16xi1>
      tpu.vector_store %arg11[%swap3A], %get3A_615 masked %and3A_621 {strides = array<i32>} : memref<272xi32, #tpu.memory_space<vmem>>, vector<16xi32>, vector<16xi1>
      %swap3A_625 = arith.index_cast %while3A_611 : i32 to index
      %swap3A_626 = tpu.vector_load %arg12[%swap3A_625] masked %and3A_621 {strides = array<i32>} : memref<272xi32, #tpu.memory_space<vmem>>, vector<16xi32>, vector<16xi1>
      tpu.vector_store %arg12[%swap3A_625], %get3A_619 masked %and3A_621 {strides = array<i32>} : memref<272xi32, #tpu.memory_space<vmem>>, vector<16xi32>, vector<16xi1>
      %swap3A_627 = arith.index_cast %while3A_612 : i32 to index
      %swap3A_628 = tpu.vector_load %arg10[%swap3A_627] masked %and3A_623 {strides = array<i32>} : memref<4096xi32, #tpu.memory_space<vmem>>, vector<16xi32>, vector<16xi1>
      tpu.vector_store %arg10[%swap3A_627], %get3A_619 masked %and3A_623 {strides = array<i32>} : memref<4096xi32, #tpu.memory_space<vmem>>, vector<16xi32>, vector<16xi1>
      %all_reduce_population_count3A = tpu.all_reduce %and3A_621 {dim = 0 : i64, kind = #tpu.reduction_kind<sum>} : vector<16xi1> -> vector<16xi32>
      %reduce_max3A_629 = arith.constant true
      %reduce_max3A_630 = vector.broadcast %reduce_max3A_629 : i1 to vector<16xi1>
      %reduce_max3A_631 = arith.constant -2147483648 : i32
      %reduce_max3A_632 = vector.broadcast %reduce_max3A_631 : i32 to vector<16xi32>
      %reduce_max3A_633 = arith.xori %all_reduce_population_count3A, %reduce_max3A_632 : vector<16xi32>
      %reduce_max3A_634 = tpu.scan <max>, %reduce_max3A_633 masked %reduce_max3A_630 : vector<16xi32>, vector<16xi1> -> vector<16xi32>
      %reduce_max3A_635 = arith.xori %reduce_max3A_634, %reduce_max3A_632 : vector<16xi32>
      %reduce_max3A_636 = vector.extract %reduce_max3A_635[15] : i32 from vector<16xi32>
      %add3A_637 = arith.addi %while3A_611, %reduce_max3A_636 : i32
      %all_reduce_population_count3A_638 = tpu.all_reduce %and3A_623 {dim = 0 : i64, kind = #tpu.reduction_kind<sum>} : vector<16xi1> -> vector<16xi32>
      %reduce_max3A_639 = arith.constant true
      %reduce_max3A_640 = vector.broadcast %reduce_max3A_639 : i1 to vector<16xi1>
      %reduce_max3A_641 = arith.constant -2147483648 : i32
      %reduce_max3A_642 = vector.broadcast %reduce_max3A_641 : i32 to vector<16xi32>
      %reduce_max3A_643 = arith.xori %all_reduce_population_count3A_638, %reduce_max3A_642 : vector<16xi32>
      %reduce_max3A_644 = tpu.scan <max>, %reduce_max3A_643 masked %reduce_max3A_640 : vector<16xi32>, vector<16xi1> -> vector<16xi32>
      %reduce_max3A_645 = arith.xori %reduce_max3A_644, %reduce_max3A_642 : vector<16xi32>
      %reduce_max3A_646 = vector.extract %reduce_max3A_645[15] : i32 from vector<16xi32>
      %add3A_647 = arith.addi %while3A_612, %reduce_max3A_646 : i32
      scf.yield %add3A_637, %add3A_647 : i32, i32
    }
    %broadcast_in_dim3A_245 = vector.broadcast %while3A_244#0 : i32 to vector<16xi32>
    %broadcast_in_dim3A_246 = vector.broadcast %sub3A_227 : i32 to vector<16xi32>
    %broadcast_in_dim3A_247 = vector.broadcast %while3A_244#1 : i32 to vector<16xi32>
    %add3A_248 = arith.constant 16 : i32
    %add3A_249 = arith.addi %while3A_244#1, %add3A_248 : i32
    %sub3A_250 = arith.constant 1 : i32
    %sub3A_251 = arith.subi %add3A_249, %sub3A_250 : i32
    %jit3A = arith.constant 16 : i32
    %div3A = arith.divsi %sub3A_251, %jit3A : i32
    %sign3A = arith.constant 0 : i32
    %sign3A_252 = arith.cmpi sgt, %sub3A_251, %sign3A : i32
    %sign3A_253 = arith.extui %sign3A_252 : i1 to i32
    %sign3A_254 = arith.constant 0 : i32
    %sign3A_255 = arith.cmpi slt, %sub3A_251, %sign3A_254 : i32
    %sign3A_256 = arith.extui %sign3A_255 : i1 to i32
    %sign3A_257 = arith.subi %sign3A_253, %sign3A_256 : i32
    %sign3A_258 = arith.constant 0 : i32
    %sign3A_259 = arith.cmpi sgt, %jit3A, %sign3A_258 : i32
    %sign3A_260 = arith.extui %sign3A_259 : i1 to i32
    %sign3A_261 = arith.constant 0 : i32
    %sign3A_262 = arith.cmpi slt, %jit3A, %sign3A_261 : i32
    %sign3A_263 = arith.extui %sign3A_262 : i1 to i32
    %sign3A_264 = arith.subi %sign3A_260, %sign3A_263 : i32
    %ne3A = arith.cmpi ne, %sign3A_257, %sign3A_264 : i32
    %rem3A = arith.remsi %sub3A_251, %jit3A : i32
    %ne3A_265 = arith.constant 0 : i32
    %ne3A_266 = arith.cmpi ne, %rem3A, %ne3A_265 : i32
    %and3A = arith.andi %ne3A, %ne3A_266 : i1
    %sub3A_267 = arith.constant 1 : i32
    %sub3A_268 = arith.subi %div3A, %sub3A_267 : i32
    %select_n3A = arith.select %and3A, %sub3A_268, %div3A : i32
    %while3A_269 = arith.constant 0 : i32
    %while3A_270 = arith.constant 0 : i32
    %while3A_271 = arith.subi %while3A_244#1, %while3A_269 : i32
    %while3A_272 = arith.addi %while3A_269, %while3A_271 : i32
    %while3A_273 = arith.constant 1 : i32
    %while3A_274 = arith.divsi %while3A_271, %while3A_273 : i32
    %while3A_275 = arith.muli %while3A_274, %while3A_273 : i32
    %while3A_276 = arith.addi %while3A_269, %while3A_275 : i32
    %while3A_277 = arith.constant 1 : i32
    %while3A_278 = scf.for %while3A_610 = %while3A_269 to %while3A_276 step %while3A_277 iter_args(%while3A_611 = %while3A_270) -> (i32)  : i32 {
      %broadcast_in_dim3A_612 = vector.broadcast %while3A_610 : i32 to vector<16xi32>
      %gather3A_613 = tpu.vector_load_idx %arg10[%broadcast_in_dim3A_612] : memref<4096xi32, #tpu.memory_space<vmem>>[vector<16xi32>], vector<16xi32>,
      %reduce_max3A_614 = arith.constant true
      %reduce_max3A_615 = vector.broadcast %reduce_max3A_614 : i1 to vector<16xi1>
      %reduce_max3A_616 = arith.constant -2147483648 : i32
      %reduce_max3A_617 = vector.broadcast %reduce_max3A_616 : i32 to vector<16xi32>
      %reduce_max3A_618 = arith.xori %gather3A_613, %reduce_max3A_617 : vector<16xi32>
      %reduce_max3A_619 = tpu.scan <max>, %reduce_max3A_618 masked %reduce_max3A_615 : vector<16xi32>, vector<16xi1> -> vector<16xi32>
      %reduce_max3A_620 = arith.xori %reduce_max3A_619, %reduce_max3A_617 : vector<16xi32>
      %reduce_max3A_621 = vector.extract %reduce_max3A_620[15] : i32 from vector<16xi32>
      %broadcast_in_dim3A_622 = vector.broadcast %reduce_max3A_621 : i32 to vector<16xi32>
      %broadcast_in_dim3A_623 = arith.constant 0 : i32
      %broadcast_in_dim3A_624 = vector.broadcast %broadcast_in_dim3A_623 : i32 to vector<16xi32>
      %while3A_625 = arith.constant 0 : i32
      %while3A_626 = arith.subi %select_n3A, %while3A_625 : i32
      %while3A_627 = arith.addi %while3A_625, %while3A_626 : i32
      %while3A_628 = arith.constant 1 : i32
      %while3A_629 = arith.divsi %while3A_626, %while3A_628 : i32
      %while3A_630 = arith.muli %while3A_629, %while3A_628 : i32
      %while3A_631 = arith.addi %while3A_625, %while3A_630 : i32
      %while3A_632 = arith.constant 1 : i32
      %while3A_633 = scf.for %while3A_644 = %while3A_625 to %while3A_631 step %while3A_632 iter_args(%while3A_645 = %broadcast_in_dim3A_624) -> (vector<16xi32>)  : i32 {
        %mul3A_646 = arith.constant 16 : i32
        %mul3A_647 = arith.muli %while3A_644, %mul3A_646 : i32
        %get3A = arith.index_cast %mul3A_647 : i32 to index
        %get3A_648 = tpu.vector_load %arg10[%get3A] {strides = array<i32>} : memref<4096xi32, #tpu.memory_space<vmem>>, vector<16xi32>,
        %mul3A_649 = arith.constant 16 : i32
        %mul3A_650 = arith.muli %while3A_644, %mul3A_649 : i32
        %broadcast_in_dim3A_651 = vector.broadcast %mul3A_650 : i32 to vector<16xi32>
        %add3A_652 = arith.addi %broadcast_in_dim3A_651, %iota3A : vector<16xi32>
        %lt3A_653 = arith.cmpi slt, %add3A_652, %broadcast_in_dim3A_247 : vector<16xi32>
        %lt3A_654 = arith.cmpi slt, %get3A_648, %broadcast_in_dim3A_622 : vector<16xi32>
        %and3A_655 = arith.andi %lt3A_654, %lt3A_653 : vector<16xi1>
        %convert_element_type3A = arith.extui %and3A_655 : vector<16xi1> to vector<16xi32>
        %add3A_656 = arith.addi %while3A_645, %convert_element_type3A : vector<16xi32>
        scf.yield %add3A_656 : vector<16xi32>
      }
      %while3A_634 = arith.constant 1 : i32
      %while3A_635 = scf.for %while3A_644 = %while3A_631 to %while3A_627 step %while3A_634 iter_args(%while3A_645 = %while3A_633) -> (vector<16xi32>)  : i32 {
        %mul3A_646 = arith.constant 16 : i32
        %mul3A_647 = arith.muli %while3A_644, %mul3A_646 : i32
        %get3A = arith.index_cast %mul3A_647 : i32 to index
        %get3A_648 = tpu.vector_load %arg10[%get3A] {strides = array<i32>} : memref<4096xi32, #tpu.memory_space<vmem>>, vector<16xi32>,
        %mul3A_649 = arith.constant 16 : i32
        %mul3A_650 = arith.muli %while3A_644, %mul3A_649 : i32
        %broadcast_in_dim3A_651 = vector.broadcast %mul3A_650 : i32 to vector<16xi32>
        %add3A_652 = arith.addi %broadcast_in_dim3A_651, %iota3A : vector<16xi32>
        %lt3A_653 = arith.cmpi slt, %add3A_652, %broadcast_in_dim3A_247 : vector<16xi32>
        %lt3A_654 = arith.cmpi slt, %get3A_648, %broadcast_in_dim3A_622 : vector<16xi32>
        %and3A_655 = arith.andi %lt3A_654, %lt3A_653 : vector<16xi1>
        %convert_element_type3A = arith.extui %and3A_655 : vector<16xi1> to vector<16xi32>
        %add3A_656 = arith.addi %while3A_645, %convert_element_type3A : vector<16xi32>
        scf.yield %add3A_656 : vector<16xi32>
      }
      %reduce_sum3A = arith.constant true
      %reduce_sum3A_636 = vector.broadcast %reduce_sum3A : i1 to vector<16xi1>
      %reduce_sum3A_637 = tpu.scan <sum>, %while3A_635 masked %reduce_sum3A_636 : vector<16xi32>, vector<16xi1> -> vector<16xi32>
      %reduce_sum3A_638 = vector.extract %reduce_sum3A_637[15] : i32 from vector<16xi32>
      %broadcast_in_dim3A_639 = vector.broadcast %reduce_sum3A_638 : i32 to vector<16xi32>
      %lt3A = arith.cmpi slt, %broadcast_in_dim3A_639, %broadcast_in_dim3A_246 : vector<16xi32>
      %and3A_640 = arith.andi %eq3A_22, %lt3A : vector<16xi1>
      %add3A_641 = arith.addi %broadcast_in_dim3A_245, %broadcast_in_dim3A_639 : vector<16xi32>
      tpu.vector_store_idx %arg11[%add3A_641], %broadcast_in_dim3A_231 masked %and3A_640 : memref<272xi32, #tpu.memory_space<vmem>>[vector<16xi32>], vector<16xi32>, vector<16xi1>
      %add3A_642 = arith.addi %broadcast_in_dim3A_245, %broadcast_in_dim3A_639 : vector<16xi32>
      tpu.vector_store_idx %arg12[%add3A_642], %broadcast_in_dim3A_622 masked %and3A_640 : memref<272xi32, #tpu.memory_space<vmem>>[vector<16xi32>], vector<16xi32>, vector<16xi1>
      %while3A_643 = arith.constant 0 : i32
      scf.yield %while3A_643 : i32
    }
    %while3A_279 = arith.constant 1 : i32
    %while3A_280 = scf.for %while3A_610 = %while3A_276 to %while3A_272 step %while3A_279 iter_args(%while3A_611 = %while3A_278) -> (i32)  : i32 {
      %broadcast_in_dim3A_612 = vector.broadcast %while3A_610 : i32 to vector<16xi32>
      %gather3A_613 = tpu.vector_load_idx %arg10[%broadcast_in_dim3A_612] : memref<4096xi32, #tpu.memory_space<vmem>>[vector<16xi32>], vector<16xi32>,
      %reduce_max3A_614 = arith.constant true
      %reduce_max3A_615 = vector.broadcast %reduce_max3A_614 : i1 to vector<16xi1>
      %reduce_max3A_616 = arith.constant -2147483648 : i32
      %reduce_max3A_617 = vector.broadcast %reduce_max3A_616 : i32 to vector<16xi32>
      %reduce_max3A_618 = arith.xori %gather3A_613, %reduce_max3A_617 : vector<16xi32>
      %reduce_max3A_619 = tpu.scan <max>, %reduce_max3A_618 masked %reduce_max3A_615 : vector<16xi32>, vector<16xi1> -> vector<16xi32>
      %reduce_max3A_620 = arith.xori %reduce_max3A_619, %reduce_max3A_617 : vector<16xi32>
      %reduce_max3A_621 = vector.extract %reduce_max3A_620[15] : i32 from vector<16xi32>
      %broadcast_in_dim3A_622 = vector.broadcast %reduce_max3A_621 : i32 to vector<16xi32>
      %broadcast_in_dim3A_623 = arith.constant 0 : i32
      %broadcast_in_dim3A_624 = vector.broadcast %broadcast_in_dim3A_623 : i32 to vector<16xi32>
      %while3A_625 = arith.constant 0 : i32
      %while3A_626 = arith.subi %select_n3A, %while3A_625 : i32
      %while3A_627 = arith.addi %while3A_625, %while3A_626 : i32
      %while3A_628 = arith.constant 1 : i32
      %while3A_629 = arith.divsi %while3A_626, %while3A_628 : i32
      %while3A_630 = arith.muli %while3A_629, %while3A_628 : i32
      %while3A_631 = arith.addi %while3A_625, %while3A_630 : i32
      %while3A_632 = arith.constant 1 : i32
      %while3A_633 = scf.for %while3A_644 = %while3A_625 to %while3A_631 step %while3A_632 iter_args(%while3A_645 = %broadcast_in_dim3A_624) -> (vector<16xi32>)  : i32 {
        %mul3A_646 = arith.constant 16 : i32
        %mul3A_647 = arith.muli %while3A_644, %mul3A_646 : i32
        %get3A = arith.index_cast %mul3A_647 : i32 to index
        %get3A_648 = tpu.vector_load %arg10[%get3A] {strides = array<i32>} : memref<4096xi32, #tpu.memory_space<vmem>>, vector<16xi32>,
        %mul3A_649 = arith.constant 16 : i32
        %mul3A_650 = arith.muli %while3A_644, %mul3A_649 : i32
        %broadcast_in_dim3A_651 = vector.broadcast %mul3A_650 : i32 to vector<16xi32>
        %add3A_652 = arith.addi %broadcast_in_dim3A_651, %iota3A : vector<16xi32>
        %lt3A_653 = arith.cmpi slt, %add3A_652, %broadcast_in_dim3A_247 : vector<16xi32>
        %lt3A_654 = arith.cmpi slt, %get3A_648, %broadcast_in_dim3A_622 : vector<16xi32>
        %and3A_655 = arith.andi %lt3A_654, %lt3A_653 : vector<16xi1>
        %convert_element_type3A = arith.extui %and3A_655 : vector<16xi1> to vector<16xi32>
        %add3A_656 = arith.addi %while3A_645, %convert_element_type3A : vector<16xi32>
        scf.yield %add3A_656 : vector<16xi32>
      }
      %while3A_634 = arith.constant 1 : i32
      %while3A_635 = scf.for %while3A_644 = %while3A_631 to %while3A_627 step %while3A_634 iter_args(%while3A_645 = %while3A_633) -> (vector<16xi32>)  : i32 {
        %mul3A_646 = arith.constant 16 : i32
        %mul3A_647 = arith.muli %while3A_644, %mul3A_646 : i32
        %get3A = arith.index_cast %mul3A_647 : i32 to index
        %get3A_648 = tpu.vector_load %arg10[%get3A] {strides = array<i32>} : memref<4096xi32, #tpu.memory_space<vmem>>, vector<16xi32>,
        %mul3A_649 = arith.constant 16 : i32
        %mul3A_650 = arith.muli %while3A_644, %mul3A_649 : i32
        %broadcast_in_dim3A_651 = vector.broadcast %mul3A_650 : i32 to vector<16xi32>
        %add3A_652 = arith.addi %broadcast_in_dim3A_651, %iota3A : vector<16xi32>
        %lt3A_653 = arith.cmpi slt, %add3A_652, %broadcast_in_dim3A_247 : vector<16xi32>
        %lt3A_654 = arith.cmpi slt, %get3A_648, %broadcast_in_dim3A_622 : vector<16xi32>
        %and3A_655 = arith.andi %lt3A_654, %lt3A_653 : vector<16xi1>
        %convert_element_type3A = arith.extui %and3A_655 : vector<16xi1> to vector<16xi32>
        %add3A_656 = arith.addi %while3A_645, %convert_element_type3A : vector<16xi32>
        scf.yield %add3A_656 : vector<16xi32>
      }
      %reduce_sum3A = arith.constant true
      %reduce_sum3A_636 = vector.broadcast %reduce_sum3A : i1 to vector<16xi1>
      %reduce_sum3A_637 = tpu.scan <sum>, %while3A_635 masked %reduce_sum3A_636 : vector<16xi32>, vector<16xi1> -> vector<16xi32>
      %reduce_sum3A_638 = vector.extract %reduce_sum3A_637[15] : i32 from vector<16xi32>
      %broadcast_in_dim3A_639 = vector.broadcast %reduce_sum3A_638 : i32 to vector<16xi32>
      %lt3A = arith.cmpi slt, %broadcast_in_dim3A_639, %broadcast_in_dim3A_246 : vector<16xi32>
      %and3A_640 = arith.andi %eq3A_22, %lt3A : vector<16xi1>
      %add3A_641 = arith.addi %broadcast_in_dim3A_245, %broadcast_in_dim3A_639 : vector<16xi32>
      tpu.vector_store_idx %arg11[%add3A_641], %broadcast_in_dim3A_231 masked %and3A_640 : memref<272xi32, #tpu.memory_space<vmem>>[vector<16xi32>], vector<16xi32>, vector<16xi1>
      %add3A_642 = arith.addi %broadcast_in_dim3A_245, %broadcast_in_dim3A_639 : vector<16xi32>
      tpu.vector_store_idx %arg12[%add3A_642], %broadcast_in_dim3A_622 masked %and3A_640 : memref<272xi32, #tpu.memory_space<vmem>>[vector<16xi32>], vector<16xi32>, vector<16xi1>
      %while3A_643 = arith.constant 0 : i32
      scf.yield %while3A_643 : i32
    }
    %broadcast_in_dim3A_281 = arith.constant 0 : i32
    %broadcast_in_dim3A_282 = vector.broadcast %broadcast_in_dim3A_281 : i32 to vector<16xi32>
    %scan3A_283 = arith.constant 0 : i32
    %scan3A_284 = arith.constant 0 : i32
    %scan3A_285 = arith.constant 64 : i32
    %scan3A_286 = arith.addi %scan3A_284, %scan3A_285 : i32
    %scan3A_287 = arith.constant 1 : i32
    %scan3A_288 = scf.for %scan3A_610 = %scan3A_284 to %scan3A_286 step %scan3A_287 iter_args(%scan3A_611 = %scan3A_283) -> (i32)  : i32 {
      %mul3A_612 = arith.constant 4 : i32
      %mul3A_613 = arith.muli %scan3A_610, %mul3A_612 : i32
      %add3A_614 = arith.constant 0 : i32
      %add3A_615 = arith.addi %mul3A_613, %add3A_614 : i32
      %broadcast_in_dim3A_616 = vector.broadcast %add3A_615 : i32 to vector<16xi32>
      %gather3A_617 = tpu.vector_load_idx %arg11[%broadcast_in_dim3A_616] : memref<272xi32, #tpu.memory_space<vmem>>[vector<16xi32>], vector<16xi32>,
      %reduce_max3A_618 = arith.constant true
      %reduce_max3A_619 = vector.broadcast %reduce_max3A_618 : i1 to vector<16xi1>
      %reduce_max3A_620 = arith.constant -2147483648 : i32
      %reduce_max3A_621 = vector.broadcast %reduce_max3A_620 : i32 to vector<16xi32>
      %reduce_max3A_622 = arith.xori %gather3A_617, %reduce_max3A_621 : vector<16xi32>
      %reduce_max3A_623 = tpu.scan <max>, %reduce_max3A_622 masked %reduce_max3A_619 : vector<16xi32>, vector<16xi1> -> vector<16xi32>
      %reduce_max3A_624 = arith.xori %reduce_max3A_623, %reduce_max3A_621 : vector<16xi32>
      %reduce_max3A_625 = vector.extract %reduce_max3A_624[15] : i32 from vector<16xi32>
      %broadcast_in_dim3A_626 = vector.broadcast %reduce_max3A_625 : i32 to vector<16xi32>
      %add3A_627 = arith.constant 1 : i32
      %add3A_628 = arith.addi %mul3A_613, %add3A_627 : i32
      %broadcast_in_dim3A_629 = vector.broadcast %add3A_628 : i32 to vector<16xi32>
      %gather3A_630 = tpu.vector_load_idx %arg11[%broadcast_in_dim3A_629] : memref<272xi32, #tpu.memory_space<vmem>>[vector<16xi32>], vector<16xi32>,
      %reduce_max3A_631 = arith.constant true
      %reduce_max3A_632 = vector.broadcast %reduce_max3A_631 : i1 to vector<16xi1>
      %reduce_max3A_633 = arith.constant -2147483648 : i32
      %reduce_max3A_634 = vector.broadcast %reduce_max3A_633 : i32 to vector<16xi32>
      %reduce_max3A_635 = arith.xori %gather3A_630, %reduce_max3A_634 : vector<16xi32>
      %reduce_max3A_636 = tpu.scan <max>, %reduce_max3A_635 masked %reduce_max3A_632 : vector<16xi32>, vector<16xi1> -> vector<16xi32>
      %reduce_max3A_637 = arith.xori %reduce_max3A_636, %reduce_max3A_634 : vector<16xi32>
      %reduce_max3A_638 = vector.extract %reduce_max3A_637[15] : i32 from vector<16xi32>
      %broadcast_in_dim3A_639 = vector.broadcast %reduce_max3A_638 : i32 to vector<16xi32>
      %add3A_640 = arith.constant 2 : i32
      %add3A_641 = arith.addi %mul3A_613, %add3A_640 : i32
      %broadcast_in_dim3A_642 = vector.broadcast %add3A_641 : i32 to vector<16xi32>
      %gather3A_643 = tpu.vector_load_idx %arg11[%broadcast_in_dim3A_642] : memref<272xi32, #tpu.memory_space<vmem>>[vector<16xi32>], vector<16xi32>,
      %reduce_max3A_644 = arith.constant true
      %reduce_max3A_645 = vector.broadcast %reduce_max3A_644 : i1 to vector<16xi1>
      %reduce_max3A_646 = arith.constant -2147483648 : i32
      %reduce_max3A_647 = vector.broadcast %reduce_max3A_646 : i32 to vector<16xi32>
      %reduce_max3A_648 = arith.xori %gather3A_643, %reduce_max3A_647 : vector<16xi32>
      %reduce_max3A_649 = tpu.scan <max>, %reduce_max3A_648 masked %reduce_max3A_645 : vector<16xi32>, vector<16xi1> -> vector<16xi32>
      %reduce_max3A_650 = arith.xori %reduce_max3A_649, %reduce_max3A_647 : vector<16xi32>
      %reduce_max3A_651 = vector.extract %reduce_max3A_650[15] : i32 from vector<16xi32>
      %broadcast_in_dim3A_652 = vector.broadcast %reduce_max3A_651 : i32 to vector<16xi32>
      %add3A_653 = arith.constant 3 : i32
      %add3A_654 = arith.addi %mul3A_613, %add3A_653 : i32
      %broadcast_in_dim3A_655 = vector.broadcast %add3A_654 : i32 to vector<16xi32>
      %gather3A_656 = tpu.vector_load_idx %arg11[%broadcast_in_dim3A_655] : memref<272xi32, #tpu.memory_space<vmem>>[vector<16xi32>], vector<16xi32>,
      %reduce_max3A_657 = arith.constant true
      %reduce_max3A_658 = vector.broadcast %reduce_max3A_657 : i1 to vector<16xi1>
      %reduce_max3A_659 = arith.constant -2147483648 : i32
      %reduce_max3A_660 = vector.broadcast %reduce_max3A_659 : i32 to vector<16xi32>
      %reduce_max3A_661 = arith.xori %gather3A_656, %reduce_max3A_660 : vector<16xi32>
      %reduce_max3A_662 = tpu.scan <max>, %reduce_max3A_661 masked %reduce_max3A_658 : vector<16xi32>, vector<16xi1> -> vector<16xi32>
      %reduce_max3A_663 = arith.xori %reduce_max3A_662, %reduce_max3A_660 : vector<16xi32>
      %reduce_max3A_664 = vector.extract %reduce_max3A_663[15] : i32 from vector<16xi32>
      %broadcast_in_dim3A_665 = vector.broadcast %reduce_max3A_664 : i32 to vector<16xi32>
      %add3A_666 = arith.constant 0 : i32
      %add3A_667 = arith.addi %mul3A_613, %add3A_666 : i32
      %broadcast_in_dim3A_668 = vector.broadcast %add3A_667 : i32 to vector<16xi32>
      %gather3A_669 = tpu.vector_load_idx %arg12[%broadcast_in_dim3A_668] : memref<272xi32, #tpu.memory_space<vmem>>[vector<16xi32>], vector<16xi32>,
      %reduce_max3A_670 = arith.constant true
      %reduce_max3A_671 = vector.broadcast %reduce_max3A_670 : i1 to vector<16xi1>
      %reduce_max3A_672 = arith.constant -2147483648 : i32
      %reduce_max3A_673 = vector.broadcast %reduce_max3A_672 : i32 to vector<16xi32>
      %reduce_max3A_674 = arith.xori %gather3A_669, %reduce_max3A_673 : vector<16xi32>
      %reduce_max3A_675 = tpu.scan <max>, %reduce_max3A_674 masked %reduce_max3A_671 : vector<16xi32>, vector<16xi1> -> vector<16xi32>
      %reduce_max3A_676 = arith.xori %reduce_max3A_675, %reduce_max3A_673 : vector<16xi32>
      %reduce_max3A_677 = vector.extract %reduce_max3A_676[15] : i32 from vector<16xi32>
      %broadcast_in_dim3A_678 = vector.broadcast %reduce_max3A_677 : i32 to vector<16xi32>
      %add3A_679 = arith.constant 1 : i32
      %add3A_680 = arith.addi %mul3A_613, %add3A_679 : i32
      %broadcast_in_dim3A_681 = vector.broadcast %add3A_680 : i32 to vector<16xi32>
      %gather3A_682 = tpu.vector_load_idx %arg12[%broadcast_in_dim3A_681] : memref<272xi32, #tpu.memory_space<vmem>>[vector<16xi32>], vector<16xi32>,
      %reduce_max3A_683 = arith.constant true
      %reduce_max3A_684 = vector.broadcast %reduce_max3A_683 : i1 to vector<16xi1>
      %reduce_max3A_685 = arith.constant -2147483648 : i32
      %reduce_max3A_686 = vector.broadcast %reduce_max3A_685 : i32 to vector<16xi32>
      %reduce_max3A_687 = arith.xori %gather3A_682, %reduce_max3A_686 : vector<16xi32>
      %reduce_max3A_688 = tpu.scan <max>, %reduce_max3A_687 masked %reduce_max3A_684 : vector<16xi32>, vector<16xi1> -> vector<16xi32>
      %reduce_max3A_689 = arith.xori %reduce_max3A_688, %reduce_max3A_686 : vector<16xi32>
      %reduce_max3A_690 = vector.extract %reduce_max3A_689[15] : i32 from vector<16xi32>
      %broadcast_in_dim3A_691 = vector.broadcast %reduce_max3A_690 : i32 to vector<16xi32>
      %add3A_692 = arith.constant 2 : i32
      %add3A_693 = arith.addi %mul3A_613, %add3A_692 : i32
      %broadcast_in_dim3A_694 = vector.broadcast %add3A_693 : i32 to vector<16xi32>
      %gather3A_695 = tpu.vector_load_idx %arg12[%broadcast_in_dim3A_694] : memref<272xi32, #tpu.memory_space<vmem>>[vector<16xi32>], vector<16xi32>,
      %reduce_max3A_696 = arith.constant true
      %reduce_max3A_697 = vector.broadcast %reduce_max3A_696 : i1 to vector<16xi1>
      %reduce_max3A_698 = arith.constant -2147483648 : i32
      %reduce_max3A_699 = vector.broadcast %reduce_max3A_698 : i32 to vector<16xi32>
      %reduce_max3A_700 = arith.xori %gather3A_695, %reduce_max3A_699 : vector<16xi32>
      %reduce_max3A_701 = tpu.scan <max>, %reduce_max3A_700 masked %reduce_max3A_697 : vector<16xi32>, vector<16xi1> -> vector<16xi32>
      %reduce_max3A_702 = arith.xori %reduce_max3A_701, %reduce_max3A_699 : vector<16xi32>
      %reduce_max3A_703 = vector.extract %reduce_max3A_702[15] : i32 from vector<16xi32>
      %broadcast_in_dim3A_704 = vector.broadcast %reduce_max3A_703 : i32 to vector<16xi32>
      %add3A_705 = arith.constant 3 : i32
      %add3A_706 = arith.addi %mul3A_613, %add3A_705 : i32
      %broadcast_in_dim3A_707 = vector.broadcast %add3A_706 : i32 to vector<16xi32>
      %gather3A_708 = tpu.vector_load_idx %arg12[%broadcast_in_dim3A_707] : memref<272xi32, #tpu.memory_space<vmem>>[vector<16xi32>], vector<16xi32>,
      %reduce_max3A_709 = arith.constant true
      %reduce_max3A_710 = vector.broadcast %reduce_max3A_709 : i1 to vector<16xi1>
      %reduce_max3A_711 = arith.constant -2147483648 : i32
      %reduce_max3A_712 = vector.broadcast %reduce_max3A_711 : i32 to vector<16xi32>
      %reduce_max3A_713 = arith.xori %gather3A_708, %reduce_max3A_712 : vector<16xi32>
      %reduce_max3A_714 = tpu.scan <max>, %reduce_max3A_713 masked %reduce_max3A_710 : vector<16xi32>, vector<16xi1> -> vector<16xi32>
      %reduce_max3A_715 = arith.xori %reduce_max3A_714, %reduce_max3A_712 : vector<16xi32>
      %reduce_max3A_716 = vector.extract %reduce_max3A_715[15] : i32 from vector<16xi32>
      %broadcast_in_dim3A_717 = vector.broadcast %reduce_max3A_716 : i32 to vector<16xi32>
      %scan3A_718 = arith.constant 0 : i32
      %scan3A_719 = arith.constant 16 : i32
      %scan3A_720 = arith.addi %scan3A_718, %scan3A_719 : i32
      %scan3A_721 = arith.constant 1 : i32
      %scan3A_722:4 = scf.for %scan3A_744 = %scan3A_718 to %scan3A_720 step %scan3A_721 iter_args(%scan3A_745 = %broadcast_in_dim3A_282, %scan3A_746 = %broadcast_in_dim3A_282, %scan3A_747 = %broadcast_in_dim3A_282, %scan3A_748 = %broadcast_in_dim3A_282) -> (vector<16xi32>, vector<16xi32>, vector<16xi32>, vector<16xi32>)  : i32 {
        %mul3A_749 = arith.constant 16 : i32
        %mul3A_750 = arith.muli %scan3A_744, %mul3A_749 : i32
        %get3A = arith.index_cast %mul3A_750 : i32 to index
        %get3A_751 = tpu.vector_load %arg11[%get3A] {strides = array<i32>} : memref<272xi32, #tpu.memory_space<vmem>>, vector<16xi32>,
        %mul3A_752 = arith.constant 16 : i32
        %mul3A_753 = arith.muli %scan3A_744, %mul3A_752 : i32
        %get3A_754 = arith.index_cast %mul3A_753 : i32 to index
        %get3A_755 = tpu.vector_load %arg12[%get3A_754] {strides = array<i32>} : memref<272xi32, #tpu.memory_space<vmem>>, vector<16xi32>,
        %gt3A = arith.cmpi sgt, %get3A_751, %broadcast_in_dim3A_626 : vector<16xi32>
        %eq3A_756 = arith.cmpi eq, %get3A_751, %broadcast_in_dim3A_626 : vector<16xi32>
        %lt3A = arith.cmpi slt, %get3A_755, %broadcast_in_dim3A_678 : vector<16xi32>
        %and3A_757 = arith.andi %eq3A_756, %lt3A : vector<16xi1>
        %or3A_758 = arith.ori %gt3A, %and3A_757 : vector<16xi1>
        %convert_element_type3A = arith.extui %or3A_758 : vector<16xi1> to vector<16xi32>
        %add3A_759 = arith.addi %scan3A_745, %convert_element_type3A : vector<16xi32>
        %gt3A_760 = arith.cmpi sgt, %get3A_751, %broadcast_in_dim3A_639 : vector<16xi32>
        %eq3A_761 = arith.cmpi eq, %get3A_751, %broadcast_in_dim3A_639 : vector<16xi32>
        %lt3A_762 = arith.cmpi slt, %get3A_755, %broadcast_in_dim3A_691 : vector<16xi32>
        %and3A_763 = arith.andi %eq3A_761, %lt3A_762 : vector<16xi1>
        %or3A_764 = arith.ori %gt3A_760, %and3A_763 : vector<16xi1>
        %convert_element_type3A_765 = arith.extui %or3A_764 : vector<16xi1> to vector<16xi32>
        %add3A_766 = arith.addi %scan3A_746, %convert_element_type3A_765 : vector<16xi32>
        %gt3A_767 = arith.cmpi sgt, %get3A_751, %broadcast_in_dim3A_652 : vector<16xi32>
        %eq3A_768 = arith.cmpi eq, %get3A_751, %broadcast_in_dim3A_652 : vector<16xi32>
        %lt3A_769 = arith.cmpi slt, %get3A_755, %broadcast_in_dim3A_704 : vector<16xi32>
        %and3A_770 = arith.andi %eq3A_768, %lt3A_769 : vector<16xi1>
        %or3A_771 = arith.ori %gt3A_767, %and3A_770 : vector<16xi1>
        %convert_element_type3A_772 = arith.extui %or3A_771 : vector<16xi1> to vector<16xi32>
        %add3A_773 = arith.addi %scan3A_747, %convert_element_type3A_772 : vector<16xi32>
        %gt3A_774 = arith.cmpi sgt, %get3A_751, %broadcast_in_dim3A_665 : vector<16xi32>
        %eq3A_775 = arith.cmpi eq, %get3A_751, %broadcast_in_dim3A_665 : vector<16xi32>
        %lt3A_776 = arith.cmpi slt, %get3A_755, %broadcast_in_dim3A_717 : vector<16xi32>
        %and3A_777 = arith.andi %eq3A_775, %lt3A_776 : vector<16xi1>
        %or3A_778 = arith.ori %gt3A_774, %and3A_777 : vector<16xi1>
        %convert_element_type3A_779 = arith.extui %or3A_778 : vector<16xi1> to vector<16xi32>
        %add3A_780 = arith.addi %scan3A_748, %convert_element_type3A_779 : vector<16xi32>
        scf.yield %add3A_759, %add3A_766, %add3A_773, %add3A_780 : vector<16xi32>, vector<16xi32>, vector<16xi32>, vector<16xi32>
      }
      %scan3A_723 = arith.constant 16 : i32
      %reduce_sum3A = arith.constant true
      %reduce_sum3A_724 = vector.broadcast %reduce_sum3A : i1 to vector<16xi1>
      %reduce_sum3A_725 = tpu.scan <sum>, %scan3A_722#0 masked %reduce_sum3A_724 : vector<16xi32>, vector<16xi1> -> vector<16xi32>
      %reduce_sum3A_726 = vector.extract %reduce_sum3A_725[15] : i32 from vector<16xi32>
      %broadcast_in_dim3A_727 = vector.broadcast %reduce_sum3A_726 : i32 to vector<16xi32>
      tpu.vector_store_idx %arg13[%broadcast_in_dim3A_727], %broadcast_in_dim3A_626 masked %eq3A_22 : memref<256xi32, #tpu.memory_space<vmem>>[vector<16xi32>], vector<16xi32>, vector<16xi1>
      tpu.vector_store_idx %arg14[%broadcast_in_dim3A_727], %broadcast_in_dim3A_678 masked %eq3A_22 : memref<256xi32, #tpu.memory_space<vmem>>[vector<16xi32>], vector<16xi32>, vector<16xi1>
      %reduce_sum3A_728 = arith.constant true
      %reduce_sum3A_729 = vector.broadcast %reduce_sum3A_728 : i1 to vector<16xi1>
      %reduce_sum3A_730 = tpu.scan <sum>, %scan3A_722#1 masked %reduce_sum3A_729 : vector<16xi32>, vector<16xi1> -> vector<16xi32>
      %reduce_sum3A_731 = vector.extract %reduce_sum3A_730[15] : i32 from vector<16xi32>
      %broadcast_in_dim3A_732 = vector.broadcast %reduce_sum3A_731 : i32 to vector<16xi32>
      tpu.vector_store_idx %arg13[%broadcast_in_dim3A_732], %broadcast_in_dim3A_639 masked %eq3A_22 : memref<256xi32, #tpu.memory_space<vmem>>[vector<16xi32>], vector<16xi32>, vector<16xi1>
      tpu.vector_store_idx %arg14[%broadcast_in_dim3A_732], %broadcast_in_dim3A_691 masked %eq3A_22 : memref<256xi32, #tpu.memory_space<vmem>>[vector<16xi32>], vector<16xi32>, vector<16xi1>
      %reduce_sum3A_733 = arith.constant true
      %reduce_sum3A_734 = vector.broadcast %reduce_sum3A_733 : i1 to vector<16xi1>
      %reduce_sum3A_735 = tpu.scan <sum>, %scan3A_722#2 masked %reduce_sum3A_734 : vector<16xi32>, vector<16xi1> -> vector<16xi32>
      %reduce_sum3A_736 = vector.extract %reduce_sum3A_735[15] : i32 from vector<16xi32>
      %broadcast_in_dim3A_737 = vector.broadcast %reduce_sum3A_736 : i32 to vector<16xi32>
      tpu.vector_store_idx %arg13[%broadcast_in_dim3A_737], %broadcast_in_dim3A_652 masked %eq3A_22 : memref<256xi32, #tpu.memory_space<vmem>>[vector<16xi32>], vector<16xi32>, vector<16xi1>
      tpu.vector_store_idx %arg14[%broadcast_in_dim3A_737], %broadcast_in_dim3A_704 masked %eq3A_22 : memref<256xi32, #tpu.memory_space<vmem>>[vector<16xi32>], vector<16xi32>, vector<16xi1>
      %reduce_sum3A_738 = arith.constant true
      %reduce_sum3A_739 = vector.broadcast %reduce_sum3A_738 : i1 to vector<16xi1>
      %reduce_sum3A_740 = tpu.scan <sum>, %scan3A_722#3 masked %reduce_sum3A_739 : vector<16xi32>, vector<16xi1> -> vector<16xi32>
      %reduce_sum3A_741 = vector.extract %reduce_sum3A_740[15] : i32 from vector<16xi32>
      %broadcast_in_dim3A_742 = vector.broadcast %reduce_sum3A_741 : i32 to vector<16xi32>
      tpu.vector_store_idx %arg13[%broadcast_in_dim3A_742], %broadcast_in_dim3A_665 masked %eq3A_22 : memref<256xi32, #tpu.memory_space<vmem>>[vector<16xi32>], vector<16xi32>, vector<16xi1>
      tpu.vector_store_idx %arg14[%broadcast_in_dim3A_742], %broadcast_in_dim3A_717 masked %eq3A_22 : memref<256xi32, #tpu.memory_space<vmem>>[vector<16xi32>], vector<16xi32>, vector<16xi1>
      %scan3A_743 = arith.constant 0 : i32
      scf.yield %scan3A_743 : i32
    }
    %scan3A_289 = arith.constant 64 : i32
    %scan3A_290 = arith.constant 0 : i32
    %scan3A_291 = arith.constant 0 : i32
    %scan3A_292 = arith.constant 16 : i32
    %scan3A_293 = arith.addi %scan3A_291, %scan3A_292 : i32
    %scan3A_294 = arith.constant 1 : i32
    %scan3A_295 = scf.for %scan3A_610 = %scan3A_291 to %scan3A_293 step %scan3A_294 iter_args(%scan3A_611 = %scan3A_290) -> (i32)  : i32 {
      %mul3A_612 = arith.constant 16 : i32
      %mul3A_613 = arith.muli %scan3A_610, %mul3A_612 : i32
      %get3A = arith.index_cast %mul3A_613 : i32 to index
      %get3A_614 = tpu.vector_load %arg13[%get3A] {strides = array<i32>} : memref<256xi32, #tpu.memory_space<vmem>>, vector<16xi32>,
      %broadcast_in_dim3A_615 = arith.constant 31 : i32
      %broadcast_in_dim3A_616 = vector.broadcast %broadcast_in_dim3A_615 : i32 to vector<16xi32>
      %shift_right_arithmetic3A = arith.shrsi %get3A_614, %broadcast_in_dim3A_616 : vector<16xi32>
      %broadcast_in_dim3A_617 = arith.constant 2147483647 : i32
      %broadcast_in_dim3A_618 = vector.broadcast %broadcast_in_dim3A_617 : i32 to vector<16xi32>
      %and3A_619 = arith.andi %shift_right_arithmetic3A, %broadcast_in_dim3A_618 : vector<16xi32>
      %xor3A = arith.xori %get3A_614, %and3A_619 : vector<16xi32>
      %bitcast_convert_type3A = tpu.bitcast %xor3A : vector<16xi32> -> vector<16xf32>
      %mul3A_620 = arith.constant 2.000000e+00 : f32
      %mul3A_621 = vector.broadcast %mul3A_620 : f32 to vector<16xf32>
      %mul3A_622 = arith.mulf %bitcast_convert_type3A, %mul3A_621 : vector<16xf32>
      %mul3A_623 = arith.constant 16 : i32
      %mul3A_624 = arith.muli %scan3A_610, %mul3A_623 : i32
      %swap3A = arith.index_cast %mul3A_624 : i32 to index
      %swap3A_625 = tpu.vector_load %arg15[%swap3A] {strides = array<i32>} : memref<256xf32, #tpu.memory_space<vmem>>, vector<16xf32>,
      tpu.vector_store %arg15[%swap3A], %mul3A_622 {strides = array<i32>} : memref<256xf32, #tpu.memory_space<vmem>>, vector<16xf32>,
      %scan3A_626 = arith.constant 0 : i32
      scf.yield %scan3A_626 : i32
    }
    %scan3A_296 = arith.constant 16 : i32
    "tpu.region"() ({
      %run_scoped3A = tpu.sem_alloc : memref<!tpu.dma_semaphore, #tpu.memory_space<semaphore_mem>>
      %dma_start3A = arith.constant 0 : i32
      %dma_start3A_610 = tpu.memref_slice %arg3[%add3A_4, %dma_start3A] : memref<64x256xf32, #tpu.memory_space<hbm>> -> memref<1x256xf32, #tpu.memory_space<hbm>>
      %dma_start3A_611 = tpu.memref_squeeze %dma_start3A_610 : memref<1x256xf32, #tpu.memory_space<hbm>> -> memref<256xf32, #tpu.memory_space<hbm>>
      %dma_start3A_612 = arith.constant 0 : i32
      %dma_start3A_613 = tpu.memref_slice %arg3[%add3A_4, %dma_start3A_612] : memref<64x256xf32, #tpu.memory_space<hbm>> -> memref<1x256xf32, #tpu.memory_space<hbm>>
      %dma_start3A_614 = tpu.memref_squeeze %dma_start3A_613 : memref<1x256xf32, #tpu.memory_space<hbm>> -> memref<256xf32, #tpu.memory_space<hbm>>
      tpu.enqueue_dma source(%arg15 : memref<256xf32, #tpu.memory_space<vmem>>) target(%dma_start3A_614 : memref<256xf32, #tpu.memory_space<hbm>>) target_semaphore(%run_scoped3A : memref<!tpu.dma_semaphore, #tpu.memory_space<semaphore_mem>>)
      %dma_wait3A = arith.constant 0 : i32
      %dma_wait3A_615 = tpu.memref_slice %arg3[%add3A_4, %dma_wait3A] : memref<64x256xf32, #tpu.memory_space<hbm>> -> memref<1x256xf32, #tpu.memory_space<hbm>>
      %dma_wait3A_616 = tpu.memref_squeeze %dma_wait3A_615 : memref<1x256xf32, #tpu.memory_space<hbm>> -> memref<256xf32, #tpu.memory_space<hbm>>
      %dma_wait3A_617 = arith.constant 0 : i32
      %dma_wait3A_618 = tpu.memref_slice %arg3[%add3A_4, %dma_wait3A_617] : memref<64x256xf32, #tpu.memory_space<hbm>> -> memref<1x256xf32, #tpu.memory_space<hbm>>
      %dma_wait3A_619 = tpu.memref_squeeze %dma_wait3A_618 : memref<1x256xf32, #tpu.memory_space<hbm>> -> memref<256xf32, #tpu.memory_space<hbm>>
      tpu.wait_dma2 semaphore(%run_scoped3A : memref<!tpu.dma_semaphore, #tpu.memory_space<semaphore_mem>>) src(%arg15 : memref<256xf32, #tpu.memory_space<vmem>>) dst(%dma_wait3A_619 : memref<256xf32, #tpu.memory_space<hbm>>)
      tpu.yield
    }) : () -> ()
    "tpu.region"() ({
      %run_scoped3A = tpu.sem_alloc : memref<!tpu.dma_semaphore, #tpu.memory_space<semaphore_mem>>
      %dma_start3A = arith.constant 0 : i32
      %dma_start3A_610 = tpu.memref_slice %arg4[%add3A_4, %dma_start3A] : memref<64x256xi32, #tpu.memory_space<hbm>> -> memref<1x256xi32, #tpu.memory_space<hbm>>
      %dma_start3A_611 = tpu.memref_squeeze %dma_start3A_610 : memref<1x256xi32, #tpu.memory_space<hbm>> -> memref<256xi32, #tpu.memory_space<hbm>>
      %dma_start3A_612 = arith.constant 0 : i32
      %dma_start3A_613 = tpu.memref_slice %arg4[%add3A_4, %dma_start3A_612] : memref<64x256xi32, #tpu.memory_space<hbm>> -> memref<1x256xi32, #tpu.memory_space<hbm>>
      %dma_start3A_614 = tpu.memref_squeeze %dma_start3A_613 : memref<1x256xi32, #tpu.memory_space<hbm>> -> memref<256xi32, #tpu.memory_space<hbm>>
      tpu.enqueue_dma source(%arg14 : memref<256xi32, #tpu.memory_space<vmem>>) target(%dma_start3A_614 : memref<256xi32, #tpu.memory_space<hbm>>) target_semaphore(%run_scoped3A : memref<!tpu.dma_semaphore, #tpu.memory_space<semaphore_mem>>)
      %dma_wait3A = arith.constant 0 : i32
      %dma_wait3A_615 = tpu.memref_slice %arg4[%add3A_4, %dma_wait3A] : memref<64x256xi32, #tpu.memory_space<hbm>> -> memref<1x256xi32, #tpu.memory_space<hbm>>
      %dma_wait3A_616 = tpu.memref_squeeze %dma_wait3A_615 : memref<1x256xi32, #tpu.memory_space<hbm>> -> memref<256xi32, #tpu.memory_space<hbm>>
      %dma_wait3A_617 = arith.constant 0 : i32
      %dma_wait3A_618 = tpu.memref_slice %arg4[%add3A_4, %dma_wait3A_617] : memref<64x256xi32, #tpu.memory_space<hbm>> -> memref<1x256xi32, #tpu.memory_space<hbm>>
      %dma_wait3A_619 = tpu.memref_squeeze %dma_wait3A_618 : memref<1x256xi32, #tpu.memory_space<hbm>> -> memref<256xi32, #tpu.memory_space<hbm>>
      tpu.wait_dma2 semaphore(%run_scoped3A : memref<!tpu.dma_semaphore, #tpu.memory_space<semaphore_mem>>) src(%arg14 : memref<256xi32, #tpu.memory_space<vmem>>) dst(%dma_wait3A_619 : memref<256xi32, #tpu.memory_space<hbm>>)
      tpu.yield
    }) : () -> ()
    %mul3A_297 = arith.constant 2 : i32
    %mul3A_298 = arith.muli %add3A, %mul3A_297 : i32
    %add3A_299 = arith.constant 1 : i32
    %add3A_300 = arith.addi %mul3A_298, %add3A_299 : i32
    "tpu.region"() ({
      %run_scoped3A = tpu.sem_alloc : memref<!tpu.dma_semaphore, #tpu.memory_space<semaphore_mem>>
      %dma_start3A = arith.constant 0 : i32
      %dma_start3A_610 = tpu.memref_slice %arg2[%add3A_300, %dma_start3A] : memref<64x32768xf32, #tpu.memory_space<hbm>> -> memref<1x32768xf32, #tpu.memory_space<hbm>>
      %dma_start3A_611 = tpu.memref_squeeze %dma_start3A_610 : memref<1x32768xf32, #tpu.memory_space<hbm>> -> memref<32768xf32, #tpu.memory_space<hbm>>
      %dma_start3A_612 = arith.constant 0 : i32
      %dma_start3A_613 = tpu.memref_slice %arg2[%add3A_300, %dma_start3A_612] : memref<64x32768xf32, #tpu.memory_space<hbm>> -> memref<1x32768xf32, #tpu.memory_space<hbm>>
      %dma_start3A_614 = tpu.memref_squeeze %dma_start3A_613 : memref<1x32768xf32, #tpu.memory_space<hbm>> -> memref<32768xf32, #tpu.memory_space<hbm>>
      tpu.enqueue_dma source(%dma_start3A_614 : memref<32768xf32, #tpu.memory_space<hbm>>) target(%arg5 : memref<32768xf32, #tpu.memory_space<vmem>>) target_semaphore(%run_scoped3A : memref<!tpu.dma_semaphore, #tpu.memory_space<semaphore_mem>>)
      %dma_wait3A = arith.constant 0 : i32
      %dma_wait3A_615 = tpu.memref_slice %arg2[%add3A_300, %dma_wait3A] : memref<64x32768xf32, #tpu.memory_space<hbm>> -> memref<1x32768xf32, #tpu.memory_space<hbm>>
      %dma_wait3A_616 = tpu.memref_squeeze %dma_wait3A_615 : memref<1x32768xf32, #tpu.memory_space<hbm>> -> memref<32768xf32, #tpu.memory_space<hbm>>
      %dma_wait3A_617 = arith.constant 0 : i32
      %dma_wait3A_618 = tpu.memref_slice %arg2[%add3A_300, %dma_wait3A_617] : memref<64x32768xf32, #tpu.memory_space<hbm>> -> memref<1x32768xf32, #tpu.memory_space<hbm>>
      %dma_wait3A_619 = tpu.memref_squeeze %dma_wait3A_618 : memref<1x32768xf32, #tpu.memory_space<hbm>> -> memref<32768xf32, #tpu.memory_space<hbm>>
      tpu.wait_dma2 semaphore(%run_scoped3A : memref<!tpu.dma_semaphore, #tpu.memory_space<semaphore_mem>>) src(%dma_wait3A_619 : memref<32768xf32, #tpu.memory_space<hbm>>) dst(%arg5 : memref<32768xf32, #tpu.memory_space<vmem>>)
      tpu.yield
    }) : () -> ()
    %iota3A_301 = tpu.iota {dimensions = array<i32: 0>} : vector<16xi32>
    %broadcast_in_dim3A_302 = arith.constant 1 : i32
    %broadcast_in_dim3A_303 = vector.broadcast %broadcast_in_dim3A_302 : i32 to vector<16xi32>
    %broadcast_in_dim3A_304 = arith.constant true
    %broadcast_in_dim3A_305 = vector.broadcast %broadcast_in_dim3A_304 : i1 to vector<16xi1>
    %scan3A_306 = arith.constant 0 : i32
    %scan3A_307 = arith.constant 0 : i32
    %scan3A_308 = arith.constant 256 : i32
    %scan3A_309 = arith.addi %scan3A_307, %scan3A_308 : i32
    %scan3A_310 = arith.constant 1 : i32
    %scan3A_311 = scf.for %scan3A_610 = %scan3A_307 to %scan3A_309 step %scan3A_310 iter_args(%scan3A_611 = %scan3A_306) -> (i32)  : i32 {
      %broadcast_in_dim3A_612 = arith.constant 0 : i32
      %broadcast_in_dim3A_613 = vector.broadcast %broadcast_in_dim3A_612 : i32 to vector<16xi32>
      %mul3A_614 = arith.constant 16 : i32
      %mul3A_615 = arith.muli %scan3A_610, %mul3A_614 : i32
      %swap3A = arith.index_cast %mul3A_615 : i32 to index
      %swap3A_616 = tpu.vector_load %arg8[%swap3A] {strides = array<i32>} : memref<4096xi32, #tpu.memory_space<vmem>>, vector<16xi32>,
      tpu.vector_store %arg8[%swap3A], %broadcast_in_dim3A_613 {strides = array<i32>} : memref<4096xi32, #tpu.memory_space<vmem>>, vector<16xi32>,
      %scan3A_617 = arith.constant 0 : i32
      scf.yield %scan3A_617 : i32
    }
    %scan3A_312 = arith.constant 256 : i32
    %scan3A_313 = arith.constant 0 : i32
    %scan3A_314 = arith.constant 0 : i32
    %scan3A_315 = arith.constant 2048 : i32
    %scan3A_316 = arith.addi %scan3A_314, %scan3A_315 : i32
    %scan3A_317 = arith.constant 1 : i32
    %scan3A_318 = scf.for %scan3A_610 = %scan3A_314 to %scan3A_316 step %scan3A_317 iter_args(%scan3A_611 = %scan3A_313) -> (i32)  : i32 {
      %mul3A_612 = arith.constant 16 : i32
      %mul3A_613 = arith.muli %scan3A_610, %mul3A_612 : i32
      %get3A = arith.index_cast %mul3A_613 : i32 to index
      %get3A_614 = tpu.vector_load %arg5[%get3A] {strides = array<i32>} : memref<32768xf32, #tpu.memory_space<vmem>>, vector<16xf32>,
      %bitcast_convert_type3A = tpu.bitcast %get3A_614 : vector<16xf32> -> vector<16xi32>
      %broadcast_in_dim3A_615 = arith.constant 31 : i32
      %broadcast_in_dim3A_616 = vector.broadcast %broadcast_in_dim3A_615 : i32 to vector<16xi32>
      %shift_right_arithmetic3A = arith.shrsi %bitcast_convert_type3A, %broadcast_in_dim3A_616 : vector<16xi32>
      %broadcast_in_dim3A_617 = arith.constant 2147483647 : i32
      %broadcast_in_dim3A_618 = vector.broadcast %broadcast_in_dim3A_617 : i32 to vector<16xi32>
      %and3A_619 = arith.andi %shift_right_arithmetic3A, %broadcast_in_dim3A_618 : vector<16xi32>
      %xor3A = arith.xori %bitcast_convert_type3A, %and3A_619 : vector<16xi32>
      %broadcast_in_dim3A_620 = arith.constant 24 : i32
      %broadcast_in_dim3A_621 = vector.broadcast %broadcast_in_dim3A_620 : i32 to vector<16xi32>
      %shift_right_arithmetic3A_622 = arith.shrsi %xor3A, %broadcast_in_dim3A_621 : vector<16xi32>
      %add3A_623 = arith.constant 128 : i32
      %add3A_624 = vector.broadcast %add3A_623 : i32 to vector<16xi32>
      %add3A_625 = arith.addi %shift_right_arithmetic3A_622, %add3A_624 : vector<16xi32>
      %mul3A_626 = arith.constant 256 : i32
      %mul3A_627 = vector.broadcast %mul3A_626 : i32 to vector<16xi32>
      %mul3A_628 = arith.muli %iota3A_301, %mul3A_627 : vector<16xi32>
      %add3A_629 = arith.addi %mul3A_628, %add3A_625 : vector<16xi32>
      tpu.vector_store_idx %arg8[%add3A_629], %broadcast_in_dim3A_303 masked %broadcast_in_dim3A_305 {add = true} : memref<4096xi32, #tpu.memory_space<vmem>>[vector<16xi32>], vector<16xi32>, vector<16xi1>
      %scan3A_630 = arith.constant 0 : i32
      scf.yield %scan3A_630 : i32
    }
    %scan3A_319 = arith.constant 2048 : i32
    %eq3A_320 = arith.constant 0 : i32
    %eq3A_321 = vector.broadcast %eq3A_320 : i32 to vector<16xi32>
    %eq3A_322 = arith.cmpi eq, %iota3A_301, %eq3A_321 : vector<16xi32>
    %scan3A_323 = arith.constant 0 : i32
    %scan3A_324 = arith.constant 0 : i32
    %scan3A_325 = arith.constant 16 : i32
    %scan3A_326 = arith.addi %scan3A_324, %scan3A_325 : i32
    %scan3A_327 = arith.constant 1 : i32
    %scan3A_328 = scf.for %scan3A_610 = %scan3A_324 to %scan3A_326 step %scan3A_327 iter_args(%scan3A_611 = %scan3A_323) -> (i32)  : i32 {
      %broadcast_in_dim3A_612 = arith.constant 0 : i32
      %broadcast_in_dim3A_613 = vector.broadcast %broadcast_in_dim3A_612 : i32 to vector<16xi32>
      %mul3A_614 = arith.constant 16 : i32
      %mul3A_615 = arith.muli %scan3A_610, %mul3A_614 : i32
      %add3A_616 = arith.constant 0 : i32
      %add3A_617 = arith.addi %add3A_616, %mul3A_615 : i32
      %get3A = arith.index_cast %add3A_617 : i32 to index
      %get3A_618 = tpu.vector_load %arg8[%get3A] {strides = array<i32>} : memref<4096xi32, #tpu.memory_space<vmem>>, vector<16xi32>,
      %add3A_619 = arith.addi %broadcast_in_dim3A_613, %get3A_618 : vector<16xi32>
      %mul3A_620 = arith.constant 16 : i32
      %mul3A_621 = arith.muli %scan3A_610, %mul3A_620 : i32
      %add3A_622 = arith.constant 256 : i32
      %add3A_623 = arith.addi %add3A_622, %mul3A_621 : i32
      %get3A_624 = arith.index_cast %add3A_623 : i32 to index
      %get3A_625 = tpu.vector_load %arg8[%get3A_624] {strides = array<i32>} : memref<4096xi32, #tpu.memory_space<vmem>>, vector<16xi32>,
      %add3A_626 = arith.addi %add3A_619, %get3A_625 : vector<16xi32>
      %mul3A_627 = arith.constant 16 : i32
      %mul3A_628 = arith.muli %scan3A_610, %mul3A_627 : i32
      %add3A_629 = arith.constant 512 : i32
      %add3A_630 = arith.addi %add3A_629, %mul3A_628 : i32
      %get3A_631 = arith.index_cast %add3A_630 : i32 to index
      %get3A_632 = tpu.vector_load %arg8[%get3A_631] {strides = array<i32>} : memref<4096xi32, #tpu.memory_space<vmem>>, vector<16xi32>,
      %add3A_633 = arith.addi %add3A_626, %get3A_632 : vector<16xi32>
      %mul3A_634 = arith.constant 16 : i32
      %mul3A_635 = arith.muli %scan3A_610, %mul3A_634 : i32
      %add3A_636 = arith.constant 768 : i32
      %add3A_637 = arith.addi %add3A_636, %mul3A_635 : i32
      %get3A_638 = arith.index_cast %add3A_637 : i32 to index
      %get3A_639 = tpu.vector_load %arg8[%get3A_638] {strides = array<i32>} : memref<4096xi32, #tpu.memory_space<vmem>>, vector<16xi32>,
      %add3A_640 = arith.addi %add3A_633, %get3A_639 : vector<16xi32>
      %mul3A_641 = arith.constant 16 : i32
      %mul3A_642 = arith.muli %scan3A_610, %mul3A_641 : i32
      %add3A_643 = arith.constant 1024 : i32
      %add3A_644 = arith.addi %add3A_643, %mul3A_642 : i32
      %get3A_645 = arith.index_cast %add3A_644 : i32 to index
      %get3A_646 = tpu.vector_load %arg8[%get3A_645] {strides = array<i32>} : memref<4096xi32, #tpu.memory_space<vmem>>, vector<16xi32>,
      %add3A_647 = arith.addi %add3A_640, %get3A_646 : vector<16xi32>
      %mul3A_648 = arith.constant 16 : i32
      %mul3A_649 = arith.muli %scan3A_610, %mul3A_648 : i32
      %add3A_650 = arith.constant 1280 : i32
      %add3A_651 = arith.addi %add3A_650, %mul3A_649 : i32
      %get3A_652 = arith.index_cast %add3A_651 : i32 to index
      %get3A_653 = tpu.vector_load %arg8[%get3A_652] {strides = array<i32>} : memref<4096xi32, #tpu.memory_space<vmem>>, vector<16xi32>,
      %add3A_654 = arith.addi %add3A_647, %get3A_653 : vector<16xi32>
      %mul3A_655 = arith.constant 16 : i32
      %mul3A_656 = arith.muli %scan3A_610, %mul3A_655 : i32
      %add3A_657 = arith.constant 1536 : i32
      %add3A_658 = arith.addi %add3A_657, %mul3A_656 : i32
      %get3A_659 = arith.index_cast %add3A_658 : i32 to index
      %get3A_660 = tpu.vector_load %arg8[%get3A_659] {strides = array<i32>} : memref<4096xi32, #tpu.memory_space<vmem>>, vector<16xi32>,
      %add3A_661 = arith.addi %add3A_654, %get3A_660 : vector<16xi32>
      %mul3A_662 = arith.constant 16 : i32
      %mul3A_663 = arith.muli %scan3A_610, %mul3A_662 : i32
      %add3A_664 = arith.constant 1792 : i32
      %add3A_665 = arith.addi %add3A_664, %mul3A_663 : i32
      %get3A_666 = arith.index_cast %add3A_665 : i32 to index
      %get3A_667 = tpu.vector_load %arg8[%get3A_666] {strides = array<i32>} : memref<4096xi32, #tpu.memory_space<vmem>>, vector<16xi32>,
      %add3A_668 = arith.addi %add3A_661, %get3A_667 : vector<16xi32>
      %mul3A_669 = arith.constant 16 : i32
      %mul3A_670 = arith.muli %scan3A_610, %mul3A_669 : i32
      %add3A_671 = arith.constant 2048 : i32
      %add3A_672 = arith.addi %add3A_671, %mul3A_670 : i32
      %get3A_673 = arith.index_cast %add3A_672 : i32 to index
      %get3A_674 = tpu.vector_load %arg8[%get3A_673] {strides = array<i32>} : memref<4096xi32, #tpu.memory_space<vmem>>, vector<16xi32>,
      %add3A_675 = arith.addi %add3A_668, %get3A_674 : vector<16xi32>
      %mul3A_676 = arith.constant 16 : i32
      %mul3A_677 = arith.muli %scan3A_610, %mul3A_676 : i32
      %add3A_678 = arith.constant 2304 : i32
      %add3A_679 = arith.addi %add3A_678, %mul3A_677 : i32
      %get3A_680 = arith.index_cast %add3A_679 : i32 to index
      %get3A_681 = tpu.vector_load %arg8[%get3A_680] {strides = array<i32>} : memref<4096xi32, #tpu.memory_space<vmem>>, vector<16xi32>,
      %add3A_682 = arith.addi %add3A_675, %get3A_681 : vector<16xi32>
      %mul3A_683 = arith.constant 16 : i32
      %mul3A_684 = arith.muli %scan3A_610, %mul3A_683 : i32
      %add3A_685 = arith.constant 2560 : i32
      %add3A_686 = arith.addi %add3A_685, %mul3A_684 : i32
      %get3A_687 = arith.index_cast %add3A_686 : i32 to index
      %get3A_688 = tpu.vector_load %arg8[%get3A_687] {strides = array<i32>} : memref<4096xi32, #tpu.memory_space<vmem>>, vector<16xi32>,
      %add3A_689 = arith.addi %add3A_682, %get3A_688 : vector<16xi32>
      %mul3A_690 = arith.constant 16 : i32
      %mul3A_691 = arith.muli %scan3A_610, %mul3A_690 : i32
      %add3A_692 = arith.constant 2816 : i32
      %add3A_693 = arith.addi %add3A_692, %mul3A_691 : i32
      %get3A_694 = arith.index_cast %add3A_693 : i32 to index
      %get3A_695 = tpu.vector_load %arg8[%get3A_694] {strides = array<i32>} : memref<4096xi32, #tpu.memory_space<vmem>>, vector<16xi32>,
      %add3A_696 = arith.addi %add3A_689, %get3A_695 : vector<16xi32>
      %mul3A_697 = arith.constant 16 : i32
      %mul3A_698 = arith.muli %scan3A_610, %mul3A_697 : i32
      %add3A_699 = arith.constant 3072 : i32
      %add3A_700 = arith.addi %add3A_699, %mul3A_698 : i32
      %get3A_701 = arith.index_cast %add3A_700 : i32 to index
      %get3A_702 = tpu.vector_load %arg8[%get3A_701] {strides = array<i32>} : memref<4096xi32, #tpu.memory_space<vmem>>, vector<16xi32>,
      %add3A_703 = arith.addi %add3A_696, %get3A_702 : vector<16xi32>
      %mul3A_704 = arith.constant 16 : i32
      %mul3A_705 = arith.muli %scan3A_610, %mul3A_704 : i32
      %add3A_706 = arith.constant 3328 : i32
      %add3A_707 = arith.addi %add3A_706, %mul3A_705 : i32
      %get3A_708 = arith.index_cast %add3A_707 : i32 to index
      %get3A_709 = tpu.vector_load %arg8[%get3A_708] {strides = array<i32>} : memref<4096xi32, #tpu.memory_space<vmem>>, vector<16xi32>,
      %add3A_710 = arith.addi %add3A_703, %get3A_709 : vector<16xi32>
      %mul3A_711 = arith.constant 16 : i32
      %mul3A_712 = arith.muli %scan3A_610, %mul3A_711 : i32
      %add3A_713 = arith.constant 3584 : i32
      %add3A_714 = arith.addi %add3A_713, %mul3A_712 : i32
      %get3A_715 = arith.index_cast %add3A_714 : i32 to index
      %get3A_716 = tpu.vector_load %arg8[%get3A_715] {strides = array<i32>} : memref<4096xi32, #tpu.memory_space<vmem>>, vector<16xi32>,
      %add3A_717 = arith.addi %add3A_710, %get3A_716 : vector<16xi32>
      %mul3A_718 = arith.constant 16 : i32
      %mul3A_719 = arith.muli %scan3A_610, %mul3A_718 : i32
      %add3A_720 = arith.constant 3840 : i32
      %add3A_721 = arith.addi %add3A_720, %mul3A_719 : i32
      %get3A_722 = arith.index_cast %add3A_721 : i32 to index
      %get3A_723 = tpu.vector_load %arg8[%get3A_722] {strides = array<i32>} : memref<4096xi32, #tpu.memory_space<vmem>>, vector<16xi32>,
      %add3A_724 = arith.addi %add3A_717, %get3A_723 : vector<16xi32>
      %broadcast_in_dim3A_725 = arith.constant true
      %broadcast_in_dim3A_726 = vector.broadcast %broadcast_in_dim3A_725 : i1 to vector<16xi1>
      %masked_cumsum3A = tpu.scan <sum>, %add3A_724 masked %broadcast_in_dim3A_726 : vector<16xi32>, vector<16xi1> -> vector<16xi32>
      %add3A_727 = vector.broadcast %scan3A_611 : i32 to vector<16xi32>
      %add3A_728 = arith.addi %masked_cumsum3A, %add3A_727 : vector<16xi32>
      %mul3A_729 = arith.constant 16 : i32
      %mul3A_730 = arith.muli %scan3A_610, %mul3A_729 : i32
      %swap3A = arith.index_cast %mul3A_730 : i32 to index
      %swap3A_731 = tpu.vector_load %arg9[%swap3A] {strides = array<i32>} : memref<256xi32, #tpu.memory_space<vmem>>, vector<16xi32>,
      tpu.vector_store %arg9[%swap3A], %add3A_728 {strides = array<i32>} : memref<256xi32, #tpu.memory_space<vmem>>, vector<16xi32>,
      %reduce_max3A_732 = arith.constant true
      %reduce_max3A_733 = vector.broadcast %reduce_max3A_732 : i1 to vector<16xi1>
      %reduce_max3A_734 = arith.constant -2147483648 : i32
      %reduce_max3A_735 = vector.broadcast %reduce_max3A_734 : i32 to vector<16xi32>
      %reduce_max3A_736 = arith.xori %add3A_728, %reduce_max3A_735 : vector<16xi32>
      %reduce_max3A_737 = tpu.scan <max>, %reduce_max3A_736 masked %reduce_max3A_733 : vector<16xi32>, vector<16xi1> -> vector<16xi32>
      %reduce_max3A_738 = arith.xori %reduce_max3A_737, %reduce_max3A_735 : vector<16xi32>
      %reduce_max3A_739 = vector.extract %reduce_max3A_738[15] : i32 from vector<16xi32>
      scf.yield %reduce_max3A_739 : i32
    }
    %scan3A_329 = arith.constant 16 : i32
    %sub3A_330 = arith.constant 256 : i32
    %sub3A_331 = arith.subi %scan3A_328, %sub3A_330 : i32
    %scan3A_332 = arith.constant 0 : i32
    %scan3A_333 = arith.constant 0 : i32
    %scan3A_334 = arith.constant 16 : i32
    %scan3A_335 = arith.addi %scan3A_333, %scan3A_334 : i32
    %scan3A_336 = arith.constant 1 : i32
    %scan3A_337 = scf.for %scan3A_610 = %scan3A_333 to %scan3A_335 step %scan3A_336 iter_args(%scan3A_611 = %scan3A_332) -> (i32)  : i32 {
      %mul3A_612 = arith.constant 16 : i32
      %mul3A_613 = arith.muli %scan3A_610, %mul3A_612 : i32
      %get3A = arith.index_cast %mul3A_613 : i32 to index
      %get3A_614 = tpu.vector_load %arg9[%get3A] {strides = array<i32>} : memref<256xi32, #tpu.memory_space<vmem>>, vector<16xi32>,
      %le3A = vector.broadcast %sub3A_331 : i32 to vector<16xi32>
      %le3A_615 = arith.cmpi sle, %get3A_614, %le3A : vector<16xi32>
      %all_reduce_population_count3A = tpu.all_reduce %le3A_615 {dim = 0 : i64, kind = #tpu.reduction_kind<sum>} : vector<16xi1> -> vector<16xi32>
      %reduce_max3A_616 = arith.constant true
      %reduce_max3A_617 = vector.broadcast %reduce_max3A_616 : i1 to vector<16xi1>
      %reduce_max3A_618 = arith.constant -2147483648 : i32
      %reduce_max3A_619 = vector.broadcast %reduce_max3A_618 : i32 to vector<16xi32>
      %reduce_max3A_620 = arith.xori %all_reduce_population_count3A, %reduce_max3A_619 : vector<16xi32>
      %reduce_max3A_621 = tpu.scan <max>, %reduce_max3A_620 masked %reduce_max3A_617 : vector<16xi32>, vector<16xi1> -> vector<16xi32>
      %reduce_max3A_622 = arith.xori %reduce_max3A_621, %reduce_max3A_619 : vector<16xi32>
      %reduce_max3A_623 = vector.extract %reduce_max3A_622[15] : i32 from vector<16xi32>
      %add3A_624 = arith.addi %scan3A_611, %reduce_max3A_623 : i32
      scf.yield %add3A_624 : i32
    }
    %scan3A_338 = arith.constant 16 : i32
    %broadcast_in_dim3A_339 = vector.broadcast %scan3A_337 : i32 to vector<16xi32>
    %gather3A_340 = tpu.vector_load_idx %arg9[%broadcast_in_dim3A_339] : memref<256xi32, #tpu.memory_space<vmem>>[vector<16xi32>], vector<16xi32>,
    %reduce_max3A_341 = arith.constant true
    %reduce_max3A_342 = vector.broadcast %reduce_max3A_341 : i1 to vector<16xi1>
    %reduce_max3A_343 = arith.constant -2147483648 : i32
    %reduce_max3A_344 = vector.broadcast %reduce_max3A_343 : i32 to vector<16xi32>
    %reduce_max3A_345 = arith.xori %gather3A_340, %reduce_max3A_344 : vector<16xi32>
    %reduce_max3A_346 = tpu.scan <max>, %reduce_max3A_345 masked %reduce_max3A_342 : vector<16xi32>, vector<16xi1> -> vector<16xi32>
    %reduce_max3A_347 = arith.xori %reduce_max3A_346, %reduce_max3A_344 : vector<16xi32>
    %reduce_max3A_348 = vector.extract %reduce_max3A_347[15] : i32 from vector<16xi32>
    %sub3A_349 = arith.subi %scan3A_328, %reduce_max3A_348 : i32
    %sub3A_350 = arith.constant 256 : i32
    %sub3A_351 = arith.subi %sub3A_350, %sub3A_349 : i32
    %sub3A_352 = arith.constant 128 : i32
    %sub3A_353 = arith.subi %scan3A_337, %sub3A_352 : i32
    %shift_left3A_354 = arith.constant 24 : i32
    %shift_left3A_355 = arith.shli %sub3A_353, %shift_left3A_354 : i32
    %broadcast_in_dim3A_356 = vector.broadcast %shift_left3A_355 : i32 to vector<16xi32>
    %broadcast_in_dim3A_357 = arith.constant 16 : i32
    %broadcast_in_dim3A_358 = vector.broadcast %broadcast_in_dim3A_357 : i32 to vector<16xi32>
    %broadcast_in_dim3A_359 = arith.constant 0 : i32
    %broadcast_in_dim3A_360 = vector.broadcast %broadcast_in_dim3A_359 : i32 to vector<16xi32>
    %scan3A_361 = arith.constant 0 : i32
    %scan3A_362 = arith.constant 2048 : i32
    %scan3A_363 = arith.addi %scan3A_361, %scan3A_362 : i32
    %scan3A_364 = arith.constant 1 : i32
    %scan3A_365:2 = scf.for %scan3A_610 = %scan3A_361 to %scan3A_363 step %scan3A_364 iter_args(%scan3A_611 = %broadcast_in_dim3A_360, %scan3A_612 = %iota3A_301) -> (vector<16xi32>, vector<16xi32>)  : i32 {
      %mul3A_613 = arith.constant 16 : i32
      %mul3A_614 = arith.muli %scan3A_610, %mul3A_613 : i32
      %get3A = arith.index_cast %mul3A_614 : i32 to index
      %get3A_615 = tpu.vector_load %arg5[%get3A] {strides = array<i32>} : memref<32768xf32, #tpu.memory_space<vmem>>, vector<16xf32>,
      %bitcast_convert_type3A = tpu.bitcast %get3A_615 : vector<16xf32> -> vector<16xi32>
      %broadcast_in_dim3A_616 = arith.constant 31 : i32
      %broadcast_in_dim3A_617 = vector.broadcast %broadcast_in_dim3A_616 : i32 to vector<16xi32>
      %shift_right_arithmetic3A = arith.shrsi %bitcast_convert_type3A, %broadcast_in_dim3A_617 : vector<16xi32>
      %broadcast_in_dim3A_618 = arith.constant 2147483647 : i32
      %broadcast_in_dim3A_619 = vector.broadcast %broadcast_in_dim3A_618 : i32 to vector<16xi32>
      %and3A_620 = arith.andi %shift_right_arithmetic3A, %broadcast_in_dim3A_619 : vector<16xi32>
      %xor3A = arith.xori %bitcast_convert_type3A, %and3A_620 : vector<16xi32>
      %ge3A = arith.cmpi sge, %xor3A, %broadcast_in_dim3A_356 : vector<16xi32>
      %mul3A_621 = arith.constant 16 : i32
      %mul3A_622 = vector.broadcast %mul3A_621 : i32 to vector<16xi32>
      %mul3A_623 = arith.muli %scan3A_611, %mul3A_622 : vector<16xi32>
      %add3A_624 = arith.addi %mul3A_623, %iota3A_301 : vector<16xi32>
      tpu.vector_store_idx %arg6[%add3A_624], %xor3A masked %ge3A : memref<32784xi32, #tpu.memory_space<vmem>>[vector<16xi32>], vector<16xi32>, vector<16xi1>
      tpu.vector_store_idx %arg7[%add3A_624], %scan3A_612 masked %ge3A : memref<32784xi32, #tpu.memory_space<vmem>>[vector<16xi32>], vector<16xi32>, vector<16xi1>
      %convert_element_type3A = arith.extui %ge3A : vector<16xi1> to vector<16xi32>
      %add3A_625 = arith.addi %scan3A_611, %convert_element_type3A : vector<16xi32>
      %add3A_626 = arith.addi %scan3A_612, %broadcast_in_dim3A_358 : vector<16xi32>
      scf.yield %add3A_625, %add3A_626 : vector<16xi32>, vector<16xi32>
    }
    %scan3A_366 = arith.constant 2048 : i32
    %reduce_max3A_367 = arith.constant true
    %reduce_max3A_368 = vector.broadcast %reduce_max3A_367 : i1 to vector<16xi1>
    %reduce_max3A_369 = arith.constant -2147483648 : i32
    %reduce_max3A_370 = vector.broadcast %reduce_max3A_369 : i32 to vector<16xi32>
    %reduce_max3A_371 = arith.xori %scan3A_365#0, %reduce_max3A_370 : vector<16xi32>
    %reduce_max3A_372 = tpu.scan <max>, %reduce_max3A_371 masked %reduce_max3A_368 : vector<16xi32>, vector<16xi1> -> vector<16xi32>
    %reduce_max3A_373 = arith.xori %reduce_max3A_372, %reduce_max3A_370 : vector<16xi32>
    %reduce_max3A_374 = vector.extract %reduce_max3A_373[15] : i32 from vector<16xi32>
    %scan3A_375 = arith.constant 0 : i32
    %scan3A_376 = arith.constant 0 : i32
    %scan3A_377 = arith.constant 256 : i32
    %scan3A_378 = arith.addi %scan3A_376, %scan3A_377 : i32
    %scan3A_379 = arith.constant 1 : i32
    %scan3A_380 = scf.for %scan3A_610 = %scan3A_376 to %scan3A_378 step %scan3A_379 iter_args(%scan3A_611 = %scan3A_375) -> (i32)  : i32 {
      %broadcast_in_dim3A_612 = arith.constant 0 : i32
      %broadcast_in_dim3A_613 = vector.broadcast %broadcast_in_dim3A_612 : i32 to vector<16xi32>
      %mul3A_614 = arith.constant 16 : i32
      %mul3A_615 = arith.muli %scan3A_610, %mul3A_614 : i32
      %swap3A = arith.index_cast %mul3A_615 : i32 to index
      %swap3A_616 = tpu.vector_load %arg8[%swap3A] {strides = array<i32>} : memref<4096xi32, #tpu.memory_space<vmem>>, vector<16xi32>,
      tpu.vector_store %arg8[%swap3A], %broadcast_in_dim3A_613 {strides = array<i32>} : memref<4096xi32, #tpu.memory_space<vmem>>, vector<16xi32>,
      %scan3A_617 = arith.constant 0 : i32
      scf.yield %scan3A_617 : i32
    }
    %scan3A_381 = arith.constant 256 : i32
    %broadcast_in_dim3A_382 = vector.broadcast %shift_left3A_355 : i32 to vector<16xi32>
    %broadcast_in_dim3A_383 = arith.constant 16 : i32
    %broadcast_in_dim3A_384 = vector.broadcast %broadcast_in_dim3A_383 : i32 to vector<16xi32>
    %broadcast_in_dim3A_385 = arith.constant 24 : i32
    %broadcast_in_dim3A_386 = vector.broadcast %broadcast_in_dim3A_385 : i32 to vector<16xi32>
    %while3A_387 = arith.constant 0 : i32
    %while3A_388 = arith.constant 0 : i32
    %while3A_389 = arith.subi %reduce_max3A_374, %while3A_387 : i32
    %while3A_390 = arith.addi %while3A_387, %while3A_389 : i32
    %while3A_391 = arith.constant 1 : i32
    %while3A_392 = arith.divsi %while3A_389, %while3A_391 : i32
    %while3A_393 = arith.muli %while3A_392, %while3A_391 : i32
    %while3A_394 = arith.addi %while3A_387, %while3A_393 : i32
    %while3A_395 = arith.constant 1 : i32
    %while3A_396 = scf.for %while3A_610 = %while3A_387 to %while3A_394 step %while3A_395 iter_args(%while3A_611 = %while3A_388) -> (i32)  : i32 {
      %mul3A_612 = arith.constant 16 : i32
      %mul3A_613 = arith.muli %while3A_610, %mul3A_612 : i32
      %get3A = arith.index_cast %mul3A_613 : i32 to index
      %get3A_614 = tpu.vector_load %arg6[%get3A] {strides = array<i32>} : memref<32784xi32, #tpu.memory_space<vmem>>, vector<16xi32>,
      %broadcast_in_dim3A_615 = vector.broadcast %while3A_610 : i32 to vector<16xi32>
      %lt3A = arith.cmpi slt, %broadcast_in_dim3A_615, %scan3A_365#0 : vector<16xi32>
      %xor3A = arith.xori %get3A_614, %broadcast_in_dim3A_382 : vector<16xi32>
      %shift_right_logical3A = arith.shrui %xor3A, %broadcast_in_dim3A_386 : vector<16xi32>
      %eq3A_616 = arith.constant 0 : i32
      %eq3A_617 = vector.broadcast %eq3A_616 : i32 to vector<16xi32>
      %eq3A_618 = arith.cmpi eq, %shift_right_logical3A, %eq3A_617 : vector<16xi32>
      %and3A_619 = arith.andi %eq3A_618, %lt3A : vector<16xi1>
      %shift_right_arithmetic3A = arith.shrsi %get3A_614, %broadcast_in_dim3A_384 : vector<16xi32>
      %broadcast_in_dim3A_620 = arith.constant 255 : i32
      %broadcast_in_dim3A_621 = vector.broadcast %broadcast_in_dim3A_620 : i32 to vector<16xi32>
      %and3A_622 = arith.andi %shift_right_arithmetic3A, %broadcast_in_dim3A_621 : vector<16xi32>
      %mul3A_623 = arith.constant 256 : i32
      %mul3A_624 = vector.broadcast %mul3A_623 : i32 to vector<16xi32>
      %mul3A_625 = arith.muli %iota3A_301, %mul3A_624 : vector<16xi32>
      %add3A_626 = arith.addi %mul3A_625, %and3A_622 : vector<16xi32>
      %convert_element_type3A = arith.extui %and3A_619 : vector<16xi1> to vector<16xi32>
      tpu.vector_store_idx %arg8[%add3A_626], %convert_element_type3A masked %broadcast_in_dim3A_305 {add = true} : memref<4096xi32, #tpu.memory_space<vmem>>[vector<16xi32>], vector<16xi32>, vector<16xi1>
      %while3A_627 = arith.constant 0 : i32
      scf.yield %while3A_627 : i32
    }
    %while3A_397 = arith.constant 1 : i32
    %while3A_398 = scf.for %while3A_610 = %while3A_394 to %while3A_390 step %while3A_397 iter_args(%while3A_611 = %while3A_396) -> (i32)  : i32 {
      %mul3A_612 = arith.constant 16 : i32
      %mul3A_613 = arith.muli %while3A_610, %mul3A_612 : i32
      %get3A = arith.index_cast %mul3A_613 : i32 to index
      %get3A_614 = tpu.vector_load %arg6[%get3A] {strides = array<i32>} : memref<32784xi32, #tpu.memory_space<vmem>>, vector<16xi32>,
      %broadcast_in_dim3A_615 = vector.broadcast %while3A_610 : i32 to vector<16xi32>
      %lt3A = arith.cmpi slt, %broadcast_in_dim3A_615, %scan3A_365#0 : vector<16xi32>
      %xor3A = arith.xori %get3A_614, %broadcast_in_dim3A_382 : vector<16xi32>
      %shift_right_logical3A = arith.shrui %xor3A, %broadcast_in_dim3A_386 : vector<16xi32>
      %eq3A_616 = arith.constant 0 : i32
      %eq3A_617 = vector.broadcast %eq3A_616 : i32 to vector<16xi32>
      %eq3A_618 = arith.cmpi eq, %shift_right_logical3A, %eq3A_617 : vector<16xi32>
      %and3A_619 = arith.andi %eq3A_618, %lt3A : vector<16xi1>
      %shift_right_arithmetic3A = arith.shrsi %get3A_614, %broadcast_in_dim3A_384 : vector<16xi32>
      %broadcast_in_dim3A_620 = arith.constant 255 : i32
      %broadcast_in_dim3A_621 = vector.broadcast %broadcast_in_dim3A_620 : i32 to vector<16xi32>
      %and3A_622 = arith.andi %shift_right_arithmetic3A, %broadcast_in_dim3A_621 : vector<16xi32>
      %mul3A_623 = arith.constant 256 : i32
      %mul3A_624 = vector.broadcast %mul3A_623 : i32 to vector<16xi32>
      %mul3A_625 = arith.muli %iota3A_301, %mul3A_624 : vector<16xi32>
      %add3A_626 = arith.addi %mul3A_625, %and3A_622 : vector<16xi32>
      %convert_element_type3A = arith.extui %and3A_619 : vector<16xi1> to vector<16xi32>
      tpu.vector_store_idx %arg8[%add3A_626], %convert_element_type3A masked %broadcast_in_dim3A_305 {add = true} : memref<4096xi32, #tpu.memory_space<vmem>>[vector<16xi32>], vector<16xi32>, vector<16xi1>
      %while3A_627 = arith.constant 0 : i32
      scf.yield %while3A_627 : i32
    }
    %scan3A_399 = arith.constant 0 : i32
    %scan3A_400 = arith.constant 0 : i32
    %scan3A_401 = arith.constant 16 : i32
    %scan3A_402 = arith.addi %scan3A_400, %scan3A_401 : i32
    %scan3A_403 = arith.constant 1 : i32
    %scan3A_404 = scf.for %scan3A_610 = %scan3A_400 to %scan3A_402 step %scan3A_403 iter_args(%scan3A_611 = %scan3A_399) -> (i32)  : i32 {
      %broadcast_in_dim3A_612 = arith.constant 0 : i32
      %broadcast_in_dim3A_613 = vector.broadcast %broadcast_in_dim3A_612 : i32 to vector<16xi32>
      %mul3A_614 = arith.constant 16 : i32
      %mul3A_615 = arith.muli %scan3A_610, %mul3A_614 : i32
      %add3A_616 = arith.constant 0 : i32
      %add3A_617 = arith.addi %add3A_616, %mul3A_615 : i32
      %get3A = arith.index_cast %add3A_617 : i32 to index
      %get3A_618 = tpu.vector_load %arg8[%get3A] {strides = array<i32>} : memref<4096xi32, #tpu.memory_space<vmem>>, vector<16xi32>,
      %add3A_619 = arith.addi %broadcast_in_dim3A_613, %get3A_618 : vector<16xi32>
      %mul3A_620 = arith.constant 16 : i32
      %mul3A_621 = arith.muli %scan3A_610, %mul3A_620 : i32
      %add3A_622 = arith.constant 256 : i32
      %add3A_623 = arith.addi %add3A_622, %mul3A_621 : i32
      %get3A_624 = arith.index_cast %add3A_623 : i32 to index
      %get3A_625 = tpu.vector_load %arg8[%get3A_624] {strides = array<i32>} : memref<4096xi32, #tpu.memory_space<vmem>>, vector<16xi32>,
      %add3A_626 = arith.addi %add3A_619, %get3A_625 : vector<16xi32>
      %mul3A_627 = arith.constant 16 : i32
      %mul3A_628 = arith.muli %scan3A_610, %mul3A_627 : i32
      %add3A_629 = arith.constant 512 : i32
      %add3A_630 = arith.addi %add3A_629, %mul3A_628 : i32
      %get3A_631 = arith.index_cast %add3A_630 : i32 to index
      %get3A_632 = tpu.vector_load %arg8[%get3A_631] {strides = array<i32>} : memref<4096xi32, #tpu.memory_space<vmem>>, vector<16xi32>,
      %add3A_633 = arith.addi %add3A_626, %get3A_632 : vector<16xi32>
      %mul3A_634 = arith.constant 16 : i32
      %mul3A_635 = arith.muli %scan3A_610, %mul3A_634 : i32
      %add3A_636 = arith.constant 768 : i32
      %add3A_637 = arith.addi %add3A_636, %mul3A_635 : i32
      %get3A_638 = arith.index_cast %add3A_637 : i32 to index
      %get3A_639 = tpu.vector_load %arg8[%get3A_638] {strides = array<i32>} : memref<4096xi32, #tpu.memory_space<vmem>>, vector<16xi32>,
      %add3A_640 = arith.addi %add3A_633, %get3A_639 : vector<16xi32>
      %mul3A_641 = arith.constant 16 : i32
      %mul3A_642 = arith.muli %scan3A_610, %mul3A_641 : i32
      %add3A_643 = arith.constant 1024 : i32
      %add3A_644 = arith.addi %add3A_643, %mul3A_642 : i32
      %get3A_645 = arith.index_cast %add3A_644 : i32 to index
      %get3A_646 = tpu.vector_load %arg8[%get3A_645] {strides = array<i32>} : memref<4096xi32, #tpu.memory_space<vmem>>, vector<16xi32>,
      %add3A_647 = arith.addi %add3A_640, %get3A_646 : vector<16xi32>
      %mul3A_648 = arith.constant 16 : i32
      %mul3A_649 = arith.muli %scan3A_610, %mul3A_648 : i32
      %add3A_650 = arith.constant 1280 : i32
      %add3A_651 = arith.addi %add3A_650, %mul3A_649 : i32
      %get3A_652 = arith.index_cast %add3A_651 : i32 to index
      %get3A_653 = tpu.vector_load %arg8[%get3A_652] {strides = array<i32>} : memref<4096xi32, #tpu.memory_space<vmem>>, vector<16xi32>,
      %add3A_654 = arith.addi %add3A_647, %get3A_653 : vector<16xi32>
      %mul3A_655 = arith.constant 16 : i32
      %mul3A_656 = arith.muli %scan3A_610, %mul3A_655 : i32
      %add3A_657 = arith.constant 1536 : i32
      %add3A_658 = arith.addi %add3A_657, %mul3A_656 : i32
      %get3A_659 = arith.index_cast %add3A_658 : i32 to index
      %get3A_660 = tpu.vector_load %arg8[%get3A_659] {strides = array<i32>} : memref<4096xi32, #tpu.memory_space<vmem>>, vector<16xi32>,
      %add3A_661 = arith.addi %add3A_654, %get3A_660 : vector<16xi32>
      %mul3A_662 = arith.constant 16 : i32
      %mul3A_663 = arith.muli %scan3A_610, %mul3A_662 : i32
      %add3A_664 = arith.constant 1792 : i32
      %add3A_665 = arith.addi %add3A_664, %mul3A_663 : i32
      %get3A_666 = arith.index_cast %add3A_665 : i32 to index
      %get3A_667 = tpu.vector_load %arg8[%get3A_666] {strides = array<i32>} : memref<4096xi32, #tpu.memory_space<vmem>>, vector<16xi32>,
      %add3A_668 = arith.addi %add3A_661, %get3A_667 : vector<16xi32>
      %mul3A_669 = arith.constant 16 : i32
      %mul3A_670 = arith.muli %scan3A_610, %mul3A_669 : i32
      %add3A_671 = arith.constant 2048 : i32
      %add3A_672 = arith.addi %add3A_671, %mul3A_670 : i32
      %get3A_673 = arith.index_cast %add3A_672 : i32 to index
      %get3A_674 = tpu.vector_load %arg8[%get3A_673] {strides = array<i32>} : memref<4096xi32, #tpu.memory_space<vmem>>, vector<16xi32>,
      %add3A_675 = arith.addi %add3A_668, %get3A_674 : vector<16xi32>
      %mul3A_676 = arith.constant 16 : i32
      %mul3A_677 = arith.muli %scan3A_610, %mul3A_676 : i32
      %add3A_678 = arith.constant 2304 : i32
      %add3A_679 = arith.addi %add3A_678, %mul3A_677 : i32
      %get3A_680 = arith.index_cast %add3A_679 : i32 to index
      %get3A_681 = tpu.vector_load %arg8[%get3A_680] {strides = array<i32>} : memref<4096xi32, #tpu.memory_space<vmem>>, vector<16xi32>,
      %add3A_682 = arith.addi %add3A_675, %get3A_681 : vector<16xi32>
      %mul3A_683 = arith.constant 16 : i32
      %mul3A_684 = arith.muli %scan3A_610, %mul3A_683 : i32
      %add3A_685 = arith.constant 2560 : i32
      %add3A_686 = arith.addi %add3A_685, %mul3A_684 : i32
      %get3A_687 = arith.index_cast %add3A_686 : i32 to index
      %get3A_688 = tpu.vector_load %arg8[%get3A_687] {strides = array<i32>} : memref<4096xi32, #tpu.memory_space<vmem>>, vector<16xi32>,
      %add3A_689 = arith.addi %add3A_682, %get3A_688 : vector<16xi32>
      %mul3A_690 = arith.constant 16 : i32
      %mul3A_691 = arith.muli %scan3A_610, %mul3A_690 : i32
      %add3A_692 = arith.constant 2816 : i32
      %add3A_693 = arith.addi %add3A_692, %mul3A_691 : i32
      %get3A_694 = arith.index_cast %add3A_693 : i32 to index
      %get3A_695 = tpu.vector_load %arg8[%get3A_694] {strides = array<i32>} : memref<4096xi32, #tpu.memory_space<vmem>>, vector<16xi32>,
      %add3A_696 = arith.addi %add3A_689, %get3A_695 : vector<16xi32>
      %mul3A_697 = arith.constant 16 : i32
      %mul3A_698 = arith.muli %scan3A_610, %mul3A_697 : i32
      %add3A_699 = arith.constant 3072 : i32
      %add3A_700 = arith.addi %add3A_699, %mul3A_698 : i32
      %get3A_701 = arith.index_cast %add3A_700 : i32 to index
      %get3A_702 = tpu.vector_load %arg8[%get3A_701] {strides = array<i32>} : memref<4096xi32, #tpu.memory_space<vmem>>, vector<16xi32>,
      %add3A_703 = arith.addi %add3A_696, %get3A_702 : vector<16xi32>
      %mul3A_704 = arith.constant 16 : i32
      %mul3A_705 = arith.muli %scan3A_610, %mul3A_704 : i32
      %add3A_706 = arith.constant 3328 : i32
      %add3A_707 = arith.addi %add3A_706, %mul3A_705 : i32
      %get3A_708 = arith.index_cast %add3A_707 : i32 to index
      %get3A_709 = tpu.vector_load %arg8[%get3A_708] {strides = array<i32>} : memref<4096xi32, #tpu.memory_space<vmem>>, vector<16xi32>,
      %add3A_710 = arith.addi %add3A_703, %get3A_709 : vector<16xi32>
      %mul3A_711 = arith.constant 16 : i32
      %mul3A_712 = arith.muli %scan3A_610, %mul3A_711 : i32
      %add3A_713 = arith.constant 3584 : i32
      %add3A_714 = arith.addi %add3A_713, %mul3A_712 : i32
      %get3A_715 = arith.index_cast %add3A_714 : i32 to index
      %get3A_716 = tpu.vector_load %arg8[%get3A_715] {strides = array<i32>} : memref<4096xi32, #tpu.memory_space<vmem>>, vector<16xi32>,
      %add3A_717 = arith.addi %add3A_710, %get3A_716 : vector<16xi32>
      %mul3A_718 = arith.constant 16 : i32
      %mul3A_719 = arith.muli %scan3A_610, %mul3A_718 : i32
      %add3A_720 = arith.constant 3840 : i32
      %add3A_721 = arith.addi %add3A_720, %mul3A_719 : i32
      %get3A_722 = arith.index_cast %add3A_721 : i32 to index
      %get3A_723 = tpu.vector_load %arg8[%get3A_722] {strides = array<i32>} : memref<4096xi32, #tpu.memory_space<vmem>>, vector<16xi32>,
      %add3A_724 = arith.addi %add3A_717, %get3A_723 : vector<16xi32>
      %broadcast_in_dim3A_725 = arith.constant true
      %broadcast_in_dim3A_726 = vector.broadcast %broadcast_in_dim3A_725 : i1 to vector<16xi1>
      %masked_cumsum3A = tpu.scan <sum>, %add3A_724 masked %broadcast_in_dim3A_726 : vector<16xi32>, vector<16xi1> -> vector<16xi32>
      %add3A_727 = vector.broadcast %scan3A_611 : i32 to vector<16xi32>
      %add3A_728 = arith.addi %masked_cumsum3A, %add3A_727 : vector<16xi32>
      %mul3A_729 = arith.constant 16 : i32
      %mul3A_730 = arith.muli %scan3A_610, %mul3A_729 : i32
      %swap3A = arith.index_cast %mul3A_730 : i32 to index
      %swap3A_731 = tpu.vector_load %arg9[%swap3A] {strides = array<i32>} : memref<256xi32, #tpu.memory_space<vmem>>, vector<16xi32>,
      tpu.vector_store %arg9[%swap3A], %add3A_728 {strides = array<i32>} : memref<256xi32, #tpu.memory_space<vmem>>, vector<16xi32>,
      %reduce_max3A_732 = arith.constant true
      %reduce_max3A_733 = vector.broadcast %reduce_max3A_732 : i1 to vector<16xi1>
      %reduce_max3A_734 = arith.constant -2147483648 : i32
      %reduce_max3A_735 = vector.broadcast %reduce_max3A_734 : i32 to vector<16xi32>
      %reduce_max3A_736 = arith.xori %add3A_728, %reduce_max3A_735 : vector<16xi32>
      %reduce_max3A_737 = tpu.scan <max>, %reduce_max3A_736 masked %reduce_max3A_733 : vector<16xi32>, vector<16xi1> -> vector<16xi32>
      %reduce_max3A_738 = arith.xori %reduce_max3A_737, %reduce_max3A_735 : vector<16xi32>
      %reduce_max3A_739 = vector.extract %reduce_max3A_738[15] : i32 from vector<16xi32>
      scf.yield %reduce_max3A_739 : i32
    }
    %scan3A_405 = arith.constant 16 : i32
    %sub3A_406 = arith.subi %scan3A_404, %sub3A_351 : i32
    %scan3A_407 = arith.constant 0 : i32
    %scan3A_408 = arith.constant 0 : i32
    %scan3A_409 = arith.constant 16 : i32
    %scan3A_410 = arith.addi %scan3A_408, %scan3A_409 : i32
    %scan3A_411 = arith.constant 1 : i32
    %scan3A_412 = scf.for %scan3A_610 = %scan3A_408 to %scan3A_410 step %scan3A_411 iter_args(%scan3A_611 = %scan3A_407) -> (i32)  : i32 {
      %mul3A_612 = arith.constant 16 : i32
      %mul3A_613 = arith.muli %scan3A_610, %mul3A_612 : i32
      %get3A = arith.index_cast %mul3A_613 : i32 to index
      %get3A_614 = tpu.vector_load %arg9[%get3A] {strides = array<i32>} : memref<256xi32, #tpu.memory_space<vmem>>, vector<16xi32>,
      %le3A = vector.broadcast %sub3A_406 : i32 to vector<16xi32>
      %le3A_615 = arith.cmpi sle, %get3A_614, %le3A : vector<16xi32>
      %all_reduce_population_count3A = tpu.all_reduce %le3A_615 {dim = 0 : i64, kind = #tpu.reduction_kind<sum>} : vector<16xi1> -> vector<16xi32>
      %reduce_max3A_616 = arith.constant true
      %reduce_max3A_617 = vector.broadcast %reduce_max3A_616 : i1 to vector<16xi1>
      %reduce_max3A_618 = arith.constant -2147483648 : i32
      %reduce_max3A_619 = vector.broadcast %reduce_max3A_618 : i32 to vector<16xi32>
      %reduce_max3A_620 = arith.xori %all_reduce_population_count3A, %reduce_max3A_619 : vector<16xi32>
      %reduce_max3A_621 = tpu.scan <max>, %reduce_max3A_620 masked %reduce_max3A_617 : vector<16xi32>, vector<16xi1> -> vector<16xi32>
      %reduce_max3A_622 = arith.xori %reduce_max3A_621, %reduce_max3A_619 : vector<16xi32>
      %reduce_max3A_623 = vector.extract %reduce_max3A_622[15] : i32 from vector<16xi32>
      %add3A_624 = arith.addi %scan3A_611, %reduce_max3A_623 : i32
      scf.yield %add3A_624 : i32
    }
    %scan3A_413 = arith.constant 16 : i32
    %broadcast_in_dim3A_414 = vector.broadcast %scan3A_412 : i32 to vector<16xi32>
    %gather3A_415 = tpu.vector_load_idx %arg9[%broadcast_in_dim3A_414] : memref<256xi32, #tpu.memory_space<vmem>>[vector<16xi32>], vector<16xi32>,
    %reduce_max3A_416 = arith.constant true
    %reduce_max3A_417 = vector.broadcast %reduce_max3A_416 : i1 to vector<16xi1>
    %reduce_max3A_418 = arith.constant -2147483648 : i32
    %reduce_max3A_419 = vector.broadcast %reduce_max3A_418 : i32 to vector<16xi32>
    %reduce_max3A_420 = arith.xori %gather3A_415, %reduce_max3A_419 : vector<16xi32>
    %reduce_max3A_421 = tpu.scan <max>, %reduce_max3A_420 masked %reduce_max3A_417 : vector<16xi32>, vector<16xi1> -> vector<16xi32>
    %reduce_max3A_422 = arith.xori %reduce_max3A_421, %reduce_max3A_419 : vector<16xi32>
    %reduce_max3A_423 = vector.extract %reduce_max3A_422[15] : i32 from vector<16xi32>
    %sub3A_424 = arith.subi %scan3A_404, %reduce_max3A_423 : i32
    %sub3A_425 = arith.subi %sub3A_351, %sub3A_424 : i32
    %shift_left3A_426 = arith.constant 16 : i32
    %shift_left3A_427 = arith.shli %scan3A_412, %shift_left3A_426 : i32
    %or3A_428 = arith.ori %shift_left3A_355, %shift_left3A_427 : i32
    %scan3A_429 = arith.constant 0 : i32
    %scan3A_430 = arith.constant 0 : i32
    %scan3A_431 = arith.constant 256 : i32
    %scan3A_432 = arith.addi %scan3A_430, %scan3A_431 : i32
    %scan3A_433 = arith.constant 1 : i32
    %scan3A_434 = scf.for %scan3A_610 = %scan3A_430 to %scan3A_432 step %scan3A_433 iter_args(%scan3A_611 = %scan3A_429) -> (i32)  : i32 {
      %broadcast_in_dim3A_612 = arith.constant 0 : i32
      %broadcast_in_dim3A_613 = vector.broadcast %broadcast_in_dim3A_612 : i32 to vector<16xi32>
      %mul3A_614 = arith.constant 16 : i32
      %mul3A_615 = arith.muli %scan3A_610, %mul3A_614 : i32
      %swap3A = arith.index_cast %mul3A_615 : i32 to index
      %swap3A_616 = tpu.vector_load %arg8[%swap3A] {strides = array<i32>} : memref<4096xi32, #tpu.memory_space<vmem>>, vector<16xi32>,
      tpu.vector_store %arg8[%swap3A], %broadcast_in_dim3A_613 {strides = array<i32>} : memref<4096xi32, #tpu.memory_space<vmem>>, vector<16xi32>,
      %scan3A_617 = arith.constant 0 : i32
      scf.yield %scan3A_617 : i32
    }
    %scan3A_435 = arith.constant 256 : i32
    %broadcast_in_dim3A_436 = vector.broadcast %or3A_428 : i32 to vector<16xi32>
    %broadcast_in_dim3A_437 = arith.constant 8 : i32
    %broadcast_in_dim3A_438 = vector.broadcast %broadcast_in_dim3A_437 : i32 to vector<16xi32>
    %broadcast_in_dim3A_439 = arith.constant 16 : i32
    %broadcast_in_dim3A_440 = vector.broadcast %broadcast_in_dim3A_439 : i32 to vector<16xi32>
    %while3A_441 = arith.constant 0 : i32
    %while3A_442 = arith.constant 0 : i32
    %while3A_443 = arith.subi %reduce_max3A_374, %while3A_441 : i32
    %while3A_444 = arith.addi %while3A_441, %while3A_443 : i32
    %while3A_445 = arith.constant 1 : i32
    %while3A_446 = arith.divsi %while3A_443, %while3A_445 : i32
    %while3A_447 = arith.muli %while3A_446, %while3A_445 : i32
    %while3A_448 = arith.addi %while3A_441, %while3A_447 : i32
    %while3A_449 = arith.constant 1 : i32
    %while3A_450 = scf.for %while3A_610 = %while3A_441 to %while3A_448 step %while3A_449 iter_args(%while3A_611 = %while3A_442) -> (i32)  : i32 {
      %mul3A_612 = arith.constant 16 : i32
      %mul3A_613 = arith.muli %while3A_610, %mul3A_612 : i32
      %get3A = arith.index_cast %mul3A_613 : i32 to index
      %get3A_614 = tpu.vector_load %arg6[%get3A] {strides = array<i32>} : memref<32784xi32, #tpu.memory_space<vmem>>, vector<16xi32>,
      %broadcast_in_dim3A_615 = vector.broadcast %while3A_610 : i32 to vector<16xi32>
      %lt3A = arith.cmpi slt, %broadcast_in_dim3A_615, %scan3A_365#0 : vector<16xi32>
      %xor3A = arith.xori %get3A_614, %broadcast_in_dim3A_436 : vector<16xi32>
      %shift_right_logical3A = arith.shrui %xor3A, %broadcast_in_dim3A_440 : vector<16xi32>
      %eq3A_616 = arith.constant 0 : i32
      %eq3A_617 = vector.broadcast %eq3A_616 : i32 to vector<16xi32>
      %eq3A_618 = arith.cmpi eq, %shift_right_logical3A, %eq3A_617 : vector<16xi32>
      %and3A_619 = arith.andi %eq3A_618, %lt3A : vector<16xi1>
      %shift_right_arithmetic3A = arith.shrsi %get3A_614, %broadcast_in_dim3A_438 : vector<16xi32>
      %broadcast_in_dim3A_620 = arith.constant 255 : i32
      %broadcast_in_dim3A_621 = vector.broadcast %broadcast_in_dim3A_620 : i32 to vector<16xi32>
      %and3A_622 = arith.andi %shift_right_arithmetic3A, %broadcast_in_dim3A_621 : vector<16xi32>
      %mul3A_623 = arith.constant 256 : i32
      %mul3A_624 = vector.broadcast %mul3A_623 : i32 to vector<16xi32>
      %mul3A_625 = arith.muli %iota3A_301, %mul3A_624 : vector<16xi32>
      %add3A_626 = arith.addi %mul3A_625, %and3A_622 : vector<16xi32>
      %convert_element_type3A = arith.extui %and3A_619 : vector<16xi1> to vector<16xi32>
      tpu.vector_store_idx %arg8[%add3A_626], %convert_element_type3A masked %broadcast_in_dim3A_305 {add = true} : memref<4096xi32, #tpu.memory_space<vmem>>[vector<16xi32>], vector<16xi32>, vector<16xi1>
      %while3A_627 = arith.constant 0 : i32
      scf.yield %while3A_627 : i32
    }
    %while3A_451 = arith.constant 1 : i32
    %while3A_452 = scf.for %while3A_610 = %while3A_448 to %while3A_444 step %while3A_451 iter_args(%while3A_611 = %while3A_450) -> (i32)  : i32 {
      %mul3A_612 = arith.constant 16 : i32
      %mul3A_613 = arith.muli %while3A_610, %mul3A_612 : i32
      %get3A = arith.index_cast %mul3A_613 : i32 to index
      %get3A_614 = tpu.vector_load %arg6[%get3A] {strides = array<i32>} : memref<32784xi32, #tpu.memory_space<vmem>>, vector<16xi32>,
      %broadcast_in_dim3A_615 = vector.broadcast %while3A_610 : i32 to vector<16xi32>
      %lt3A = arith.cmpi slt, %broadcast_in_dim3A_615, %scan3A_365#0 : vector<16xi32>
      %xor3A = arith.xori %get3A_614, %broadcast_in_dim3A_436 : vector<16xi32>
      %shift_right_logical3A = arith.shrui %xor3A, %broadcast_in_dim3A_440 : vector<16xi32>
      %eq3A_616 = arith.constant 0 : i32
      %eq3A_617 = vector.broadcast %eq3A_616 : i32 to vector<16xi32>
      %eq3A_618 = arith.cmpi eq, %shift_right_logical3A, %eq3A_617 : vector<16xi32>
      %and3A_619 = arith.andi %eq3A_618, %lt3A : vector<16xi1>
      %shift_right_arithmetic3A = arith.shrsi %get3A_614, %broadcast_in_dim3A_438 : vector<16xi32>
      %broadcast_in_dim3A_620 = arith.constant 255 : i32
      %broadcast_in_dim3A_621 = vector.broadcast %broadcast_in_dim3A_620 : i32 to vector<16xi32>
      %and3A_622 = arith.andi %shift_right_arithmetic3A, %broadcast_in_dim3A_621 : vector<16xi32>
      %mul3A_623 = arith.constant 256 : i32
      %mul3A_624 = vector.broadcast %mul3A_623 : i32 to vector<16xi32>
      %mul3A_625 = arith.muli %iota3A_301, %mul3A_624 : vector<16xi32>
      %add3A_626 = arith.addi %mul3A_625, %and3A_622 : vector<16xi32>
      %convert_element_type3A = arith.extui %and3A_619 : vector<16xi1> to vector<16xi32>
      tpu.vector_store_idx %arg8[%add3A_626], %convert_element_type3A masked %broadcast_in_dim3A_305 {add = true} : memref<4096xi32, #tpu.memory_space<vmem>>[vector<16xi32>], vector<16xi32>, vector<16xi1>
      %while3A_627 = arith.constant 0 : i32
      scf.yield %while3A_627 : i32
    }
    %scan3A_453 = arith.constant 0 : i32
    %scan3A_454 = arith.constant 0 : i32
    %scan3A_455 = arith.constant 16 : i32
    %scan3A_456 = arith.addi %scan3A_454, %scan3A_455 : i32
    %scan3A_457 = arith.constant 1 : i32
    %scan3A_458 = scf.for %scan3A_610 = %scan3A_454 to %scan3A_456 step %scan3A_457 iter_args(%scan3A_611 = %scan3A_453) -> (i32)  : i32 {
      %broadcast_in_dim3A_612 = arith.constant 0 : i32
      %broadcast_in_dim3A_613 = vector.broadcast %broadcast_in_dim3A_612 : i32 to vector<16xi32>
      %mul3A_614 = arith.constant 16 : i32
      %mul3A_615 = arith.muli %scan3A_610, %mul3A_614 : i32
      %add3A_616 = arith.constant 0 : i32
      %add3A_617 = arith.addi %add3A_616, %mul3A_615 : i32
      %get3A = arith.index_cast %add3A_617 : i32 to index
      %get3A_618 = tpu.vector_load %arg8[%get3A] {strides = array<i32>} : memref<4096xi32, #tpu.memory_space<vmem>>, vector<16xi32>,
      %add3A_619 = arith.addi %broadcast_in_dim3A_613, %get3A_618 : vector<16xi32>
      %mul3A_620 = arith.constant 16 : i32
      %mul3A_621 = arith.muli %scan3A_610, %mul3A_620 : i32
      %add3A_622 = arith.constant 256 : i32
      %add3A_623 = arith.addi %add3A_622, %mul3A_621 : i32
      %get3A_624 = arith.index_cast %add3A_623 : i32 to index
      %get3A_625 = tpu.vector_load %arg8[%get3A_624] {strides = array<i32>} : memref<4096xi32, #tpu.memory_space<vmem>>, vector<16xi32>,
      %add3A_626 = arith.addi %add3A_619, %get3A_625 : vector<16xi32>
      %mul3A_627 = arith.constant 16 : i32
      %mul3A_628 = arith.muli %scan3A_610, %mul3A_627 : i32
      %add3A_629 = arith.constant 512 : i32
      %add3A_630 = arith.addi %add3A_629, %mul3A_628 : i32
      %get3A_631 = arith.index_cast %add3A_630 : i32 to index
      %get3A_632 = tpu.vector_load %arg8[%get3A_631] {strides = array<i32>} : memref<4096xi32, #tpu.memory_space<vmem>>, vector<16xi32>,
      %add3A_633 = arith.addi %add3A_626, %get3A_632 : vector<16xi32>
      %mul3A_634 = arith.constant 16 : i32
      %mul3A_635 = arith.muli %scan3A_610, %mul3A_634 : i32
      %add3A_636 = arith.constant 768 : i32
      %add3A_637 = arith.addi %add3A_636, %mul3A_635 : i32
      %get3A_638 = arith.index_cast %add3A_637 : i32 to index
      %get3A_639 = tpu.vector_load %arg8[%get3A_638] {strides = array<i32>} : memref<4096xi32, #tpu.memory_space<vmem>>, vector<16xi32>,
      %add3A_640 = arith.addi %add3A_633, %get3A_639 : vector<16xi32>
      %mul3A_641 = arith.constant 16 : i32
      %mul3A_642 = arith.muli %scan3A_610, %mul3A_641 : i32
      %add3A_643 = arith.constant 1024 : i32
      %add3A_644 = arith.addi %add3A_643, %mul3A_642 : i32
      %get3A_645 = arith.index_cast %add3A_644 : i32 to index
      %get3A_646 = tpu.vector_load %arg8[%get3A_645] {strides = array<i32>} : memref<4096xi32, #tpu.memory_space<vmem>>, vector<16xi32>,
      %add3A_647 = arith.addi %add3A_640, %get3A_646 : vector<16xi32>
      %mul3A_648 = arith.constant 16 : i32
      %mul3A_649 = arith.muli %scan3A_610, %mul3A_648 : i32
      %add3A_650 = arith.constant 1280 : i32
      %add3A_651 = arith.addi %add3A_650, %mul3A_649 : i32
      %get3A_652 = arith.index_cast %add3A_651 : i32 to index
      %get3A_653 = tpu.vector_load %arg8[%get3A_652] {strides = array<i32>} : memref<4096xi32, #tpu.memory_space<vmem>>, vector<16xi32>,
      %add3A_654 = arith.addi %add3A_647, %get3A_653 : vector<16xi32>
      %mul3A_655 = arith.constant 16 : i32
      %mul3A_656 = arith.muli %scan3A_610, %mul3A_655 : i32
      %add3A_657 = arith.constant 1536 : i32
      %add3A_658 = arith.addi %add3A_657, %mul3A_656 : i32
      %get3A_659 = arith.index_cast %add3A_658 : i32 to index
      %get3A_660 = tpu.vector_load %arg8[%get3A_659] {strides = array<i32>} : memref<4096xi32, #tpu.memory_space<vmem>>, vector<16xi32>,
      %add3A_661 = arith.addi %add3A_654, %get3A_660 : vector<16xi32>
      %mul3A_662 = arith.constant 16 : i32
      %mul3A_663 = arith.muli %scan3A_610, %mul3A_662 : i32
      %add3A_664 = arith.constant 1792 : i32
      %add3A_665 = arith.addi %add3A_664, %mul3A_663 : i32
      %get3A_666 = arith.index_cast %add3A_665 : i32 to index
      %get3A_667 = tpu.vector_load %arg8[%get3A_666] {strides = array<i32>} : memref<4096xi32, #tpu.memory_space<vmem>>, vector<16xi32>,
      %add3A_668 = arith.addi %add3A_661, %get3A_667 : vector<16xi32>
      %mul3A_669 = arith.constant 16 : i32
      %mul3A_670 = arith.muli %scan3A_610, %mul3A_669 : i32
      %add3A_671 = arith.constant 2048 : i32
      %add3A_672 = arith.addi %add3A_671, %mul3A_670 : i32
      %get3A_673 = arith.index_cast %add3A_672 : i32 to index
      %get3A_674 = tpu.vector_load %arg8[%get3A_673] {strides = array<i32>} : memref<4096xi32, #tpu.memory_space<vmem>>, vector<16xi32>,
      %add3A_675 = arith.addi %add3A_668, %get3A_674 : vector<16xi32>
      %mul3A_676 = arith.constant 16 : i32
      %mul3A_677 = arith.muli %scan3A_610, %mul3A_676 : i32
      %add3A_678 = arith.constant 2304 : i32
      %add3A_679 = arith.addi %add3A_678, %mul3A_677 : i32
      %get3A_680 = arith.index_cast %add3A_679 : i32 to index
      %get3A_681 = tpu.vector_load %arg8[%get3A_680] {strides = array<i32>} : memref<4096xi32, #tpu.memory_space<vmem>>, vector<16xi32>,
      %add3A_682 = arith.addi %add3A_675, %get3A_681 : vector<16xi32>
      %mul3A_683 = arith.constant 16 : i32
      %mul3A_684 = arith.muli %scan3A_610, %mul3A_683 : i32
      %add3A_685 = arith.constant 2560 : i32
      %add3A_686 = arith.addi %add3A_685, %mul3A_684 : i32
      %get3A_687 = arith.index_cast %add3A_686 : i32 to index
      %get3A_688 = tpu.vector_load %arg8[%get3A_687] {strides = array<i32>} : memref<4096xi32, #tpu.memory_space<vmem>>, vector<16xi32>,
      %add3A_689 = arith.addi %add3A_682, %get3A_688 : vector<16xi32>
      %mul3A_690 = arith.constant 16 : i32
      %mul3A_691 = arith.muli %scan3A_610, %mul3A_690 : i32
      %add3A_692 = arith.constant 2816 : i32
      %add3A_693 = arith.addi %add3A_692, %mul3A_691 : i32
      %get3A_694 = arith.index_cast %add3A_693 : i32 to index
      %get3A_695 = tpu.vector_load %arg8[%get3A_694] {strides = array<i32>} : memref<4096xi32, #tpu.memory_space<vmem>>, vector<16xi32>,
      %add3A_696 = arith.addi %add3A_689, %get3A_695 : vector<16xi32>
      %mul3A_697 = arith.constant 16 : i32
      %mul3A_698 = arith.muli %scan3A_610, %mul3A_697 : i32
      %add3A_699 = arith.constant 3072 : i32
      %add3A_700 = arith.addi %add3A_699, %mul3A_698 : i32
      %get3A_701 = arith.index_cast %add3A_700 : i32 to index
      %get3A_702 = tpu.vector_load %arg8[%get3A_701] {strides = array<i32>} : memref<4096xi32, #tpu.memory_space<vmem>>, vector<16xi32>,
      %add3A_703 = arith.addi %add3A_696, %get3A_702 : vector<16xi32>
      %mul3A_704 = arith.constant 16 : i32
      %mul3A_705 = arith.muli %scan3A_610, %mul3A_704 : i32
      %add3A_706 = arith.constant 3328 : i32
      %add3A_707 = arith.addi %add3A_706, %mul3A_705 : i32
      %get3A_708 = arith.index_cast %add3A_707 : i32 to index
      %get3A_709 = tpu.vector_load %arg8[%get3A_708] {strides = array<i32>} : memref<4096xi32, #tpu.memory_space<vmem>>, vector<16xi32>,
      %add3A_710 = arith.addi %add3A_703, %get3A_709 : vector<16xi32>
      %mul3A_711 = arith.constant 16 : i32
      %mul3A_712 = arith.muli %scan3A_610, %mul3A_711 : i32
      %add3A_713 = arith.constant 3584 : i32
      %add3A_714 = arith.addi %add3A_713, %mul3A_712 : i32
      %get3A_715 = arith.index_cast %add3A_714 : i32 to index
      %get3A_716 = tpu.vector_load %arg8[%get3A_715] {strides = array<i32>} : memref<4096xi32, #tpu.memory_space<vmem>>, vector<16xi32>,
      %add3A_717 = arith.addi %add3A_710, %get3A_716 : vector<16xi32>
      %mul3A_718 = arith.constant 16 : i32
      %mul3A_719 = arith.muli %scan3A_610, %mul3A_718 : i32
      %add3A_720 = arith.constant 3840 : i32
      %add3A_721 = arith.addi %add3A_720, %mul3A_719 : i32
      %get3A_722 = arith.index_cast %add3A_721 : i32 to index
      %get3A_723 = tpu.vector_load %arg8[%get3A_722] {strides = array<i32>} : memref<4096xi32, #tpu.memory_space<vmem>>, vector<16xi32>,
      %add3A_724 = arith.addi %add3A_717, %get3A_723 : vector<16xi32>
      %broadcast_in_dim3A_725 = arith.constant true
      %broadcast_in_dim3A_726 = vector.broadcast %broadcast_in_dim3A_725 : i1 to vector<16xi1>
      %masked_cumsum3A = tpu.scan <sum>, %add3A_724 masked %broadcast_in_dim3A_726 : vector<16xi32>, vector<16xi1> -> vector<16xi32>
      %add3A_727 = vector.broadcast %scan3A_611 : i32 to vector<16xi32>
      %add3A_728 = arith.addi %masked_cumsum3A, %add3A_727 : vector<16xi32>
      %mul3A_729 = arith.constant 16 : i32
      %mul3A_730 = arith.muli %scan3A_610, %mul3A_729 : i32
      %swap3A = arith.index_cast %mul3A_730 : i32 to index
      %swap3A_731 = tpu.vector_load %arg9[%swap3A] {strides = array<i32>} : memref<256xi32, #tpu.memory_space<vmem>>, vector<16xi32>,
      tpu.vector_store %arg9[%swap3A], %add3A_728 {strides = array<i32>} : memref<256xi32, #tpu.memory_space<vmem>>, vector<16xi32>,
      %reduce_max3A_732 = arith.constant true
      %reduce_max3A_733 = vector.broadcast %reduce_max3A_732 : i1 to vector<16xi1>
      %reduce_max3A_734 = arith.constant -2147483648 : i32
      %reduce_max3A_735 = vector.broadcast %reduce_max3A_734 : i32 to vector<16xi32>
      %reduce_max3A_736 = arith.xori %add3A_728, %reduce_max3A_735 : vector<16xi32>
      %reduce_max3A_737 = tpu.scan <max>, %reduce_max3A_736 masked %reduce_max3A_733 : vector<16xi32>, vector<16xi1> -> vector<16xi32>
      %reduce_max3A_738 = arith.xori %reduce_max3A_737, %reduce_max3A_735 : vector<16xi32>
      %reduce_max3A_739 = vector.extract %reduce_max3A_738[15] : i32 from vector<16xi32>
      scf.yield %reduce_max3A_739 : i32
    }
    %scan3A_459 = arith.constant 16 : i32
    %sub3A_460 = arith.subi %scan3A_458, %sub3A_425 : i32
    %scan3A_461 = arith.constant 0 : i32
    %scan3A_462 = arith.constant 0 : i32
    %scan3A_463 = arith.constant 16 : i32
    %scan3A_464 = arith.addi %scan3A_462, %scan3A_463 : i32
    %scan3A_465 = arith.constant 1 : i32
    %scan3A_466 = scf.for %scan3A_610 = %scan3A_462 to %scan3A_464 step %scan3A_465 iter_args(%scan3A_611 = %scan3A_461) -> (i32)  : i32 {
      %mul3A_612 = arith.constant 16 : i32
      %mul3A_613 = arith.muli %scan3A_610, %mul3A_612 : i32
      %get3A = arith.index_cast %mul3A_613 : i32 to index
      %get3A_614 = tpu.vector_load %arg9[%get3A] {strides = array<i32>} : memref<256xi32, #tpu.memory_space<vmem>>, vector<16xi32>,
      %le3A = vector.broadcast %sub3A_460 : i32 to vector<16xi32>
      %le3A_615 = arith.cmpi sle, %get3A_614, %le3A : vector<16xi32>
      %all_reduce_population_count3A = tpu.all_reduce %le3A_615 {dim = 0 : i64, kind = #tpu.reduction_kind<sum>} : vector<16xi1> -> vector<16xi32>
      %reduce_max3A_616 = arith.constant true
      %reduce_max3A_617 = vector.broadcast %reduce_max3A_616 : i1 to vector<16xi1>
      %reduce_max3A_618 = arith.constant -2147483648 : i32
      %reduce_max3A_619 = vector.broadcast %reduce_max3A_618 : i32 to vector<16xi32>
      %reduce_max3A_620 = arith.xori %all_reduce_population_count3A, %reduce_max3A_619 : vector<16xi32>
      %reduce_max3A_621 = tpu.scan <max>, %reduce_max3A_620 masked %reduce_max3A_617 : vector<16xi32>, vector<16xi1> -> vector<16xi32>
      %reduce_max3A_622 = arith.xori %reduce_max3A_621, %reduce_max3A_619 : vector<16xi32>
      %reduce_max3A_623 = vector.extract %reduce_max3A_622[15] : i32 from vector<16xi32>
      %add3A_624 = arith.addi %scan3A_611, %reduce_max3A_623 : i32
      scf.yield %add3A_624 : i32
    }
    %scan3A_467 = arith.constant 16 : i32
    %broadcast_in_dim3A_468 = vector.broadcast %scan3A_466 : i32 to vector<16xi32>
    %gather3A_469 = tpu.vector_load_idx %arg9[%broadcast_in_dim3A_468] : memref<256xi32, #tpu.memory_space<vmem>>[vector<16xi32>], vector<16xi32>,
    %reduce_max3A_470 = arith.constant true
    %reduce_max3A_471 = vector.broadcast %reduce_max3A_470 : i1 to vector<16xi1>
    %reduce_max3A_472 = arith.constant -2147483648 : i32
    %reduce_max3A_473 = vector.broadcast %reduce_max3A_472 : i32 to vector<16xi32>
    %reduce_max3A_474 = arith.xori %gather3A_469, %reduce_max3A_473 : vector<16xi32>
    %reduce_max3A_475 = tpu.scan <max>, %reduce_max3A_474 masked %reduce_max3A_471 : vector<16xi32>, vector<16xi1> -> vector<16xi32>
    %reduce_max3A_476 = arith.xori %reduce_max3A_475, %reduce_max3A_473 : vector<16xi32>
    %reduce_max3A_477 = vector.extract %reduce_max3A_476[15] : i32 from vector<16xi32>
    %sub3A_478 = arith.subi %scan3A_458, %reduce_max3A_477 : i32
    %sub3A_479 = arith.subi %sub3A_425, %sub3A_478 : i32
    %shift_left3A_480 = arith.constant 8 : i32
    %shift_left3A_481 = arith.shli %scan3A_466, %shift_left3A_480 : i32
    %or3A_482 = arith.ori %or3A_428, %shift_left3A_481 : i32
    %scan3A_483 = arith.constant 0 : i32
    %scan3A_484 = arith.constant 0 : i32
    %scan3A_485 = arith.constant 256 : i32
    %scan3A_486 = arith.addi %scan3A_484, %scan3A_485 : i32
    %scan3A_487 = arith.constant 1 : i32
    %scan3A_488 = scf.for %scan3A_610 = %scan3A_484 to %scan3A_486 step %scan3A_487 iter_args(%scan3A_611 = %scan3A_483) -> (i32)  : i32 {
      %broadcast_in_dim3A_612 = arith.constant 0 : i32
      %broadcast_in_dim3A_613 = vector.broadcast %broadcast_in_dim3A_612 : i32 to vector<16xi32>
      %mul3A_614 = arith.constant 16 : i32
      %mul3A_615 = arith.muli %scan3A_610, %mul3A_614 : i32
      %swap3A = arith.index_cast %mul3A_615 : i32 to index
      %swap3A_616 = tpu.vector_load %arg8[%swap3A] {strides = array<i32>} : memref<4096xi32, #tpu.memory_space<vmem>>, vector<16xi32>,
      tpu.vector_store %arg8[%swap3A], %broadcast_in_dim3A_613 {strides = array<i32>} : memref<4096xi32, #tpu.memory_space<vmem>>, vector<16xi32>,
      %scan3A_617 = arith.constant 0 : i32
      scf.yield %scan3A_617 : i32
    }
    %scan3A_489 = arith.constant 256 : i32
    %broadcast_in_dim3A_490 = vector.broadcast %or3A_482 : i32 to vector<16xi32>
    %broadcast_in_dim3A_491 = arith.constant 0 : i32
    %broadcast_in_dim3A_492 = vector.broadcast %broadcast_in_dim3A_491 : i32 to vector<16xi32>
    %broadcast_in_dim3A_493 = arith.constant 8 : i32
    %broadcast_in_dim3A_494 = vector.broadcast %broadcast_in_dim3A_493 : i32 to vector<16xi32>
    %while3A_495 = arith.constant 0 : i32
    %while3A_496 = arith.constant 0 : i32
    %while3A_497 = arith.subi %reduce_max3A_374, %while3A_495 : i32
    %while3A_498 = arith.addi %while3A_495, %while3A_497 : i32
    %while3A_499 = arith.constant 1 : i32
    %while3A_500 = arith.divsi %while3A_497, %while3A_499 : i32
    %while3A_501 = arith.muli %while3A_500, %while3A_499 : i32
    %while3A_502 = arith.addi %while3A_495, %while3A_501 : i32
    %while3A_503 = arith.constant 1 : i32
    %while3A_504 = scf.for %while3A_610 = %while3A_495 to %while3A_502 step %while3A_503 iter_args(%while3A_611 = %while3A_496) -> (i32)  : i32 {
      %mul3A_612 = arith.constant 16 : i32
      %mul3A_613 = arith.muli %while3A_610, %mul3A_612 : i32
      %get3A = arith.index_cast %mul3A_613 : i32 to index
      %get3A_614 = tpu.vector_load %arg6[%get3A] {strides = array<i32>} : memref<32784xi32, #tpu.memory_space<vmem>>, vector<16xi32>,
      %broadcast_in_dim3A_615 = vector.broadcast %while3A_610 : i32 to vector<16xi32>
      %lt3A = arith.cmpi slt, %broadcast_in_dim3A_615, %scan3A_365#0 : vector<16xi32>
      %xor3A = arith.xori %get3A_614, %broadcast_in_dim3A_490 : vector<16xi32>
      %shift_right_logical3A = arith.shrui %xor3A, %broadcast_in_dim3A_494 : vector<16xi32>
      %eq3A_616 = arith.constant 0 : i32
      %eq3A_617 = vector.broadcast %eq3A_616 : i32 to vector<16xi32>
      %eq3A_618 = arith.cmpi eq, %shift_right_logical3A, %eq3A_617 : vector<16xi32>
      %and3A_619 = arith.andi %eq3A_618, %lt3A : vector<16xi1>
      %shift_right_arithmetic3A = arith.shrsi %get3A_614, %broadcast_in_dim3A_492 : vector<16xi32>
      %broadcast_in_dim3A_620 = arith.constant 255 : i32
      %broadcast_in_dim3A_621 = vector.broadcast %broadcast_in_dim3A_620 : i32 to vector<16xi32>
      %and3A_622 = arith.andi %shift_right_arithmetic3A, %broadcast_in_dim3A_621 : vector<16xi32>
      %mul3A_623 = arith.constant 256 : i32
      %mul3A_624 = vector.broadcast %mul3A_623 : i32 to vector<16xi32>
      %mul3A_625 = arith.muli %iota3A_301, %mul3A_624 : vector<16xi32>
      %add3A_626 = arith.addi %mul3A_625, %and3A_622 : vector<16xi32>
      %convert_element_type3A = arith.extui %and3A_619 : vector<16xi1> to vector<16xi32>
      tpu.vector_store_idx %arg8[%add3A_626], %convert_element_type3A masked %broadcast_in_dim3A_305 {add = true} : memref<4096xi32, #tpu.memory_space<vmem>>[vector<16xi32>], vector<16xi32>, vector<16xi1>
      %while3A_627 = arith.constant 0 : i32
      scf.yield %while3A_627 : i32
    }
    %while3A_505 = arith.constant 1 : i32
    %while3A_506 = scf.for %while3A_610 = %while3A_502 to %while3A_498 step %while3A_505 iter_args(%while3A_611 = %while3A_504) -> (i32)  : i32 {
      %mul3A_612 = arith.constant 16 : i32
      %mul3A_613 = arith.muli %while3A_610, %mul3A_612 : i32
      %get3A = arith.index_cast %mul3A_613 : i32 to index
      %get3A_614 = tpu.vector_load %arg6[%get3A] {strides = array<i32>} : memref<32784xi32, #tpu.memory_space<vmem>>, vector<16xi32>,
      %broadcast_in_dim3A_615 = vector.broadcast %while3A_610 : i32 to vector<16xi32>
      %lt3A = arith.cmpi slt, %broadcast_in_dim3A_615, %scan3A_365#0 : vector<16xi32>
      %xor3A = arith.xori %get3A_614, %broadcast_in_dim3A_490 : vector<16xi32>
      %shift_right_logical3A = arith.shrui %xor3A, %broadcast_in_dim3A_494 : vector<16xi32>
      %eq3A_616 = arith.constant 0 : i32
      %eq3A_617 = vector.broadcast %eq3A_616 : i32 to vector<16xi32>
      %eq3A_618 = arith.cmpi eq, %shift_right_logical3A, %eq3A_617 : vector<16xi32>
      %and3A_619 = arith.andi %eq3A_618, %lt3A : vector<16xi1>
      %shift_right_arithmetic3A = arith.shrsi %get3A_614, %broadcast_in_dim3A_492 : vector<16xi32>
      %broadcast_in_dim3A_620 = arith.constant 255 : i32
      %broadcast_in_dim3A_621 = vector.broadcast %broadcast_in_dim3A_620 : i32 to vector<16xi32>
      %and3A_622 = arith.andi %shift_right_arithmetic3A, %broadcast_in_dim3A_621 : vector<16xi32>
      %mul3A_623 = arith.constant 256 : i32
      %mul3A_624 = vector.broadcast %mul3A_623 : i32 to vector<16xi32>
      %mul3A_625 = arith.muli %iota3A_301, %mul3A_624 : vector<16xi32>
      %add3A_626 = arith.addi %mul3A_625, %and3A_622 : vector<16xi32>
      %convert_element_type3A = arith.extui %and3A_619 : vector<16xi1> to vector<16xi32>
      tpu.vector_store_idx %arg8[%add3A_626], %convert_element_type3A masked %broadcast_in_dim3A_305 {add = true} : memref<4096xi32, #tpu.memory_space<vmem>>[vector<16xi32>], vector<16xi32>, vector<16xi1>
      %while3A_627 = arith.constant 0 : i32
      scf.yield %while3A_627 : i32
    }
    %scan3A_507 = arith.constant 0 : i32
    %scan3A_508 = arith.constant 0 : i32
    %scan3A_509 = arith.constant 16 : i32
    %scan3A_510 = arith.addi %scan3A_508, %scan3A_509 : i32
    %scan3A_511 = arith.constant 1 : i32
    %scan3A_512 = scf.for %scan3A_610 = %scan3A_508 to %scan3A_510 step %scan3A_511 iter_args(%scan3A_611 = %scan3A_507) -> (i32)  : i32 {
      %broadcast_in_dim3A_612 = arith.constant 0 : i32
      %broadcast_in_dim3A_613 = vector.broadcast %broadcast_in_dim3A_612 : i32 to vector<16xi32>
      %mul3A_614 = arith.constant 16 : i32
      %mul3A_615 = arith.muli %scan3A_610, %mul3A_614 : i32
      %add3A_616 = arith.constant 0 : i32
      %add3A_617 = arith.addi %add3A_616, %mul3A_615 : i32
      %get3A = arith.index_cast %add3A_617 : i32 to index
      %get3A_618 = tpu.vector_load %arg8[%get3A] {strides = array<i32>} : memref<4096xi32, #tpu.memory_space<vmem>>, vector<16xi32>,
      %add3A_619 = arith.addi %broadcast_in_dim3A_613, %get3A_618 : vector<16xi32>
      %mul3A_620 = arith.constant 16 : i32
      %mul3A_621 = arith.muli %scan3A_610, %mul3A_620 : i32
      %add3A_622 = arith.constant 256 : i32
      %add3A_623 = arith.addi %add3A_622, %mul3A_621 : i32
      %get3A_624 = arith.index_cast %add3A_623 : i32 to index
      %get3A_625 = tpu.vector_load %arg8[%get3A_624] {strides = array<i32>} : memref<4096xi32, #tpu.memory_space<vmem>>, vector<16xi32>,
      %add3A_626 = arith.addi %add3A_619, %get3A_625 : vector<16xi32>
      %mul3A_627 = arith.constant 16 : i32
      %mul3A_628 = arith.muli %scan3A_610, %mul3A_627 : i32
      %add3A_629 = arith.constant 512 : i32
      %add3A_630 = arith.addi %add3A_629, %mul3A_628 : i32
      %get3A_631 = arith.index_cast %add3A_630 : i32 to index
      %get3A_632 = tpu.vector_load %arg8[%get3A_631] {strides = array<i32>} : memref<4096xi32, #tpu.memory_space<vmem>>, vector<16xi32>,
      %add3A_633 = arith.addi %add3A_626, %get3A_632 : vector<16xi32>
      %mul3A_634 = arith.constant 16 : i32
      %mul3A_635 = arith.muli %scan3A_610, %mul3A_634 : i32
      %add3A_636 = arith.constant 768 : i32
      %add3A_637 = arith.addi %add3A_636, %mul3A_635 : i32
      %get3A_638 = arith.index_cast %add3A_637 : i32 to index
      %get3A_639 = tpu.vector_load %arg8[%get3A_638] {strides = array<i32>} : memref<4096xi32, #tpu.memory_space<vmem>>, vector<16xi32>,
      %add3A_640 = arith.addi %add3A_633, %get3A_639 : vector<16xi32>
      %mul3A_641 = arith.constant 16 : i32
      %mul3A_642 = arith.muli %scan3A_610, %mul3A_641 : i32
      %add3A_643 = arith.constant 1024 : i32
      %add3A_644 = arith.addi %add3A_643, %mul3A_642 : i32
      %get3A_645 = arith.index_cast %add3A_644 : i32 to index
      %get3A_646 = tpu.vector_load %arg8[%get3A_645] {strides = array<i32>} : memref<4096xi32, #tpu.memory_space<vmem>>, vector<16xi32>,
      %add3A_647 = arith.addi %add3A_640, %get3A_646 : vector<16xi32>
      %mul3A_648 = arith.constant 16 : i32
      %mul3A_649 = arith.muli %scan3A_610, %mul3A_648 : i32
      %add3A_650 = arith.constant 1280 : i32
      %add3A_651 = arith.addi %add3A_650, %mul3A_649 : i32
      %get3A_652 = arith.index_cast %add3A_651 : i32 to index
      %get3A_653 = tpu.vector_load %arg8[%get3A_652] {strides = array<i32>} : memref<4096xi32, #tpu.memory_space<vmem>>, vector<16xi32>,
      %add3A_654 = arith.addi %add3A_647, %get3A_653 : vector<16xi32>
      %mul3A_655 = arith.constant 16 : i32
      %mul3A_656 = arith.muli %scan3A_610, %mul3A_655 : i32
      %add3A_657 = arith.constant 1536 : i32
      %add3A_658 = arith.addi %add3A_657, %mul3A_656 : i32
      %get3A_659 = arith.index_cast %add3A_658 : i32 to index
      %get3A_660 = tpu.vector_load %arg8[%get3A_659] {strides = array<i32>} : memref<4096xi32, #tpu.memory_space<vmem>>, vector<16xi32>,
      %add3A_661 = arith.addi %add3A_654, %get3A_660 : vector<16xi32>
      %mul3A_662 = arith.constant 16 : i32
      %mul3A_663 = arith.muli %scan3A_610, %mul3A_662 : i32
      %add3A_664 = arith.constant 1792 : i32
      %add3A_665 = arith.addi %add3A_664, %mul3A_663 : i32
      %get3A_666 = arith.index_cast %add3A_665 : i32 to index
      %get3A_667 = tpu.vector_load %arg8[%get3A_666] {strides = array<i32>} : memref<4096xi32, #tpu.memory_space<vmem>>, vector<16xi32>,
      %add3A_668 = arith.addi %add3A_661, %get3A_667 : vector<16xi32>
      %mul3A_669 = arith.constant 16 : i32
      %mul3A_670 = arith.muli %scan3A_610, %mul3A_669 : i32
      %add3A_671 = arith.constant 2048 : i32
      %add3A_672 = arith.addi %add3A_671, %mul3A_670 : i32
      %get3A_673 = arith.index_cast %add3A_672 : i32 to index
      %get3A_674 = tpu.vector_load %arg8[%get3A_673] {strides = array<i32>} : memref<4096xi32, #tpu.memory_space<vmem>>, vector<16xi32>,
      %add3A_675 = arith.addi %add3A_668, %get3A_674 : vector<16xi32>
      %mul3A_676 = arith.constant 16 : i32
      %mul3A_677 = arith.muli %scan3A_610, %mul3A_676 : i32
      %add3A_678 = arith.constant 2304 : i32
      %add3A_679 = arith.addi %add3A_678, %mul3A_677 : i32
      %get3A_680 = arith.index_cast %add3A_679 : i32 to index
      %get3A_681 = tpu.vector_load %arg8[%get3A_680] {strides = array<i32>} : memref<4096xi32, #tpu.memory_space<vmem>>, vector<16xi32>,
      %add3A_682 = arith.addi %add3A_675, %get3A_681 : vector<16xi32>
      %mul3A_683 = arith.constant 16 : i32
      %mul3A_684 = arith.muli %scan3A_610, %mul3A_683 : i32
      %add3A_685 = arith.constant 2560 : i32
      %add3A_686 = arith.addi %add3A_685, %mul3A_684 : i32
      %get3A_687 = arith.index_cast %add3A_686 : i32 to index
      %get3A_688 = tpu.vector_load %arg8[%get3A_687] {strides = array<i32>} : memref<4096xi32, #tpu.memory_space<vmem>>, vector<16xi32>,
      %add3A_689 = arith.addi %add3A_682, %get3A_688 : vector<16xi32>
      %mul3A_690 = arith.constant 16 : i32
      %mul3A_691 = arith.muli %scan3A_610, %mul3A_690 : i32
      %add3A_692 = arith.constant 2816 : i32
      %add3A_693 = arith.addi %add3A_692, %mul3A_691 : i32
      %get3A_694 = arith.index_cast %add3A_693 : i32 to index
      %get3A_695 = tpu.vector_load %arg8[%get3A_694] {strides = array<i32>} : memref<4096xi32, #tpu.memory_space<vmem>>, vector<16xi32>,
      %add3A_696 = arith.addi %add3A_689, %get3A_695 : vector<16xi32>
      %mul3A_697 = arith.constant 16 : i32
      %mul3A_698 = arith.muli %scan3A_610, %mul3A_697 : i32
      %add3A_699 = arith.constant 3072 : i32
      %add3A_700 = arith.addi %add3A_699, %mul3A_698 : i32
      %get3A_701 = arith.index_cast %add3A_700 : i32 to index
      %get3A_702 = tpu.vector_load %arg8[%get3A_701] {strides = array<i32>} : memref<4096xi32, #tpu.memory_space<vmem>>, vector<16xi32>,
      %add3A_703 = arith.addi %add3A_696, %get3A_702 : vector<16xi32>
      %mul3A_704 = arith.constant 16 : i32
      %mul3A_705 = arith.muli %scan3A_610, %mul3A_704 : i32
      %add3A_706 = arith.constant 3328 : i32
      %add3A_707 = arith.addi %add3A_706, %mul3A_705 : i32
      %get3A_708 = arith.index_cast %add3A_707 : i32 to index
      %get3A_709 = tpu.vector_load %arg8[%get3A_708] {strides = array<i32>} : memref<4096xi32, #tpu.memory_space<vmem>>, vector<16xi32>,
      %add3A_710 = arith.addi %add3A_703, %get3A_709 : vector<16xi32>
      %mul3A_711 = arith.constant 16 : i32
      %mul3A_712 = arith.muli %scan3A_610, %mul3A_711 : i32
      %add3A_713 = arith.constant 3584 : i32
      %add3A_714 = arith.addi %add3A_713, %mul3A_712 : i32
      %get3A_715 = arith.index_cast %add3A_714 : i32 to index
      %get3A_716 = tpu.vector_load %arg8[%get3A_715] {strides = array<i32>} : memref<4096xi32, #tpu.memory_space<vmem>>, vector<16xi32>,
      %add3A_717 = arith.addi %add3A_710, %get3A_716 : vector<16xi32>
      %mul3A_718 = arith.constant 16 : i32
      %mul3A_719 = arith.muli %scan3A_610, %mul3A_718 : i32
      %add3A_720 = arith.constant 3840 : i32
      %add3A_721 = arith.addi %add3A_720, %mul3A_719 : i32
      %get3A_722 = arith.index_cast %add3A_721 : i32 to index
      %get3A_723 = tpu.vector_load %arg8[%get3A_722] {strides = array<i32>} : memref<4096xi32, #tpu.memory_space<vmem>>, vector<16xi32>,
      %add3A_724 = arith.addi %add3A_717, %get3A_723 : vector<16xi32>
      %broadcast_in_dim3A_725 = arith.constant true
      %broadcast_in_dim3A_726 = vector.broadcast %broadcast_in_dim3A_725 : i1 to vector<16xi1>
      %masked_cumsum3A = tpu.scan <sum>, %add3A_724 masked %broadcast_in_dim3A_726 : vector<16xi32>, vector<16xi1> -> vector<16xi32>
      %add3A_727 = vector.broadcast %scan3A_611 : i32 to vector<16xi32>
      %add3A_728 = arith.addi %masked_cumsum3A, %add3A_727 : vector<16xi32>
      %mul3A_729 = arith.constant 16 : i32
      %mul3A_730 = arith.muli %scan3A_610, %mul3A_729 : i32
      %swap3A = arith.index_cast %mul3A_730 : i32 to index
      %swap3A_731 = tpu.vector_load %arg9[%swap3A] {strides = array<i32>} : memref<256xi32, #tpu.memory_space<vmem>>, vector<16xi32>,
      tpu.vector_store %arg9[%swap3A], %add3A_728 {strides = array<i32>} : memref<256xi32, #tpu.memory_space<vmem>>, vector<16xi32>,
      %reduce_max3A_732 = arith.constant true
      %reduce_max3A_733 = vector.broadcast %reduce_max3A_732 : i1 to vector<16xi1>
      %reduce_max3A_734 = arith.constant -2147483648 : i32
      %reduce_max3A_735 = vector.broadcast %reduce_max3A_734 : i32 to vector<16xi32>
      %reduce_max3A_736 = arith.xori %add3A_728, %reduce_max3A_735 : vector<16xi32>
      %reduce_max3A_737 = tpu.scan <max>, %reduce_max3A_736 masked %reduce_max3A_733 : vector<16xi32>, vector<16xi1> -> vector<16xi32>
      %reduce_max3A_738 = arith.xori %reduce_max3A_737, %reduce_max3A_735 : vector<16xi32>
      %reduce_max3A_739 = vector.extract %reduce_max3A_738[15] : i32 from vector<16xi32>
      scf.yield %reduce_max3A_739 : i32
    }
    %scan3A_513 = arith.constant 16 : i32
    %sub3A_514 = arith.subi %scan3A_512, %sub3A_479 : i32
    %scan3A_515 = arith.constant 0 : i32
    %scan3A_516 = arith.constant 0 : i32
    %scan3A_517 = arith.constant 16 : i32
    %scan3A_518 = arith.addi %scan3A_516, %scan3A_517 : i32
    %scan3A_519 = arith.constant 1 : i32
    %scan3A_520 = scf.for %scan3A_610 = %scan3A_516 to %scan3A_518 step %scan3A_519 iter_args(%scan3A_611 = %scan3A_515) -> (i32)  : i32 {
      %mul3A_612 = arith.constant 16 : i32
      %mul3A_613 = arith.muli %scan3A_610, %mul3A_612 : i32
      %get3A = arith.index_cast %mul3A_613 : i32 to index
      %get3A_614 = tpu.vector_load %arg9[%get3A] {strides = array<i32>} : memref<256xi32, #tpu.memory_space<vmem>>, vector<16xi32>,
      %le3A = vector.broadcast %sub3A_514 : i32 to vector<16xi32>
      %le3A_615 = arith.cmpi sle, %get3A_614, %le3A : vector<16xi32>
      %all_reduce_population_count3A = tpu.all_reduce %le3A_615 {dim = 0 : i64, kind = #tpu.reduction_kind<sum>} : vector<16xi1> -> vector<16xi32>
      %reduce_max3A_616 = arith.constant true
      %reduce_max3A_617 = vector.broadcast %reduce_max3A_616 : i1 to vector<16xi1>
      %reduce_max3A_618 = arith.constant -2147483648 : i32
      %reduce_max3A_619 = vector.broadcast %reduce_max3A_618 : i32 to vector<16xi32>
      %reduce_max3A_620 = arith.xori %all_reduce_population_count3A, %reduce_max3A_619 : vector<16xi32>
      %reduce_max3A_621 = tpu.scan <max>, %reduce_max3A_620 masked %reduce_max3A_617 : vector<16xi32>, vector<16xi1> -> vector<16xi32>
      %reduce_max3A_622 = arith.xori %reduce_max3A_621, %reduce_max3A_619 : vector<16xi32>
      %reduce_max3A_623 = vector.extract %reduce_max3A_622[15] : i32 from vector<16xi32>
      %add3A_624 = arith.addi %scan3A_611, %reduce_max3A_623 : i32
      scf.yield %add3A_624 : i32
    }
    %scan3A_521 = arith.constant 16 : i32
    %broadcast_in_dim3A_522 = vector.broadcast %scan3A_520 : i32 to vector<16xi32>
    %gather3A_523 = tpu.vector_load_idx %arg9[%broadcast_in_dim3A_522] : memref<256xi32, #tpu.memory_space<vmem>>[vector<16xi32>], vector<16xi32>,
    %reduce_max3A_524 = arith.constant true
    %reduce_max3A_525 = vector.broadcast %reduce_max3A_524 : i1 to vector<16xi1>
    %reduce_max3A_526 = arith.constant -2147483648 : i32
    %reduce_max3A_527 = vector.broadcast %reduce_max3A_526 : i32 to vector<16xi32>
    %reduce_max3A_528 = arith.xori %gather3A_523, %reduce_max3A_527 : vector<16xi32>
    %reduce_max3A_529 = tpu.scan <max>, %reduce_max3A_528 masked %reduce_max3A_525 : vector<16xi32>, vector<16xi1> -> vector<16xi32>
    %reduce_max3A_530 = arith.xori %reduce_max3A_529, %reduce_max3A_527 : vector<16xi32>
    %reduce_max3A_531 = vector.extract %reduce_max3A_530[15] : i32 from vector<16xi32>
    %sub3A_532 = arith.subi %scan3A_512, %reduce_max3A_531 : i32
    %sub3A_533 = arith.subi %sub3A_479, %sub3A_532 : i32
    %shift_left3A_534 = arith.constant 0 : i32
    %shift_left3A_535 = arith.shli %scan3A_520, %shift_left3A_534 : i32
    %or3A_536 = arith.ori %or3A_482, %shift_left3A_535 : i32
    %broadcast_in_dim3A_537 = vector.broadcast %or3A_536 : i32 to vector<16xi32>
    %while3A_538 = arith.constant 0 : i32
    %while3A_539 = arith.constant 0 : i32
    %while3A_540 = arith.constant 0 : i32
    %while3A_541 = arith.subi %reduce_max3A_374, %while3A_538 : i32
    %while3A_542 = arith.addi %while3A_538, %while3A_541 : i32
    %while3A_543 = arith.constant 1 : i32
    %while3A_544 = arith.divsi %while3A_541, %while3A_543 : i32
    %while3A_545 = arith.muli %while3A_544, %while3A_543 : i32
    %while3A_546 = arith.addi %while3A_538, %while3A_545 : i32
    %while3A_547 = arith.constant 1 : i32
    %while3A_548:2 = scf.for %while3A_610 = %while3A_538 to %while3A_546 step %while3A_547 iter_args(%while3A_611 = %while3A_539, %while3A_612 = %while3A_540) -> (i32, i32)  : i32 {
      %mul3A_613 = arith.constant 16 : i32
      %mul3A_614 = arith.muli %while3A_610, %mul3A_613 : i32
      %get3A = arith.index_cast %mul3A_614 : i32 to index
      %get3A_615 = tpu.vector_load %arg6[%get3A] {strides = array<i32>} : memref<32784xi32, #tpu.memory_space<vmem>>, vector<16xi32>,
      %mul3A_616 = arith.constant 16 : i32
      %mul3A_617 = arith.muli %while3A_610, %mul3A_616 : i32
      %get3A_618 = arith.index_cast %mul3A_617 : i32 to index
      %get3A_619 = tpu.vector_load %arg7[%get3A_618] {strides = array<i32>} : memref<32784xi32, #tpu.memory_space<vmem>>, vector<16xi32>,
      %broadcast_in_dim3A_620 = vector.broadcast %while3A_610 : i32 to vector<16xi32>
      %lt3A = arith.cmpi slt, %broadcast_in_dim3A_620, %scan3A_365#0 : vector<16xi32>
      %gt3A = arith.cmpi sgt, %get3A_615, %broadcast_in_dim3A_537 : vector<16xi32>
      %and3A_621 = arith.andi %gt3A, %lt3A : vector<16xi1>
      %eq3A_622 = arith.cmpi eq, %get3A_615, %broadcast_in_dim3A_537 : vector<16xi32>
      %and3A_623 = arith.andi %eq3A_622, %lt3A : vector<16xi1>
      %swap3A = arith.index_cast %while3A_611 : i32 to index
      %swap3A_624 = tpu.vector_load %arg11[%swap3A] masked %and3A_621 {strides = array<i32>} : memref<272xi32, #tpu.memory_space<vmem>>, vector<16xi32>, vector<16xi1>
      tpu.vector_store %arg11[%swap3A], %get3A_615 masked %and3A_621 {strides = array<i32>} : memref<272xi32, #tpu.memory_space<vmem>>, vector<16xi32>, vector<16xi1>
      %swap3A_625 = arith.index_cast %while3A_611 : i32 to index
      %swap3A_626 = tpu.vector_load %arg12[%swap3A_625] masked %and3A_621 {strides = array<i32>} : memref<272xi32, #tpu.memory_space<vmem>>, vector<16xi32>, vector<16xi1>
      tpu.vector_store %arg12[%swap3A_625], %get3A_619 masked %and3A_621 {strides = array<i32>} : memref<272xi32, #tpu.memory_space<vmem>>, vector<16xi32>, vector<16xi1>
      %swap3A_627 = arith.index_cast %while3A_612 : i32 to index
      %swap3A_628 = tpu.vector_load %arg10[%swap3A_627] masked %and3A_623 {strides = array<i32>} : memref<4096xi32, #tpu.memory_space<vmem>>, vector<16xi32>, vector<16xi1>
      tpu.vector_store %arg10[%swap3A_627], %get3A_619 masked %and3A_623 {strides = array<i32>} : memref<4096xi32, #tpu.memory_space<vmem>>, vector<16xi32>, vector<16xi1>
      %all_reduce_population_count3A = tpu.all_reduce %and3A_621 {dim = 0 : i64, kind = #tpu.reduction_kind<sum>} : vector<16xi1> -> vector<16xi32>
      %reduce_max3A_629 = arith.constant true
      %reduce_max3A_630 = vector.broadcast %reduce_max3A_629 : i1 to vector<16xi1>
      %reduce_max3A_631 = arith.constant -2147483648 : i32
      %reduce_max3A_632 = vector.broadcast %reduce_max3A_631 : i32 to vector<16xi32>
      %reduce_max3A_633 = arith.xori %all_reduce_population_count3A, %reduce_max3A_632 : vector<16xi32>
      %reduce_max3A_634 = tpu.scan <max>, %reduce_max3A_633 masked %reduce_max3A_630 : vector<16xi32>, vector<16xi1> -> vector<16xi32>
      %reduce_max3A_635 = arith.xori %reduce_max3A_634, %reduce_max3A_632 : vector<16xi32>
      %reduce_max3A_636 = vector.extract %reduce_max3A_635[15] : i32 from vector<16xi32>
      %add3A_637 = arith.addi %while3A_611, %reduce_max3A_636 : i32
      %all_reduce_population_count3A_638 = tpu.all_reduce %and3A_623 {dim = 0 : i64, kind = #tpu.reduction_kind<sum>} : vector<16xi1> -> vector<16xi32>
      %reduce_max3A_639 = arith.constant true
      %reduce_max3A_640 = vector.broadcast %reduce_max3A_639 : i1 to vector<16xi1>
      %reduce_max3A_641 = arith.constant -2147483648 : i32
      %reduce_max3A_642 = vector.broadcast %reduce_max3A_641 : i32 to vector<16xi32>
      %reduce_max3A_643 = arith.xori %all_reduce_population_count3A_638, %reduce_max3A_642 : vector<16xi32>
      %reduce_max3A_644 = tpu.scan <max>, %reduce_max3A_643 masked %reduce_max3A_640 : vector<16xi32>, vector<16xi1> -> vector<16xi32>
      %reduce_max3A_645 = arith.xori %reduce_max3A_644, %reduce_max3A_642 : vector<16xi32>
      %reduce_max3A_646 = vector.extract %reduce_max3A_645[15] : i32 from vector<16xi32>
      %add3A_647 = arith.addi %while3A_612, %reduce_max3A_646 : i32
      scf.yield %add3A_637, %add3A_647 : i32, i32
    }
    %while3A_549 = arith.constant 1 : i32
    %while3A_550:2 = scf.for %while3A_610 = %while3A_546 to %while3A_542 step %while3A_549 iter_args(%while3A_611 = %while3A_548#0, %while3A_612 = %while3A_548#1) -> (i32, i32)  : i32 {
      %mul3A_613 = arith.constant 16 : i32
      %mul3A_614 = arith.muli %while3A_610, %mul3A_613 : i32
      %get3A = arith.index_cast %mul3A_614 : i32 to index
      %get3A_615 = tpu.vector_load %arg6[%get3A] {strides = array<i32>} : memref<32784xi32, #tpu.memory_space<vmem>>, vector<16xi32>,
      %mul3A_616 = arith.constant 16 : i32
      %mul3A_617 = arith.muli %while3A_610, %mul3A_616 : i32
      %get3A_618 = arith.index_cast %mul3A_617 : i32 to index
      %get3A_619 = tpu.vector_load %arg7[%get3A_618] {strides = array<i32>} : memref<32784xi32, #tpu.memory_space<vmem>>, vector<16xi32>,
      %broadcast_in_dim3A_620 = vector.broadcast %while3A_610 : i32 to vector<16xi32>
      %lt3A = arith.cmpi slt, %broadcast_in_dim3A_620, %scan3A_365#0 : vector<16xi32>
      %gt3A = arith.cmpi sgt, %get3A_615, %broadcast_in_dim3A_537 : vector<16xi32>
      %and3A_621 = arith.andi %gt3A, %lt3A : vector<16xi1>
      %eq3A_622 = arith.cmpi eq, %get3A_615, %broadcast_in_dim3A_537 : vector<16xi32>
      %and3A_623 = arith.andi %eq3A_622, %lt3A : vector<16xi1>
      %swap3A = arith.index_cast %while3A_611 : i32 to index
      %swap3A_624 = tpu.vector_load %arg11[%swap3A] masked %and3A_621 {strides = array<i32>} : memref<272xi32, #tpu.memory_space<vmem>>, vector<16xi32>, vector<16xi1>
      tpu.vector_store %arg11[%swap3A], %get3A_615 masked %and3A_621 {strides = array<i32>} : memref<272xi32, #tpu.memory_space<vmem>>, vector<16xi32>, vector<16xi1>
      %swap3A_625 = arith.index_cast %while3A_611 : i32 to index
      %swap3A_626 = tpu.vector_load %arg12[%swap3A_625] masked %and3A_621 {strides = array<i32>} : memref<272xi32, #tpu.memory_space<vmem>>, vector<16xi32>, vector<16xi1>
      tpu.vector_store %arg12[%swap3A_625], %get3A_619 masked %and3A_621 {strides = array<i32>} : memref<272xi32, #tpu.memory_space<vmem>>, vector<16xi32>, vector<16xi1>
      %swap3A_627 = arith.index_cast %while3A_612 : i32 to index
      %swap3A_628 = tpu.vector_load %arg10[%swap3A_627] masked %and3A_623 {strides = array<i32>} : memref<4096xi32, #tpu.memory_space<vmem>>, vector<16xi32>, vector<16xi1>
      tpu.vector_store %arg10[%swap3A_627], %get3A_619 masked %and3A_623 {strides = array<i32>} : memref<4096xi32, #tpu.memory_space<vmem>>, vector<16xi32>, vector<16xi1>
      %all_reduce_population_count3A = tpu.all_reduce %and3A_621 {dim = 0 : i64, kind = #tpu.reduction_kind<sum>} : vector<16xi1> -> vector<16xi32>
      %reduce_max3A_629 = arith.constant true
      %reduce_max3A_630 = vector.broadcast %reduce_max3A_629 : i1 to vector<16xi1>
      %reduce_max3A_631 = arith.constant -2147483648 : i32
      %reduce_max3A_632 = vector.broadcast %reduce_max3A_631 : i32 to vector<16xi32>
      %reduce_max3A_633 = arith.xori %all_reduce_population_count3A, %reduce_max3A_632 : vector<16xi32>
      %reduce_max3A_634 = tpu.scan <max>, %reduce_max3A_633 masked %reduce_max3A_630 : vector<16xi32>, vector<16xi1> -> vector<16xi32>
      %reduce_max3A_635 = arith.xori %reduce_max3A_634, %reduce_max3A_632 : vector<16xi32>
      %reduce_max3A_636 = vector.extract %reduce_max3A_635[15] : i32 from vector<16xi32>
      %add3A_637 = arith.addi %while3A_611, %reduce_max3A_636 : i32
      %all_reduce_population_count3A_638 = tpu.all_reduce %and3A_623 {dim = 0 : i64, kind = #tpu.reduction_kind<sum>} : vector<16xi1> -> vector<16xi32>
      %reduce_max3A_639 = arith.constant true
      %reduce_max3A_640 = vector.broadcast %reduce_max3A_639 : i1 to vector<16xi1>
      %reduce_max3A_641 = arith.constant -2147483648 : i32
      %reduce_max3A_642 = vector.broadcast %reduce_max3A_641 : i32 to vector<16xi32>
      %reduce_max3A_643 = arith.xori %all_reduce_population_count3A_638, %reduce_max3A_642 : vector<16xi32>
      %reduce_max3A_644 = tpu.scan <max>, %reduce_max3A_643 masked %reduce_max3A_640 : vector<16xi32>, vector<16xi1> -> vector<16xi32>
      %reduce_max3A_645 = arith.xori %reduce_max3A_644, %reduce_max3A_642 : vector<16xi32>
      %reduce_max3A_646 = vector.extract %reduce_max3A_645[15] : i32 from vector<16xi32>
      %add3A_647 = arith.addi %while3A_612, %reduce_max3A_646 : i32
      scf.yield %add3A_637, %add3A_647 : i32, i32
    }
    %broadcast_in_dim3A_551 = vector.broadcast %while3A_550#0 : i32 to vector<16xi32>
    %broadcast_in_dim3A_552 = vector.broadcast %sub3A_533 : i32 to vector<16xi32>
    %broadcast_in_dim3A_553 = vector.broadcast %while3A_550#1 : i32 to vector<16xi32>
    %add3A_554 = arith.constant 16 : i32
    %add3A_555 = arith.addi %while3A_550#1, %add3A_554 : i32
    %sub3A_556 = arith.constant 1 : i32
    %sub3A_557 = arith.subi %add3A_555, %sub3A_556 : i32
    %jit3A_558 = arith.constant 16 : i32
    %div3A_559 = arith.divsi %sub3A_557, %jit3A_558 : i32
    %sign3A_560 = arith.constant 0 : i32
    %sign3A_561 = arith.cmpi sgt, %sub3A_557, %sign3A_560 : i32
    %sign3A_562 = arith.extui %sign3A_561 : i1 to i32
    %sign3A_563 = arith.constant 0 : i32
    %sign3A_564 = arith.cmpi slt, %sub3A_557, %sign3A_563 : i32
    %sign3A_565 = arith.extui %sign3A_564 : i1 to i32
    %sign3A_566 = arith.subi %sign3A_562, %sign3A_565 : i32
    %sign3A_567 = arith.constant 0 : i32
    %sign3A_568 = arith.cmpi sgt, %jit3A_558, %sign3A_567 : i32
    %sign3A_569 = arith.extui %sign3A_568 : i1 to i32
    %sign3A_570 = arith.constant 0 : i32
    %sign3A_571 = arith.cmpi slt, %jit3A_558, %sign3A_570 : i32
    %sign3A_572 = arith.extui %sign3A_571 : i1 to i32
    %sign3A_573 = arith.subi %sign3A_569, %sign3A_572 : i32
    %ne3A_574 = arith.cmpi ne, %sign3A_566, %sign3A_573 : i32
    %rem3A_575 = arith.remsi %sub3A_557, %jit3A_558 : i32
    %ne3A_576 = arith.constant 0 : i32
    %ne3A_577 = arith.cmpi ne, %rem3A_575, %ne3A_576 : i32
    %and3A_578 = arith.andi %ne3A_574, %ne3A_577 : i1
    %sub3A_579 = arith.constant 1 : i32
    %sub3A_580 = arith.subi %div3A_559, %sub3A_579 : i32
    %select_n3A_581 = arith.select %and3A_578, %sub3A_580, %div3A_559 : i32
    %while3A_582 = arith.constant 0 : i32
    %while3A_583 = arith.constant 0 : i32
    %while3A_584 = arith.subi %while3A_550#1, %while3A_582 : i32
    %while3A_585 = arith.addi %while3A_582, %while3A_584 : i32
    %while3A_586 = arith.constant 1 : i32
    %while3A_587 = arith.divsi %while3A_584, %while3A_586 : i32
    %while3A_588 = arith.muli %while3A_587, %while3A_586 : i32
    %while3A_589 = arith.addi %while3A_582, %while3A_588 : i32
    %while3A_590 = arith.constant 1 : i32
    %while3A_591 = scf.for %while3A_610 = %while3A_582 to %while3A_589 step %while3A_590 iter_args(%while3A_611 = %while3A_583) -> (i32)  : i32 {
      %broadcast_in_dim3A_612 = vector.broadcast %while3A_610 : i32 to vector<16xi32>
      %gather3A_613 = tpu.vector_load_idx %arg10[%broadcast_in_dim3A_612] : memref<4096xi32, #tpu.memory_space<vmem>>[vector<16xi32>], vector<16xi32>,
      %reduce_max3A_614 = arith.constant true
      %reduce_max3A_615 = vector.broadcast %reduce_max3A_614 : i1 to vector<16xi1>
      %reduce_max3A_616 = arith.constant -2147483648 : i32
      %reduce_max3A_617 = vector.broadcast %reduce_max3A_616 : i32 to vector<16xi32>
      %reduce_max3A_618 = arith.xori %gather3A_613, %reduce_max3A_617 : vector<16xi32>
      %reduce_max3A_619 = tpu.scan <max>, %reduce_max3A_618 masked %reduce_max3A_615 : vector<16xi32>, vector<16xi1> -> vector<16xi32>
      %reduce_max3A_620 = arith.xori %reduce_max3A_619, %reduce_max3A_617 : vector<16xi32>
      %reduce_max3A_621 = vector.extract %reduce_max3A_620[15] : i32 from vector<16xi32>
      %broadcast_in_dim3A_622 = vector.broadcast %reduce_max3A_621 : i32 to vector<16xi32>
      %broadcast_in_dim3A_623 = arith.constant 0 : i32
      %broadcast_in_dim3A_624 = vector.broadcast %broadcast_in_dim3A_623 : i32 to vector<16xi32>
      %while3A_625 = arith.constant 0 : i32
      %while3A_626 = arith.subi %select_n3A_581, %while3A_625 : i32
      %while3A_627 = arith.addi %while3A_625, %while3A_626 : i32
      %while3A_628 = arith.constant 1 : i32
      %while3A_629 = arith.divsi %while3A_626, %while3A_628 : i32
      %while3A_630 = arith.muli %while3A_629, %while3A_628 : i32
      %while3A_631 = arith.addi %while3A_625, %while3A_630 : i32
      %while3A_632 = arith.constant 1 : i32
      %while3A_633 = scf.for %while3A_644 = %while3A_625 to %while3A_631 step %while3A_632 iter_args(%while3A_645 = %broadcast_in_dim3A_624) -> (vector<16xi32>)  : i32 {
        %mul3A_646 = arith.constant 16 : i32
        %mul3A_647 = arith.muli %while3A_644, %mul3A_646 : i32
        %get3A = arith.index_cast %mul3A_647 : i32 to index
        %get3A_648 = tpu.vector_load %arg10[%get3A] {strides = array<i32>} : memref<4096xi32, #tpu.memory_space<vmem>>, vector<16xi32>,
        %mul3A_649 = arith.constant 16 : i32
        %mul3A_650 = arith.muli %while3A_644, %mul3A_649 : i32
        %broadcast_in_dim3A_651 = vector.broadcast %mul3A_650 : i32 to vector<16xi32>
        %add3A_652 = arith.addi %broadcast_in_dim3A_651, %iota3A_301 : vector<16xi32>
        %lt3A_653 = arith.cmpi slt, %add3A_652, %broadcast_in_dim3A_553 : vector<16xi32>
        %lt3A_654 = arith.cmpi slt, %get3A_648, %broadcast_in_dim3A_622 : vector<16xi32>
        %and3A_655 = arith.andi %lt3A_654, %lt3A_653 : vector<16xi1>
        %convert_element_type3A = arith.extui %and3A_655 : vector<16xi1> to vector<16xi32>
        %add3A_656 = arith.addi %while3A_645, %convert_element_type3A : vector<16xi32>
        scf.yield %add3A_656 : vector<16xi32>
      }
      %while3A_634 = arith.constant 1 : i32
      %while3A_635 = scf.for %while3A_644 = %while3A_631 to %while3A_627 step %while3A_634 iter_args(%while3A_645 = %while3A_633) -> (vector<16xi32>)  : i32 {
        %mul3A_646 = arith.constant 16 : i32
        %mul3A_647 = arith.muli %while3A_644, %mul3A_646 : i32
        %get3A = arith.index_cast %mul3A_647 : i32 to index
        %get3A_648 = tpu.vector_load %arg10[%get3A] {strides = array<i32>} : memref<4096xi32, #tpu.memory_space<vmem>>, vector<16xi32>,
        %mul3A_649 = arith.constant 16 : i32
        %mul3A_650 = arith.muli %while3A_644, %mul3A_649 : i32
        %broadcast_in_dim3A_651 = vector.broadcast %mul3A_650 : i32 to vector<16xi32>
        %add3A_652 = arith.addi %broadcast_in_dim3A_651, %iota3A_301 : vector<16xi32>
        %lt3A_653 = arith.cmpi slt, %add3A_652, %broadcast_in_dim3A_553 : vector<16xi32>
        %lt3A_654 = arith.cmpi slt, %get3A_648, %broadcast_in_dim3A_622 : vector<16xi32>
        %and3A_655 = arith.andi %lt3A_654, %lt3A_653 : vector<16xi1>
        %convert_element_type3A = arith.extui %and3A_655 : vector<16xi1> to vector<16xi32>
        %add3A_656 = arith.addi %while3A_645, %convert_element_type3A : vector<16xi32>
        scf.yield %add3A_656 : vector<16xi32>
      }
      %reduce_sum3A = arith.constant true
      %reduce_sum3A_636 = vector.broadcast %reduce_sum3A : i1 to vector<16xi1>
      %reduce_sum3A_637 = tpu.scan <sum>, %while3A_635 masked %reduce_sum3A_636 : vector<16xi32>, vector<16xi1> -> vector<16xi32>
      %reduce_sum3A_638 = vector.extract %reduce_sum3A_637[15] : i32 from vector<16xi32>
      %broadcast_in_dim3A_639 = vector.broadcast %reduce_sum3A_638 : i32 to vector<16xi32>
      %lt3A = arith.cmpi slt, %broadcast_in_dim3A_639, %broadcast_in_dim3A_552 : vector<16xi32>
      %and3A_640 = arith.andi %eq3A_322, %lt3A : vector<16xi1>
      %add3A_641 = arith.addi %broadcast_in_dim3A_551, %broadcast_in_dim3A_639 : vector<16xi32>
      tpu.vector_store_idx %arg11[%add3A_641], %broadcast_in_dim3A_537 masked %and3A_640 : memref<272xi32, #tpu.memory_space<vmem>>[vector<16xi32>], vector<16xi32>, vector<16xi1>
      %add3A_642 = arith.addi %broadcast_in_dim3A_551, %broadcast_in_dim3A_639 : vector<16xi32>
      tpu.vector_store_idx %arg12[%add3A_642], %broadcast_in_dim3A_622 masked %and3A_640 : memref<272xi32, #tpu.memory_space<vmem>>[vector<16xi32>], vector<16xi32>, vector<16xi1>
      %while3A_643 = arith.constant 0 : i32
      scf.yield %while3A_643 : i32
    }
    %while3A_592 = arith.constant 1 : i32
    %while3A_593 = scf.for %while3A_610 = %while3A_589 to %while3A_585 step %while3A_592 iter_args(%while3A_611 = %while3A_591) -> (i32)  : i32 {
      %broadcast_in_dim3A_612 = vector.broadcast %while3A_610 : i32 to vector<16xi32>
      %gather3A_613 = tpu.vector_load_idx %arg10[%broadcast_in_dim3A_612] : memref<4096xi32, #tpu.memory_space<vmem>>[vector<16xi32>], vector<16xi32>,
      %reduce_max3A_614 = arith.constant true
      %reduce_max3A_615 = vector.broadcast %reduce_max3A_614 : i1 to vector<16xi1>
      %reduce_max3A_616 = arith.constant -2147483648 : i32
      %reduce_max3A_617 = vector.broadcast %reduce_max3A_616 : i32 to vector<16xi32>
      %reduce_max3A_618 = arith.xori %gather3A_613, %reduce_max3A_617 : vector<16xi32>
      %reduce_max3A_619 = tpu.scan <max>, %reduce_max3A_618 masked %reduce_max3A_615 : vector<16xi32>, vector<16xi1> -> vector<16xi32>
      %reduce_max3A_620 = arith.xori %reduce_max3A_619, %reduce_max3A_617 : vector<16xi32>
      %reduce_max3A_621 = vector.extract %reduce_max3A_620[15] : i32 from vector<16xi32>
      %broadcast_in_dim3A_622 = vector.broadcast %reduce_max3A_621 : i32 to vector<16xi32>
      %broadcast_in_dim3A_623 = arith.constant 0 : i32
      %broadcast_in_dim3A_624 = vector.broadcast %broadcast_in_dim3A_623 : i32 to vector<16xi32>
      %while3A_625 = arith.constant 0 : i32
      %while3A_626 = arith.subi %select_n3A_581, %while3A_625 : i32
      %while3A_627 = arith.addi %while3A_625, %while3A_626 : i32
      %while3A_628 = arith.constant 1 : i32
      %while3A_629 = arith.divsi %while3A_626, %while3A_628 : i32
      %while3A_630 = arith.muli %while3A_629, %while3A_628 : i32
      %while3A_631 = arith.addi %while3A_625, %while3A_630 : i32
      %while3A_632 = arith.constant 1 : i32
      %while3A_633 = scf.for %while3A_644 = %while3A_625 to %while3A_631 step %while3A_632 iter_args(%while3A_645 = %broadcast_in_dim3A_624) -> (vector<16xi32>)  : i32 {
        %mul3A_646 = arith.constant 16 : i32
        %mul3A_647 = arith.muli %while3A_644, %mul3A_646 : i32
        %get3A = arith.index_cast %mul3A_647 : i32 to index
        %get3A_648 = tpu.vector_load %arg10[%get3A] {strides = array<i32>} : memref<4096xi32, #tpu.memory_space<vmem>>, vector<16xi32>,
        %mul3A_649 = arith.constant 16 : i32
        %mul3A_650 = arith.muli %while3A_644, %mul3A_649 : i32
        %broadcast_in_dim3A_651 = vector.broadcast %mul3A_650 : i32 to vector<16xi32>
        %add3A_652 = arith.addi %broadcast_in_dim3A_651, %iota3A_301 : vector<16xi32>
        %lt3A_653 = arith.cmpi slt, %add3A_652, %broadcast_in_dim3A_553 : vector<16xi32>
        %lt3A_654 = arith.cmpi slt, %get3A_648, %broadcast_in_dim3A_622 : vector<16xi32>
        %and3A_655 = arith.andi %lt3A_654, %lt3A_653 : vector<16xi1>
        %convert_element_type3A = arith.extui %and3A_655 : vector<16xi1> to vector<16xi32>
        %add3A_656 = arith.addi %while3A_645, %convert_element_type3A : vector<16xi32>
        scf.yield %add3A_656 : vector<16xi32>
      }
      %while3A_634 = arith.constant 1 : i32
      %while3A_635 = scf.for %while3A_644 = %while3A_631 to %while3A_627 step %while3A_634 iter_args(%while3A_645 = %while3A_633) -> (vector<16xi32>)  : i32 {
        %mul3A_646 = arith.constant 16 : i32
        %mul3A_647 = arith.muli %while3A_644, %mul3A_646 : i32
        %get3A = arith.index_cast %mul3A_647 : i32 to index
        %get3A_648 = tpu.vector_load %arg10[%get3A] {strides = array<i32>} : memref<4096xi32, #tpu.memory_space<vmem>>, vector<16xi32>,
        %mul3A_649 = arith.constant 16 : i32
        %mul3A_650 = arith.muli %while3A_644, %mul3A_649 : i32
        %broadcast_in_dim3A_651 = vector.broadcast %mul3A_650 : i32 to vector<16xi32>
        %add3A_652 = arith.addi %broadcast_in_dim3A_651, %iota3A_301 : vector<16xi32>
        %lt3A_653 = arith.cmpi slt, %add3A_652, %broadcast_in_dim3A_553 : vector<16xi32>
        %lt3A_654 = arith.cmpi slt, %get3A_648, %broadcast_in_dim3A_622 : vector<16xi32>
        %and3A_655 = arith.andi %lt3A_654, %lt3A_653 : vector<16xi1>
        %convert_element_type3A = arith.extui %and3A_655 : vector<16xi1> to vector<16xi32>
        %add3A_656 = arith.addi %while3A_645, %convert_element_type3A : vector<16xi32>
        scf.yield %add3A_656 : vector<16xi32>
      }
      %reduce_sum3A = arith.constant true
      %reduce_sum3A_636 = vector.broadcast %reduce_sum3A : i1 to vector<16xi1>
      %reduce_sum3A_637 = tpu.scan <sum>, %while3A_635 masked %reduce_sum3A_636 : vector<16xi32>, vector<16xi1> -> vector<16xi32>
      %reduce_sum3A_638 = vector.extract %reduce_sum3A_637[15] : i32 from vector<16xi32>
      %broadcast_in_dim3A_639 = vector.broadcast %reduce_sum3A_638 : i32 to vector<16xi32>
      %lt3A = arith.cmpi slt, %broadcast_in_dim3A_639, %broadcast_in_dim3A_552 : vector<16xi32>
      %and3A_640 = arith.andi %eq3A_322, %lt3A : vector<16xi1>
      %add3A_641 = arith.addi %broadcast_in_dim3A_551, %broadcast_in_dim3A_639 : vector<16xi32>
      tpu.vector_store_idx %arg11[%add3A_641], %broadcast_in_dim3A_537 masked %and3A_640 : memref<272xi32, #tpu.memory_space<vmem>>[vector<16xi32>], vector<16xi32>, vector<16xi1>
      %add3A_642 = arith.addi %broadcast_in_dim3A_551, %broadcast_in_dim3A_639 : vector<16xi32>
      tpu.vector_store_idx %arg12[%add3A_642], %broadcast_in_dim3A_622 masked %and3A_640 : memref<272xi32, #tpu.memory_space<vmem>>[vector<16xi32>], vector<16xi32>, vector<16xi1>
      %while3A_643 = arith.constant 0 : i32
      scf.yield %while3A_643 : i32
    }
    %broadcast_in_dim3A_594 = arith.constant 0 : i32
    %broadcast_in_dim3A_595 = vector.broadcast %broadcast_in_dim3A_594 : i32 to vector<16xi32>
    %scan3A_596 = arith.constant 0 : i32
    %scan3A_597 = arith.constant 0 : i32
    %scan3A_598 = arith.constant 64 : i32
    %scan3A_599 = arith.addi %scan3A_597, %scan3A_598 : i32
    %scan3A_600 = arith.constant 1 : i32
    %scan3A_601 = scf.for %scan3A_610 = %scan3A_597 to %scan3A_599 step %scan3A_600 iter_args(%scan3A_611 = %scan3A_596) -> (i32)  : i32 {
      %mul3A_612 = arith.constant 4 : i32
      %mul3A_613 = arith.muli %scan3A_610, %mul3A_612 : i32
      %add3A_614 = arith.constant 0 : i32
      %add3A_615 = arith.addi %mul3A_613, %add3A_614 : i32
      %broadcast_in_dim3A_616 = vector.broadcast %add3A_615 : i32 to vector<16xi32>
      %gather3A_617 = tpu.vector_load_idx %arg11[%broadcast_in_dim3A_616] : memref<272xi32, #tpu.memory_space<vmem>>[vector<16xi32>], vector<16xi32>,
      %reduce_max3A_618 = arith.constant true
      %reduce_max3A_619 = vector.broadcast %reduce_max3A_618 : i1 to vector<16xi1>
      %reduce_max3A_620 = arith.constant -2147483648 : i32
      %reduce_max3A_621 = vector.broadcast %reduce_max3A_620 : i32 to vector<16xi32>
      %reduce_max3A_622 = arith.xori %gather3A_617, %reduce_max3A_621 : vector<16xi32>
      %reduce_max3A_623 = tpu.scan <max>, %reduce_max3A_622 masked %reduce_max3A_619 : vector<16xi32>, vector<16xi1> -> vector<16xi32>
      %reduce_max3A_624 = arith.xori %reduce_max3A_623, %reduce_max3A_621 : vector<16xi32>
      %reduce_max3A_625 = vector.extract %reduce_max3A_624[15] : i32 from vector<16xi32>
      %broadcast_in_dim3A_626 = vector.broadcast %reduce_max3A_625 : i32 to vector<16xi32>
      %add3A_627 = arith.constant 1 : i32
      %add3A_628 = arith.addi %mul3A_613, %add3A_627 : i32
      %broadcast_in_dim3A_629 = vector.broadcast %add3A_628 : i32 to vector<16xi32>
      %gather3A_630 = tpu.vector_load_idx %arg11[%broadcast_in_dim3A_629] : memref<272xi32, #tpu.memory_space<vmem>>[vector<16xi32>], vector<16xi32>,
      %reduce_max3A_631 = arith.constant true
      %reduce_max3A_632 = vector.broadcast %reduce_max3A_631 : i1 to vector<16xi1>
      %reduce_max3A_633 = arith.constant -2147483648 : i32
      %reduce_max3A_634 = vector.broadcast %reduce_max3A_633 : i32 to vector<16xi32>
      %reduce_max3A_635 = arith.xori %gather3A_630, %reduce_max3A_634 : vector<16xi32>
      %reduce_max3A_636 = tpu.scan <max>, %reduce_max3A_635 masked %reduce_max3A_632 : vector<16xi32>, vector<16xi1> -> vector<16xi32>
      %reduce_max3A_637 = arith.xori %reduce_max3A_636, %reduce_max3A_634 : vector<16xi32>
      %reduce_max3A_638 = vector.extract %reduce_max3A_637[15] : i32 from vector<16xi32>
      %broadcast_in_dim3A_639 = vector.broadcast %reduce_max3A_638 : i32 to vector<16xi32>
      %add3A_640 = arith.constant 2 : i32
      %add3A_641 = arith.addi %mul3A_613, %add3A_640 : i32
      %broadcast_in_dim3A_642 = vector.broadcast %add3A_641 : i32 to vector<16xi32>
      %gather3A_643 = tpu.vector_load_idx %arg11[%broadcast_in_dim3A_642] : memref<272xi32, #tpu.memory_space<vmem>>[vector<16xi32>], vector<16xi32>,
      %reduce_max3A_644 = arith.constant true
      %reduce_max3A_645 = vector.broadcast %reduce_max3A_644 : i1 to vector<16xi1>
      %reduce_max3A_646 = arith.constant -2147483648 : i32
      %reduce_max3A_647 = vector.broadcast %reduce_max3A_646 : i32 to vector<16xi32>
      %reduce_max3A_648 = arith.xori %gather3A_643, %reduce_max3A_647 : vector<16xi32>
      %reduce_max3A_649 = tpu.scan <max>, %reduce_max3A_648 masked %reduce_max3A_645 : vector<16xi32>, vector<16xi1> -> vector<16xi32>
      %reduce_max3A_650 = arith.xori %reduce_max3A_649, %reduce_max3A_647 : vector<16xi32>
      %reduce_max3A_651 = vector.extract %reduce_max3A_650[15] : i32 from vector<16xi32>
      %broadcast_in_dim3A_652 = vector.broadcast %reduce_max3A_651 : i32 to vector<16xi32>
      %add3A_653 = arith.constant 3 : i32
      %add3A_654 = arith.addi %mul3A_613, %add3A_653 : i32
      %broadcast_in_dim3A_655 = vector.broadcast %add3A_654 : i32 to vector<16xi32>
      %gather3A_656 = tpu.vector_load_idx %arg11[%broadcast_in_dim3A_655] : memref<272xi32, #tpu.memory_space<vmem>>[vector<16xi32>], vector<16xi32>,
      %reduce_max3A_657 = arith.constant true
      %reduce_max3A_658 = vector.broadcast %reduce_max3A_657 : i1 to vector<16xi1>
      %reduce_max3A_659 = arith.constant -2147483648 : i32
      %reduce_max3A_660 = vector.broadcast %reduce_max3A_659 : i32 to vector<16xi32>
      %reduce_max3A_661 = arith.xori %gather3A_656, %reduce_max3A_660 : vector<16xi32>
      %reduce_max3A_662 = tpu.scan <max>, %reduce_max3A_661 masked %reduce_max3A_658 : vector<16xi32>, vector<16xi1> -> vector<16xi32>
      %reduce_max3A_663 = arith.xori %reduce_max3A_662, %reduce_max3A_660 : vector<16xi32>
      %reduce_max3A_664 = vector.extract %reduce_max3A_663[15] : i32 from vector<16xi32>
      %broadcast_in_dim3A_665 = vector.broadcast %reduce_max3A_664 : i32 to vector<16xi32>
      %add3A_666 = arith.constant 0 : i32
      %add3A_667 = arith.addi %mul3A_613, %add3A_666 : i32
      %broadcast_in_dim3A_668 = vector.broadcast %add3A_667 : i32 to vector<16xi32>
      %gather3A_669 = tpu.vector_load_idx %arg12[%broadcast_in_dim3A_668] : memref<272xi32, #tpu.memory_space<vmem>>[vector<16xi32>], vector<16xi32>,
      %reduce_max3A_670 = arith.constant true
      %reduce_max3A_671 = vector.broadcast %reduce_max3A_670 : i1 to vector<16xi1>
      %reduce_max3A_672 = arith.constant -2147483648 : i32
      %reduce_max3A_673 = vector.broadcast %reduce_max3A_672 : i32 to vector<16xi32>
      %reduce_max3A_674 = arith.xori %gather3A_669, %reduce_max3A_673 : vector<16xi32>
      %reduce_max3A_675 = tpu.scan <max>, %reduce_max3A_674 masked %reduce_max3A_671 : vector<16xi32>, vector<16xi1> -> vector<16xi32>
      %reduce_max3A_676 = arith.xori %reduce_max3A_675, %reduce_max3A_673 : vector<16xi32>
      %reduce_max3A_677 = vector.extract %reduce_max3A_676[15] : i32 from vector<16xi32>
      %broadcast_in_dim3A_678 = vector.broadcast %reduce_max3A_677 : i32 to vector<16xi32>
      %add3A_679 = arith.constant 1 : i32
      %add3A_680 = arith.addi %mul3A_613, %add3A_679 : i32
      %broadcast_in_dim3A_681 = vector.broadcast %add3A_680 : i32 to vector<16xi32>
      %gather3A_682 = tpu.vector_load_idx %arg12[%broadcast_in_dim3A_681] : memref<272xi32, #tpu.memory_space<vmem>>[vector<16xi32>], vector<16xi32>,
      %reduce_max3A_683 = arith.constant true
      %reduce_max3A_684 = vector.broadcast %reduce_max3A_683 : i1 to vector<16xi1>
      %reduce_max3A_685 = arith.constant -2147483648 : i32
      %reduce_max3A_686 = vector.broadcast %reduce_max3A_685 : i32 to vector<16xi32>
      %reduce_max3A_687 = arith.xori %gather3A_682, %reduce_max3A_686 : vector<16xi32>
      %reduce_max3A_688 = tpu.scan <max>, %reduce_max3A_687 masked %reduce_max3A_684 : vector<16xi32>, vector<16xi1> -> vector<16xi32>
      %reduce_max3A_689 = arith.xori %reduce_max3A_688, %reduce_max3A_686 : vector<16xi32>
      %reduce_max3A_690 = vector.extract %reduce_max3A_689[15] : i32 from vector<16xi32>
      %broadcast_in_dim3A_691 = vector.broadcast %reduce_max3A_690 : i32 to vector<16xi32>
      %add3A_692 = arith.constant 2 : i32
      %add3A_693 = arith.addi %mul3A_613, %add3A_692 : i32
      %broadcast_in_dim3A_694 = vector.broadcast %add3A_693 : i32 to vector<16xi32>
      %gather3A_695 = tpu.vector_load_idx %arg12[%broadcast_in_dim3A_694] : memref<272xi32, #tpu.memory_space<vmem>>[vector<16xi32>], vector<16xi32>,
      %reduce_max3A_696 = arith.constant true
      %reduce_max3A_697 = vector.broadcast %reduce_max3A_696 : i1 to vector<16xi1>
      %reduce_max3A_698 = arith.constant -2147483648 : i32
      %reduce_max3A_699 = vector.broadcast %reduce_max3A_698 : i32 to vector<16xi32>
      %reduce_max3A_700 = arith.xori %gather3A_695, %reduce_max3A_699 : vector<16xi32>
      %reduce_max3A_701 = tpu.scan <max>, %reduce_max3A_700 masked %reduce_max3A_697 : vector<16xi32>, vector<16xi1> -> vector<16xi32>
      %reduce_max3A_702 = arith.xori %reduce_max3A_701, %reduce_max3A_699 : vector<16xi32>
      %reduce_max3A_703 = vector.extract %reduce_max3A_702[15] : i32 from vector<16xi32>
      %broadcast_in_dim3A_704 = vector.broadcast %reduce_max3A_703 : i32 to vector<16xi32>
      %add3A_705 = arith.constant 3 : i32
      %add3A_706 = arith.addi %mul3A_613, %add3A_705 : i32
      %broadcast_in_dim3A_707 = vector.broadcast %add3A_706 : i32 to vector<16xi32>
      %gather3A_708 = tpu.vector_load_idx %arg12[%broadcast_in_dim3A_707] : memref<272xi32, #tpu.memory_space<vmem>>[vector<16xi32>], vector<16xi32>,
      %reduce_max3A_709 = arith.constant true
      %reduce_max3A_710 = vector.broadcast %reduce_max3A_709 : i1 to vector<16xi1>
      %reduce_max3A_711 = arith.constant -2147483648 : i32
      %reduce_max3A_712 = vector.broadcast %reduce_max3A_711 : i32 to vector<16xi32>
      %reduce_max3A_713 = arith.xori %gather3A_708, %reduce_max3A_712 : vector<16xi32>
      %reduce_max3A_714 = tpu.scan <max>, %reduce_max3A_713 masked %reduce_max3A_710 : vector<16xi32>, vector<16xi1> -> vector<16xi32>
      %reduce_max3A_715 = arith.xori %reduce_max3A_714, %reduce_max3A_712 : vector<16xi32>
      %reduce_max3A_716 = vector.extract %reduce_max3A_715[15] : i32 from vector<16xi32>
      %broadcast_in_dim3A_717 = vector.broadcast %reduce_max3A_716 : i32 to vector<16xi32>
      %scan3A_718 = arith.constant 0 : i32
      %scan3A_719 = arith.constant 16 : i32
      %scan3A_720 = arith.addi %scan3A_718, %scan3A_719 : i32
      %scan3A_721 = arith.constant 1 : i32
      %scan3A_722:4 = scf.for %scan3A_744 = %scan3A_718 to %scan3A_720 step %scan3A_721 iter_args(%scan3A_745 = %broadcast_in_dim3A_595, %scan3A_746 = %broadcast_in_dim3A_595, %scan3A_747 = %broadcast_in_dim3A_595, %scan3A_748 = %broadcast_in_dim3A_595) -> (vector<16xi32>, vector<16xi32>, vector<16xi32>, vector<16xi32>)  : i32 {
        %mul3A_749 = arith.constant 16 : i32
        %mul3A_750 = arith.muli %scan3A_744, %mul3A_749 : i32
        %get3A = arith.index_cast %mul3A_750 : i32 to index
        %get3A_751 = tpu.vector_load %arg11[%get3A] {strides = array<i32>} : memref<272xi32, #tpu.memory_space<vmem>>, vector<16xi32>,
        %mul3A_752 = arith.constant 16 : i32
        %mul3A_753 = arith.muli %scan3A_744, %mul3A_752 : i32
        %get3A_754 = arith.index_cast %mul3A_753 : i32 to index
        %get3A_755 = tpu.vector_load %arg12[%get3A_754] {strides = array<i32>} : memref<272xi32, #tpu.memory_space<vmem>>, vector<16xi32>,
        %gt3A = arith.cmpi sgt, %get3A_751, %broadcast_in_dim3A_626 : vector<16xi32>
        %eq3A_756 = arith.cmpi eq, %get3A_751, %broadcast_in_dim3A_626 : vector<16xi32>
        %lt3A = arith.cmpi slt, %get3A_755, %broadcast_in_dim3A_678 : vector<16xi32>
        %and3A_757 = arith.andi %eq3A_756, %lt3A : vector<16xi1>
        %or3A_758 = arith.ori %gt3A, %and3A_757 : vector<16xi1>
        %convert_element_type3A = arith.extui %or3A_758 : vector<16xi1> to vector<16xi32>
        %add3A_759 = arith.addi %scan3A_745, %convert_element_type3A : vector<16xi32>
        %gt3A_760 = arith.cmpi sgt, %get3A_751, %broadcast_in_dim3A_639 : vector<16xi32>
        %eq3A_761 = arith.cmpi eq, %get3A_751, %broadcast_in_dim3A_639 : vector<16xi32>
        %lt3A_762 = arith.cmpi slt, %get3A_755, %broadcast_in_dim3A_691 : vector<16xi32>
        %and3A_763 = arith.andi %eq3A_761, %lt3A_762 : vector<16xi1>
        %or3A_764 = arith.ori %gt3A_760, %and3A_763 : vector<16xi1>
        %convert_element_type3A_765 = arith.extui %or3A_764 : vector<16xi1> to vector<16xi32>
        %add3A_766 = arith.addi %scan3A_746, %convert_element_type3A_765 : vector<16xi32>
        %gt3A_767 = arith.cmpi sgt, %get3A_751, %broadcast_in_dim3A_652 : vector<16xi32>
        %eq3A_768 = arith.cmpi eq, %get3A_751, %broadcast_in_dim3A_652 : vector<16xi32>
        %lt3A_769 = arith.cmpi slt, %get3A_755, %broadcast_in_dim3A_704 : vector<16xi32>
        %and3A_770 = arith.andi %eq3A_768, %lt3A_769 : vector<16xi1>
        %or3A_771 = arith.ori %gt3A_767, %and3A_770 : vector<16xi1>
        %convert_element_type3A_772 = arith.extui %or3A_771 : vector<16xi1> to vector<16xi32>
        %add3A_773 = arith.addi %scan3A_747, %convert_element_type3A_772 : vector<16xi32>
        %gt3A_774 = arith.cmpi sgt, %get3A_751, %broadcast_in_dim3A_665 : vector<16xi32>
        %eq3A_775 = arith.cmpi eq, %get3A_751, %broadcast_in_dim3A_665 : vector<16xi32>
        %lt3A_776 = arith.cmpi slt, %get3A_755, %broadcast_in_dim3A_717 : vector<16xi32>
        %and3A_777 = arith.andi %eq3A_775, %lt3A_776 : vector<16xi1>
        %or3A_778 = arith.ori %gt3A_774, %and3A_777 : vector<16xi1>
        %convert_element_type3A_779 = arith.extui %or3A_778 : vector<16xi1> to vector<16xi32>
        %add3A_780 = arith.addi %scan3A_748, %convert_element_type3A_779 : vector<16xi32>
        scf.yield %add3A_759, %add3A_766, %add3A_773, %add3A_780 : vector<16xi32>, vector<16xi32>, vector<16xi32>, vector<16xi32>
      }
      %scan3A_723 = arith.constant 16 : i32
      %reduce_sum3A = arith.constant true
      %reduce_sum3A_724 = vector.broadcast %reduce_sum3A : i1 to vector<16xi1>
      %reduce_sum3A_725 = tpu.scan <sum>, %scan3A_722#0 masked %reduce_sum3A_724 : vector<16xi32>, vector<16xi1> -> vector<16xi32>
      %reduce_sum3A_726 = vector.extract %reduce_sum3A_725[15] : i32 from vector<16xi32>
      %broadcast_in_dim3A_727 = vector.broadcast %reduce_sum3A_726 : i32 to vector<16xi32>
      tpu.vector_store_idx %arg13[%broadcast_in_dim3A_727], %broadcast_in_dim3A_626 masked %eq3A_322 : memref<256xi32, #tpu.memory_space<vmem>>[vector<16xi32>], vector<16xi32>, vector<16xi1>
      tpu.vector_store_idx %arg14[%broadcast_in_dim3A_727], %broadcast_in_dim3A_678 masked %eq3A_322 : memref<256xi32, #tpu.memory_space<vmem>>[vector<16xi32>], vector<16xi32>, vector<16xi1>
      %reduce_sum3A_728 = arith.constant true
      %reduce_sum3A_729 = vector.broadcast %reduce_sum3A_728 : i1 to vector<16xi1>
      %reduce_sum3A_730 = tpu.scan <sum>, %scan3A_722#1 masked %reduce_sum3A_729 : vector<16xi32>, vector<16xi1> -> vector<16xi32>
      %reduce_sum3A_731 = vector.extract %reduce_sum3A_730[15] : i32 from vector<16xi32>
      %broadcast_in_dim3A_732 = vector.broadcast %reduce_sum3A_731 : i32 to vector<16xi32>
      tpu.vector_store_idx %arg13[%broadcast_in_dim3A_732], %broadcast_in_dim3A_639 masked %eq3A_322 : memref<256xi32, #tpu.memory_space<vmem>>[vector<16xi32>], vector<16xi32>, vector<16xi1>
      tpu.vector_store_idx %arg14[%broadcast_in_dim3A_732], %broadcast_in_dim3A_691 masked %eq3A_322 : memref<256xi32, #tpu.memory_space<vmem>>[vector<16xi32>], vector<16xi32>, vector<16xi1>
      %reduce_sum3A_733 = arith.constant true
      %reduce_sum3A_734 = vector.broadcast %reduce_sum3A_733 : i1 to vector<16xi1>
      %reduce_sum3A_735 = tpu.scan <sum>, %scan3A_722#2 masked %reduce_sum3A_734 : vector<16xi32>, vector<16xi1> -> vector<16xi32>
      %reduce_sum3A_736 = vector.extract %reduce_sum3A_735[15] : i32 from vector<16xi32>
      %broadcast_in_dim3A_737 = vector.broadcast %reduce_sum3A_736 : i32 to vector<16xi32>
      tpu.vector_store_idx %arg13[%broadcast_in_dim3A_737], %broadcast_in_dim3A_652 masked %eq3A_322 : memref<256xi32, #tpu.memory_space<vmem>>[vector<16xi32>], vector<16xi32>, vector<16xi1>
      tpu.vector_store_idx %arg14[%broadcast_in_dim3A_737], %broadcast_in_dim3A_704 masked %eq3A_322 : memref<256xi32, #tpu.memory_space<vmem>>[vector<16xi32>], vector<16xi32>, vector<16xi1>
      %reduce_sum3A_738 = arith.constant true
      %reduce_sum3A_739 = vector.broadcast %reduce_sum3A_738 : i1 to vector<16xi1>
      %reduce_sum3A_740 = tpu.scan <sum>, %scan3A_722#3 masked %reduce_sum3A_739 : vector<16xi32>, vector<16xi1> -> vector<16xi32>
      %reduce_sum3A_741 = vector.extract %reduce_sum3A_740[15] : i32 from vector<16xi32>
      %broadcast_in_dim3A_742 = vector.broadcast %reduce_sum3A_741 : i32 to vector<16xi32>
      tpu.vector_store_idx %arg13[%broadcast_in_dim3A_742], %broadcast_in_dim3A_665 masked %eq3A_322 : memref<256xi32, #tpu.memory_space<vmem>>[vector<16xi32>], vector<16xi32>, vector<16xi1>
      tpu.vector_store_idx %arg14[%broadcast_in_dim3A_742], %broadcast_in_dim3A_717 masked %eq3A_322 : memref<256xi32, #tpu.memory_space<vmem>>[vector<16xi32>], vector<16xi32>, vector<16xi1>
      %scan3A_743 = arith.constant 0 : i32
      scf.yield %scan3A_743 : i32
    }
    %scan3A_602 = arith.constant 64 : i32
    %scan3A_603 = arith.constant 0 : i32
    %scan3A_604 = arith.constant 0 : i32
    %scan3A_605 = arith.constant 16 : i32
    %scan3A_606 = arith.addi %scan3A_604, %scan3A_605 : i32
    %scan3A_607 = arith.constant 1 : i32
    %scan3A_608 = scf.for %scan3A_610 = %scan3A_604 to %scan3A_606 step %scan3A_607 iter_args(%scan3A_611 = %scan3A_603) -> (i32)  : i32 {
      %mul3A_612 = arith.constant 16 : i32
      %mul3A_613 = arith.muli %scan3A_610, %mul3A_612 : i32
      %get3A = arith.index_cast %mul3A_613 : i32 to index
      %get3A_614 = tpu.vector_load %arg13[%get3A] {strides = array<i32>} : memref<256xi32, #tpu.memory_space<vmem>>, vector<16xi32>,
      %broadcast_in_dim3A_615 = arith.constant 31 : i32
      %broadcast_in_dim3A_616 = vector.broadcast %broadcast_in_dim3A_615 : i32 to vector<16xi32>
      %shift_right_arithmetic3A = arith.shrsi %get3A_614, %broadcast_in_dim3A_616 : vector<16xi32>
      %broadcast_in_dim3A_617 = arith.constant 2147483647 : i32
      %broadcast_in_dim3A_618 = vector.broadcast %broadcast_in_dim3A_617 : i32 to vector<16xi32>
      %and3A_619 = arith.andi %shift_right_arithmetic3A, %broadcast_in_dim3A_618 : vector<16xi32>
      %xor3A = arith.xori %get3A_614, %and3A_619 : vector<16xi32>
      %bitcast_convert_type3A = tpu.bitcast %xor3A : vector<16xi32> -> vector<16xf32>
      %mul3A_620 = arith.constant 2.000000e+00 : f32
      %mul3A_621 = vector.broadcast %mul3A_620 : f32 to vector<16xf32>
      %mul3A_622 = arith.mulf %bitcast_convert_type3A, %mul3A_621 : vector<16xf32>
      %mul3A_623 = arith.constant 16 : i32
      %mul3A_624 = arith.muli %scan3A_610, %mul3A_623 : i32
      %swap3A = arith.index_cast %mul3A_624 : i32 to index
      %swap3A_625 = tpu.vector_load %arg15[%swap3A] {strides = array<i32>} : memref<256xf32, #tpu.memory_space<vmem>>, vector<16xf32>,
      tpu.vector_store %arg15[%swap3A], %mul3A_622 {strides = array<i32>} : memref<256xf32, #tpu.memory_space<vmem>>, vector<16xf32>,
      %scan3A_626 = arith.constant 0 : i32
      scf.yield %scan3A_626 : i32
    }
    %scan3A_609 = arith.constant 16 : i32
    "tpu.region"() ({
      %run_scoped3A = tpu.sem_alloc : memref<!tpu.dma_semaphore, #tpu.memory_space<semaphore_mem>>
      %dma_start3A = arith.constant 0 : i32
      %dma_start3A_610 = tpu.memref_slice %arg3[%add3A_300, %dma_start3A] : memref<64x256xf32, #tpu.memory_space<hbm>> -> memref<1x256xf32, #tpu.memory_space<hbm>>
      %dma_start3A_611 = tpu.memref_squeeze %dma_start3A_610 : memref<1x256xf32, #tpu.memory_space<hbm>> -> memref<256xf32, #tpu.memory_space<hbm>>
      %dma_start3A_612 = arith.constant 0 : i32
      %dma_start3A_613 = tpu.memref_slice %arg3[%add3A_300, %dma_start3A_612] : memref<64x256xf32, #tpu.memory_space<hbm>> -> memref<1x256xf32, #tpu.memory_space<hbm>>
      %dma_start3A_614 = tpu.memref_squeeze %dma_start3A_613 : memref<1x256xf32, #tpu.memory_space<hbm>> -> memref<256xf32, #tpu.memory_space<hbm>>
      tpu.enqueue_dma source(%arg15 : memref<256xf32, #tpu.memory_space<vmem>>) target(%dma_start3A_614 : memref<256xf32, #tpu.memory_space<hbm>>) target_semaphore(%run_scoped3A : memref<!tpu.dma_semaphore, #tpu.memory_space<semaphore_mem>>)
      %dma_wait3A = arith.constant 0 : i32
      %dma_wait3A_615 = tpu.memref_slice %arg3[%add3A_300, %dma_wait3A] : memref<64x256xf32, #tpu.memory_space<hbm>> -> memref<1x256xf32, #tpu.memory_space<hbm>>
      %dma_wait3A_616 = tpu.memref_squeeze %dma_wait3A_615 : memref<1x256xf32, #tpu.memory_space<hbm>> -> memref<256xf32, #tpu.memory_space<hbm>>
      %dma_wait3A_617 = arith.constant 0 : i32
      %dma_wait3A_618 = tpu.memref_slice %arg3[%add3A_300, %dma_wait3A_617] : memref<64x256xf32, #tpu.memory_space<hbm>> -> memref<1x256xf32, #tpu.memory_space<hbm>>
      %dma_wait3A_619 = tpu.memref_squeeze %dma_wait3A_618 : memref<1x256xf32, #tpu.memory_space<hbm>> -> memref<256xf32, #tpu.memory_space<hbm>>
      tpu.wait_dma2 semaphore(%run_scoped3A : memref<!tpu.dma_semaphore, #tpu.memory_space<semaphore_mem>>) src(%arg15 : memref<256xf32, #tpu.memory_space<vmem>>) dst(%dma_wait3A_619 : memref<256xf32, #tpu.memory_space<hbm>>)
      tpu.yield
    }) : () -> ()
    "tpu.region"() ({
      %run_scoped3A = tpu.sem_alloc : memref<!tpu.dma_semaphore, #tpu.memory_space<semaphore_mem>>
      %dma_start3A = arith.constant 0 : i32
      %dma_start3A_610 = tpu.memref_slice %arg4[%add3A_300, %dma_start3A] : memref<64x256xi32, #tpu.memory_space<hbm>> -> memref<1x256xi32, #tpu.memory_space<hbm>>
      %dma_start3A_611 = tpu.memref_squeeze %dma_start3A_610 : memref<1x256xi32, #tpu.memory_space<hbm>> -> memref<256xi32, #tpu.memory_space<hbm>>
      %dma_start3A_612 = arith.constant 0 : i32
      %dma_start3A_613 = tpu.memref_slice %arg4[%add3A_300, %dma_start3A_612] : memref<64x256xi32, #tpu.memory_space<hbm>> -> memref<1x256xi32, #tpu.memory_space<hbm>>
      %dma_start3A_614 = tpu.memref_squeeze %dma_start3A_613 : memref<1x256xi32, #tpu.memory_space<hbm>> -> memref<256xi32, #tpu.memory_space<hbm>>
      tpu.enqueue_dma source(%arg14 : memref<256xi32, #tpu.memory_space<vmem>>) target(%dma_start3A_614 : memref<256xi32, #tpu.memory_space<hbm>>) target_semaphore(%run_scoped3A : memref<!tpu.dma_semaphore, #tpu.memory_space<semaphore_mem>>)
      %dma_wait3A = arith.constant 0 : i32
      %dma_wait3A_615 = tpu.memref_slice %arg4[%add3A_300, %dma_wait3A] : memref<64x256xi32, #tpu.memory_space<hbm>> -> memref<1x256xi32, #tpu.memory_space<hbm>>
      %dma_wait3A_616 = tpu.memref_squeeze %dma_wait3A_615 : memref<1x256xi32, #tpu.memory_space<hbm>> -> memref<256xi32, #tpu.memory_space<hbm>>
      %dma_wait3A_617 = arith.constant 0 : i32
      %dma_wait3A_618 = tpu.memref_slice %arg4[%add3A_300, %dma_wait3A_617] : memref<64x256xi32, #tpu.memory_space<hbm>> -> memref<1x256xi32, #tpu.memory_space<hbm>>
      %dma_wait3A_619 = tpu.memref_squeeze %dma_wait3A_618 : memref<1x256xi32, #tpu.memory_space<hbm>> -> memref<256xi32, #tpu.memory_space<hbm>>
      tpu.wait_dma2 semaphore(%run_scoped3A : memref<!tpu.dma_semaphore, #tpu.memory_space<semaphore_mem>>) src(%arg14 : memref<256xi32, #tpu.memory_space<vmem>>) dst(%dma_wait3A_619 : memref<256xi32, #tpu.memory_space<hbm>>)
      tpu.yield
    }) : () -> ()
    return
  }
}

</mosaic_0001>

<sc_bundles>
// kernel: kernel.3.cloned.1.call-start
scs
__scs_entry_jumppad:
0x0: {  	(pc) =	sbr.rel $0x88, $3  }
0x1: {  	(tag) =	ssettag $0x0;
	lr =	simm.s32 $0x1  }
0x2: {  	[smem:$0x3FA0] =	sst lr;
	_ =	strace $0xD0000000  }
0x3: {  	_ = 	snop  }
0x4: {  	_ = 	snop  }
0x5: {  	_ = 	snop  }
0x6: {  	_ = 	snop  }
0x7: {  	_ = 	snop  }
__scs_overlays_trampoline_lowered:
0x8: {  	[smem:$0x3FAF] =	sst s0  }
0x9: {  	[smem:$0x3FB0] =	sst s1  }
0xa: {  	[smem:$0x3FB1] =	sst s2  }
0xb: {  	[smem:$0x3FB2] =	sst s3  }
0xc: {  	[smem:$0x3FB3] =	sst s4  }
0xd: {  	[smem:$0x3FB4] =	sst s5  }
0xe: {  	[smem:$0x3FB5] =	sst s6  }
0xf: {  	[smem:$0x3FB6] =	sst s7  }
0x10: {  	[smem:$0x3FB7] =	sst s8  }
0x11: {  	[smem:$0x3FB8] =	sst s9;
	s0 =	simm.s32 @!p0 $0x0  }
0x12: {  	s1 =	sld [smem:$0x3F9E];
	s0 =	simm.s32 @p0 $0x1  }
0x13: {  	[smem:$0x3FB9] =	sst s0;
	s0 =	simm.s32 @!p1 $0x0  }
0x14: {  	s2 =	sld [smem:$0x3F9D];
	s0 =	simm.s32 @p1 $0x1  }
0x15: {  	[smem:$0x3FBA] =	sst s0;
	s0 =	simm.s32 @!p2 $0x0  }
0x16: {  	s3 =	sld [smem:$0x3FDB];
	s0 =	simm.s32 @p2 $0x1  }
0x17: {  	s4 =	simm.s32 $0x1BF5;
	[smem:$0x3FBC] =	sst s0  }
0x18: {  	s0 =	sld [smem:$0x3F9F];
	_ =	swait.ge [sflag:s4], $0x0  }
0x19: {  	s7 =	sld [smem:$0x3FA0]  }
0x1a: {  	s8 =	sadd.s32 $0xFFFFE003, lr  }
0x1b: {  	s9 =	sadd.s32 $0xFFFFFEF7, lr;
	s5 =	simm.s32 $0xFFFFFFFF;
	p2 =	slt.u32 s8, $0xFFFFF086  }
0x1c: {  	p1 =	slt.u32 s9, $0xF7A;
	s5 =	simm.s32 @!p2 $0x0  }
0x1d: {  	s5 =	simm.s32 @p1 $0x1;
	p0 =	seq.s32 s7, s2  }
0x1e: {  	s7 =	smul.u32 @!p0 $0xF7A, s2;
	p2 =	seq.s32 @!p0 s5, $0x0  }
0x1f: {  	s9 =	smul.u32 $0xF7A, s1;
	s8 =	simm.s32 @!p0 $0x1BF5;
	p2 =	por !p2, p0  }
0x20: {  	[sflag:s8] =	ssyncset.s32 @!p0 $0xFFFFF086;
	s6 =	sadd.s32 @!p0 s3, s7;
	s7 =	simm.s32 @!p0 $0x108  }
0x21: {  	s3 =	sadd.s32 s3, s9;
	s6 =	sadd.s32 @!p0 $0x88, s6;
	s7 =	simm.s32 @p2 $0x1082  }
0x22: {  	[simem:s7], [sflag:s8] =	dma.local @!p0 [hbm:s6], $0xF7A  }
0x23: {  	s9 =	sor.u32 $0xD0000000, s2;
	s6 =	simm.s32 $0x108;
	_ =	swait.ge @!p0 [sflag:s8], $0x0  }
0x24: {  	s3 =	sadd.s32 $0x88, s3;
	s6 =	simm.s32 @!p1 $0x1082;
	[sflag:s4] =	ssyncset.s32 $0xFFFFF086  }
0x25: {  	[simem:s6], [sflag:s4] =	dma.local [hbm:s3], $0xF7A  }
0x26: {  	[smem:$0x3FA0] =	sst s1;
	(tag) =	ssettag s2;
	_ =	strace s9  }
0x27: {  	s1 =	sld [smem:$0x3FB0]  }
0x28: {  	s2 =	sld [smem:$0x3FB1]  }
0x29: {  	s4 =	sld [smem:$0x3FB3]  }
0x2a: {  	p0 =	seq.s32 s5, $0x0;
	s5 =	sld [smem:$0x3FB4]  }
0x2b: {  	s6 =	sld [smem:$0x3FB5]  }
0x2c: {  	s7 =	sld [smem:$0x3FB6]  }
0x2d: {  	s3 =	simm.s32 $0x108;
	s8 =	sld [smem:$0x3FB7]  }
0x2e: {  	s3 =	simm.s32 @!p0 $0x1082;
	s9 =	sld [smem:$0x3FB8]  }
0x2f: {  	lr =	sadd.s32 s0, s3;
	s0 =	sld [smem:$0x3FAF]  }
0x30: {  	s3 =	sld [smem:$0x3FB2]  }
0x31: {  	[smem:$0x3FBB] =	sst s10  }
0x32: {  	s10 =	sld [smem:$0x3FB9];
	_ =	sdelay $0x3  }
0x33: {  	p0 =	seq.s32 s10, $0x1;
	s10 =	sld [smem:$0x3FBB];
	_ =	sdelay $0x3  }
0x34: {  	[smem:$0x3FBB] =	sst s10  }
0x35: {  	s10 =	sld [smem:$0x3FBA];
	_ =	sdelay $0x3  }
0x36: {  	p1 =	seq.s32 s10, $0x1;
	s10 =	sld [smem:$0x3FBB];
	_ =	sdelay $0x3  }
0x37: {  	[smem:$0x3FBB] =	sst s10  }
0x38: {  	s10 =	sld [smem:$0x3FBC]  }
0x39: {  	_ = 	snop;
	(pc) =	sbr.ind lr, $3  }
0x3a: {  	_ = 	snop  }
0x3b: {  	_ = 	snop  }
0x3c: {  	p2 =	seq.s32 s10, $0x1;
	s10 =	sld [smem:$0x3FBB]  }
0x3d: {  	_ =	shalt  }
0x3e: {  	_ =	shalt  }
0x3f: {  	_ =	shalt  }
0x40: {  	_ =	shalt  }
0x41: {  	_ =	shalt  }
0x42: {  	_ =	shalt  }
0x43: {  	_ =	shalt  }
0x44: {  	_ =	shalt  }
0x45: {  	_ =	shalt  }
0x46: {  	_ =	shalt  }
0x47: {  	_ =	shalt  }
0x48: {  	_ =	shalt  }
0x49: {  	_ =	shalt  }
0x4a: {  	_ =	shalt  }
0x4b: {  	_ =	shalt  }
0x4c: {  	_ =	shalt  }
0x4d: {  	_ =	shalt  }
0x4e: {  	_ =	shalt  }
0x4f: {  	_ =	shalt  }
0x50: {  	_ =	shalt  }
0x51: {  	_ =	shalt  }
0x52: {  	_ =	shalt  }
0x53: {  	_ =	shalt  }
0x54: {  	_ =	shalt  }
0x55: {  	_ =	shalt  }
0x56: {  	_ =	shalt  }
0x57: {  	_ =	shalt  }
0x58: {  	_ =	shalt  }
0x59: {  	_ =	shalt  }
0x5a: {  	_ =	shalt  }
0x5b: {  	_ =	shalt  }
0x5c: {  	_ =	shalt  }
0x5d: {  	_ =	shalt  }
0x5e: {  	_ =	shalt  }
0x5f: {  	_ =	shalt  }
0x60: {  	_ =	shalt  }
0x61: {  	_ =	shalt  }
0x62: {  	_ =	shalt  }
0x63: {  	_ =	shalt  }
0x64: {  	_ =	shalt  }
0x65: {  	_ =	shalt  }
0x66: {  	_ =	shalt  }
0x67: {  	_ =	shalt  }
0x68: {  	_ =	shalt  }
0x69: {  	_ =	shalt  }
0x6a: {  	_ =	shalt  }
0x6b: {  	_ =	shalt  }
0x6c: {  	_ =	shalt  }
0x6d: {  	_ =	shalt  }
0x6e: {  	_ =	shalt  }
0x6f: {  	_ =	shalt  }
0x70: {  	_ =	shalt  }
0x71: {  	_ =	shalt  }
0x72: {  	_ =	shalt  }
0x73: {  	_ =	shalt  }
0x74: {  	_ =	shalt  }
0x75: {  	_ =	shalt  }
0x76: {  	_ =	shalt  }
0x77: {  	_ =	shalt  }
0x78: {  	_ =	shalt  }
0x79: {  	_ =	shalt  }
0x7a: {  	_ =	shalt  }
0x7b: {  	_ =	shalt  }
0x7c: {  	_ =	shalt  }
0x7d: {  	_ =	shalt  }
0x7e: {  	_ =	shalt  }
0x7f: {  	_ =	shalt  }
0x80: {  	_ =	shalt  }
0x81: {  	_ =	shalt  }
0x82: {  	_ =	shalt  }
0x83: {  	_ =	shalt  }
0x84: {  	_ =	shalt  }
0x85: {  	_ =	shalt  }
0x86: {  	_ =	shalt  }
0x87: {  	_ =	shalt  }
.Lfunc_end0:
.L_simem_size_0:
called_computation_lowered:
.L_overlay_start_0:
0x88: {  	s2 =	sld [smem:$0x3FD9]  }
0x89: {  	s3 =	sld [smem:$0x3FFE];
	_ =	sdelay $0x1  }
0x8a: {  	s1 =	srdreg.scid  }
0x8b: {  	s0 =	sand.u32 $0x1, s1  }
0x8c: {  	s15 =	sshll.u32 s0, $0xA;
	s2 =	sadd.s32 s3, s2  }
0x8d: {  	s2 =	sadd.s32 s2, s15  }
0x8e: {  	[smem:$0x3FC7] =	sst s2  }
0x8f: {  	_ = 	snop  }
0x90: {  	s2 =	sld [smem:$0x3FD0];
	_ =	sdelay $0x2  }
0x91: {  	s4 =	simm.s32 $0xA;
	s5 =	simm.s32 $0x10;
	s16 =	sld [smem:$0x3FC9]  }
0x92: {  	[smem:s5], [sflag:s4] =	dma.local [hbm:s2], $0x1  }
0x93: {  	_ =	swait.eq [sflag:s4], $0x1  }
0x94: {  	[sflag:s4] =	ssyncset.done $0x0  }
0x95: {  	s17 =	sld [smem:$0x10];
	[sflag:s4] =	ssyncadd.s32 $0xFFFFFFFF  }
0x96: {  	s18 =	sld [smem:$0x11];
	(tm) =	ssettm $0x1  }
0x97: {  	s19 =	sld [smem:$0x3FFB];
	_ =	sdelay $0x3  }
0x98: {  	_ =	strace s19  }
0x99: {  	s5 =	sld [smem:$0x3FFC];
	_ =	sdelay $0x3  }
0x9a: {  	_ =	strace s5  }
0x9b: {  	s5 =	sld [smem:$0x3FFD];
	_ =	sdelay $0x3  }
0x9c: {  	_ =	strace s5  }
0x9d: {  	_ =	strace $0x8FFFFFFF  }
0x9e: {  	s20 =	sld [smem:$0x3FDB];
	_ =	sdelay $0x1  }
0x9f: {  	s6 =	simm.s32 $_scs_section_size  }
0xa0: {  	s7 =	simm.s32 $_size__tile_overlayer_lowered;
	s8 =	simm.s32 $_tile_overlayer_lowered  }
0xa1: {  	s23 =	simm.s32 $0x1BFF;
	s22 =	sshll.u32 s8, $0x1;
	s5 =	sadd.s32 s6, s20  }
0xa2: {  	s9 =	simm.s32 $0x0;
	s21 =	sshll.u32 s7, $0x1;
	s7 =	sadd.s32 s22, s5  }
0xa3: {  	[timem:s9], [sflag:s23] =	dma.local [hbm:s7], s21  }
0xa4: {  	_ =	swait.ge [sflag:s23], s21  }
0xa5: {  	s6 =	ssub.s32 $0x0, s21;
	[sflag:s23] =	ssyncset.done $0x0  }
0xa6: {  	[sflag:s23] =	ssyncadd.s32 s6;
	_ =	sdelay $0x1  }
0xa7: {  	s24 =	simm.s32 $0x1B8B  }
0xa8: {  	_ =	swait.ge [sflag:s24], $0x1  }
0xa9: {  	[sflag:s24] =	ssyncset.done $0x0  }
0xaa: {  	s25 =	simm.s32 $0x1B8E;
	[sflag:s24] =	ssyncadd.s32 $0xFFFFFFFF  }
0xab: {  	s26 =	simm.s32 $execute0_lowered;
	[smem:$0x3FD2] =	sst s25  }
0xac: {  	s6 =	sshll.u32 s26, $0x1;
	_ =	strace $0x80000046;
	[dreg:$0x1] =	wrdreg $0xFFFFFFFF  }
0xad: {  	s28 =	simm.s32 $_size_execute0_lowered;
	s5 =	sadd.s32 s5, s6;
	[dreg:$0x0] =	wrdreg $0x0  }
0xae: {  	s6 =	sshll.u32 s28, $0x1;
	[dreg:$0x2] =	wrdreg s5  }
0xaf: {  	[dreg:$0x3] =	wrdreg s6  }
0xb0: {  	[dreg:$0x4] =	wrdreg $0xC0  }
0xb1: {  	_ =	task [dreg:s9], $0x5FFFF  }
0xb2: {  	[dreg:$0x1] =	wrdreg $0xFFFFFFFF  }
0xb3: {  	[dreg:$0x0] =	wrdreg $0x60  }
0xb4: {  	[dreg:$0x2] =	wrdreg s16  }
0xb5: {  	[dreg:$0x3] =	wrdreg s17  }
0xb6: {  	[dreg:$0x4] =	wrdreg s18  }
0xb7: {  	[dreg:$0x5] =	wrdreg $0x9  }
0xb8: {  	_ =	task.clear_ibuf [dreg:s9], $0x6FFFF;
	_ =	strace $0x90000046  }
0xb9: {  	s29 =	simm.s32 $0x9;
	_ =	strace $0x80000048  }
0xba: {  	_ =	swait.ge [sflag:s29], $0x1  }
0xbb: {  	[sflag:s29] =	ssyncadd.s32 $0xFFFFFFFF  }
0xbc: {  	_ =	strace $0x90000048  }
0xbd: {  	_ =	sfence  }
0xbe: {  	s30 =	sld [smem:$0x0];
	_ =	sdelay $0x2  }
0xbf: {  	s31 =	sshll.u32 s1, $0xD;
	s1 =	sshrl.u32 s1, $0x2  }
0xc0: {  	s3 =	sand.u32 $0x4000, s31;
	s1 =	sadd.s32 s1, s30  }
0xc1: {  	s0 =	sor.u32 s3, s0;
	s1 =	sshll.u32 s1, $0x11  }
0xc2: {  	s0 =	sor.u32 s1, s0  }
0xc3: {  	s0 =	sadd.s32 $0x8F2B, s0  }
0xc4: {  	[sflag:s0] =	ssyncadd.remote.s32 $0x1  }
0xc5: {  	_ =	sfence.sel $0xFFFF  }
0xc6: {  	[dreg:$0x0] =	wrdreg $0xFFFFFFFF;
	(pc) =	sbr.abs _section_cstart, $3  }
0xc7: {  	[dreg:$0x1] =	wrdreg $0xFFFFFFFF  }
0xc8: {  	_ =	task.clear_ibuf [dreg:s9], $0x2FFFF;
	_ =	strace $0x9FFFFFFF  }
0xc9: {  	(tm) =	ssettm $0x7FFFFFFF  }
tec
execute0_lowered:
.L_overlay_start_1:
0x0: {  	(tag) =	ssettag $0x1  }
0x1: {  	s0 =	rddreg [dreg:$0x0]  }
0x2: {  	s1 =	rddreg [dreg:$0x1]  }
0x3: {  	s2 =	rddreg [dreg:$0x2];
	s4 =	simm.s32 $0x0;
	s3 =	srdreg.scid  }
0x4: {  	s6 =	stileid.u32;
	s11 =	simm.s32 $0x400;
	s12 =	simm.s32 $0x1  }
0x5: {  	s13 =	simm.s32 $0x19100;
	s14 =	simm.s32 $0x8000;
	s15 =	simm.s32 $0x10080  }
0x6: {  	s16 =	simm.s32 $0x18100;
	s17 =	simm.s32 $0x1A200;
	s18 =	simm.s32 $0x1A380  }
0x7: {  	s19 =	simm.s32 $0x1A500;
	s20 =	simm.s32 $0x1A600;
	s22 =	simm.s32 $0x0  }
0x8: {  	[smem:$0x7FF] =	sst s4;
	s3 =	sand.u32 $0x1, s3;
	s26 =	sshll.u32 s6, $0x9  }
0x9: {  	s6 =	sshrl.u32 s6, $0x1;
	s5 =	sshll.u32 s3, $0x8;
	s4 =	sand.u32 $0x200, s26  }
0xa: {  	s3 =	ssub.s32 $0x2, s3;
	s28 =	sshll.u32 s6, $0x12;
	_ =	strace $0x80000047  }
0xb: {  	s6 =	sshll.u32 s6, $0xB;
	s4 =	sor.u32 s5, s4;
	s7 =	sshrl.u32 s3, $0x1  }
0xc: {  	s8 =	sor.u32 s28, s4;
	s9 =	ssub.s32 s3, s7;
	s30 =	sor.u32 s6, s4  }
0xd: {  	s4 =	sor.u32 $0x80, s4;
	s29 =	sshrl.u32 s8, $0x3;
	s7 =	sshrl.u32 s30, $0x3  }
0xe: {  	v0 =	vlaneseq.u32;
	s5 =	sor.u32 s28, s4;
	s6 =	sor.u32 s6, s4;
	s9 =	smax.u32 s9, $0x1  }
0xf: {  	v1 =	vmul.u32 $0x100, v0;
	s3 =	sadd.s32 s0, s29;
	s4 =	sadd.s32 s1, s7;
	s31 =	sshrl.u32 s5, $0x3  }
0x10: {  	v2 =	vimm.s32 $0x0;
	s10 =	sshrl.u32 s6, $0x3;
	s5 =	sadd.s32 s2, s7;
	s6 =	sadd.s32 s0, s31  }
0x11: {  	v4 =	vimm.s32 $0x1;
	vm0 =	vmmov $0x1;
	v3 =	vor.u32 $0x80, v1;
	s7 =	sadd.s32 s1, s10;
	s8 =	sadd.s32 s2, s10;
	s10 =	simm.s32 $0x80  }
.LBB2_1:
0x12: {  	s0 =	simm.s32 $0x0  }
0x13: {  	[tilespmem:s0], [sflag:$0x1] =	stream.strided.gather [hbm4b:s3+s10], $0x8000, s11, s10, $0x38;
	[tilespmem:$0x1A800] =	vst v63  }
0x14: {  	_ =	swait.ge [sflag:s12], $0x8000  }
0x15: {  	[sflag:s12] =	ssyncset.done $0x0  }
0x16: {  	s1 =	simm.s32 $0x0;
	s0 =	simm.s32 $0x40;
	[sflag:s12] =	ssyncadd.s32 $0xFFFF8000  }
.LBB2_2:
0x17: {  	p0 =	sne.s32 s0, $0x3FC0;
	[tilespmem:s1+$0x18100] =	vst v2;
	s1 =	smov.u32 s0;
	s0 =	sadd.s32 $0x40, s0  }
.Ltmp0:
0x18: {  	(pc) =	sbr.rel @p0 .LBB2_2-.Ltmp0, $2  }
0x19: {  	_ =	sdelay $0x2  }
0x1a: {  	s1 =	sshra.s32 s1, $0x2  }
0x1b: {  	[tilespmem:s1+$0x18100] =	vst v2;
	s0 =	simm.s32 $0x0;
	s1 =	simm.s32 $0x0  }
.LBB2_4:
0x1c: {  	s2 =	sshra.s32 s1, $0x2  }
0x1d: {  	v5 =	vld [tilespmem:s2+$0x0];
	_ =	sdelay $0x4  }
0x1e: {  	v6 =	vshra.s32 v5, $0x1F  }
0x1f: {  	v6 =	vand.u32 $0x7F000000, v6  }
0x20: {  	v5 =	vxor.u32 v5, v6  }
0x21: {  	v5 =	vshra.s32 v5, $0x18  }
0x22: {  	p0 =	sne.s32 s1, $0x1FFC0;
	v5 =	vadd.s32 v3, v5  }
.Ltmp1:
0x23: {  	_ = 	snop;
	(pc) =	sbr.rel @p0 .LBB2_4-.Ltmp1, $3  }
0x24: {  	_ =	sdelay $0x1  }
0x25: {  	s2 =	simm.s32 $0x18100  }
0x26: {  	s1 =	sadd.s32 $0x40, s1;
	[tilespmem:v5+s2+$0x0] =	vst.idx.add.s32.msk $0xffff, v4  }
0x27: {  	s1 =	sand.u32 $0xF0, s0;
	v6 =	vld [tilespmem:s2+$0x0]  }
0x28: {  	v5 =	vld [tilespmem:s1+$0x18200]  }
0x29: {  	v7 =	vld [tilespmem:s1+$0x18300]  }
0x2a: {  	v8 =	vld [tilespmem:s1+$0x18400]  }
0x2b: {  	v9 =	vld [tilespmem:s1+$0x18500]  }
0x2c: {  	v10 =	vld [tilespmem:s1+$0x18600]  }
0x2d: {  	v5 =	vadd.s32 v6, v5;
	v6 =	vld [tilespmem:s1+$0x18700]  }
0x2e: {  	v5 =	vadd.s32 v7, v5;
	v7 =	vld [tilespmem:s1+$0x18800]  }
0x2f: {  	v5 =	vadd.s32 v8, v5;
	v8 =	vld [tilespmem:s1+$0x18900]  }
0x30: {  	v5 =	vadd.s32 v9, v5;
	v9 =	vld [tilespmem:s1+$0x18A00]  }
0x31: {  	v5 =	vadd.s32 v10, v5;
	v10 =	vld [tilespmem:s1+$0x18B00]  }
0x32: {  	v5 =	vadd.s32 v6, v5;
	v6 =	vld [tilespmem:s1+$0x18C00]  }
0x33: {  	v5 =	vadd.s32 v7, v5;
	v7 =	vld [tilespmem:s1+$0x18D00]  }
0x34: {  	v5 =	vadd.s32 v8, v5;
	v8 =	vld [tilespmem:s1+$0x18E00]  }
0x35: {  	v5 =	vadd.s32 v9, v5;
	v9 =	vld [tilespmem:s1+$0x18F00]  }
0x36: {  	v5 =	vadd.s32 v10, v5;
	v10 =	vld [tilespmem:s1+$0x19000]  }
0x37: {  	v5 =	vadd.s32 v6, v5  }
0x38: {  	v5 =	vadd.s32 v7, v5  }
0x39: {  	v5 =	vadd.s32 v8, v5  }
0x3a: {  	v5 =	vadd.s32 v9, v5  }
0x3b: {  	v5 =	vadd.s32 v10, v5  }
0x3c: {  	(xrf0) =	vadd.scan.msk.s32 $0xffff, v5;
	_ =	sdelay $0x5  }
0x3d: {  	v5, _, _ =	vpop (xrf0)  }
0x3e: {  	s23 =	simm.s32 $0x19100;
	s31 =	simm.s32 $0x10;
	v5 =	vadd.s32 s0, v5  }
0x3f: {  	s0 =	sand.u32 $0xF0, s31;
	[tilespmem:s23+$0x0] =	vst v5;
	v5 =	vxor.u32 $0x80000000, v5  }
0x40: {  	s24 =	simm.s32 $0x18110;
	v7 =	vld [tilespmem:s0+$0x18200];
	(xrf0) =	vmax.scan.msk.u32 $0xffff, v5  }
0x41: {  	v10 =	vld [tilespmem:s24+$0x0]  }
0x42: {  	v9 =	vld [tilespmem:s0+$0x18300]  }
0x43: {  	v8 =	vld [tilespmem:s0+$0x18400]  }
0x44: {  	v6 =	vld [tilespmem:s0+$0x18500]  }
0x45: {  	v5 =	vld [tilespmem:s0+$0x18600]  }
0x46: {  	s25 =	simm.s32 $0x20;
	s26 =	simm.s32 $0x30;
	v11 =	vadd.s32 v10, v7;
	v7 =	vld [tilespmem:s0+$0x18700];
	v10, _, _ =	vpop (xrf0)  }
.LBB2_6:
0x47: {  	p0 =	sne.s32 s26, $0xF0;
	v9 =	vadd.s32 v9, v11;
	v11 =	vld [tilespmem:s0+$0x18800];
	(v2sf) =	vpush v10, $0xF  }
0x48: {  	v8 =	vadd.s32 v8, v9;
	v9 =	vld [tilespmem:s0+$0x18900]  }
0x49: {  	v6 =	vadd.s32 v6, v8;
	v8 =	vld [tilespmem:s0+$0x18A00]  }
0x4a: {  	v5 =	vadd.s32 v5, v6;
	v6 =	vld [tilespmem:s0+$0x18B00]  }
0x4b: {  	v5 =	vadd.s32 v7, v5;
	v7 =	vld [tilespmem:s0+$0x18C00]  }
0x4c: {  	v5 =	vadd.s32 v11, v5;
	v10 =	vld [tilespmem:s0+$0x18D00]  }
0x4d: {  	v5 =	vadd.s32 v9, v5;
	v9 =	vld [tilespmem:s0+$0x18E00]  }
0x4e: {  	v5 =	vadd.s32 v8, v5;
	v8 =	vld [tilespmem:s0+$0x18F00]  }
0x4f: {  	v5 =	vadd.s32 v6, v5;
	v6 =	vld [tilespmem:s0+$0x19000]  }
0x50: {  	v5 =	vadd.s32 v7, v5  }
0x51: {  	v5 =	vadd.s32 v10, v5  }
0x52: {  	v5 =	vadd.s32 v9, v5  }
0x53: {  	v5 =	vadd.s32 v8, v5  }
0x54: {  	v5 =	vadd.s32 v6, v5  }
0x55: {  	(xrf0) =	vadd.scan.msk.s32 $0xffff, v5  }
0x56: {  	s0 =	spop (v2sf)  }
0x57: {  	s0 =	sxor.u32 $0x80000000, s0;
	_ =	sdelay $0x3  }
0x58: {  	v5, _, _ =	vpop (xrf0)  }
0x59: {  	s23 =	sadd.s32 $0x10, s23;
	v5 =	vadd.s32 s0, v5  }
0x5a: {  	s0 =	sand.u32 $0xF0, s25;
	s25 =	smov.u32 s26;
	[tilespmem:s23+$0x0] =	vst v5;
	v5 =	vxor.u32 $0x80000000, v5  }
0x5b: {  	s24 =	sadd.s32 $0x10, s24;
	v7 =	vld [tilespmem:s0+$0x18200];
	(xrf0) =	vmax.scan.msk.u32 $0xffff, v5  }
0x5c: {  	v10 =	vld [tilespmem:s24+$0x0]  }
.Ltmp2:
0x5d: {  	v9 =	vld [tilespmem:s0+$0x18300];
	(pc) =	sbr.rel @p0 .LBB2_6-.Ltmp2, $4  }
0x5e: {  	v8 =	vld [tilespmem:s0+$0x18400]  }
0x5f: {  	v6 =	vld [tilespmem:s0+$0x18500]  }
0x60: {  	v5 =	vld [tilespmem:s0+$0x18600]  }
0x61: {  	s26 =	sadd.s32 $0x10, s26;
	v11 =	vadd.s32 v10, v7;
	v7 =	vld [tilespmem:s0+$0x18700];
	v10, _, _ =	vpop (xrf0)  }
0x62: {  	v9 =	vadd.s32 v9, v11;
	v53 =	vld [tilespmem:s0+$0x18800]  }
0x63: {  	v54 =	vld [tilespmem:s0+$0x18900];
	v8 =	vadd.s32 v8, v9  }
0x64: {  	v6 =	vadd.s32 v6, v8;
	v8 =	vld [tilespmem:s0+$0x18A00]  }
0x65: {  	v5 =	vadd.s32 v5, v6;
	v6 =	vld [tilespmem:s0+$0x18B00]  }
0x66: {  	(v2sf) =	vpush v10, $0xF;
	v5 =	vadd.s32 v7, v5;
	v7 =	vld [tilespmem:s0+$0x18C00]  }
0x67: {  	v55 =	vld [tilespmem:s0+$0x18D00];
	v5 =	vadd.s32 v53, v5  }
0x68: {  	v56 =	vld [tilespmem:s0+$0x18E00];
	v5 =	vadd.s32 v54, v5  }
0x69: {  	v5 =	vadd.s32 v8, v5;
	v8 =	vld [tilespmem:s0+$0x18F00]  }
0x6a: {  	v5 =	vadd.s32 v6, v5;
	v6 =	vld [tilespmem:s0+$0x19000]  }
0x6b: {  	v5 =	vadd.s32 v7, v5  }
0x6c: {  	v5 =	vadd.s32 v55, v5  }
0x6d: {  	v5 =	vadd.s32 v56, v5  }
0x6e: {  	v5 =	vadd.s32 v8, v5  }
0x6f: {  	v5 =	vadd.s32 v6, v5  }
0x70: {  	(xrf0) =	vadd.scan.msk.s32 $0xffff, v5;
	_ =	sdelay $0x4  }
0x71: {  	s2 =	spop (v2sf)  }
0x72: {  	s0 =	sxor.u32 $0x80000000, s2;
	v5, _, _ =	vpop (xrf0)  }
0x73: {  	s21 =	sadd.s32 $0x10, s23;
	v5 =	vadd.s32 s0, v5  }
0x74: {  	s1 =	sand.u32 $0xF0, s25;
	[tilespmem:s21+$0x0] =	vst v5  }
0x75: {  	s2 =	sadd.s32 $0x10, s24;
	v6 =	vld [tilespmem:s1+$0x18200]  }
0x76: {  	v7 =	vld [tilespmem:s2+$0x0]  }
0x77: {  	v8 =	vld [tilespmem:s1+$0x18300]  }
0x78: {  	v5 =	vxor.u32 $0x80000000, v5;
	v57 =	vld [tilespmem:s1+$0x18400]  }
0x79: {  	(xrf0) =	vmax.scan.msk.u32 $0xffff, v5;
	v5 =	vld [tilespmem:s1+$0x18500]  }
0x7a: {  	v58 =	vld [tilespmem:s1+$0x18600]  }
0x7b: {  	v6 =	vadd.s32 v7, v6;
	v7 =	vld [tilespmem:s1+$0x18700]  }
0x7c: {  	v6 =	vadd.s32 v8, v6;
	v8 =	vld [tilespmem:s1+$0x18800]  }
0x7d: {  	v59 =	vld [tilespmem:s1+$0x18900];
	v6 =	vadd.s32 v57, v6  }
0x7e: {  	v5 =	vadd.s32 v5, v6;
	v6 =	vld [tilespmem:s1+$0x18A00]  }
0x7f: {  	v61 =	vld [tilespmem:s1+$0x18B00];
	v60, _, _ =	vpop (xrf0);
	v5 =	vadd.s32 v58, v5  }
0x80: {  	(v2sf) =	vpush v60, $0xF;
	v5 =	vadd.s32 v7, v5;
	v7 =	vld [tilespmem:s1+$0x18C00]  }
0x81: {  	v5 =	vadd.s32 v8, v5;
	v8 =	vld [tilespmem:s1+$0x18D00]  }
0x82: {  	v62 =	vld [tilespmem:s1+$0x18E00];
	v5 =	vadd.s32 v59, v5  }
0x83: {  	v5 =	vadd.s32 v6, v5;
	v6 =	vld [tilespmem:s1+$0x18F00]  }
0x84: {  	v63 =	vld [tilespmem:s1+$0x19000];
	v5 =	vadd.s32 v61, v5  }
0x85: {  	v5 =	vadd.s32 v7, v5  }
0x86: {  	v5 =	vadd.s32 v8, v5  }
0x87: {  	v5 =	vadd.s32 v62, v5  }
0x88: {  	v5 =	vadd.s32 v6, v5  }
0x89: {  	v5 =	vadd.s32 v63, v5  }
0x8a: {  	(xrf0) =	vadd.scan.msk.s32 $0xffff, v5;
	_ =	sdelay $0x4  }
0x8b: {  	s23 =	spop (v2sf)  }
0x8c: {  	s1 =	sxor.u32 $0x80000000, s23;
	v5, _, _ =	vpop (xrf0)  }
0x8d: {  	v5 =	vadd.s32 s1, v5  }
0x8e: {  	v6 =	vxor.u32 $0x80000000, v5  }
0x8f: {  	(xrf0) =	vmax.scan.msk.u32 $0xffff, v6;
	_ =	sdelay $0x5  }
0x90: {  	v6, _, _ =	vpop (xrf0)  }
0x91: {  	(v2sf) =	vpush v6, $0xF;
	_ =	sdelay $0xa  }
0x92: {  	s0 =	sadd.s32 $0x10, s21  }
0x93: {  	s24 =	simm.s32 $0x0;
	[tilespmem:s0+$0x0] =	vst v5  }
0x94: {  	v6 =	vld [tilespmem:s24+$0x19100]  }
0x95: {  	s25 =	simm.s32 $0x10  }
0x96: {  	s26 =	simm.s32 $0x20;
	v7 =	vld [tilespmem:s25+$0x19100];
	s28 =	spop (v2sf)  }
0x97: {  	v8 =	vld [tilespmem:s26+$0x19100];
	s29 =	sadd.s32 $0x7FFFFF00, s28  }
0x98: {  	v5 =	vmov s29  }
0x99: {  	vm1 =	vle.s32 v6, v5  }
0x9a: {  	v6 =	vmpcnt.ones.xlane vm1  }
0x9b: {  	vm1 =	vle.s32 v7, v5  }
0x9c: {  	v7 =	vmpcnt.ones.xlane vm1;
	vm1 =	vle.s32 v8, v5;
	v6 =	vxor.u32 $0x80000000, v6  }
0x9d: {  	v8 =	vmpcnt.ones.xlane vm1;
	(xrf0) =	vmax.scan.msk.u32 $0xffff, v6  }
0x9e: {  	v6 =	vxor.u32 $0x80000000, v7  }
0x9f: {  	(xrf0) =	vmax.scan.msk.u32 $0xffff, v6;
	v6 =	vxor.u32 $0x80000000, v8  }
0xa0: {  	(xrf0) =	vmax.scan.msk.u32 $0xffff, v6;
	_ =	sdelay $0x2  }
0xa1: {  	v6, _, _ =	vpop (xrf0)  }
0xa2: {  	(v2sf) =	vpush v6, $0xF  }
0xa3: {  	s30 =	simm.s32 $0x30;
	v6, _, _ =	vpop (xrf0)  }
0xa4: {  	v7 =	vld [tilespmem:s30+$0x19100];
	(v2sf) =	vpush v6, $0xF;
	v8, _, _ =	vpop (xrf0)  }
0xa5: {  	(v2sf) =	vpush v8, $0xF;
	_ =	sdelay $0x3  }
0xa6: {  	s31 =	simm.s32 $0x40;
	vm1 =	vle.s32 v7, v5  }
0xa7: {  	v7 =	vmpcnt.ones.xlane vm1;
	v6 =	vld [tilespmem:s31+$0x19100];
	_ =	sdelay $0x1  }
0xa8: {  	v7 =	vxor.u32 $0x80000000, v7  }
0xa9: {  	(xrf0) =	vmax.scan.msk.u32 $0xffff, v7  }
0xaa: {  	s23 =	simm.s32 $0x140;
	s0 =	simm.s32 $0x0;
	s25 =	sxor.u32 $0x80000000, s28  }
.LBB2_8:
0xab: {  	s1 =	sshra.s32 s23, $0x2;
	p0 =	sne.s32 s23, $0x3C0;
	s23 =	sadd.s32 $0x40, s23;
	vm1 =	vle.s32 v6, v5  }
.Ltmp3:
0xac: {  	v6 =	vld [tilespmem:s1+$0x19100];
	v9 =	vmpcnt.ones.xlane vm1;
	(pc) =	sbr.rel @p0 .LBB2_8-.Ltmp3, $4  }
0xad: {  	s1 =	spop (v2sf)  }
0xae: {  	v8 =	vxor.u32 $0x80000000, v9;
	s0 =	sadd.s32 s1, s0  }
0xaf: {  	(xrf0) =	vmax.scan.msk.u32 $0xffff, v8;
	v7, _, _ =	vpop (xrf0);
	s0 =	sadd.s32 $0x80000000, s0  }
0xb0: {  	(v2sf) =	vpush v7, $0xF  }
0xb1: {  	vm1 =	vle.s32 v6, v5  }
0xb2: {  	v5 =	vmpcnt.ones.xlane vm1;
	_ =	sdelay $0x1  }
0xb3: {  	v5 =	vxor.u32 $0x80000000, v5  }
0xb4: {  	(xrf0) =	vmax.scan.msk.u32 $0xffff, v5;
	_ =	sdelay $0x3  }
0xb5: {  	v5, _, _ =	vpop (xrf0)  }
0xb6: {  	(v2sf) =	vpush v5, $0xF  }
0xb7: {  	v5, _, _ =	vpop (xrf0)  }
0xb8: {  	(v2sf) =	vpush v5, $0xF;
	_ =	sdelay $0x6  }
0xb9: {  	s1 =	spop (v2sf)  }
0xba: {  	s0 =	sadd.s32 s1, s0  }
0xbb: {  	s24 =	spop (v2sf);
	s0 =	sadd.s32 $0x80000000, s0  }
0xbc: {  	s0 =	sadd.s32 s24, s0  }
0xbd: {  	s0 =	sadd.s32 $0x80000000, s0;
	s26 =	spop (v2sf)  }
0xbe: {  	s28 =	simm.s32 $0x0;
	s0 =	sadd.s32 s26, s0  }
0xbf: {  	v5 =	vld [tilespmem:s28+$0x0];
	s0 =	sadd.s32 $0x80000000, s0;
	s2 =	spop (v2sf)  }
0xc0: {  	s0 =	sadd.s32 s2, s0  }
0xc1: {  	s0 =	sadd.s32 $0x80000000, s0;
	s29 =	spop (v2sf)  }
0xc2: {  	s0 =	sadd.s32 s29, s0  }
0xc3: {  	s0 =	sadd.s32 $0x80000000, s0  }
0xc4: {  	v6 =	vshra.s32 v5, $0x1F;
	s30 =	sshll.u32 s0, $0x18  }
0xc5: {  	v7 =	vand.u32 $0x7FFFFFFF, v6;
	s24 =	sxor.u32 $0x80000000, s30  }
0xc6: {  	v8 =	vimm.s32 $0x0;
	v9 =	vxor.u32 v5, v7;
	v6 =	vmov s24  }
0xc7: {  	v7 =	vshll.u32 v8, $0x4;
	vm1 =	vge.s32 v9, v6  }
0xc8: {  	v10 =	vor.u32 v0, v7;
	v5 =	vmov s0;
	_ =	sdelay $0x4  }
0xc9: {  	v7 =	vld.idx.msk [tilespmem:v5+s13+$0x0], $0xffff;
	v5 =	vlaneseq.u32;
	[tilespmem:v10+s14+$0x0] =	vst.idx.msk vm1, v9  }
0xca: {  	s31 =	simm.s32 $0x10;
	v9 =	vsel vm1, $0x1, v2;
	[tilespmem:v10+s15+$0x0] =	vst.idx.msk vm1, v5  }
0xcb: {  	s23 =	simm.s32 $0x80;
	s0 =	simm.s32 $0x40;
	v8 =	vadd.s32 v9, v8;
	v9 =	vld [tilespmem:s31+$0x0]  }
.LBB2_10:
0xcc: {  	p0 =	seq.s32 s23, $0x1FFC0;
	_ =	sdelay $0x3  }
0xcd: {  	v10 =	vshra.s32 v9, $0x1F  }
0xce: {  	v10 =	vand.u32 $0x7FFFFFFF, v10  }
0xcf: {  	v9 =	vxor.u32 v9, v10  }
0xd0: {  	v10 =	vshll.u32 v8, $0x4;
	vm1 =	vge.s32 v9, v6  }
0xd1: {  	v10 =	vor.u32 v0, v10;
	v11 =	vsel vm1, $0x1, v2  }
0xd2: {  	v8 =	vadd.s32 v11, v8;
	_ =	sdelay $0x1  }
.Ltmp4:
0xd3: {  	(pc) =	sbr.rel @!p0 .LBB2_10-.Ltmp4, $4  }
0xd4: {  	_ = 	snop  }
0xd5: {  	v5 =	vadd.s32 $0x10, v5;
	[tilespmem:v10+s14+$0x0] =	vst.idx.msk vm1, v9  }
0xd6: {  	s1 =	sshra.s32 s23, $0x2;
	[tilespmem:v10+s15+$0x0] =	vst.idx.msk vm1, v5  }
0xd7: {  	s23 =	sadd.s32 $0x40, s23;
	v9 =	vld [tilespmem:s1+$0x0]  }
0xd8: {  	_ =	sdelay $0x3  }
0xd9: {  	v10 =	vshra.s32 v9, $0x1F  }
0xda: {  	v10 =	vand.u32 $0x7FFFFFFF, v10  }
0xdb: {  	v61 =	vxor.u32 v9, v10  }
0xdc: {  	v62 =	vshll.u32 v8, $0x4;
	vm1 =	vge.s32 v61, v6  }
0xdd: {  	v10 =	vor.u32 v0, v62;
	_ =	sdelay $0x4  }
0xde: {  	v63 =	vadd.s32 $0x10, v5;
	v11 =	vsel vm1, $0x1, v2;
	[tilespmem:v10+s14+$0x0] =	vst.idx.msk vm1, v61  }
0xdf: {  	s1 =	simm.s32 $0x0;
	v5 =	vadd.s32 v11, v8;
	[tilespmem:v10+s15+$0x0] =	vst.idx.msk vm1, v63  }
.LBB2_12:
0xe0: {  	p0 =	seq.s32 s0, $0x3FC0;
	[tilespmem:s1+$0x18100] =	vst v2;
	s1 =	smov.u32 s0;
	s0 =	sadd.s32 $0x40, s0  }
.Ltmp5:
0xe1: {  	(pc) =	sbr.rel @!p0 .LBB2_12-.Ltmp5, $2  }
0xe2: {  	_ =	sdelay $0x2  }
0xe3: {  	s1 =	sshra.s32 s1, $0x2  }
0xe4: {  	v7 =	vxor.u32 $0x80000000, v7  }
0xe5: {  	(xrf0) =	vmax.scan.msk.u32 $0xffff, v7;
	v7 =	vxor.u32 $0x80000000, v5  }
0xe6: {  	(xrf0) =	vmax.scan.msk.u32 $0xffff, v7;
	_ =	sdelay $0x4  }
0xe7: {  	v7, _, _ =	vpop (xrf0)  }
0xe8: {  	(v2sf) =	vpush v7, $0xF;
	v7, _, _ =	vpop (xrf0)  }
0xe9: {  	(v2sf) =	vpush v7, $0xF;
	_ =	sdelay $0xd  }
0xea: {  	s29 =	spop (v2sf)  }
0xeb: {  	s0 =	spop (v2sf)  }
0xec: {  	s23 =	sxor.u32 $0x80000000, s0  }
0xed: {  	p0 =	sgt.s32 s23, $0x0  }
.Ltmp6:
0xee: {  	_ = 	snop;
	(pc) =	sbr.rel @!p0 .LBB2_17-.Ltmp6, $2  }
0xef: {  	_ =	sdelay $0x2  }
0xf0: {  	[tilespmem:s1+$0x18100] =	vst v2  }
0xf1: {  	s0 =	simm.s32 $0x8000  }
0xf2: {  	v7 =	vld [tilespmem:s0+$0x0];
	_ =	sdelay $0x4  }
0xf3: {  	v9 =	vand.u32 $0xFF000000, v7;
	v7 =	vshrl.u32 v7, $0x10  }
0xf4: {  	p0 =	sne.s32 s23, $0x1;
	v7 =	vand.u32 $0xFF, v7  }
.Ltmp7:
0xf5: {  	s1 =	simm.s32 $0x0;
	v7 =	vor.u32 v1, v7;
	(pc) =	sbr.rel @!p0 .LBB2_16-.Ltmp7, $4  }
0xf6: {  	v8 =	vmov s1  }
0xf7: {  	vm1 =	vlt.s32 v8, v5;
	vm2 =	veq.s32 v9, v6  }
0xf8: {  	vm1 =	vmand vm1, vm2  }
0xf9: {  	s26 =	simm.s32 $0x1;
	v8 =	vsel vm1, $0x1, v2  }
.LBB2_15:
0xfa: {  	[tilespmem:v7+s16+$0x0] =	vst.idx.add.s32.msk $0xffff, v8;
	s0 =	sadd.s32 $0x10, s0;
	s1 =	smov.u32 s26;
	s26 =	sadd.s32 $0x1, s26  }
0xfb: {  	v7 =	vld [tilespmem:s0+$0x0];
	p0 =	sne.s32 s23, s26;
	_ =	sdelay $0x4  }
0xfc: {  	v8 =	vmov s1;
	v9 =	vand.u32 $0xFF000000, v7;
	v7 =	vshrl.u32 v7, $0x10  }
0xfd: {  	vm1 =	vlt.s32 v8, v5;
	vm2 =	veq.s32 v9, v6;
	v7 =	vand.u32 $0xFF, v7  }
.Ltmp8:
0xfe: {  	vm1 =	vmand vm1, vm2;
	v7 =	vor.u32 v1, v7;
	(pc) =	sbr.rel @p0 .LBB2_15-.Ltmp8, $2  }
0xff: {  	_ =	sdelay $0x2  }
0x100: {  	v8 =	vsel vm1, $0x1, v2  }
.LBB2_16:
0x101: {  	_ =	sdelay $0x3  }
0x102: {  	[tilespmem:v7+s16+$0x0] =	vst.idx.add.s32.msk $0xffff, v8  }
.LBB2_17:
0x103: {  	s0 =	simm.s32 $0x0;
	s2 =	simm.s32 $0x18100  }
0x104: {  	s1 =	sand.u32 $0xF0, s0;
	v7 =	vld [tilespmem:s2+$0x0]  }
0x105: {  	v6 =	vld [tilespmem:s1+$0x18200]  }
0x106: {  	v8 =	vld [tilespmem:s1+$0x18300]  }
0x107: {  	v9 =	vld [tilespmem:s1+$0x18400]  }
0x108: {  	v10 =	vld [tilespmem:s1+$0x18500]  }
0x109: {  	v11 =	vld [tilespmem:s1+$0x18600]  }
0x10a: {  	v6 =	vadd.s32 v7, v6;
	v7 =	vld [tilespmem:s1+$0x18700]  }
0x10b: {  	v6 =	vadd.s32 v8, v6;
	v8 =	vld [tilespmem:s1+$0x18800]  }
0x10c: {  	v6 =	vadd.s32 v9, v6;
	v9 =	vld [tilespmem:s1+$0x18900]  }
0x10d: {  	v6 =	vadd.s32 v10, v6;
	v10 =	vld [tilespmem:s1+$0x18A00]  }
0x10e: {  	v6 =	vadd.s32 v11, v6;
	v11 =	vld [tilespmem:s1+$0x18B00]  }
0x10f: {  	v6 =	vadd.s32 v7, v6;
	v7 =	vld [tilespmem:s1+$0x18C00]  }
0x110: {  	v6 =	vadd.s32 v8, v6;
	v8 =	vld [tilespmem:s1+$0x18D00]  }
0x111: {  	v6 =	vadd.s32 v9, v6;
	v9 =	vld [tilespmem:s1+$0x18E00]  }
0x112: {  	v6 =	vadd.s32 v10, v6;
	v10 =	vld [tilespmem:s1+$0x18F00]  }
0x113: {  	v6 =	vadd.s32 v11, v6;
	v11 =	vld [tilespmem:s1+$0x19000]  }
0x114: {  	v6 =	vadd.s32 v7, v6  }
0x115: {  	v6 =	vadd.s32 v8, v6  }
0x116: {  	v6 =	vadd.s32 v9, v6  }
0x117: {  	v6 =	vadd.s32 v10, v6  }
0x118: {  	v6 =	vadd.s32 v11, v6  }
0x119: {  	(xrf0) =	vadd.scan.msk.s32 $0xffff, v6;
	_ =	sdelay $0x5  }
0x11a: {  	v6, _, _ =	vpop (xrf0)  }
0x11b: {  	s26 =	simm.s32 $0x19100;
	s21 =	simm.s32 $0x10;
	v6 =	vadd.s32 s0, v6  }
0x11c: {  	s30 =	sand.u32 $0xF0, s21;
	[tilespmem:s26+$0x0] =	vst v6;
	v6 =	vxor.u32 $0x80000000, v6  }
0x11d: {  	s28 =	simm.s32 $0x18110;
	v9 =	vld [tilespmem:s30+$0x18200];
	(xrf0) =	vmax.scan.msk.u32 $0xffff, v6  }
0x11e: {  	v11 =	vld [tilespmem:s28+$0x0]  }
0x11f: {  	v10 =	vld [tilespmem:s30+$0x18300]  }
0x120: {  	v8 =	vld [tilespmem:s30+$0x18400]  }
0x121: {  	s31 =	sxor.u32 $0x80000000, s29;
	v7 =	vld [tilespmem:s30+$0x18500]  }
0x122: {  	s0 =	ssub.s32 s31, s25;
	v6 =	vld [tilespmem:s30+$0x18600]  }
0x123: {  	s29 =	simm.s32 $0x20;
	s25 =	sadd.s32 $0x100, s0;
	s0 =	simm.s32 $0x30;
	v12 =	vadd.s32 v11, v9;
	v9 =	vld [tilespmem:s30+$0x18700];
	v11, _, _ =	vpop (xrf0)  }
.LBB2_18:
0x124: {  	p0 =	sne.s32 s0, $0xF0;
	v10 =	vadd.s32 v10, v12;
	v12 =	vld [tilespmem:s30+$0x18800];
	(v2sf) =	vpush v11, $0xF  }
0x125: {  	v8 =	vadd.s32 v8, v10;
	v10 =	vld [tilespmem:s30+$0x18900]  }
0x126: {  	v7 =	vadd.s32 v7, v8;
	v8 =	vld [tilespmem:s30+$0x18A00]  }
0x127: {  	v6 =	vadd.s32 v6, v7;
	v7 =	vld [tilespmem:s30+$0x18B00]  }
0x128: {  	v6 =	vadd.s32 v9, v6;
	v9 =	vld [tilespmem:s30+$0x18C00]  }
0x129: {  	v6 =	vadd.s32 v12, v6;
	v11 =	vld [tilespmem:s30+$0x18D00]  }
0x12a: {  	v6 =	vadd.s32 v10, v6;
	v10 =	vld [tilespmem:s30+$0x18E00]  }
0x12b: {  	v6 =	vadd.s32 v8, v6;
	v8 =	vld [tilespmem:s30+$0x18F00]  }
0x12c: {  	v6 =	vadd.s32 v7, v6;
	v7 =	vld [tilespmem:s30+$0x19000]  }
0x12d: {  	v6 =	vadd.s32 v9, v6  }
0x12e: {  	v6 =	vadd.s32 v11, v6  }
0x12f: {  	v6 =	vadd.s32 v10, v6  }
0x130: {  	v6 =	vadd.s32 v8, v6  }
0x131: {  	v6 =	vadd.s32 v7, v6  }
0x132: {  	(xrf0) =	vadd.scan.msk.s32 $0xffff, v6  }
0x133: {  	s1 =	spop (v2sf)  }
0x134: {  	s1 =	sxor.u32 $0x80000000, s1;
	_ =	sdelay $0x3  }
0x135: {  	v6, _, _ =	vpop (xrf0)  }
0x136: {  	s26 =	sadd.s32 $0x10, s26;
	v6 =	vadd.s32 s1, v6  }
0x137: {  	s30 =	sand.u32 $0xF0, s29;
	s29 =	smov.u32 s0;
	[tilespmem:s26+$0x0] =	vst v6;
	v6 =	vxor.u32 $0x80000000, v6  }
0x138: {  	s28 =	sadd.s32 $0x10, s28;
	v9 =	vld [tilespmem:s30+$0x18200];
	(xrf0) =	vmax.scan.msk.u32 $0xffff, v6  }
0x139: {  	v11 =	vld [tilespmem:s28+$0x0]  }
.Ltmp9:
0x13a: {  	v10 =	vld [tilespmem:s30+$0x18300];
	(pc) =	sbr.rel @p0 .LBB2_18-.Ltmp9, $4  }
0x13b: {  	v8 =	vld [tilespmem:s30+$0x18400]  }
0x13c: {  	v7 =	vld [tilespmem:s30+$0x18500]  }
0x13d: {  	v6 =	vld [tilespmem:s30+$0x18600]  }
0x13e: {  	s0 =	sadd.s32 $0x10, s0;
	v12 =	vadd.s32 v11, v9;
	v9 =	vld [tilespmem:s30+$0x18700];
	v11, _, _ =	vpop (xrf0)  }
0x13f: {  	v10 =	vadd.s32 v10, v12;
	v47 =	vld [tilespmem:s30+$0x18800]  }
0x140: {  	v48 =	vld [tilespmem:s30+$0x18900];
	v8 =	vadd.s32 v8, v10  }
0x141: {  	v7 =	vadd.s32 v7, v8;
	v8 =	vld [tilespmem:s30+$0x18A00]  }
0x142: {  	v6 =	vadd.s32 v6, v7;
	v7 =	vld [tilespmem:s30+$0x18B00]  }
0x143: {  	(v2sf) =	vpush v11, $0xF;
	v49 =	vld [tilespmem:s30+$0x18C00];
	v6 =	vadd.s32 v9, v6  }
0x144: {  	v50 =	vld [tilespmem:s30+$0x18D00];
	v6 =	vadd.s32 v47, v6  }
0x145: {  	v51 =	vld [tilespmem:s30+$0x18E00];
	v6 =	vadd.s32 v48, v6  }
0x146: {  	v6 =	vadd.s32 v8, v6;
	v8 =	vld [tilespmem:s30+$0x18F00]  }
0x147: {  	v6 =	vadd.s32 v7, v6;
	v7 =	vld [tilespmem:s30+$0x19000]  }
0x148: {  	v6 =	vadd.s32 v49, v6  }
0x149: {  	v6 =	vadd.s32 v50, v6  }
0x14a: {  	v6 =	vadd.s32 v51, v6  }
0x14b: {  	v6 =	vadd.s32 v8, v6  }
0x14c: {  	v6 =	vadd.s32 v7, v6  }
0x14d: {  	(xrf0) =	vadd.scan.msk.s32 $0xffff, v6;
	_ =	sdelay $0x4  }
0x14e: {  	s0 =	spop (v2sf)  }
0x14f: {  	s0 =	sxor.u32 $0x80000000, s0;
	v6, _, _ =	vpop (xrf0)  }
0x150: {  	s26 =	sadd.s32 $0x10, s26;
	v6 =	vadd.s32 s0, v6  }
0x151: {  	s1 =	sand.u32 $0xF0, s29;
	[tilespmem:s26+$0x0] =	vst v6  }
0x152: {  	s2 =	sadd.s32 $0x10, s28;
	v7 =	vld [tilespmem:s1+$0x18200]  }
0x153: {  	v8 =	vld [tilespmem:s2+$0x0]  }
0x154: {  	v52 =	vld [tilespmem:s1+$0x18300]  }
0x155: {  	v6 =	vxor.u32 $0x80000000, v6;
	v53 =	vld [tilespmem:s1+$0x18400]  }
0x156: {  	(xrf0) =	vmax.scan.msk.u32 $0xffff, v6;
	v6 =	vld [tilespmem:s1+$0x18500]  }
0x157: {  	v54 =	vld [tilespmem:s1+$0x18600]  }
0x158: {  	v7 =	vadd.s32 v8, v7;
	v8 =	vld [tilespmem:s1+$0x18700]  }
0x159: {  	v55 =	vld [tilespmem:s1+$0x18800];
	v7 =	vadd.s32 v52, v7  }
0x15a: {  	v56 =	vld [tilespmem:s1+$0x18900];
	v7 =	vadd.s32 v53, v7  }
0x15b: {  	v6 =	vadd.s32 v6, v7;
	v7 =	vld [tilespmem:s1+$0x18A00]  }
0x15c: {  	v58 =	vld [tilespmem:s1+$0x18B00];
	v57, _, _ =	vpop (xrf0);
	v6 =	vadd.s32 v54, v6  }
0x15d: {  	(v2sf) =	vpush v57, $0xF;
	v6 =	vadd.s32 v8, v6;
	v8 =	vld [tilespmem:s1+$0x18C00]  }
0x15e: {  	v59 =	vld [tilespmem:s1+$0x18D00];
	v6 =	vadd.s32 v55, v6  }
0x15f: {  	v60 =	vld [tilespmem:s1+$0x18E00];
	v6 =	vadd.s32 v56, v6  }
0x160: {  	v6 =	vadd.s32 v7, v6;
	v7 =	vld [tilespmem:s1+$0x18F00]  }
0x161: {  	v61 =	vld [tilespmem:s1+$0x19000];
	v6 =	vadd.s32 v58, v6  }
0x162: {  	v6 =	vadd.s32 v8, v6  }
0x163: {  	v6 =	vadd.s32 v59, v6  }
0x164: {  	v6 =	vadd.s32 v60, v6  }
0x165: {  	v6 =	vadd.s32 v7, v6  }
0x166: {  	v6 =	vadd.s32 v61, v6  }
0x167: {  	(xrf0) =	vadd.scan.msk.s32 $0xffff, v6;
	_ =	sdelay $0x4  }
0x168: {  	s30 =	spop (v2sf)  }
0x169: {  	s1 =	sxor.u32 $0x80000000, s30;
	v6, _, _ =	vpop (xrf0)  }
0x16a: {  	v6 =	vadd.s32 s1, v6  }
0x16b: {  	v7 =	vxor.u32 $0x80000000, v6  }
0x16c: {  	(xrf0) =	vmax.scan.msk.u32 $0xffff, v7;
	_ =	sdelay $0x5  }
0x16d: {  	v7, _, _ =	vpop (xrf0)  }
0x16e: {  	(v2sf) =	vpush v7, $0xF;
	_ =	sdelay $0xb  }
0x16f: {  	s0 =	sadd.s32 $0x10, s26  }
0x170: {  	s31 =	simm.s32 $0x0;
	[tilespmem:s0+$0x0] =	vst v6  }
0x171: {  	v7 =	vld [tilespmem:s31+$0x19100]  }
0x172: {  	s1 =	simm.s32 $0x10;
	s2 =	spop (v2sf)  }
0x173: {  	s21 =	simm.s32 $0x20;
	v8 =	vld [tilespmem:s1+$0x19100];
	s26 =	sxor.u32 $0x80000000, s2  }
0x174: {  	v62 =	vld [tilespmem:s21+$0x19100];
	s29 =	ssub.s32 s26, s25  }
0x175: {  	v6 =	vmov s29  }
0x176: {  	vm1 =	vle.s32 v7, v6  }
0x177: {  	v7 =	vmpcnt.ones.xlane vm1  }
0x178: {  	vm1 =	vle.s32 v8, v6  }
0x179: {  	v8 =	vmpcnt.ones.xlane vm1;
	vm1 =	vle.s32 v62, v6;
	v7 =	vxor.u32 $0x80000000, v7  }
0x17a: {  	v9 =	vmpcnt.ones.xlane vm1;
	(xrf0) =	vmax.scan.msk.u32 $0xffff, v7  }
0x17b: {  	v7 =	vxor.u32 $0x80000000, v8  }
0x17c: {  	(xrf0) =	vmax.scan.msk.u32 $0xffff, v7;
	v7 =	vxor.u32 $0x80000000, v9  }
0x17d: {  	(xrf0) =	vmax.scan.msk.u32 $0xffff, v7;
	_ =	sdelay $0x2  }
0x17e: {  	v7, _, _ =	vpop (xrf0)  }
0x17f: {  	(v2sf) =	vpush v7, $0xF  }
0x180: {  	s30 =	simm.s32 $0x30;
	v7, _, _ =	vpop (xrf0)  }
0x181: {  	v8 =	vld [tilespmem:s30+$0x19100];
	(v2sf) =	vpush v7, $0xF;
	v63, _, _ =	vpop (xrf0)  }
0x182: {  	(v2sf) =	vpush v63, $0xF;
	_ =	sdelay $0x3  }
0x183: {  	s31 =	simm.s32 $0x40;
	vm1 =	vle.s32 v8, v6  }
0x184: {  	v8 =	vmpcnt.ones.xlane vm1;
	v7 =	vld [tilespmem:s31+$0x19100];
	_ =	sdelay $0x1  }
0x185: {  	v8 =	vxor.u32 $0x80000000, v8  }
0x186: {  	(xrf0) =	vmax.scan.msk.u32 $0xffff, v8  }
0x187: {  	s28 =	simm.s32 $0x140;
	s0 =	simm.s32 $0x0  }
.LBB2_20:
0x188: {  	s1 =	sshra.s32 s28, $0x2;
	p0 =	sne.s32 s28, $0x3C0;
	s28 =	sadd.s32 $0x40, s28;
	vm1 =	vle.s32 v7, v6  }
.Ltmp10:
0x189: {  	v7 =	vld [tilespmem:s1+$0x19100];
	v10 =	vmpcnt.ones.xlane vm1;
	(pc) =	sbr.rel @p0 .LBB2_20-.Ltmp10, $4  }
0x18a: {  	s1 =	spop (v2sf)  }
0x18b: {  	v9 =	vxor.u32 $0x80000000, v10;
	s0 =	sadd.s32 s1, s0  }
0x18c: {  	(xrf0) =	vmax.scan.msk.u32 $0xffff, v9;
	v8, _, _ =	vpop (xrf0);
	s0 =	sadd.s32 $0x80000000, s0  }
0x18d: {  	(v2sf) =	vpush v8, $0xF  }
0x18e: {  	vm1 =	vle.s32 v7, v6  }
0x18f: {  	v6 =	vmpcnt.ones.xlane vm1;
	_ =	sdelay $0x1  }
0x190: {  	v6 =	vxor.u32 $0x80000000, v6  }
0x191: {  	(xrf0) =	vmax.scan.msk.u32 $0xffff, v6;
	_ =	sdelay $0x3  }
0x192: {  	v6, _, _ =	vpop (xrf0)  }
0x193: {  	(v2sf) =	vpush v6, $0xF  }
0x194: {  	v6, _, _ =	vpop (xrf0)  }
0x195: {  	(v2sf) =	vpush v6, $0xF;
	_ =	sdelay $0x6  }
0x196: {  	s1 =	spop (v2sf)  }
0x197: {  	s0 =	sadd.s32 s1, s0  }
0x198: {  	s28 =	spop (v2sf);
	s0 =	sadd.s32 $0x80000000, s0  }
0x199: {  	s0 =	sadd.s32 s28, s0  }
0x19a: {  	s0 =	sadd.s32 $0x80000000, s0;
	s29 =	spop (v2sf)  }
0x19b: {  	s0 =	sadd.s32 s29, s0  }
0x19c: {  	s0 =	sadd.s32 $0x80000000, s0;
	s30 =	spop (v2sf)  }
0x19d: {  	s0 =	sadd.s32 s30, s0  }
0x19e: {  	s0 =	sadd.s32 $0x80000000, s0;
	s31 =	spop (v2sf)  }
0x19f: {  	s0 =	sadd.s32 s31, s0  }
0x1a0: {  	s0 =	sadd.s32 $0x80000000, s0  }
0x1a1: {  	v6 =	vmov s0;
	_ =	sdelay $0x4  }
0x1a2: {  	s2 =	simm.s32 $0x0;
	s1 =	simm.s32 $0x40;
	v6 =	vld.idx.msk [tilespmem:v6+s13+$0x0], $0xffff  }
.LBB2_22:
0x1a3: {  	p0 =	sne.s32 s1, $0x3FC0;
	[tilespmem:s2+$0x18100] =	vst v2;
	s2 =	smov.u32 s1;
	s1 =	sadd.s32 $0x40, s1  }
.Ltmp11:
0x1a4: {  	(pc) =	sbr.rel @p0 .LBB2_22-.Ltmp11, $2  }
0x1a5: {  	_ =	sdelay $0x2  }
0x1a6: {  	s2 =	sshra.s32 s2, $0x2  }
0x1a7: {  	v6 =	vxor.u32 $0x80000000, v6  }
0x1a8: {  	(xrf0) =	vmax.scan.msk.u32 $0xffff, v6;
	_ =	sdelay $0x5  }
0x1a9: {  	v6, _, _ =	vpop (xrf0)  }
0x1aa: {  	(v2sf) =	vpush v6, $0xF;
	_ =	sdelay $0x9  }
0x1ab: {  	p0 =	slt.s32 s23, $0x1  }
.Ltmp12:
0x1ac: {  	_ = 	snop;
	(pc) =	sbr.rel @p0 .LBB2_27-.Ltmp12, $3  }
0x1ad: {  	_ =	sdelay $0x1  }
0x1ae: {  	s0 =	sshll.u32 s0, $0x10  }
0x1af: {  	[tilespmem:s2+$0x18100] =	vst v2;
	s24 =	sor.u32 s24, s0;
	s30 =	spop (v2sf)  }
0x1b0: {  	s0 =	simm.s32 $0x8000  }
0x1b1: {  	v7 =	vld [tilespmem:s0+$0x0];
	_ =	sdelay $0x4  }
0x1b2: {  	v9 =	vand.u32 $0xFFFF0000, v7;
	v7 =	vshrl.u32 v7, $0x8  }
0x1b3: {  	p1 =	sne.s32 s23, $0x1;
	v7 =	vand.u32 $0xFF, v7  }
.Ltmp13:
0x1b4: {  	s1 =	simm.s32 $0x0;
	v7 =	vor.u32 v1, v7;
	(pc) =	sbr.rel @!p1 .LBB2_26-.Ltmp13, $4  }
0x1b5: {  	v6 =	vmov s24;
	v8 =	vmov s1  }
0x1b6: {  	vm1 =	vlt.s32 v8, v5;
	vm2 =	veq.s32 v9, v6  }
0x1b7: {  	vm1 =	vmand vm1, vm2  }
0x1b8: {  	s28 =	simm.s32 $0x1;
	v8 =	vsel vm1, $0x1, v2  }
.LBB2_25:
0x1b9: {  	[tilespmem:v7+s16+$0x0] =	vst.idx.add.s32.msk $0xffff, v8;
	s0 =	sadd.s32 $0x10, s0;
	s1 =	smov.u32 s28;
	s28 =	sadd.s32 $0x1, s28  }
0x1ba: {  	v7 =	vld [tilespmem:s0+$0x0];
	p1 =	sne.s32 s23, s28;
	_ =	sdelay $0x4  }
0x1bb: {  	v8 =	vmov s1;
	v9 =	vand.u32 $0xFFFF0000, v7;
	v7 =	vshrl.u32 v7, $0x8  }
0x1bc: {  	vm1 =	vlt.s32 v8, v5;
	vm2 =	veq.s32 v9, v6;
	v7 =	vand.u32 $0xFF, v7  }
.Ltmp14:
0x1bd: {  	vm1 =	vmand vm1, vm2;
	v7 =	vor.u32 v1, v7;
	(pc) =	sbr.rel @p1 .LBB2_25-.Ltmp14, $2  }
0x1be: {  	_ =	sdelay $0x2  }
0x1bf: {  	v8 =	vsel vm1, $0x1, v2  }
.LBB2_26:
0x1c0: {  	_ =	sdelay $0x3  }
0x1c1: {  	[tilespmem:v7+s16+$0x0] =	vst.idx.add.s32.msk $0xffff, v8  }
.LBB2_27:
0x1c2: {  	s0 =	simm.s32 $0x0;
	s2 =	simm.s32 $0x18100  }
0x1c3: {  	s1 =	sand.u32 $0xF0, s0;
	v7 =	vld [tilespmem:s2+$0x0]  }
0x1c4: {  	v6 =	vld [tilespmem:s1+$0x18200]  }
0x1c5: {  	v8 =	vld [tilespmem:s1+$0x18300]  }
0x1c6: {  	v9 =	vld [tilespmem:s1+$0x18400]  }
0x1c7: {  	v10 =	vld [tilespmem:s1+$0x18500]  }
0x1c8: {  	v11 =	vld [tilespmem:s1+$0x18600]  }
0x1c9: {  	v6 =	vadd.s32 v7, v6;
	v7 =	vld [tilespmem:s1+$0x18700]  }
0x1ca: {  	v6 =	vadd.s32 v8, v6;
	v8 =	vld [tilespmem:s1+$0x18800]  }
0x1cb: {  	v6 =	vadd.s32 v9, v6;
	v9 =	vld [tilespmem:s1+$0x18900]  }
0x1cc: {  	v6 =	vadd.s32 v10, v6;
	v10 =	vld [tilespmem:s1+$0x18A00]  }
0x1cd: {  	v6 =	vadd.s32 v11, v6;
	v11 =	vld [tilespmem:s1+$0x18B00]  }
0x1ce: {  	v6 =	vadd.s32 v7, v6;
	v7 =	vld [tilespmem:s1+$0x18C00]  }
0x1cf: {  	v6 =	vadd.s32 v8, v6;
	v8 =	vld [tilespmem:s1+$0x18D00]  }
0x1d0: {  	v6 =	vadd.s32 v9, v6;
	v9 =	vld [tilespmem:s1+$0x18E00]  }
0x1d1: {  	v6 =	vadd.s32 v10, v6;
	v10 =	vld [tilespmem:s1+$0x18F00]  }
0x1d2: {  	v6 =	vadd.s32 v11, v6;
	v11 =	vld [tilespmem:s1+$0x19000]  }
0x1d3: {  	v6 =	vadd.s32 v7, v6  }
0x1d4: {  	v6 =	vadd.s32 v8, v6  }
0x1d5: {  	v6 =	vadd.s32 v9, v6  }
0x1d6: {  	v6 =	vadd.s32 v10, v6  }
0x1d7: {  	v6 =	vadd.s32 v11, v6  }
0x1d8: {  	(xrf0) =	vadd.scan.msk.s32 $0xffff, v6;
	_ =	sdelay $0x5  }
0x1d9: {  	v6, _, _ =	vpop (xrf0)  }
0x1da: {  	s28 =	simm.s32 $0x19100;
	s21 =	simm.s32 $0x10;
	v6 =	vadd.s32 s0, v6  }
0x1db: {  	s31 =	sand.u32 $0xF0, s21;
	[tilespmem:s28+$0x0] =	vst v6;
	v6 =	vxor.u32 $0x80000000, v6  }
0x1dc: {  	s29 =	simm.s32 $0x18110;
	v9 =	vld [tilespmem:s31+$0x18200];
	(xrf0) =	vmax.scan.msk.u32 $0xffff, v6  }
0x1dd: {  	v11 =	vld [tilespmem:s29+$0x0]  }
0x1de: {  	v10 =	vld [tilespmem:s31+$0x18300]  }
0x1df: {  	v8 =	vld [tilespmem:s31+$0x18400]  }
0x1e0: {  	s30 =	sxor.u32 $0x80000000, s30;
	v7 =	vld [tilespmem:s31+$0x18500]  }
0x1e1: {  	s0 =	ssub.s32 s30, s26;
	v6 =	vld [tilespmem:s31+$0x18600]  }
0x1e2: {  	s26 =	simm.s32 $0x20;
	s25 =	sadd.s32 s25, s0;
	s0 =	simm.s32 $0x30;
	v12 =	vadd.s32 v11, v9;
	v9 =	vld [tilespmem:s31+$0x18700];
	v11, _, _ =	vpop (xrf0)  }
.LBB2_28:
0x1e3: {  	p1 =	sne.s32 s0, $0xF0;
	v10 =	vadd.s32 v10, v12;
	v12 =	vld [tilespmem:s31+$0x18800];
	(v2sf) =	vpush v11, $0xF  }
0x1e4: {  	v8 =	vadd.s32 v8, v10;
	v10 =	vld [tilespmem:s31+$0x18900]  }
0x1e5: {  	v7 =	vadd.s32 v7, v8;
	v8 =	vld [tilespmem:s31+$0x18A00]  }
0x1e6: {  	v6 =	vadd.s32 v6, v7;
	v7 =	vld [tilespmem:s31+$0x18B00]  }
0x1e7: {  	v6 =	vadd.s32 v9, v6;
	v9 =	vld [tilespmem:s31+$0x18C00]  }
0x1e8: {  	v6 =	vadd.s32 v12, v6;
	v11 =	vld [tilespmem:s31+$0x18D00]  }
0x1e9: {  	v6 =	vadd.s32 v10, v6;
	v10 =	vld [tilespmem:s31+$0x18E00]  }
0x1ea: {  	v6 =	vadd.s32 v8, v6;
	v8 =	vld [tilespmem:s31+$0x18F00]  }
0x1eb: {  	v6 =	vadd.s32 v7, v6;
	v7 =	vld [tilespmem:s31+$0x19000]  }
0x1ec: {  	v6 =	vadd.s32 v9, v6  }
0x1ed: {  	v6 =	vadd.s32 v11, v6  }
0x1ee: {  	v6 =	vadd.s32 v10, v6  }
0x1ef: {  	v6 =	vadd.s32 v8, v6  }
0x1f0: {  	v6 =	vadd.s32 v7, v6  }
0x1f1: {  	(xrf0) =	vadd.scan.msk.s32 $0xffff, v6  }
0x1f2: {  	s1 =	spop (v2sf)  }
0x1f3: {  	s1 =	sxor.u32 $0x80000000, s1;
	_ =	sdelay $0x3  }
0x1f4: {  	v6, _, _ =	vpop (xrf0)  }
0x1f5: {  	s28 =	sadd.s32 $0x10, s28;
	v6 =	vadd.s32 s1, v6  }
0x1f6: {  	s31 =	sand.u32 $0xF0, s26;
	s26 =	smov.u32 s0;
	[tilespmem:s28+$0x0] =	vst v6;
	v6 =	vxor.u32 $0x80000000, v6  }
0x1f7: {  	s29 =	sadd.s32 $0x10, s29;
	v9 =	vld [tilespmem:s31+$0x18200];
	(xrf0) =	vmax.scan.msk.u32 $0xffff, v6  }
0x1f8: {  	v11 =	vld [tilespmem:s29+$0x0]  }
.Ltmp15:
0x1f9: {  	v10 =	vld [tilespmem:s31+$0x18300];
	(pc) =	sbr.rel @p1 .LBB2_28-.Ltmp15, $4  }
0x1fa: {  	v8 =	vld [tilespmem:s31+$0x18400]  }
0x1fb: {  	v7 =	vld [tilespmem:s31+$0x18500]  }
0x1fc: {  	v6 =	vld [tilespmem:s31+$0x18600]  }
0x1fd: {  	s0 =	sadd.s32 $0x10, s0;
	v12 =	vadd.s32 v11, v9;
	v9 =	vld [tilespmem:s31+$0x18700];
	v11, _, _ =	vpop (xrf0)  }
0x1fe: {  	v10 =	vadd.s32 v10, v12;
	v47 =	vld [tilespmem:s31+$0x18800]  }
0x1ff: {  	v48 =	vld [tilespmem:s31+$0x18900];
	v8 =	vadd.s32 v8, v10  }
0x200: {  	v7 =	vadd.s32 v7, v8;
	v8 =	vld [tilespmem:s31+$0x18A00]  }
0x201: {  	v6 =	vadd.s32 v6, v7;
	v7 =	vld [tilespmem:s31+$0x18B00]  }
0x202: {  	(v2sf) =	vpush v11, $0xF;
	v49 =	vld [tilespmem:s31+$0x18C00];
	v6 =	vadd.s32 v9, v6  }
0x203: {  	v50 =	vld [tilespmem:s31+$0x18D00];
	v6 =	vadd.s32 v47, v6  }
0x204: {  	v51 =	vld [tilespmem:s31+$0x18E00];
	v6 =	vadd.s32 v48, v6  }
0x205: {  	v6 =	vadd.s32 v8, v6;
	v8 =	vld [tilespmem:s31+$0x18F00]  }
0x206: {  	v6 =	vadd.s32 v7, v6;
	v7 =	vld [tilespmem:s31+$0x19000]  }
0x207: {  	v6 =	vadd.s32 v49, v6  }
0x208: {  	v6 =	vadd.s32 v50, v6  }
0x209: {  	v6 =	vadd.s32 v51, v6  }
0x20a: {  	v6 =	vadd.s32 v8, v6  }
0x20b: {  	v6 =	vadd.s32 v7, v6  }
0x20c: {  	(xrf0) =	vadd.scan.msk.s32 $0xffff, v6;
	_ =	sdelay $0x4  }
0x20d: {  	s0 =	spop (v2sf)  }
0x20e: {  	s0 =	sxor.u32 $0x80000000, s0;
	v6, _, _ =	vpop (xrf0)  }
0x20f: {  	s30 =	sadd.s32 $0x10, s28;
	v6 =	vadd.s32 s0, v6  }
0x210: {  	s1 =	sand.u32 $0xF0, s26;
	[tilespmem:s30+$0x0] =	vst v6  }
0x211: {  	s2 =	sadd.s32 $0x10, s29;
	v7 =	vld [tilespmem:s1+$0x18200]  }
0x212: {  	v8 =	vld [tilespmem:s2+$0x0]  }
0x213: {  	v52 =	vld [tilespmem:s1+$0x18300]  }
0x214: {  	v6 =	vxor.u32 $0x80000000, v6;
	v53 =	vld [tilespmem:s1+$0x18400]  }
0x215: {  	(xrf0) =	vmax.scan.msk.u32 $0xffff, v6;
	v6 =	vld [tilespmem:s1+$0x18500]  }
0x216: {  	v54 =	vld [tilespmem:s1+$0x18600]  }
0x217: {  	v7 =	vadd.s32 v8, v7;
	v8 =	vld [tilespmem:s1+$0x18700]  }
0x218: {  	v55 =	vld [tilespmem:s1+$0x18800];
	v7 =	vadd.s32 v52, v7  }
0x219: {  	v56 =	vld [tilespmem:s1+$0x18900];
	v7 =	vadd.s32 v53, v7  }
0x21a: {  	v6 =	vadd.s32 v6, v7;
	v7 =	vld [tilespmem:s1+$0x18A00]  }
0x21b: {  	v58 =	vld [tilespmem:s1+$0x18B00];
	v57, _, _ =	vpop (xrf0);
	v6 =	vadd.s32 v54, v6  }
0x21c: {  	(v2sf) =	vpush v57, $0xF;
	v6 =	vadd.s32 v8, v6;
	v8 =	vld [tilespmem:s1+$0x18C00]  }
0x21d: {  	v59 =	vld [tilespmem:s1+$0x18D00];
	v6 =	vadd.s32 v55, v6  }
0x21e: {  	v60 =	vld [tilespmem:s1+$0x18E00];
	v6 =	vadd.s32 v56, v6  }
0x21f: {  	v6 =	vadd.s32 v7, v6;
	v7 =	vld [tilespmem:s1+$0x18F00]  }
0x220: {  	v61 =	vld [tilespmem:s1+$0x19000];
	v6 =	vadd.s32 v58, v6  }
0x221: {  	v6 =	vadd.s32 v8, v6  }
0x222: {  	v6 =	vadd.s32 v59, v6  }
0x223: {  	v6 =	vadd.s32 v60, v6  }
0x224: {  	v6 =	vadd.s32 v7, v6  }
0x225: {  	v6 =	vadd.s32 v61, v6  }
0x226: {  	(xrf0) =	vadd.scan.msk.s32 $0xffff, v6;
	_ =	sdelay $0x4  }
0x227: {  	s31 =	spop (v2sf)  }
0x228: {  	s1 =	sxor.u32 $0x80000000, s31;
	v6, _, _ =	vpop (xrf0)  }
0x229: {  	v6 =	vadd.s32 s1, v6  }
0x22a: {  	v7 =	vxor.u32 $0x80000000, v6  }
0x22b: {  	(xrf0) =	vmax.scan.msk.u32 $0xffff, v7;
	_ =	sdelay $0x5  }
0x22c: {  	v7, _, _ =	vpop (xrf0)  }
0x22d: {  	(v2sf) =	vpush v7, $0xF;
	_ =	sdelay $0xb  }
0x22e: {  	s0 =	sadd.s32 $0x10, s30  }
0x22f: {  	s1 =	simm.s32 $0x0;
	[tilespmem:s0+$0x0] =	vst v6  }
0x230: {  	v7 =	vld [tilespmem:s1+$0x19100]  }
0x231: {  	s2 =	simm.s32 $0x10;
	s21 =	spop (v2sf)  }
0x232: {  	s26 =	simm.s32 $0x20;
	v8 =	vld [tilespmem:s2+$0x19100];
	s28 =	sxor.u32 $0x80000000, s21  }
0x233: {  	v62 =	vld [tilespmem:s26+$0x19100];
	s29 =	ssub.s32 s28, s25  }
0x234: {  	v6 =	vmov s29  }
0x235: {  	vm1 =	vle.s32 v7, v6  }
0x236: {  	v7 =	vmpcnt.ones.xlane vm1  }
0x237: {  	vm1 =	vle.s32 v8, v6  }
0x238: {  	v8 =	vmpcnt.ones.xlane vm1;
	vm1 =	vle.s32 v62, v6;
	v7 =	vxor.u32 $0x80000000, v7  }
0x239: {  	v9 =	vmpcnt.ones.xlane vm1;
	(xrf0) =	vmax.scan.msk.u32 $0xffff, v7  }
0x23a: {  	v7 =	vxor.u32 $0x80000000, v8  }
0x23b: {  	(xrf0) =	vmax.scan.msk.u32 $0xffff, v7;
	v7 =	vxor.u32 $0x80000000, v9  }
0x23c: {  	(xrf0) =	vmax.scan.msk.u32 $0xffff, v7;
	_ =	sdelay $0x2  }
0x23d: {  	v7, _, _ =	vpop (xrf0)  }
0x23e: {  	(v2sf) =	vpush v7, $0xF  }
0x23f: {  	s30 =	simm.s32 $0x30;
	v7, _, _ =	vpop (xrf0)  }
0x240: {  	v8 =	vld [tilespmem:s30+$0x19100];
	(v2sf) =	vpush v7, $0xF;
	v63, _, _ =	vpop (xrf0)  }
0x241: {  	(v2sf) =	vpush v63, $0xF;
	_ =	sdelay $0x3  }
0x242: {  	s31 =	simm.s32 $0x40;
	vm1 =	vle.s32 v8, v6  }
0x243: {  	v8 =	vmpcnt.ones.xlane vm1;
	v7 =	vld [tilespmem:s31+$0x19100];
	_ =	sdelay $0x1  }
0x244: {  	v8 =	vxor.u32 $0x80000000, v8  }
0x245: {  	(xrf0) =	vmax.scan.msk.u32 $0xffff, v8  }
0x246: {  	s0 =	simm.s32 $0x0;
	s26 =	simm.s32 $0x140  }
.LBB2_30:
0x247: {  	s1 =	sshra.s32 s26, $0x2;
	p1 =	sne.s32 s26, $0x3C0;
	s26 =	sadd.s32 $0x40, s26;
	vm1 =	vle.s32 v7, v6  }
.Ltmp16:
0x248: {  	v7 =	vld [tilespmem:s1+$0x19100];
	v10 =	vmpcnt.ones.xlane vm1;
	(pc) =	sbr.rel @p1 .LBB2_30-.Ltmp16, $4  }
0x249: {  	s1 =	spop (v2sf)  }
0x24a: {  	v9 =	vxor.u32 $0x80000000, v10;
	s0 =	sadd.s32 s1, s0  }
0x24b: {  	(xrf0) =	vmax.scan.msk.u32 $0xffff, v9;
	v8, _, _ =	vpop (xrf0);
	s0 =	sadd.s32 $0x80000000, s0  }
0x24c: {  	(v2sf) =	vpush v8, $0xF  }
0x24d: {  	vm1 =	vle.s32 v7, v6  }
0x24e: {  	v6 =	vmpcnt.ones.xlane vm1;
	_ =	sdelay $0x1  }
0x24f: {  	v6 =	vxor.u32 $0x80000000, v6  }
0x250: {  	(xrf0) =	vmax.scan.msk.u32 $0xffff, v6;
	_ =	sdelay $0x3  }
0x251: {  	v6, _, _ =	vpop (xrf0)  }
0x252: {  	(v2sf) =	vpush v6, $0xF  }
0x253: {  	v6, _, _ =	vpop (xrf0)  }
0x254: {  	(v2sf) =	vpush v6, $0xF;
	_ =	sdelay $0x6  }
0x255: {  	s1 =	spop (v2sf)  }
0x256: {  	s0 =	sadd.s32 s1, s0  }
0x257: {  	s26 =	spop (v2sf);
	s0 =	sadd.s32 $0x80000000, s0  }
0x258: {  	s0 =	sadd.s32 s26, s0  }
0x259: {  	s0 =	sadd.s32 $0x80000000, s0;
	s29 =	spop (v2sf)  }
0x25a: {  	s0 =	sadd.s32 s29, s0  }
0x25b: {  	s0 =	sadd.s32 $0x80000000, s0;
	s30 =	spop (v2sf)  }
0x25c: {  	s0 =	sadd.s32 s30, s0  }
0x25d: {  	s0 =	sadd.s32 $0x80000000, s0;
	s31 =	spop (v2sf)  }
0x25e: {  	s0 =	sadd.s32 s31, s0  }
0x25f: {  	s0 =	sadd.s32 $0x80000000, s0  }
0x260: {  	v6 =	vmov s0;
	_ =	sdelay $0x4  }
0x261: {  	s2 =	simm.s32 $0x0;
	s1 =	simm.s32 $0x40;
	v6 =	vld.idx.msk [tilespmem:v6+s13+$0x0], $0xffff  }
.LBB2_32:
0x262: {  	p1 =	sne.s32 s1, $0x3FC0;
	[tilespmem:s2+$0x18100] =	vst v2;
	s2 =	smov.u32 s1;
	s1 =	sadd.s32 $0x40, s1  }
.Ltmp17:
0x263: {  	(pc) =	sbr.rel @p1 .LBB2_32-.Ltmp17, $2  }
0x264: {  	_ =	sdelay $0x2  }
0x265: {  	s2 =	sshra.s32 s2, $0x2  }
0x266: {  	v6 =	vxor.u32 $0x80000000, v6  }
0x267: {  	(xrf0) =	vmax.scan.msk.u32 $0xffff, v6;
	_ =	sdelay $0x5  }
0x268: {  	v6, _, _ =	vpop (xrf0)  }
0x269: {  	(v2sf) =	vpush v6, $0xF;
	_ =	sdelay $0xa  }
.Ltmp18:
0x26a: {  	_ = 	snop;
	(pc) =	sbr.rel @p0 .LBB2_37-.Ltmp18, $3  }
0x26b: {  	_ =	sdelay $0x1  }
0x26c: {  	s0 =	sshll.u32 s0, $0x8  }
0x26d: {  	[tilespmem:s2+$0x18100] =	vst v2;
	s26 =	sor.u32 s24, s0;
	s31 =	spop (v2sf)  }
0x26e: {  	s0 =	simm.s32 $0x8000  }
0x26f: {  	v7 =	vld [tilespmem:s0+$0x0];
	_ =	sdelay $0x4  }
0x270: {  	p1 =	sne.s32 s23, $0x1;
	v9 =	vand.u32 $0xFFFFFF00, v7;
	v7 =	vand.u32 $0xFF, v7  }
.Ltmp19:
0x271: {  	s1 =	simm.s32 $0x0;
	v7 =	vor.u32 v1, v7;
	(pc) =	sbr.rel @!p1 .LBB2_36-.Ltmp19, $4  }
0x272: {  	v6 =	vmov s26;
	v8 =	vmov s1  }
0x273: {  	vm1 =	vlt.s32 v8, v5;
	vm2 =	veq.s32 v9, v6  }
0x274: {  	vm1 =	vmand vm1, vm2  }
0x275: {  	s24 =	simm.s32 $0x1;
	v8 =	vsel vm1, $0x1, v2  }
.LBB2_35:
0x276: {  	[tilespmem:v7+s16+$0x0] =	vst.idx.add.s32.msk $0xffff, v8;
	s0 =	sadd.s32 $0x10, s0;
	s1 =	smov.u32 s24;
	s24 =	sadd.s32 $0x1, s24  }
0x277: {  	v7 =	vld [tilespmem:s0+$0x0];
	p1 =	sne.s32 s23, s24;
	_ =	sdelay $0x4  }
0x278: {  	v8 =	vmov s1;
	v9 =	vand.u32 $0xFFFFFF00, v7;
	v7 =	vand.u32 $0xFF, v7  }
.Ltmp20:
0x279: {  	vm1 =	vlt.s32 v8, v5;
	vm2 =	veq.s32 v9, v6;
	v7 =	vor.u32 v1, v7;
	(pc) =	sbr.rel @p1 .LBB2_35-.Ltmp20, $2  }
0x27a: {  	vm1 =	vmand vm1, vm2;
	_ =	sdelay $0x2  }
0x27b: {  	v8 =	vsel vm1, $0x1, v2  }
.LBB2_36:
0x27c: {  	_ =	sdelay $0x3  }
0x27d: {  	[tilespmem:v7+s16+$0x0] =	vst.idx.add.s32.msk $0xffff, v8  }
.LBB2_37:
0x27e: {  	s0 =	simm.s32 $0x0;
	s2 =	simm.s32 $0x18100  }
0x27f: {  	s1 =	sand.u32 $0xF0, s0;
	v7 =	vld [tilespmem:s2+$0x0]  }
0x280: {  	v6 =	vld [tilespmem:s1+$0x18200]  }
0x281: {  	v8 =	vld [tilespmem:s1+$0x18300]  }
0x282: {  	v9 =	vld [tilespmem:s1+$0x18400]  }
0x283: {  	v10 =	vld [tilespmem:s1+$0x18500]  }
0x284: {  	v11 =	vld [tilespmem:s1+$0x18600]  }
0x285: {  	v6 =	vadd.s32 v7, v6;
	v7 =	vld [tilespmem:s1+$0x18700]  }
0x286: {  	v6 =	vadd.s32 v8, v6;
	v8 =	vld [tilespmem:s1+$0x18800]  }
0x287: {  	v6 =	vadd.s32 v9, v6;
	v9 =	vld [tilespmem:s1+$0x18900]  }
0x288: {  	v6 =	vadd.s32 v10, v6;
	v10 =	vld [tilespmem:s1+$0x18A00]  }
0x289: {  	v6 =	vadd.s32 v11, v6;
	v11 =	vld [tilespmem:s1+$0x18B00]  }
0x28a: {  	v6 =	vadd.s32 v7, v6;
	v7 =	vld [tilespmem:s1+$0x18C00]  }
0x28b: {  	v6 =	vadd.s32 v8, v6;
	v8 =	vld [tilespmem:s1+$0x18D00]  }
0x28c: {  	v6 =	vadd.s32 v9, v6;
	v9 =	vld [tilespmem:s1+$0x18E00]  }
0x28d: {  	v6 =	vadd.s32 v10, v6;
	v10 =	vld [tilespmem:s1+$0x18F00]  }
0x28e: {  	v6 =	vadd.s32 v11, v6;
	v11 =	vld [tilespmem:s1+$0x19000]  }
0x28f: {  	v6 =	vadd.s32 v7, v6  }
0x290: {  	v6 =	vadd.s32 v8, v6  }
0x291: {  	v6 =	vadd.s32 v9, v6  }
0x292: {  	v6 =	vadd.s32 v10, v6  }
0x293: {  	v6 =	vadd.s32 v11, v6  }
0x294: {  	(xrf0) =	vadd.scan.msk.s32 $0xffff, v6;
	_ =	sdelay $0x5  }
0x295: {  	v6, _, _ =	vpop (xrf0)  }
0x296: {  	s29 =	simm.s32 $0x19100;
	s24 =	simm.s32 $0x10;
	v6 =	vadd.s32 s0, v6  }
0x297: {  	s0 =	sand.u32 $0xF0, s24;
	[tilespmem:s29+$0x0] =	vst v6;
	v6 =	vxor.u32 $0x80000000, v6  }
0x298: {  	s30 =	simm.s32 $0x18110;
	v9 =	vld [tilespmem:s0+$0x18200];
	(xrf0) =	vmax.scan.msk.u32 $0xffff, v6  }
0x299: {  	v11 =	vld [tilespmem:s30+$0x0]  }
0x29a: {  	v10 =	vld [tilespmem:s0+$0x18300]  }
0x29b: {  	v8 =	vld [tilespmem:s0+$0x18400]  }
0x29c: {  	s31 =	sxor.u32 $0x80000000, s31;
	v7 =	vld [tilespmem:s0+$0x18500]  }
0x29d: {  	s1 =	ssub.s32 s31, s28;
	v6 =	vld [tilespmem:s0+$0x18600]  }
0x29e: {  	s28 =	simm.s32 $0x30;
	s24 =	sadd.s32 s25, s1;
	s25 =	simm.s32 $0x20;
	v12 =	vadd.s32 v11, v9;
	v9 =	vld [tilespmem:s0+$0x18700];
	v11, _, _ =	vpop (xrf0)  }
.LBB2_38:
0x29f: {  	p1 =	sne.s32 s28, $0xF0;
	v10 =	vadd.s32 v10, v12;
	v12 =	vld [tilespmem:s0+$0x18800];
	(v2sf) =	vpush v11, $0xF  }
0x2a0: {  	v8 =	vadd.s32 v8, v10;
	v10 =	vld [tilespmem:s0+$0x18900]  }
0x2a1: {  	v7 =	vadd.s32 v7, v8;
	v8 =	vld [tilespmem:s0+$0x18A00]  }
0x2a2: {  	v6 =	vadd.s32 v6, v7;
	v7 =	vld [tilespmem:s0+$0x18B00]  }
0x2a3: {  	v6 =	vadd.s32 v9, v6;
	v9 =	vld [tilespmem:s0+$0x18C00]  }
0x2a4: {  	v6 =	vadd.s32 v12, v6;
	v11 =	vld [tilespmem:s0+$0x18D00]  }
0x2a5: {  	v6 =	vadd.s32 v10, v6;
	v10 =	vld [tilespmem:s0+$0x18E00]  }
0x2a6: {  	v6 =	vadd.s32 v8, v6;
	v8 =	vld [tilespmem:s0+$0x18F00]  }
0x2a7: {  	v6 =	vadd.s32 v7, v6;
	v7 =	vld [tilespmem:s0+$0x19000]  }
0x2a8: {  	v6 =	vadd.s32 v9, v6  }
0x2a9: {  	v6 =	vadd.s32 v11, v6  }
0x2aa: {  	v6 =	vadd.s32 v10, v6  }
0x2ab: {  	v6 =	vadd.s32 v8, v6  }
0x2ac: {  	v6 =	vadd.s32 v7, v6  }
0x2ad: {  	(xrf0) =	vadd.scan.msk.s32 $0xffff, v6  }
0x2ae: {  	s0 =	spop (v2sf)  }
0x2af: {  	s0 =	sxor.u32 $0x80000000, s0;
	_ =	sdelay $0x3  }
0x2b0: {  	v6, _, _ =	vpop (xrf0)  }
0x2b1: {  	s29 =	sadd.s32 $0x10, s29;
	v6 =	vadd.s32 s0, v6  }
0x2b2: {  	s0 =	sand.u32 $0xF0, s25;
	s25 =	smov.u32 s28;
	[tilespmem:s29+$0x0] =	vst v6;
	v6 =	vxor.u32 $0x80000000, v6  }
0x2b3: {  	s30 =	sadd.s32 $0x10, s30;
	v9 =	vld [tilespmem:s0+$0x18200];
	(xrf0) =	vmax.scan.msk.u32 $0xffff, v6  }
0x2b4: {  	v11 =	vld [tilespmem:s30+$0x0]  }
.Ltmp21:
0x2b5: {  	v10 =	vld [tilespmem:s0+$0x18300];
	(pc) =	sbr.rel @p1 .LBB2_38-.Ltmp21, $4  }
0x2b6: {  	v8 =	vld [tilespmem:s0+$0x18400]  }
0x2b7: {  	v7 =	vld [tilespmem:s0+$0x18500]  }
0x2b8: {  	v6 =	vld [tilespmem:s0+$0x18600]  }
0x2b9: {  	s28 =	sadd.s32 $0x10, s28;
	v12 =	vadd.s32 v11, v9;
	v9 =	vld [tilespmem:s0+$0x18700];
	v11, _, _ =	vpop (xrf0)  }
0x2ba: {  	v10 =	vadd.s32 v10, v12;
	v47 =	vld [tilespmem:s0+$0x18800]  }
0x2bb: {  	v48 =	vld [tilespmem:s0+$0x18900];
	v8 =	vadd.s32 v8, v10  }
0x2bc: {  	v7 =	vadd.s32 v7, v8;
	v8 =	vld [tilespmem:s0+$0x18A00]  }
0x2bd: {  	v6 =	vadd.s32 v6, v7;
	v7 =	vld [tilespmem:s0+$0x18B00]  }
0x2be: {  	(v2sf) =	vpush v11, $0xF;
	v49 =	vld [tilespmem:s0+$0x18C00];
	v6 =	vadd.s32 v9, v6  }
0x2bf: {  	v50 =	vld [tilespmem:s0+$0x18D00];
	v6 =	vadd.s32 v47, v6  }
0x2c0: {  	v51 =	vld [tilespmem:s0+$0x18E00];
	v6 =	vadd.s32 v48, v6  }
0x2c1: {  	v6 =	vadd.s32 v8, v6;
	v8 =	vld [tilespmem:s0+$0x18F00]  }
0x2c2: {  	v6 =	vadd.s32 v7, v6;
	v7 =	vld [tilespmem:s0+$0x19000]  }
0x2c3: {  	v6 =	vadd.s32 v49, v6  }
0x2c4: {  	v6 =	vadd.s32 v50, v6  }
0x2c5: {  	v6 =	vadd.s32 v51, v6  }
0x2c6: {  	v6 =	vadd.s32 v8, v6  }
0x2c7: {  	v6 =	vadd.s32 v7, v6  }
0x2c8: {  	(xrf0) =	vadd.scan.msk.s32 $0xffff, v6;
	_ =	sdelay $0x4  }
0x2c9: {  	s21 =	spop (v2sf)  }
0x2ca: {  	s0 =	sxor.u32 $0x80000000, s21;
	v6, _, _ =	vpop (xrf0)  }
0x2cb: {  	s29 =	sadd.s32 $0x10, s29;
	v6 =	vadd.s32 s0, v6  }
0x2cc: {  	s1 =	sand.u32 $0xF0, s25;
	[tilespmem:s29+$0x0] =	vst v6  }
0x2cd: {  	s2 =	sadd.s32 $0x10, s30;
	v7 =	vld [tilespmem:s1+$0x18200]  }
0x2ce: {  	v8 =	vld [tilespmem:s2+$0x0]  }
0x2cf: {  	v52 =	vld [tilespmem:s1+$0x18300]  }
0x2d0: {  	v6 =	vxor.u32 $0x80000000, v6;
	v53 =	vld [tilespmem:s1+$0x18400]  }
0x2d1: {  	(xrf0) =	vmax.scan.msk.u32 $0xffff, v6;
	v6 =	vld [tilespmem:s1+$0x18500]  }
0x2d2: {  	v54 =	vld [tilespmem:s1+$0x18600]  }
0x2d3: {  	v7 =	vadd.s32 v8, v7;
	v8 =	vld [tilespmem:s1+$0x18700]  }
0x2d4: {  	v55 =	vld [tilespmem:s1+$0x18800];
	v7 =	vadd.s32 v52, v7  }
0x2d5: {  	v56 =	vld [tilespmem:s1+$0x18900];
	v7 =	vadd.s32 v53, v7  }
0x2d6: {  	v6 =	vadd.s32 v6, v7;
	v7 =	vld [tilespmem:s1+$0x18A00]  }
0x2d7: {  	v58 =	vld [tilespmem:s1+$0x18B00];
	v57, _, _ =	vpop (xrf0);
	v6 =	vadd.s32 v54, v6  }
0x2d8: {  	(v2sf) =	vpush v57, $0xF;
	v6 =	vadd.s32 v8, v6;
	v8 =	vld [tilespmem:s1+$0x18C00]  }
0x2d9: {  	v59 =	vld [tilespmem:s1+$0x18D00];
	v6 =	vadd.s32 v55, v6  }
0x2da: {  	v60 =	vld [tilespmem:s1+$0x18E00];
	v6 =	vadd.s32 v56, v6  }
0x2db: {  	v6 =	vadd.s32 v7, v6;
	v7 =	vld [tilespmem:s1+$0x18F00]  }
0x2dc: {  	v61 =	vld [tilespmem:s1+$0x19000];
	v6 =	vadd.s32 v58, v6  }
0x2dd: {  	v6 =	vadd.s32 v8, v6  }
0x2de: {  	v6 =	vadd.s32 v59, v6  }
0x2df: {  	v6 =	vadd.s32 v60, v6  }
0x2e0: {  	v6 =	vadd.s32 v7, v6  }
0x2e1: {  	v6 =	vadd.s32 v61, v6  }
0x2e2: {  	(xrf0) =	vadd.scan.msk.s32 $0xffff, v6;
	_ =	sdelay $0x4  }
0x2e3: {  	s30 =	spop (v2sf)  }
0x2e4: {  	s1 =	sxor.u32 $0x80000000, s30;
	v6, _, _ =	vpop (xrf0)  }
0x2e5: {  	v6 =	vadd.s32 s1, v6  }
0x2e6: {  	v7 =	vxor.u32 $0x80000000, v6  }
0x2e7: {  	(xrf0) =	vmax.scan.msk.u32 $0xffff, v7;
	_ =	sdelay $0x5  }
0x2e8: {  	v7, _, _ =	vpop (xrf0)  }
0x2e9: {  	(v2sf) =	vpush v7, $0xF;
	_ =	sdelay $0xb  }
0x2ea: {  	s0 =	sadd.s32 $0x10, s29  }
0x2eb: {  	s31 =	simm.s32 $0x0;
	[tilespmem:s0+$0x0] =	vst v6  }
0x2ec: {  	v7 =	vld [tilespmem:s31+$0x19100]  }
0x2ed: {  	s1 =	simm.s32 $0x10;
	s2 =	spop (v2sf)  }
0x2ee: {  	s21 =	simm.s32 $0x20;
	v8 =	vld [tilespmem:s1+$0x19100];
	s25 =	sxor.u32 $0x80000000, s2  }
0x2ef: {  	v62 =	vld [tilespmem:s21+$0x19100];
	s29 =	ssub.s32 s25, s24  }
0x2f0: {  	v6 =	vmov s29  }
0x2f1: {  	vm1 =	vle.s32 v7, v6  }
0x2f2: {  	v7 =	vmpcnt.ones.xlane vm1  }
0x2f3: {  	vm1 =	vle.s32 v8, v6  }
0x2f4: {  	v8 =	vmpcnt.ones.xlane vm1;
	vm1 =	vle.s32 v62, v6;
	v7 =	vxor.u32 $0x80000000, v7  }
0x2f5: {  	v9 =	vmpcnt.ones.xlane vm1;
	(xrf0) =	vmax.scan.msk.u32 $0xffff, v7  }
0x2f6: {  	v7 =	vxor.u32 $0x80000000, v8  }
0x2f7: {  	(xrf0) =	vmax.scan.msk.u32 $0xffff, v7;
	v7 =	vxor.u32 $0x80000000, v9  }
0x2f8: {  	(xrf0) =	vmax.scan.msk.u32 $0xffff, v7;
	_ =	sdelay $0x2  }
0x2f9: {  	v7, _, _ =	vpop (xrf0)  }
0x2fa: {  	(v2sf) =	vpush v7, $0xF  }
0x2fb: {  	s30 =	simm.s32 $0x30;
	v7, _, _ =	vpop (xrf0)  }
0x2fc: {  	v8 =	vld [tilespmem:s30+$0x19100];
	(v2sf) =	vpush v7, $0xF;
	v63, _, _ =	vpop (xrf0)  }
0x2fd: {  	(v2sf) =	vpush v63, $0xF;
	_ =	sdelay $0x3  }
0x2fe: {  	s31 =	simm.s32 $0x40;
	vm1 =	vle.s32 v8, v6  }
0x2ff: {  	v8 =	vmpcnt.ones.xlane vm1;
	v7 =	vld [tilespmem:s31+$0x19100];
	_ =	sdelay $0x1  }
0x300: {  	v8 =	vxor.u32 $0x80000000, v8  }
0x301: {  	(xrf0) =	vmax.scan.msk.u32 $0xffff, v8  }
0x302: {  	s28 =	simm.s32 $0x140;
	s0 =	simm.s32 $0x0  }
.LBB2_40:
0x303: {  	s1 =	sshra.s32 s28, $0x2;
	p1 =	sne.s32 s28, $0x3C0;
	s28 =	sadd.s32 $0x40, s28;
	vm1 =	vle.s32 v7, v6  }
.Ltmp22:
0x304: {  	v7 =	vld [tilespmem:s1+$0x19100];
	v10 =	vmpcnt.ones.xlane vm1;
	(pc) =	sbr.rel @p1 .LBB2_40-.Ltmp22, $4  }
0x305: {  	s1 =	spop (v2sf)  }
0x306: {  	v9 =	vxor.u32 $0x80000000, v10;
	s0 =	sadd.s32 s1, s0  }
0x307: {  	(xrf0) =	vmax.scan.msk.u32 $0xffff, v9;
	v8, _, _ =	vpop (xrf0);
	s0 =	sadd.s32 $0x80000000, s0  }
0x308: {  	(v2sf) =	vpush v8, $0xF  }
0x309: {  	vm1 =	vle.s32 v7, v6  }
0x30a: {  	v6 =	vmpcnt.ones.xlane vm1;
	_ =	sdelay $0x1  }
0x30b: {  	v6 =	vxor.u32 $0x80000000, v6  }
0x30c: {  	(xrf0) =	vmax.scan.msk.u32 $0xffff, v6;
	_ =	sdelay $0x3  }
0x30d: {  	v6, _, _ =	vpop (xrf0)  }
0x30e: {  	(v2sf) =	vpush v6, $0xF  }
0x30f: {  	v6, _, _ =	vpop (xrf0)  }
0x310: {  	(v2sf) =	vpush v6, $0xF;
	_ =	sdelay $0x6  }
0x311: {  	s1 =	spop (v2sf)  }
0x312: {  	s0 =	sadd.s32 s1, s0  }
0x313: {  	s21 =	spop (v2sf);
	s0 =	sadd.s32 $0x80000000, s0  }
0x314: {  	s0 =	sadd.s32 s21, s0  }
0x315: {  	s0 =	sadd.s32 $0x80000000, s0;
	s29 =	spop (v2sf)  }
0x316: {  	s0 =	sadd.s32 s29, s0  }
0x317: {  	s0 =	sadd.s32 $0x80000000, s0;
	s30 =	spop (v2sf)  }
0x318: {  	s0 =	sadd.s32 s30, s0  }
0x319: {  	s0 =	sadd.s32 $0x80000000, s0;
	s31 =	spop (v2sf)  }
0x31a: {  	s0 =	sadd.s32 s31, s0  }
0x31b: {  	s0 =	sadd.s32 $0x80000000, s0  }
0x31c: {  	v6 =	vmov s0;
	_ =	sdelay $0x4  }
0x31d: {  	v6 =	vld.idx.msk [tilespmem:v6+s13+$0x0], $0xffff;
	_ =	sdelay $0x4  }
0x31e: {  	v6 =	vxor.u32 $0x80000000, v6  }
0x31f: {  	(xrf0) =	vmax.scan.msk.u32 $0xffff, v6;
	_ =	sdelay $0x5  }
0x320: {  	v6, _, _ =	vpop (xrf0)  }
0x321: {  	(v2sf) =	vpush v6, $0xF;
	_ =	sdelay $0xa  }
.Ltmp23:
0x322: {  	_ = 	snop;
	(pc) =	sbr.rel @p0 .LBB2_48-.Ltmp23, $3  }
0x323: {  	_ =	sdelay $0x1  }
0x324: {  	s1 =	simm.s32 $0x0;
	s0 =	sor.u32 s26, s0  }
0x325: {  	s26 =	simm.s32 $0x0;
	v6 =	vmov s0;
	s0 =	simm.s32 $0x0;
	s28 =	spop (v2sf)  }
0x326: {  	s0 =	simm.s32 $0x8000  }
0x327: {  	v7 =	vld [tilespmem:s0+$0x0];
	_ =	sdelay $0x3  }
0x328: {  	v8 =	vmov s26  }
0x329: {  	vm1 =	vlt.s32 v8, v5;
	vm2 =	vgt.s32 v7, v6  }
0x32a: {  	p1 =	sne.s32 s23, $0x1;
	vm3 =	veq.s32 v7, v6;
	vm2 =	vmand vm1, vm2  }
.Ltmp24:
0x32b: {  	vm1 =	vmand vm1, vm3;
	v8 =	vmpcnt.ones.xlane vm2;
	(pc) =	sbr.rel @!p1 .LBB2_43-.Ltmp24, $4  }
0x32c: {  	v9 =	vmpcnt.ones.xlane vm1  }
0x32d: {  	v8 =	vxor.u32 $0x80000000, v8  }
0x32e: {  	s31 =	simm.s32 $0x10080;
	v9 =	vxor.u32 $0x80000000, v9;
	(xrf0) =	vmax.scan.msk.u32 $0xffff, v8  }
0x32f: {  	s1 =	simm.s32 $0x1;
	p0 =	por $0x0, $0x0;
	v8 =	vld [tilespmem:s31+$0x0];
	(xrf0) =	vmax.scan.msk.u32 $0xffff, v9  }
0x330: {  	_ =	sdelay $0x3  }
0x331: {  	v9, _, _ =	vpop (xrf0)  }
0x332: {  	[tilespmem:s26+$0x1A200] =	vst.msk vm2, v7;
	(v2sf) =	vpush v9, $0xF;
	v9, _, _ =	vpop (xrf0)  }
0x333: {  	[tilespmem:s26+$0x1A380] =	vst.msk vm2, v8;
	(v2sf) =	vpush v9, $0xF  }
0x334: {  	s0 =	simm.s32 $0x8010;
	[tilespmem:s26+$0x19200] =	vst.msk vm1, v8  }
0x335: {  	v7 =	vld [tilespmem:s0+$0x0];
	_ =	sdelay $0x3  }
0x336: {  	v8 =	vmov s1  }
0x337: {  	vm1 =	vlt.s32 v8, v5;
	vm2 =	vgt.s32 v7, v6  }
0x338: {  	vm3 =	veq.s32 v7, v6;
	vm2 =	vmand vm1, vm2  }
0x339: {  	vm1 =	vmand vm1, vm3;
	v8 =	vmpcnt.ones.xlane vm2  }
0x33a: {  	p1 =	sne.s32 s23, $0x2;
	v9 =	vmpcnt.ones.xlane vm1  }
.Ltmp25:
0x33b: {  	v8 =	vxor.u32 $0x80000000, v8;
	(pc) =	sbr.rel @!p1 .LBB2_45-.Ltmp25, $4  }
0x33c: {  	v9 =	vxor.u32 $0x80000000, v9;
	(xrf0) =	vmax.scan.msk.u32 $0xffff, v8  }
0x33d: {  	s30 =	simm.s32 $0x10090;
	(xrf0) =	vmax.scan.msk.u32 $0xffff, v9  }
0x33e: {  	s29 =	simm.s32 $0x2;
	p0 =	por $0x1, $0x1;
	v8 =	vld [tilespmem:s30+$0x0];
	s21 =	spop (v2sf)  }
0x33f: {  	s31 =	simm.s32 $0x0;
	s1 =	sadd.s32 $0x0, s21;
	s2 =	spop (v2sf)  }
.LBB2_46:
0x340: {  	s1 =	sadd.s32 $0x80000000, s1  }
0x341: {  	s2 =	sadd.s32 s2, s31;
	s21 =	smov.u32 s29;
	s29 =	sadd.s32 $0x1, s29  }
0x342: {  	p1 =	sne.s32 s23, s29;
	[tilespmem:s1+$0x1A200] =	vst.msk vm2, v7;
	v7, _, _ =	vpop (xrf0);
	s31 =	sadd.s32 $0x80000000, s2  }
0x343: {  	[tilespmem:s1+$0x1A380] =	vst.msk vm2, v8;
	(v2sf) =	vpush v7, $0xF;
	v7, _, _ =	vpop (xrf0)  }
0x344: {  	s0 =	sadd.s32 $0x10, s0;
	[tilespmem:s31+$0x19200] =	vst.msk vm1, v8;
	(v2sf) =	vpush v7, $0xF  }
0x345: {  	v7 =	vld [tilespmem:s0+$0x0];
	_ =	sdelay $0x3  }
0x346: {  	v8 =	vmov s21  }
0x347: {  	vm1 =	vlt.s32 v8, v5;
	vm2 =	vgt.s32 v7, v6;
	vm3 =	veq.s32 v7, v6  }
0x348: {  	vm2 =	vmand vm1, vm2;
	vm1 =	vmand vm1, vm3  }
0x349: {  	v8 =	vmpcnt.ones.xlane vm2;
	v9 =	vmpcnt.ones.xlane vm1;
	_ =	sdelay $0x1  }
0x34a: {  	v8 =	vxor.u32 $0x80000000, v8;
	v9 =	vxor.u32 $0x80000000, v9  }
.Ltmp26:
0x34b: {  	(xrf0) =	vmax.scan.msk.u32 $0xffff, v8;
	(pc) =	sbr.rel @p1 .LBB2_46-.Ltmp26, $4  }
0x34c: {  	s30 =	sadd.s32 $0x10, s30;
	(xrf0) =	vmax.scan.msk.u32 $0xffff, v9  }
0x34d: {  	v8 =	vld [tilespmem:s30+$0x0]  }
0x34e: {  	s2 =	spop (v2sf)  }
0x34f: {  	s1 =	sadd.s32 s2, s1;
	s2 =	spop (v2sf)  }
.LBB2_47:
0x350: {  	_ = 	snop  }
0x351: {  	v5, _, _ =	vpop (xrf0)  }
0x352: {  	(v2sf) =	vpush v5, $0xF;
	v5, _, _ =	vpop (xrf0)  }
0x353: {  	(v2sf) =	vpush v5, $0xF;
	_ =	sdelay $0xb  }
0x354: {  	s0 =	sadd.s32 @p0 $0x80000000, s1;
	s1 =	simm.s32 $0x0  }
0x355: {  	s2 =	sadd.s32 @p0 s2, s31;
	s1 =	smov.u32 @p0 s0  }
0x356: {  	s0 =	sadd.s32 @p0 $0x80000000, s2;
	s2 =	simm.s32 $0x0;
	s21 =	spop (v2sf)  }
0x357: {  	[tilespmem:s1+$0x1A200] =	vst.msk vm2, v7;
	s2 =	smov.u32 @p0 s0;
	s31 =	spop (v2sf)  }
0x358: {  	[tilespmem:s1+$0x1A380] =	vst.msk vm2, v8;
	s1 =	sadd.s32 s21, s1;
	s0 =	sadd.s32 s31, s2  }
0x359: {  	[tilespmem:s2+$0x19200] =	vst.msk vm1, v8;
	s1 =	sadd.s32 $0x80000000, s1;
	s0 =	sadd.s32 $0x80000000, s0  }
.LBB2_48:
0x35a: {  	p0 =	slt.s32 s0, $0x1  }
.Ltmp27:
0x35b: {  	_ = 	snop;
	(pc) =	sbr.rel @p0 .LBB2_55-.Ltmp27, $1  }
0x35c: {  	_ =	sdelay $0x3  }
0x35d: {  	s2 =	sadd.s32 $0xF, s0  }
0x35e: {  	s21 =	ssub.s32 s24, s25;
	s23 =	sand.u32 $0xF, s2;
	s31 =	sshra.s32 s2, $0x1F  }
.Ltmp28:
0x35f: {  	p1 =	slt.s32 s2, $0x1;
	p0 =	sne.s32 s23, $0x0;
	(pc) =	sbr.rel .LBB2_50-.Ltmp28, $4  }
0x360: {  	s21 =	sadd.s32 s28, s21;
	s23 =	sshrl.u32 s31, $0x1C;
	p0 =	por !p1, !p0  }
0x361: {  	s2 =	sadd.s32 s23, s2;
	s23 =	simm.s32 $0x1;
	p0 =	por !p0, !p0  }
0x362: {  	s21 =	sadd.s32 $0x80000000, s21;
	s2 =	sshra.s32 s2, $0x4;
	s23 =	simm.s32 @!p0 $0x0  }
0x363: {  	v5 =	vmov s1;
	v8 =	vmov s0;
	v7 =	vmov s21;
	s23 =	ssub.s32 s2, s23  }
.LBB2_53:
0x364: {  	vm1 =	vmand vm1, vm2  }
0x365: {  	v11 =	vsel vm1, $0x1, v2  }
0x366: {  	v10 =	vadd.s32 v11, v10  }
.LBB2_54:
0x367: {  	(xrf0) =	vadd.scan.msk.s32 $0xffff, v10;
	_ =	sdelay $0x5  }
0x368: {  	v10, _, _ =	vpop (xrf0)  }
0x369: {  	v10 =	vbroadcast v10, $0xF;
	_ =	sdelay $0x1  }
0x36a: {  	vm1 =	vlt.s32 v10, v7  }
0x36b: {  	vm1 =	vmand vm1, vm0  }
0x36c: {  	s26 =	sadd.s32 $0x1, s26;
	v10 =	vadd.s32 v5, v10  }
0x36d: {  	p0 =	sne.s32 s26, s0  }
.Ltmp29:
0x36e: {  	_ = 	snop;
	(pc) =	sbr.rel @!p0 .LBB2_55-.Ltmp29, $3  }
0x36f: {  	_ =	sdelay $0x1  }
0x370: {  	[tilespmem:v10+s17+$0x0] =	vst.idx.msk vm1, v6  }
0x371: {  	[tilespmem:v10+s18+$0x0] =	vst.idx.msk vm1, v9  }
.LBB2_50:
0x372: {  	v9 =	vmov s26;
	_ =	sdelay $0x3  }
0x373: {  	s1 =	simm.s32 $0x19200  }
0x374: {  	v9 =	vld.idx.msk [tilespmem:v9+s1+$0x0], $0xffff;
	_ =	sdelay $0x4  }
0x375: {  	v9 =	vxor.u32 $0x80000000, v9  }
0x376: {  	(xrf0) =	vmax.scan.msk.u32 $0xffff, v9;
	_ =	sdelay $0x5  }
0x377: {  	v9, _, _ =	vpop (xrf0)  }
0x378: {  	(v2sf) =	vpush v9, $0xF;
	_ =	sdelay $0xb  }
0x379: {  	p0 =	slt.s32 s23, $0x1  }
.Ltmp30:
0x37a: {  	_ = 	snop;
	(pc) =	sbr.rel @p0 .LBB2_54-.Ltmp30, $4  }
0x37b: {  	_ = 	snop  }
0x37c: {  	s2 =	spop (v2sf)  }
0x37d: {  	s2 =	sxor.u32 $0x80000000, s2  }
0x37e: {  	v10 =	vimm.s32 $0x0;
	s24 =	simm.s32 $0x0;
	v9 =	vmov s2  }
0x37f: {  	v11 =	vld [tilespmem:s1+$0x0];
	p0 =	sne.s32 s23, $0x1  }
.Ltmp31:
0x380: {  	_ = 	snop;
	(pc) =	sbr.rel @!p0 .LBB2_53-.Ltmp31, $3  }
0x381: {  	_ =	sdelay $0x1  }
0x382: {  	v12 =	vor.u32 s24, v0  }
0x383: {  	s25 =	sadd.s32 $0xFFFFFFFF, s23;
	s1 =	sadd.s32 $0x10, s1;
	vm1 =	vlt.s32 v12, v8;
	vm2 =	vlt.s32 v11, v9  }
.LBB2_52:
0x384: {  	v11 =	vld [tilespmem:s1+$0x0];
	p0 =	sne.s32 s25, $0x1;
	s25 =	sadd.s32 $0xFFFFFFFF, s25;
	vm1 =	vmand vm1, vm2  }
.Ltmp32:
0x385: {  	v12 =	vsel vm1, $0x1, v2;
	(pc) =	sbr.rel @p0 .LBB2_52-.Ltmp32, $4  }
0x386: {  	v10 =	vadd.s32 v12, v10  }
0x387: {  	s24 =	sadd.s32 $0x10, s24  }
0x388: {  	v12 =	vor.u32 s24, v0  }
0x389: {  	s1 =	sadd.s32 $0x10, s1;
	vm1 =	vlt.s32 v12, v8;
	vm2 =	vlt.s32 v11, v9  }
.Ltmp33:
0x38a: {  	_ = 	snop;
	(pc) =	sbr.rel .LBB2_53-.Ltmp33, $1  }
0x38b: {  	_ =	sdelay $0x3  }
.LBB2_55:
0x38c: {  	s23 =	simm.s32 $0x0  }
.LBB2_56:
0x38d: {  	s0 =	sshll.u32 s23, $0x2  }
0x38e: {  	v5 =	vmov s0;
	s1 =	sor.u32 $0x1, s0  }
0x38f: {  	s0 =	sor.u32 $0x2, s0;
	v5 =	vbroadcast v5, $0x0;
	v6 =	vmov s1  }
0x390: {  	v7 =	vmov s0;
	v6 =	vbroadcast v6, $0x0  }
0x391: {  	v7 =	vbroadcast v7, $0x0  }
0x392: {  	s29 =	sshllo.u32 s23, $0x2  }
0x393: {  	v8 =	vmov s29;
	_ =	sdelay $0x1  }
0x394: {  	v9 =	vld.idx.msk [tilespmem:v5+s17+$0x0], $0xffff  }
0x395: {  	v10 =	vld.idx.msk [tilespmem:v6+s17+$0x0], $0xffff  }
0x396: {  	v11 =	vld.idx.msk [tilespmem:v7+s17+$0x0], $0xffff  }
0x397: {  	v12 =	vld.idx.msk [tilespmem:v8+s17+$0x0], $0xffff  }
0x398: {  	v5 =	vld.idx.msk [tilespmem:v5+s18+$0x0], $0xffff  }
0x399: {  	v6 =	vld.idx.msk [tilespmem:v6+s18+$0x0], $0xffff;
	v9 =	vxor.u32 $0x80000000, v9  }
0x39a: {  	v7 =	vld.idx.msk [tilespmem:v7+s18+$0x0], $0xffff;
	(xrf0) =	vmax.scan.msk.u32 $0xffff, v9;
	v9 =	vxor.u32 $0x80000000, v10  }
0x39b: {  	(xrf0) =	vmax.scan.msk.u32 $0xffff, v9;
	v9 =	vxor.u32 $0x80000000, v11  }
0x39c: {  	v8 =	vld.idx.msk [tilespmem:v8+s18+$0x0], $0xffff;
	(xrf0) =	vmax.scan.msk.u32 $0xffff, v9;
	v9 =	vxor.u32 $0x80000000, v12  }
0x39d: {  	v5 =	vxor.u32 $0x80000000, v5;
	(xrf0) =	vmax.scan.msk.u32 $0xffff, v9  }
0x39e: {  	(xrf0) =	vmax.scan.msk.u32 $0xffff, v5;
	v5 =	vxor.u32 $0x80000000, v6  }
0x39f: {  	(xrf0) =	vmax.scan.msk.u32 $0xffff, v5;
	v5 =	vxor.u32 $0x80000000, v7  }
0x3a0: {  	v6, _, _ =	vpop (xrf0)  }
0x3a1: {  	(xrf0) =	vmax.scan.msk.u32 $0xffff, v5;
	(v2sf) =	vpush v6, $0xF;
	v6 =	vxor.u32 $0x80000000, v8  }
0x3a2: {  	v5, _, _ =	vpop (xrf0);
	(xrf0) =	vmax.scan.msk.u32 $0xffff, v6  }
0x3a3: {  	(v2sf) =	vpush v5, $0xF;
	v5, _, _ =	vpop (xrf0)  }
0x3a4: {  	v6, _, _ =	vpop (xrf0);
	(v2sf) =	vpush v5, $0xF  }
0x3a5: {  	v5, _, _ =	vpop (xrf0);
	(v2sf) =	vpush v6, $0xF  }
0x3a6: {  	v6, _, _ =	vpop (xrf0);
	(v2sf) =	vpush v5, $0xF  }
0x3a7: {  	v5, _, _ =	vpop (xrf0);
	(v2sf) =	vpush v6, $0xF  }
0x3a8: {  	(v2sf) =	vpush v5, $0xF;
	v5, _, _ =	vpop (xrf0)  }
0x3a9: {  	(v2sf) =	vpush v5, $0xF;
	_ =	sdelay $0x7  }
0x3aa: {  	s30 =	spop (v2sf)  }
0x3ab: {  	s26 =	simm.s32 $0x0;
	s31 =	spop (v2sf)  }
0x3ac: {  	v15 =	vld [tilespmem:s26+$0x1A200];
	s2 =	spop (v2sf)  }
0x3ad: {  	s21 =	spop (v2sf)  }
0x3ae: {  	s24 =	spop (v2sf)  }
0x3af: {  	v14 =	vimm.s32 $0x0;
	v17 =	vimm.s32 $0x0;
	v13 =	vld [tilespmem:s26+$0x1A380];
	s0 =	sxor.u32 $0x80000000, s30;
	s1 =	sxor.u32 $0x80000000, s31;
	s25 =	spop (v2sf)  }
0x3b0: {  	v18 =	vimm.s32 $0x0;
	v7 =	vmov s0;
	s2 =	sxor.u32 $0x80000000, s2;
	v5 =	vmov s1;
	s28 =	spop (v2sf)  }
0x3b1: {  	vm1 =	veq.s32 v15, v7;
	s21 =	sxor.u32 $0x80000000, s21;
	v8 =	vmov s2;
	vm2 =	veq.s32 v15, v5;
	s24 =	sxor.u32 $0x80000000, s24;
	s26 =	spop (v2sf)  }
0x3b2: {  	v6 =	vmov s21;
	vm4 =	veq.s32 v15, v8;
	v10 =	vmov s24;
	s31 =	sxor.u32 $0x80000000, s26  }
0x3b3: {  	s29 =	sxor.u32 $0x80000000, s25;
	vm5 =	veq.s32 v15, v6;
	vm8 =	vgt.s32 v15, v6;
	v9 =	vmov s31  }
0x3b4: {  	s30 =	sxor.u32 $0x80000000, s28;
	v12 =	vmov s29;
	vm3 =	vlt.s32 v13, v10;
	vm6 =	vlt.s32 v13, v9  }
0x3b5: {  	v11 =	vmov s30;
	vm7 =	vlt.s32 v13, v12;
	vm5 =	vmand vm5, vm6  }
0x3b6: {  	vm1 =	vmand vm1, vm3;
	vm6 =	vlt.s32 v13, v11;
	vm5 =	vmor vm8, vm5  }
0x3b7: {  	s24 =	simm.s32 $0x10;
	vm3 =	vmand vm2, vm7;
	vm2 =	vmand vm4, vm6;
	v13 =	vsel vm5, $0x1, v2  }
0x3b8: {  	s0 =	simm.s32 $0x80;
	v16 =	vld [tilespmem:s24+$0x1A200];
	vm4 =	vgt.s32 v15, v7;
	vm5 =	vgt.s32 v15, v5;
	v13 =	vadd.s32 v13, v14  }
.LBB2_57:
0x3b9: {  	p0 =	sne.s32 s0, $0x3C0;
	v19 =	vld [tilespmem:s24+$0x1A380];
	vm1 =	vmor vm4, vm1;
	vm3 =	vmor vm5, vm3;
	vm4 =	vgt.s32 v15, v8  }
0x3ba: {  	v15 =	vsel vm1, $0x1, v2;
	v20 =	vsel vm3, $0x1, v2;
	vm1 =	vmor vm4, vm2  }
0x3bb: {  	v14 =	vadd.s32 v15, v14;
	v17 =	vadd.s32 v20, v17;
	v20 =	vsel vm1, $0x1, v2  }
0x3bc: {  	v18 =	vadd.s32 v20, v18  }
0x3bd: {  	vm1 =	veq.s32 v16, v7;
	vm2 =	veq.s32 v16, v5;
	vm4 =	veq.s32 v16, v8;
	v15 =	vmovc v16  }
.Ltmp34:
0x3be: {  	vm3 =	vlt.s32 v19, v10;
	vm5 =	veq.s32 v15, v6;
	vm6 =	vlt.s32 v19, v9;
	(pc) =	sbr.rel @p0 .LBB2_57-.Ltmp34, $4  }
0x3bf: {  	vm7 =	vlt.s32 v19, v12;
	vm8 =	vgt.s32 v15, v6;
	vm5 =	vmand vm5, vm6  }
0x3c0: {  	vm1 =	vmand vm1, vm3;
	vm6 =	vlt.s32 v19, v11;
	vm5 =	vmor vm8, vm5  }
0x3c1: {  	s24 =	sshra.s32 s0, $0x2;
	vm3 =	vmand vm2, vm7;
	vm2 =	vmand vm4, vm6;
	v19 =	vsel vm5, $0x1, v2  }
0x3c2: {  	s0 =	sadd.s32 $0x40, s0;
	vm4 =	vgt.s32 v15, v7;
	vm5 =	vgt.s32 v15, v5;
	v16 =	vld [tilespmem:s24+$0x1A200];
	v13 =	vadd.s32 v19, v13  }
0x3c3: {  	v19 =	vld [tilespmem:s24+$0x1A380]  }
0x3c4: {  	vm6 =	vgt.s32 v15, v8  }
0x3c5: {  	vm1 =	vmor vm4, vm1;
	vm3 =	vmor vm5, vm3;
	vm2 =	vmor vm6, vm2  }
0x3c6: {  	v50 =	vsel vm1, $0x1, v2;
	v20 =	vsel vm3, $0x1, v2;
	v21 =	vsel vm2, $0x1, v2  }
0x3c7: {  	v14 =	vadd.s32 v50, v14;
	v51 =	vadd.s32 v20, v17;
	v52 =	vadd.s32 v21, v18  }
0x3c8: {  	vm1 =	veq.s32 v16, v7;
	vm2 =	veq.s32 v16, v5;
	vm3 =	vlt.s32 v19, v10  }
0x3c9: {  	vm13 =	veq.s32 v16, v8;
	vm1 =	vmand vm1, vm3;
	vm3 =	vgt.s32 v16, v7  }
0x3ca: {  	vm14 =	veq.s32 v16, v6;
	vm15 =	vlt.s32 v19, v12;
	vm1 =	vmor vm3, vm1  }
0x3cb: {  	vm2 =	vmand vm2, vm15;
	vm3 =	vgt.s32 v16, v5;
	v53 =	vsel vm1, $0x1, v2  }
0x3cc: {  	vm1 =	vlt.s32 v19, v11;
	vm2 =	vmor vm3, vm2;
	v14 =	vadd.s32 v53, v14  }
0x3cd: {  	vm3 =	vgt.s32 v16, v8;
	vm1 =	vmand vm13, vm1;
	v54 =	vsel vm2, $0x1, v2;
	(xrf0) =	vadd.scan.msk.s32 $0xffff, v14  }
0x3ce: {  	vm2 =	vlt.s32 v19, v9;
	vm1 =	vmor vm3, vm1;
	v55 =	vadd.s32 v54, v51  }
0x3cf: {  	vm3 =	vgt.s32 v16, v6;
	vm2 =	vmand vm14, vm2;
	v56 =	vsel vm1, $0x1, v2;
	(xrf0) =	vadd.scan.msk.s32 $0xffff, v55  }
0x3d0: {  	vm1 =	vmor vm3, vm2;
	v57 =	vadd.s32 v56, v52  }
0x3d1: {  	v58 =	vsel vm1, $0x1, v2;
	(xrf0) =	vadd.scan.msk.s32 $0xffff, v57  }
0x3d2: {  	v13 =	vadd.s32 v58, v13  }
0x3d3: {  	v59, _, _ =	vpop (xrf0);
	(xrf0) =	vadd.scan.msk.s32 $0xffff, v13  }
0x3d4: {  	v60 =	vbroadcast v59, $0xF  }
0x3d5: {  	v61, _, _ =	vpop (xrf0)  }
0x3d6: {  	v14 =	vbroadcast v61, $0xF  }
0x3d7: {  	v62, _, _ =	vpop (xrf0)  }
0x3d8: {  	v15 =	vbroadcast v62, $0xF  }
0x3d9: {  	v63, _, _ =	vpop (xrf0)  }
0x3da: {  	[tilespmem:v60+s19+$0x0] =	vst.idx.msk $0x1, v7;
	v7 =	vbroadcast v63, $0xF  }
0x3db: {  	s23 =	sadd.s32 $0x1, s23;
	[tilespmem:v60+s20+$0x0] =	vst.idx.msk $0x1, v10  }
0x3dc: {  	p0 =	sne.s32 s23, $0x40;
	[tilespmem:v14+s19+$0x0] =	vst.idx.msk $0x1, v5  }
.Ltmp35:
0x3dd: {  	[tilespmem:v14+s20+$0x0] =	vst.idx.msk $0x1, v12;
	(pc) =	sbr.rel @p0 .LBB2_56-.Ltmp35, $4  }
0x3de: {  	[tilespmem:v15+s19+$0x0] =	vst.idx.msk $0x1, v8  }
0x3df: {  	[tilespmem:v15+s20+$0x0] =	vst.idx.msk $0x1, v11  }
0x3e0: {  	[tilespmem:v7+s19+$0x0] =	vst.idx.msk $0x1, v6  }
0x3e1: {  	[tilespmem:v7+s20+$0x0] =	vst.idx.msk $0x1, v9  }
0x3e2: {  	s0 =	simm.s32 $0x0  }
0x3e3: {  	v5 =	vld [tilespmem:s0+$0x1A500];
	_ =	sdelay $0x3  }
0x3e4: {  	s1 =	simm.s32 $0x40  }
.LBB2_60:
0x3e5: {  	s2 =	sshra.s32 s1, $0x2;
	p0 =	sne.s32 s1, $0x3C0;
	s1 =	sadd.s32 $0x40, s1;
	v6 =	vshra.s32 v5, $0x1F;
	v7 =	vmov v5  }
.Ltmp36:
0x3e6: {  	v5 =	vld [tilespmem:s2+$0x1A500];
	v6 =	vand.u32 $0x7FFFFFFF, v6;
	(pc) =	sbr.rel @p0 .LBB2_60-.Ltmp36, $3  }
0x3e7: {  	v6 =	vxor.u32 v7, v6  }
0x3e8: {  	v6 =	vadd.f32 v6, v6;
	_ =	sdelay $0x1  }
0x3e9: {  	[tilespmem:s0+$0x1A700] =	vst v6;
	s0 =	smov.u32 s2  }
0x3ea: {  	v6 =	vshra.s32 v5, $0x1F  }
0x3eb: {  	v6 =	vand.u32 $0x7FFFFFFF, v6  }
0x3ec: {  	v5 =	vxor.u32 v5, v6  }
0x3ed: {  	v5 =	vadd.f32 v5, v5;
	_ =	sdelay $0x1  }
0x3ee: {  	s31 =	simm.s32 $0x1A700;
	[tilespmem:s0+$0x1A700] =	vst v5  }
0x3ef: {  	[hbm4b:s4+s10] =	stream.strided.scatter [tilespmem:s31], [sflag:$0x1], $0x100, s11, s10, $0x38;
	[tilespmem:$0x1A800] =	vst v63  }
0x3f0: {  	_ =	swait.ge [sflag:s12], $0x100  }
0x3f1: {  	[sflag:s12] =	ssyncset.done $0x0  }
0x3f2: {  	[sflag:s12] =	ssyncadd.s32 $0xFFFFFF00  }
0x3f3: {  	[hbm4b:s5+s10] =	stream.strided.scatter [tilespmem:s20], [sflag:$0x1], $0x100, s11, s10, $0x38;
	[tilespmem:$0x1A800] =	vst v63  }
0x3f4: {  	_ =	swait.ge [sflag:s12], $0x100  }
0x3f5: {  	[sflag:s12] =	ssyncset.done $0x0  }
0x3f6: {  	s0 =	simm.s32 $0x0;
	[sflag:s12] =	ssyncadd.s32 $0xFFFFFF00  }
0x3f7: {  	[tilespmem:s0], [sflag:$0x1] =	stream.strided.gather [hbm4b:s6+s10], $0x8000, s11, s10, $0x38;
	[tilespmem:$0x1A800] =	vst v63  }
0x3f8: {  	_ =	swait.ge [sflag:s12], $0x8000  }
0x3f9: {  	[sflag:s12] =	ssyncset.done $0x0  }
0x3fa: {  	s1 =	simm.s32 $0x40;
	s2 =	simm.s32 $0x0;
	[sflag:s12] =	ssyncadd.s32 $0xFFFF8000  }
.LBB2_62:
0x3fb: {  	p0 =	sne.s32 s1, $0x3FC0;
	[tilespmem:s2+$0x18100] =	vst v2;
	s2 =	smov.u32 s1;
	s1 =	sadd.s32 $0x40, s1  }
.Ltmp37:
0x3fc: {  	(pc) =	sbr.rel @p0 .LBB2_62-.Ltmp37, $2  }
0x3fd: {  	_ =	sdelay $0x2  }
0x3fe: {  	s2 =	sshra.s32 s2, $0x2  }
0x3ff: {  	[tilespmem:s2+$0x18100] =	vst v2  }
.LBB2_64:
0x400: {  	s1 =	sshra.s32 s0, $0x2  }
0x401: {  	v5 =	vld [tilespmem:s1+$0x0];
	_ =	sdelay $0x4  }
0x402: {  	v6 =	vshra.s32 v5, $0x1F  }
0x403: {  	v6 =	vand.u32 $0x7F000000, v6  }
0x404: {  	v5 =	vxor.u32 v5, v6  }
0x405: {  	v5 =	vshra.s32 v5, $0x18  }
0x406: {  	p0 =	sne.s32 s0, $0x1FFC0;
	v5 =	vadd.s32 v3, v5  }
.Ltmp38:
0x407: {  	_ = 	snop;
	(pc) =	sbr.rel @p0 .LBB2_64-.Ltmp38, $3  }
0x408: {  	_ =	sdelay $0x1  }
0x409: {  	s1 =	simm.s32 $0x18100  }
0x40a: {  	s0 =	sadd.s32 $0x40, s0;
	[tilespmem:v5+s1+$0x0] =	vst.idx.add.s32.msk $0xffff, v4  }
0x40b: {  	s0 =	simm.s32 $0x0  }
0x40c: {  	v6 =	vld [tilespmem:s1+$0x0];
	s2 =	sand.u32 $0xF0, s0  }
0x40d: {  	v5 =	vld [tilespmem:s2+$0x18200]  }
0x40e: {  	v7 =	vld [tilespmem:s2+$0x18300]  }
0x40f: {  	v8 =	vld [tilespmem:s2+$0x18400]  }
0x410: {  	v9 =	vld [tilespmem:s2+$0x18500]  }
0x411: {  	v10 =	vld [tilespmem:s2+$0x18600]  }
0x412: {  	v5 =	vadd.s32 v6, v5;
	v6 =	vld [tilespmem:s2+$0x18700]  }
0x413: {  	v5 =	vadd.s32 v7, v5;
	v7 =	vld [tilespmem:s2+$0x18800]  }
0x414: {  	v5 =	vadd.s32 v8, v5;
	v8 =	vld [tilespmem:s2+$0x18900]  }
0x415: {  	v5 =	vadd.s32 v9, v5;
	v9 =	vld [tilespmem:s2+$0x18A00]  }
0x416: {  	v5 =	vadd.s32 v10, v5;
	v10 =	vld [tilespmem:s2+$0x18B00]  }
0x417: {  	v5 =	vadd.s32 v6, v5;
	v6 =	vld [tilespmem:s2+$0x18C00]  }
0x418: {  	v5 =	vadd.s32 v7, v5;
	v7 =	vld [tilespmem:s2+$0x18D00]  }
0x419: {  	v5 =	vadd.s32 v8, v5;
	v8 =	vld [tilespmem:s2+$0x18E00]  }
0x41a: {  	v5 =	vadd.s32 v9, v5;
	v9 =	vld [tilespmem:s2+$0x18F00]  }
0x41b: {  	v5 =	vadd.s32 v10, v5;
	v10 =	vld [tilespmem:s2+$0x19000]  }
0x41c: {  	v5 =	vadd.s32 v6, v5  }
0x41d: {  	v5 =	vadd.s32 v7, v5  }
0x41e: {  	v5 =	vadd.s32 v8, v5  }
0x41f: {  	v5 =	vadd.s32 v9, v5  }
0x420: {  	v5 =	vadd.s32 v10, v5  }
0x421: {  	(xrf0) =	vadd.scan.msk.s32 $0xffff, v5;
	_ =	sdelay $0x5  }
0x422: {  	v5, _, _ =	vpop (xrf0)  }
0x423: {  	s23 =	simm.s32 $0x19100;
	s31 =	simm.s32 $0x10;
	v5 =	vadd.s32 s0, v5  }
0x424: {  	s0 =	sand.u32 $0xF0, s31;
	[tilespmem:s23+$0x0] =	vst v5;
	v5 =	vxor.u32 $0x80000000, v5  }
0x425: {  	s24 =	simm.s32 $0x18110;
	v7 =	vld [tilespmem:s0+$0x18200];
	(xrf0) =	vmax.scan.msk.u32 $0xffff, v5  }
0x426: {  	v10 =	vld [tilespmem:s24+$0x0]  }
0x427: {  	v9 =	vld [tilespmem:s0+$0x18300]  }
0x428: {  	v8 =	vld [tilespmem:s0+$0x18400]  }
0x429: {  	v6 =	vld [tilespmem:s0+$0x18500]  }
0x42a: {  	v5 =	vld [tilespmem:s0+$0x18600]  }
0x42b: {  	s25 =	simm.s32 $0x20;
	s26 =	simm.s32 $0x30;
	v11 =	vadd.s32 v10, v7;
	v7 =	vld [tilespmem:s0+$0x18700];
	v10, _, _ =	vpop (xrf0)  }
.LBB2_66:
0x42c: {  	p0 =	sne.s32 s26, $0xF0;
	v9 =	vadd.s32 v9, v11;
	v11 =	vld [tilespmem:s0+$0x18800];
	(v2sf) =	vpush v10, $0xF  }
0x42d: {  	v8 =	vadd.s32 v8, v9;
	v9 =	vld [tilespmem:s0+$0x18900]  }
0x42e: {  	v6 =	vadd.s32 v6, v8;
	v8 =	vld [tilespmem:s0+$0x18A00]  }
0x42f: {  	v5 =	vadd.s32 v5, v6;
	v6 =	vld [tilespmem:s0+$0x18B00]  }
0x430: {  	v5 =	vadd.s32 v7, v5;
	v7 =	vld [tilespmem:s0+$0x18C00]  }
0x431: {  	v5 =	vadd.s32 v11, v5;
	v10 =	vld [tilespmem:s0+$0x18D00]  }
0x432: {  	v5 =	vadd.s32 v9, v5;
	v9 =	vld [tilespmem:s0+$0x18E00]  }
0x433: {  	v5 =	vadd.s32 v8, v5;
	v8 =	vld [tilespmem:s0+$0x18F00]  }
0x434: {  	v5 =	vadd.s32 v6, v5;
	v6 =	vld [tilespmem:s0+$0x19000]  }
0x435: {  	v5 =	vadd.s32 v7, v5  }
0x436: {  	v5 =	vadd.s32 v10, v5  }
0x437: {  	v5 =	vadd.s32 v9, v5  }
0x438: {  	v5 =	vadd.s32 v8, v5  }
0x439: {  	v5 =	vadd.s32 v6, v5  }
0x43a: {  	(xrf0) =	vadd.scan.msk.s32 $0xffff, v5  }
0x43b: {  	s0 =	spop (v2sf)  }
0x43c: {  	s0 =	sxor.u32 $0x80000000, s0;
	_ =	sdelay $0x3  }
0x43d: {  	v5, _, _ =	vpop (xrf0)  }
0x43e: {  	s23 =	sadd.s32 $0x10, s23;
	v5 =	vadd.s32 s0, v5  }
0x43f: {  	s0 =	sand.u32 $0xF0, s25;
	s25 =	smov.u32 s26;
	[tilespmem:s23+$0x0] =	vst v5;
	v5 =	vxor.u32 $0x80000000, v5  }
0x440: {  	s24 =	sadd.s32 $0x10, s24;
	v7 =	vld [tilespmem:s0+$0x18200];
	(xrf0) =	vmax.scan.msk.u32 $0xffff, v5  }
0x441: {  	v10 =	vld [tilespmem:s24+$0x0]  }
.Ltmp39:
0x442: {  	v9 =	vld [tilespmem:s0+$0x18300];
	(pc) =	sbr.rel @p0 .LBB2_66-.Ltmp39, $4  }
0x443: {  	v8 =	vld [tilespmem:s0+$0x18400]  }
0x444: {  	v6 =	vld [tilespmem:s0+$0x18500]  }
0x445: {  	v5 =	vld [tilespmem:s0+$0x18600]  }
0x446: {  	s26 =	sadd.s32 $0x10, s26;
	v11 =	vadd.s32 v10, v7;
	v7 =	vld [tilespmem:s0+$0x18700];
	v10, _, _ =	vpop (xrf0)  }
0x447: {  	v9 =	vadd.s32 v9, v11;
	v53 =	vld [tilespmem:s0+$0x18800]  }
0x448: {  	v54 =	vld [tilespmem:s0+$0x18900];
	v8 =	vadd.s32 v8, v9  }
0x449: {  	v6 =	vadd.s32 v6, v8;
	v8 =	vld [tilespmem:s0+$0x18A00]  }
0x44a: {  	v5 =	vadd.s32 v5, v6;
	v6 =	vld [tilespmem:s0+$0x18B00]  }
0x44b: {  	(v2sf) =	vpush v10, $0xF;
	v5 =	vadd.s32 v7, v5;
	v7 =	vld [tilespmem:s0+$0x18C00]  }
0x44c: {  	v55 =	vld [tilespmem:s0+$0x18D00];
	v5 =	vadd.s32 v53, v5  }
0x44d: {  	v56 =	vld [tilespmem:s0+$0x18E00];
	v5 =	vadd.s32 v54, v5  }
0x44e: {  	v5 =	vadd.s32 v8, v5;
	v8 =	vld [tilespmem:s0+$0x18F00]  }
0x44f: {  	v5 =	vadd.s32 v6, v5;
	v6 =	vld [tilespmem:s0+$0x19000]  }
0x450: {  	v5 =	vadd.s32 v7, v5  }
0x451: {  	v5 =	vadd.s32 v55, v5  }
0x452: {  	v5 =	vadd.s32 v56, v5  }
0x453: {  	v5 =	vadd.s32 v8, v5  }
0x454: {  	v5 =	vadd.s32 v6, v5  }
0x455: {  	(xrf0) =	vadd.scan.msk.s32 $0xffff, v5;
	_ =	sdelay $0x4  }
0x456: {  	s2 =	spop (v2sf)  }
0x457: {  	s0 =	sxor.u32 $0x80000000, s2;
	v5, _, _ =	vpop (xrf0)  }
0x458: {  	s21 =	sadd.s32 $0x10, s23;
	v5 =	vadd.s32 s0, v5  }
0x459: {  	s1 =	sand.u32 $0xF0, s25;
	[tilespmem:s21+$0x0] =	vst v5  }
0x45a: {  	s2 =	sadd.s32 $0x10, s24;
	v6 =	vld [tilespmem:s1+$0x18200]  }
0x45b: {  	v7 =	vld [tilespmem:s2+$0x0]  }
0x45c: {  	v8 =	vld [tilespmem:s1+$0x18300]  }
0x45d: {  	v5 =	vxor.u32 $0x80000000, v5;
	v57 =	vld [tilespmem:s1+$0x18400]  }
0x45e: {  	(xrf0) =	vmax.scan.msk.u32 $0xffff, v5;
	v5 =	vld [tilespmem:s1+$0x18500]  }
0x45f: {  	v58 =	vld [tilespmem:s1+$0x18600]  }
0x460: {  	v6 =	vadd.s32 v7, v6;
	v7 =	vld [tilespmem:s1+$0x18700]  }
0x461: {  	v6 =	vadd.s32 v8, v6;
	v8 =	vld [tilespmem:s1+$0x18800]  }
0x462: {  	v59 =	vld [tilespmem:s1+$0x18900];
	v6 =	vadd.s32 v57, v6  }
0x463: {  	v5 =	vadd.s32 v5, v6;
	v6 =	vld [tilespmem:s1+$0x18A00]  }
0x464: {  	v61 =	vld [tilespmem:s1+$0x18B00];
	v60, _, _ =	vpop (xrf0);
	v5 =	vadd.s32 v58, v5  }
0x465: {  	(v2sf) =	vpush v60, $0xF;
	v5 =	vadd.s32 v7, v5;
	v7 =	vld [tilespmem:s1+$0x18C00]  }
0x466: {  	v5 =	vadd.s32 v8, v5;
	v8 =	vld [tilespmem:s1+$0x18D00]  }
0x467: {  	v62 =	vld [tilespmem:s1+$0x18E00];
	v5 =	vadd.s32 v59, v5  }
0x468: {  	v5 =	vadd.s32 v6, v5;
	v6 =	vld [tilespmem:s1+$0x18F00]  }
0x469: {  	v63 =	vld [tilespmem:s1+$0x19000];
	v5 =	vadd.s32 v61, v5  }
0x46a: {  	v5 =	vadd.s32 v7, v5  }
0x46b: {  	v5 =	vadd.s32 v8, v5  }
0x46c: {  	v5 =	vadd.s32 v62, v5  }
0x46d: {  	v5 =	vadd.s32 v6, v5  }
0x46e: {  	v5 =	vadd.s32 v63, v5  }
0x46f: {  	(xrf0) =	vadd.scan.msk.s32 $0xffff, v5;
	_ =	sdelay $0x4  }
0x470: {  	s23 =	spop (v2sf)  }
0x471: {  	s1 =	sxor.u32 $0x80000000, s23;
	v5, _, _ =	vpop (xrf0)  }
0x472: {  	v5 =	vadd.s32 s1, v5  }
0x473: {  	v6 =	vxor.u32 $0x80000000, v5  }
0x474: {  	(xrf0) =	vmax.scan.msk.u32 $0xffff, v6;
	_ =	sdelay $0x5  }
0x475: {  	v6, _, _ =	vpop (xrf0)  }
0x476: {  	(v2sf) =	vpush v6, $0xF;
	_ =	sdelay $0xa  }
0x477: {  	s0 =	sadd.s32 $0x10, s21  }
0x478: {  	s24 =	simm.s32 $0x0;
	[tilespmem:s0+$0x0] =	vst v5  }
0x479: {  	v6 =	vld [tilespmem:s24+$0x19100]  }
0x47a: {  	s25 =	simm.s32 $0x10  }
0x47b: {  	s26 =	simm.s32 $0x20;
	v7 =	vld [tilespmem:s25+$0x19100];
	s28 =	spop (v2sf)  }
0x47c: {  	v8 =	vld [tilespmem:s26+$0x19100];
	s29 =	sadd.s32 $0x7FFFFF00, s28  }
0x47d: {  	v5 =	vmov s29  }
0x47e: {  	vm1 =	vle.s32 v6, v5  }
0x47f: {  	v6 =	vmpcnt.ones.xlane vm1  }
0x480: {  	vm1 =	vle.s32 v7, v5  }
0x481: {  	v7 =	vmpcnt.ones.xlane vm1;
	vm1 =	vle.s32 v8, v5;
	v6 =	vxor.u32 $0x80000000, v6  }
0x482: {  	v8 =	vmpcnt.ones.xlane vm1;
	(xrf0) =	vmax.scan.msk.u32 $0xffff, v6  }
0x483: {  	v6 =	vxor.u32 $0x80000000, v7  }
0x484: {  	(xrf0) =	vmax.scan.msk.u32 $0xffff, v6;
	v6 =	vxor.u32 $0x80000000, v8  }
0x485: {  	(xrf0) =	vmax.scan.msk.u32 $0xffff, v6;
	_ =	sdelay $0x2  }
0x486: {  	v6, _, _ =	vpop (xrf0)  }
0x487: {  	(v2sf) =	vpush v6, $0xF  }
0x488: {  	s30 =	simm.s32 $0x30;
	v6, _, _ =	vpop (xrf0)  }
0x489: {  	v7 =	vld [tilespmem:s30+$0x19100];
	(v2sf) =	vpush v6, $0xF;
	v8, _, _ =	vpop (xrf0)  }
0x48a: {  	(v2sf) =	vpush v8, $0xF;
	_ =	sdelay $0x3  }
0x48b: {  	s31 =	simm.s32 $0x40;
	vm1 =	vle.s32 v7, v5  }
0x48c: {  	v7 =	vmpcnt.ones.xlane vm1;
	v6 =	vld [tilespmem:s31+$0x19100];
	_ =	sdelay $0x1  }
0x48d: {  	v7 =	vxor.u32 $0x80000000, v7  }
0x48e: {  	(xrf0) =	vmax.scan.msk.u32 $0xffff, v7  }
0x48f: {  	s23 =	simm.s32 $0x140;
	s0 =	simm.s32 $0x0;
	s25 =	sxor.u32 $0x80000000, s28  }
.LBB2_68:
0x490: {  	s1 =	sshra.s32 s23, $0x2;
	p0 =	sne.s32 s23, $0x3C0;
	s23 =	sadd.s32 $0x40, s23;
	vm1 =	vle.s32 v6, v5  }
.Ltmp40:
0x491: {  	v6 =	vld [tilespmem:s1+$0x19100];
	v9 =	vmpcnt.ones.xlane vm1;
	(pc) =	sbr.rel @p0 .LBB2_68-.Ltmp40, $4  }
0x492: {  	s1 =	spop (v2sf)  }
0x493: {  	v8 =	vxor.u32 $0x80000000, v9;
	s0 =	sadd.s32 s1, s0  }
0x494: {  	(xrf0) =	vmax.scan.msk.u32 $0xffff, v8;
	v7, _, _ =	vpop (xrf0);
	s0 =	sadd.s32 $0x80000000, s0  }
0x495: {  	(v2sf) =	vpush v7, $0xF  }
0x496: {  	vm1 =	vle.s32 v6, v5  }
0x497: {  	v5 =	vmpcnt.ones.xlane vm1;
	_ =	sdelay $0x1  }
0x498: {  	v5 =	vxor.u32 $0x80000000, v5  }
0x499: {  	(xrf0) =	vmax.scan.msk.u32 $0xffff, v5;
	_ =	sdelay $0x3  }
0x49a: {  	v5, _, _ =	vpop (xrf0)  }
0x49b: {  	(v2sf) =	vpush v5, $0xF  }
0x49c: {  	v5, _, _ =	vpop (xrf0)  }
0x49d: {  	(v2sf) =	vpush v5, $0xF;
	_ =	sdelay $0x6  }
0x49e: {  	s1 =	spop (v2sf)  }
0x49f: {  	s0 =	sadd.s32 s1, s0  }
0x4a0: {  	s24 =	spop (v2sf);
	s0 =	sadd.s32 $0x80000000, s0  }
0x4a1: {  	s0 =	sadd.s32 s24, s0  }
0x4a2: {  	s0 =	sadd.s32 $0x80000000, s0;
	s26 =	spop (v2sf)  }
0x4a3: {  	s28 =	simm.s32 $0x0;
	s0 =	sadd.s32 s26, s0  }
0x4a4: {  	v5 =	vld [tilespmem:s28+$0x0];
	s0 =	sadd.s32 $0x80000000, s0;
	s2 =	spop (v2sf)  }
0x4a5: {  	s0 =	sadd.s32 s2, s0  }
0x4a6: {  	s0 =	sadd.s32 $0x80000000, s0;
	s29 =	spop (v2sf)  }
0x4a7: {  	s0 =	sadd.s32 s29, s0  }
0x4a8: {  	s0 =	sadd.s32 $0x80000000, s0  }
0x4a9: {  	v6 =	vshra.s32 v5, $0x1F;
	s30 =	sshll.u32 s0, $0x18  }
0x4aa: {  	v7 =	vand.u32 $0x7FFFFFFF, v6;
	s24 =	sxor.u32 $0x80000000, s30  }
0x4ab: {  	v8 =	vimm.s32 $0x0;
	v9 =	vxor.u32 v5, v7;
	v6 =	vmov s24  }
0x4ac: {  	v7 =	vshll.u32 v8, $0x4;
	vm1 =	vge.s32 v9, v6  }
0x4ad: {  	v10 =	vor.u32 v0, v7;
	v5 =	vmov s0;
	_ =	sdelay $0x4  }
0x4ae: {  	v7 =	vld.idx.msk [tilespmem:v5+s13+$0x0], $0xffff;
	v5 =	vlaneseq.u32;
	[tilespmem:v10+s14+$0x0] =	vst.idx.msk vm1, v9  }
0x4af: {  	s31 =	simm.s32 $0x10;
	v9 =	vsel vm1, $0x1, v2;
	[tilespmem:v10+s15+$0x0] =	vst.idx.msk vm1, v5  }
0x4b0: {  	s23 =	simm.s32 $0x80;
	s0 =	simm.s32 $0x40;
	v8 =	vadd.s32 v9, v8;
	v9 =	vld [tilespmem:s31+$0x0]  }
.LBB2_70:
0x4b1: {  	p0 =	seq.s32 s23, $0x1FFC0;
	_ =	sdelay $0x3  }
0x4b2: {  	v10 =	vshra.s32 v9, $0x1F  }
0x4b3: {  	v10 =	vand.u32 $0x7FFFFFFF, v10  }
0x4b4: {  	v9 =	vxor.u32 v9, v10  }
0x4b5: {  	v10 =	vshll.u32 v8, $0x4;
	vm1 =	vge.s32 v9, v6  }
0x4b6: {  	v10 =	vor.u32 v0, v10;
	v11 =	vsel vm1, $0x1, v2  }
0x4b7: {  	v8 =	vadd.s32 v11, v8;
	_ =	sdelay $0x1  }
.Ltmp41:
0x4b8: {  	(pc) =	sbr.rel @!p0 .LBB2_70-.Ltmp41, $4  }
0x4b9: {  	_ = 	snop  }
0x4ba: {  	v5 =	vadd.s32 $0x10, v5;
	[tilespmem:v10+s14+$0x0] =	vst.idx.msk vm1, v9  }
0x4bb: {  	s1 =	sshra.s32 s23, $0x2;
	[tilespmem:v10+s15+$0x0] =	vst.idx.msk vm1, v5  }
0x4bc: {  	s23 =	sadd.s32 $0x40, s23;
	v9 =	vld [tilespmem:s1+$0x0]  }
0x4bd: {  	_ =	sdelay $0x3  }
0x4be: {  	v10 =	vshra.s32 v9, $0x1F  }
0x4bf: {  	v10 =	vand.u32 $0x7FFFFFFF, v10  }
0x4c0: {  	v61 =	vxor.u32 v9, v10  }
0x4c1: {  	v62 =	vshll.u32 v8, $0x4;
	vm1 =	vge.s32 v61, v6  }
0x4c2: {  	v10 =	vor.u32 v0, v62;
	_ =	sdelay $0x4  }
0x4c3: {  	v63 =	vadd.s32 $0x10, v5;
	v11 =	vsel vm1, $0x1, v2;
	[tilespmem:v10+s14+$0x0] =	vst.idx.msk vm1, v61  }
0x4c4: {  	s1 =	simm.s32 $0x0;
	v5 =	vadd.s32 v11, v8;
	[tilespmem:v10+s15+$0x0] =	vst.idx.msk vm1, v63  }
.LBB2_72:
0x4c5: {  	p0 =	seq.s32 s0, $0x3FC0;
	[tilespmem:s1+$0x18100] =	vst v2;
	s1 =	smov.u32 s0;
	s0 =	sadd.s32 $0x40, s0  }
.Ltmp42:
0x4c6: {  	(pc) =	sbr.rel @!p0 .LBB2_72-.Ltmp42, $2  }
0x4c7: {  	_ =	sdelay $0x2  }
0x4c8: {  	s1 =	sshra.s32 s1, $0x2  }
0x4c9: {  	v7 =	vxor.u32 $0x80000000, v7  }
0x4ca: {  	(xrf0) =	vmax.scan.msk.u32 $0xffff, v7;
	v7 =	vxor.u32 $0x80000000, v5  }
0x4cb: {  	(xrf0) =	vmax.scan.msk.u32 $0xffff, v7;
	_ =	sdelay $0x4  }
0x4cc: {  	v7, _, _ =	vpop (xrf0)  }
0x4cd: {  	(v2sf) =	vpush v7, $0xF;
	v7, _, _ =	vpop (xrf0)  }
0x4ce: {  	(v2sf) =	vpush v7, $0xF;
	_ =	sdelay $0xd  }
0x4cf: {  	s29 =	spop (v2sf)  }
0x4d0: {  	s0 =	spop (v2sf)  }
0x4d1: {  	s23 =	sxor.u32 $0x80000000, s0  }
0x4d2: {  	p0 =	sgt.s32 s23, $0x0  }
.Ltmp43:
0x4d3: {  	_ = 	snop;
	(pc) =	sbr.rel @!p0 .LBB2_77-.Ltmp43, $2  }
0x4d4: {  	_ =	sdelay $0x2  }
0x4d5: {  	[tilespmem:s1+$0x18100] =	vst v2  }
0x4d6: {  	s0 =	simm.s32 $0x8000  }
0x4d7: {  	v7 =	vld [tilespmem:s0+$0x0];
	_ =	sdelay $0x4  }
0x4d8: {  	v9 =	vand.u32 $0xFF000000, v7;
	v7 =	vshrl.u32 v7, $0x10  }
0x4d9: {  	p0 =	sne.s32 s23, $0x1;
	v7 =	vand.u32 $0xFF, v7  }
.Ltmp44:
0x4da: {  	s1 =	simm.s32 $0x0;
	v7 =	vor.u32 v1, v7;
	(pc) =	sbr.rel @!p0 .LBB2_76-.Ltmp44, $4  }
0x4db: {  	v8 =	vmov s1  }
0x4dc: {  	vm1 =	vlt.s32 v8, v5;
	vm2 =	veq.s32 v9, v6  }
0x4dd: {  	vm1 =	vmand vm1, vm2  }
0x4de: {  	s26 =	simm.s32 $0x1;
	v8 =	vsel vm1, $0x1, v2  }
.LBB2_75:
0x4df: {  	[tilespmem:v7+s16+$0x0] =	vst.idx.add.s32.msk $0xffff, v8;
	s0 =	sadd.s32 $0x10, s0;
	s1 =	smov.u32 s26;
	s26 =	sadd.s32 $0x1, s26  }
0x4e0: {  	v7 =	vld [tilespmem:s0+$0x0];
	p0 =	sne.s32 s23, s26;
	_ =	sdelay $0x4  }
0x4e1: {  	v8 =	vmov s1;
	v9 =	vand.u32 $0xFF000000, v7;
	v7 =	vshrl.u32 v7, $0x10  }
0x4e2: {  	vm1 =	vlt.s32 v8, v5;
	vm2 =	veq.s32 v9, v6;
	v7 =	vand.u32 $0xFF, v7  }
.Ltmp45:
0x4e3: {  	vm1 =	vmand vm1, vm2;
	v7 =	vor.u32 v1, v7;
	(pc) =	sbr.rel @p0 .LBB2_75-.Ltmp45, $2  }
0x4e4: {  	_ =	sdelay $0x2  }
0x4e5: {  	v8 =	vsel vm1, $0x1, v2  }
.LBB2_76:
0x4e6: {  	_ =	sdelay $0x3  }
0x4e7: {  	[tilespmem:v7+s16+$0x0] =	vst.idx.add.s32.msk $0xffff, v8  }
.LBB2_77:
0x4e8: {  	s0 =	simm.s32 $0x0;
	s2 =	simm.s32 $0x18100  }
0x4e9: {  	s1 =	sand.u32 $0xF0, s0;
	v7 =	vld [tilespmem:s2+$0x0]  }
0x4ea: {  	v6 =	vld [tilespmem:s1+$0x18200]  }
0x4eb: {  	v8 =	vld [tilespmem:s1+$0x18300]  }
0x4ec: {  	v9 =	vld [tilespmem:s1+$0x18400]  }
0x4ed: {  	v10 =	vld [tilespmem:s1+$0x18500]  }
0x4ee: {  	v11 =	vld [tilespmem:s1+$0x18600]  }
0x4ef: {  	v6 =	vadd.s32 v7, v6;
	v7 =	vld [tilespmem:s1+$0x18700]  }
0x4f0: {  	v6 =	vadd.s32 v8, v6;
	v8 =	vld [tilespmem:s1+$0x18800]  }
0x4f1: {  	v6 =	vadd.s32 v9, v6;
	v9 =	vld [tilespmem:s1+$0x18900]  }
0x4f2: {  	v6 =	vadd.s32 v10, v6;
	v10 =	vld [tilespmem:s1+$0x18A00]  }
0x4f3: {  	v6 =	vadd.s32 v11, v6;
	v11 =	vld [tilespmem:s1+$0x18B00]  }
0x4f4: {  	v6 =	vadd.s32 v7, v6;
	v7 =	vld [tilespmem:s1+$0x18C00]  }
0x4f5: {  	v6 =	vadd.s32 v8, v6;
	v8 =	vld [tilespmem:s1+$0x18D00]  }
0x4f6: {  	v6 =	vadd.s32 v9, v6;
	v9 =	vld [tilespmem:s1+$0x18E00]  }
0x4f7: {  	v6 =	vadd.s32 v10, v6;
	v10 =	vld [tilespmem:s1+$0x18F00]  }
0x4f8: {  	v6 =	vadd.s32 v11, v6;
	v11 =	vld [tilespmem:s1+$0x19000]  }
0x4f9: {  	v6 =	vadd.s32 v7, v6  }
0x4fa: {  	v6 =	vadd.s32 v8, v6  }
0x4fb: {  	v6 =	vadd.s32 v9, v6  }
0x4fc: {  	v6 =	vadd.s32 v10, v6  }
0x4fd: {  	v6 =	vadd.s32 v11, v6  }
0x4fe: {  	(xrf0) =	vadd.scan.msk.s32 $0xffff, v6;
	_ =	sdelay $0x5  }
0x4ff: {  	v6, _, _ =	vpop (xrf0)  }
0x500: {  	s26 =	simm.s32 $0x19100;
	s21 =	simm.s32 $0x10;
	v6 =	vadd.s32 s0, v6  }
0x501: {  	s0 =	sand.u32 $0xF0, s21;
	[tilespmem:s26+$0x0] =	vst v6;
	v6 =	vxor.u32 $0x80000000, v6  }
0x502: {  	s28 =	simm.s32 $0x18110;
	v9 =	vld [tilespmem:s0+$0x18200];
	(xrf0) =	vmax.scan.msk.u32 $0xffff, v6  }
0x503: {  	v11 =	vld [tilespmem:s28+$0x0]  }
0x504: {  	v10 =	vld [tilespmem:s0+$0x18300]  }
0x505: {  	v8 =	vld [tilespmem:s0+$0x18400]  }
0x506: {  	s31 =	sxor.u32 $0x80000000, s29;
	v7 =	vld [tilespmem:s0+$0x18500]  }
0x507: {  	s1 =	ssub.s32 s31, s25;
	v6 =	vld [tilespmem:s0+$0x18600]  }
0x508: {  	s29 =	simm.s32 $0x20;
	s30 =	simm.s32 $0x30;
	s25 =	sadd.s32 $0x100, s1;
	v12 =	vadd.s32 v11, v9;
	v9 =	vld [tilespmem:s0+$0x18700];
	v11, _, _ =	vpop (xrf0)  }
.LBB2_78:
0x509: {  	p0 =	sne.s32 s30, $0xF0;
	v10 =	vadd.s32 v10, v12;
	v12 =	vld [tilespmem:s0+$0x18800];
	(v2sf) =	vpush v11, $0xF  }
0x50a: {  	v8 =	vadd.s32 v8, v10;
	v10 =	vld [tilespmem:s0+$0x18900]  }
0x50b: {  	v7 =	vadd.s32 v7, v8;
	v8 =	vld [tilespmem:s0+$0x18A00]  }
0x50c: {  	v6 =	vadd.s32 v6, v7;
	v7 =	vld [tilespmem:s0+$0x18B00]  }
0x50d: {  	v6 =	vadd.s32 v9, v6;
	v9 =	vld [tilespmem:s0+$0x18C00]  }
0x50e: {  	v6 =	vadd.s32 v12, v6;
	v11 =	vld [tilespmem:s0+$0x18D00]  }
0x50f: {  	v6 =	vadd.s32 v10, v6;
	v10 =	vld [tilespmem:s0+$0x18E00]  }
0x510: {  	v6 =	vadd.s32 v8, v6;
	v8 =	vld [tilespmem:s0+$0x18F00]  }
0x511: {  	v6 =	vadd.s32 v7, v6;
	v7 =	vld [tilespmem:s0+$0x19000]  }
0x512: {  	v6 =	vadd.s32 v9, v6  }
0x513: {  	v6 =	vadd.s32 v11, v6  }
0x514: {  	v6 =	vadd.s32 v10, v6  }
0x515: {  	v6 =	vadd.s32 v8, v6  }
0x516: {  	v6 =	vadd.s32 v7, v6  }
0x517: {  	(xrf0) =	vadd.scan.msk.s32 $0xffff, v6  }
0x518: {  	s0 =	spop (v2sf)  }
0x519: {  	s0 =	sxor.u32 $0x80000000, s0;
	_ =	sdelay $0x3  }
0x51a: {  	v6, _, _ =	vpop (xrf0)  }
0x51b: {  	s26 =	sadd.s32 $0x10, s26;
	v6 =	vadd.s32 s0, v6  }
0x51c: {  	s0 =	sand.u32 $0xF0, s29;
	s29 =	smov.u32 s30;
	[tilespmem:s26+$0x0] =	vst v6;
	v6 =	vxor.u32 $0x80000000, v6  }
0x51d: {  	s28 =	sadd.s32 $0x10, s28;
	v9 =	vld [tilespmem:s0+$0x18200];
	(xrf0) =	vmax.scan.msk.u32 $0xffff, v6  }
0x51e: {  	v11 =	vld [tilespmem:s28+$0x0]  }
.Ltmp46:
0x51f: {  	v10 =	vld [tilespmem:s0+$0x18300];
	(pc) =	sbr.rel @p0 .LBB2_78-.Ltmp46, $4  }
0x520: {  	v8 =	vld [tilespmem:s0+$0x18400]  }
0x521: {  	v7 =	vld [tilespmem:s0+$0x18500]  }
0x522: {  	v6 =	vld [tilespmem:s0+$0x18600]  }
0x523: {  	s30 =	sadd.s32 $0x10, s30;
	v12 =	vadd.s32 v11, v9;
	v9 =	vld [tilespmem:s0+$0x18700];
	v11, _, _ =	vpop (xrf0)  }
0x524: {  	v10 =	vadd.s32 v10, v12;
	v47 =	vld [tilespmem:s0+$0x18800]  }
0x525: {  	v48 =	vld [tilespmem:s0+$0x18900];
	v8 =	vadd.s32 v8, v10  }
0x526: {  	v7 =	vadd.s32 v7, v8;
	v8 =	vld [tilespmem:s0+$0x18A00]  }
0x527: {  	v6 =	vadd.s32 v6, v7;
	v7 =	vld [tilespmem:s0+$0x18B00]  }
0x528: {  	(v2sf) =	vpush v11, $0xF;
	v49 =	vld [tilespmem:s0+$0x18C00];
	v6 =	vadd.s32 v9, v6  }
0x529: {  	v50 =	vld [tilespmem:s0+$0x18D00];
	v6 =	vadd.s32 v47, v6  }
0x52a: {  	v51 =	vld [tilespmem:s0+$0x18E00];
	v6 =	vadd.s32 v48, v6  }
0x52b: {  	v6 =	vadd.s32 v8, v6;
	v8 =	vld [tilespmem:s0+$0x18F00]  }
0x52c: {  	v6 =	vadd.s32 v7, v6;
	v7 =	vld [tilespmem:s0+$0x19000]  }
0x52d: {  	v6 =	vadd.s32 v49, v6  }
0x52e: {  	v6 =	vadd.s32 v50, v6  }
0x52f: {  	v6 =	vadd.s32 v51, v6  }
0x530: {  	v6 =	vadd.s32 v8, v6  }
0x531: {  	v6 =	vadd.s32 v7, v6  }
0x532: {  	(xrf0) =	vadd.scan.msk.s32 $0xffff, v6;
	_ =	sdelay $0x4  }
0x533: {  	s21 =	spop (v2sf)  }
0x534: {  	s0 =	sxor.u32 $0x80000000, s21;
	v6, _, _ =	vpop (xrf0)  }
0x535: {  	s26 =	sadd.s32 $0x10, s26;
	v6 =	vadd.s32 s0, v6  }
0x536: {  	s1 =	sand.u32 $0xF0, s29;
	[tilespmem:s26+$0x0] =	vst v6  }
0x537: {  	s2 =	sadd.s32 $0x10, s28;
	v7 =	vld [tilespmem:s1+$0x18200]  }
0x538: {  	v8 =	vld [tilespmem:s2+$0x0]  }
0x539: {  	v52 =	vld [tilespmem:s1+$0x18300]  }
0x53a: {  	v6 =	vxor.u32 $0x80000000, v6;
	v53 =	vld [tilespmem:s1+$0x18400]  }
0x53b: {  	(xrf0) =	vmax.scan.msk.u32 $0xffff, v6;
	v6 =	vld [tilespmem:s1+$0x18500]  }
0x53c: {  	v54 =	vld [tilespmem:s1+$0x18600]  }
0x53d: {  	v7 =	vadd.s32 v8, v7;
	v8 =	vld [tilespmem:s1+$0x18700]  }
0x53e: {  	v55 =	vld [tilespmem:s1+$0x18800];
	v7 =	vadd.s32 v52, v7  }
0x53f: {  	v56 =	vld [tilespmem:s1+$0x18900];
	v7 =	vadd.s32 v53, v7  }
0x540: {  	v6 =	vadd.s32 v6, v7;
	v7 =	vld [tilespmem:s1+$0x18A00]  }
0x541: {  	v58 =	vld [tilespmem:s1+$0x18B00];
	v57, _, _ =	vpop (xrf0);
	v6 =	vadd.s32 v54, v6  }
0x542: {  	(v2sf) =	vpush v57, $0xF;
	v6 =	vadd.s32 v8, v6;
	v8 =	vld [tilespmem:s1+$0x18C00]  }
0x543: {  	v59 =	vld [tilespmem:s1+$0x18D00];
	v6 =	vadd.s32 v55, v6  }
0x544: {  	v60 =	vld [tilespmem:s1+$0x18E00];
	v6 =	vadd.s32 v56, v6  }
0x545: {  	v6 =	vadd.s32 v7, v6;
	v7 =	vld [tilespmem:s1+$0x18F00]  }
0x546: {  	v61 =	vld [tilespmem:s1+$0x19000];
	v6 =	vadd.s32 v58, v6  }
0x547: {  	v6 =	vadd.s32 v8, v6  }
0x548: {  	v6 =	vadd.s32 v59, v6  }
0x549: {  	v6 =	vadd.s32 v60, v6  }
0x54a: {  	v6 =	vadd.s32 v7, v6  }
0x54b: {  	v6 =	vadd.s32 v61, v6  }
0x54c: {  	(xrf0) =	vadd.scan.msk.s32 $0xffff, v6;
	_ =	sdelay $0x4  }
0x54d: {  	s30 =	spop (v2sf)  }
0x54e: {  	s1 =	sxor.u32 $0x80000000, s30;
	v6, _, _ =	vpop (xrf0)  }
0x54f: {  	v6 =	vadd.s32 s1, v6  }
0x550: {  	v7 =	vxor.u32 $0x80000000, v6  }
0x551: {  	(xrf0) =	vmax.scan.msk.u32 $0xffff, v7;
	_ =	sdelay $0x5  }
0x552: {  	v7, _, _ =	vpop (xrf0)  }
0x553: {  	(v2sf) =	vpush v7, $0xF;
	_ =	sdelay $0xb  }
0x554: {  	s0 =	sadd.s32 $0x10, s26  }
0x555: {  	s31 =	simm.s32 $0x0;
	[tilespmem:s0+$0x0] =	vst v6  }
0x556: {  	v7 =	vld [tilespmem:s31+$0x19100]  }
0x557: {  	s1 =	simm.s32 $0x10;
	s2 =	spop (v2sf)  }
0x558: {  	s21 =	simm.s32 $0x20;
	v8 =	vld [tilespmem:s1+$0x19100];
	s26 =	sxor.u32 $0x80000000, s2  }
0x559: {  	v62 =	vld [tilespmem:s21+$0x19100];
	s29 =	ssub.s32 s26, s25  }
0x55a: {  	v6 =	vmov s29  }
0x55b: {  	vm1 =	vle.s32 v7, v6  }
0x55c: {  	v7 =	vmpcnt.ones.xlane vm1  }
0x55d: {  	vm1 =	vle.s32 v8, v6  }
0x55e: {  	v8 =	vmpcnt.ones.xlane vm1;
	vm1 =	vle.s32 v62, v6;
	v7 =	vxor.u32 $0x80000000, v7  }
0x55f: {  	v9 =	vmpcnt.ones.xlane vm1;
	(xrf0) =	vmax.scan.msk.u32 $0xffff, v7  }
0x560: {  	v7 =	vxor.u32 $0x80000000, v8  }
0x561: {  	(xrf0) =	vmax.scan.msk.u32 $0xffff, v7;
	v7 =	vxor.u32 $0x80000000, v9  }
0x562: {  	(xrf0) =	vmax.scan.msk.u32 $0xffff, v7;
	_ =	sdelay $0x2  }
0x563: {  	v7, _, _ =	vpop (xrf0)  }
0x564: {  	(v2sf) =	vpush v7, $0xF  }
0x565: {  	s30 =	simm.s32 $0x30;
	v7, _, _ =	vpop (xrf0)  }
0x566: {  	v8 =	vld [tilespmem:s30+$0x19100];
	(v2sf) =	vpush v7, $0xF;
	v63, _, _ =	vpop (xrf0)  }
0x567: {  	(v2sf) =	vpush v63, $0xF;
	_ =	sdelay $0x3  }
0x568: {  	s31 =	simm.s32 $0x40;
	vm1 =	vle.s32 v8, v6  }
0x569: {  	v8 =	vmpcnt.ones.xlane vm1;
	v7 =	vld [tilespmem:s31+$0x19100];
	_ =	sdelay $0x1  }
0x56a: {  	v8 =	vxor.u32 $0x80000000, v8  }
0x56b: {  	(xrf0) =	vmax.scan.msk.u32 $0xffff, v8  }
0x56c: {  	s28 =	simm.s32 $0x140;
	s0 =	simm.s32 $0x0  }
.LBB2_80:
0x56d: {  	s1 =	sshra.s32 s28, $0x2;
	p0 =	sne.s32 s28, $0x3C0;
	s28 =	sadd.s32 $0x40, s28;
	vm1 =	vle.s32 v7, v6  }
.Ltmp47:
0x56e: {  	v7 =	vld [tilespmem:s1+$0x19100];
	v10 =	vmpcnt.ones.xlane vm1;
	(pc) =	sbr.rel @p0 .LBB2_80-.Ltmp47, $4  }
0x56f: {  	s1 =	spop (v2sf)  }
0x570: {  	v9 =	vxor.u32 $0x80000000, v10;
	s0 =	sadd.s32 s1, s0  }
0x571: {  	(xrf0) =	vmax.scan.msk.u32 $0xffff, v9;
	v8, _, _ =	vpop (xrf0);
	s0 =	sadd.s32 $0x80000000, s0  }
0x572: {  	(v2sf) =	vpush v8, $0xF  }
0x573: {  	vm1 =	vle.s32 v7, v6  }
0x574: {  	v6 =	vmpcnt.ones.xlane vm1;
	_ =	sdelay $0x1  }
0x575: {  	v6 =	vxor.u32 $0x80000000, v6  }
0x576: {  	(xrf0) =	vmax.scan.msk.u32 $0xffff, v6;
	_ =	sdelay $0x3  }
0x577: {  	v6, _, _ =	vpop (xrf0)  }
0x578: {  	(v2sf) =	vpush v6, $0xF  }
0x579: {  	v6, _, _ =	vpop (xrf0)  }
0x57a: {  	(v2sf) =	vpush v6, $0xF;
	_ =	sdelay $0x6  }
0x57b: {  	s1 =	spop (v2sf)  }
0x57c: {  	s0 =	sadd.s32 s1, s0  }
0x57d: {  	s28 =	spop (v2sf);
	s0 =	sadd.s32 $0x80000000, s0  }
0x57e: {  	s0 =	sadd.s32 s28, s0  }
0x57f: {  	s0 =	sadd.s32 $0x80000000, s0;
	s29 =	spop (v2sf)  }
0x580: {  	s0 =	sadd.s32 s29, s0  }
0x581: {  	s0 =	sadd.s32 $0x80000000, s0;
	s30 =	spop (v2sf)  }
0x582: {  	s0 =	sadd.s32 s30, s0  }
0x583: {  	s0 =	sadd.s32 $0x80000000, s0;
	s31 =	spop (v2sf)  }
0x584: {  	s0 =	sadd.s32 s31, s0  }
0x585: {  	s0 =	sadd.s32 $0x80000000, s0  }
0x586: {  	v6 =	vmov s0;
	_ =	sdelay $0x4  }
0x587: {  	s2 =	simm.s32 $0x0;
	s1 =	simm.s32 $0x40;
	v6 =	vld.idx.msk [tilespmem:v6+s13+$0x0], $0xffff  }
.LBB2_82:
0x588: {  	p0 =	sne.s32 s1, $0x3FC0;
	[tilespmem:s2+$0x18100] =	vst v2;
	s2 =	smov.u32 s1;
	s1 =	sadd.s32 $0x40, s1  }
.Ltmp48:
0x589: {  	(pc) =	sbr.rel @p0 .LBB2_82-.Ltmp48, $2  }
0x58a: {  	_ =	sdelay $0x2  }
0x58b: {  	s2 =	sshra.s32 s2, $0x2  }
0x58c: {  	v6 =	vxor.u32 $0x80000000, v6  }
0x58d: {  	(xrf0) =	vmax.scan.msk.u32 $0xffff, v6;
	_ =	sdelay $0x5  }
0x58e: {  	v6, _, _ =	vpop (xrf0)  }
0x58f: {  	(v2sf) =	vpush v6, $0xF;
	_ =	sdelay $0x9  }
0x590: {  	p0 =	slt.s32 s23, $0x1  }
.Ltmp49:
0x591: {  	_ = 	snop;
	(pc) =	sbr.rel @p0 .LBB2_87-.Ltmp49, $3  }
0x592: {  	_ =	sdelay $0x1  }
0x593: {  	s0 =	sshll.u32 s0, $0x10  }
0x594: {  	[tilespmem:s2+$0x18100] =	vst v2;
	s24 =	sor.u32 s24, s0;
	s30 =	spop (v2sf)  }
0x595: {  	s0 =	simm.s32 $0x8000  }
0x596: {  	v7 =	vld [tilespmem:s0+$0x0];
	_ =	sdelay $0x4  }
0x597: {  	v9 =	vand.u32 $0xFFFF0000, v7;
	v7 =	vshrl.u32 v7, $0x8  }
0x598: {  	p1 =	sne.s32 s23, $0x1;
	v7 =	vand.u32 $0xFF, v7  }
.Ltmp50:
0x599: {  	s1 =	simm.s32 $0x0;
	v7 =	vor.u32 v1, v7;
	(pc) =	sbr.rel @!p1 .LBB2_86-.Ltmp50, $4  }
0x59a: {  	v6 =	vmov s24;
	v8 =	vmov s1  }
0x59b: {  	vm1 =	vlt.s32 v8, v5;
	vm2 =	veq.s32 v9, v6  }
0x59c: {  	vm1 =	vmand vm1, vm2  }
0x59d: {  	s28 =	simm.s32 $0x1;
	v8 =	vsel vm1, $0x1, v2  }
.LBB2_85:
0x59e: {  	[tilespmem:v7+s16+$0x0] =	vst.idx.add.s32.msk $0xffff, v8;
	s0 =	sadd.s32 $0x10, s0;
	s1 =	smov.u32 s28;
	s28 =	sadd.s32 $0x1, s28  }
0x59f: {  	v7 =	vld [tilespmem:s0+$0x0];
	p1 =	sne.s32 s23, s28;
	_ =	sdelay $0x4  }
0x5a0: {  	v8 =	vmov s1;
	v9 =	vand.u32 $0xFFFF0000, v7;
	v7 =	vshrl.u32 v7, $0x8  }
0x5a1: {  	vm1 =	vlt.s32 v8, v5;
	vm2 =	veq.s32 v9, v6;
	v7 =	vand.u32 $0xFF, v7  }
.Ltmp51:
0x5a2: {  	vm1 =	vmand vm1, vm2;
	v7 =	vor.u32 v1, v7;
	(pc) =	sbr.rel @p1 .LBB2_85-.Ltmp51, $2  }
0x5a3: {  	_ =	sdelay $0x2  }
0x5a4: {  	v8 =	vsel vm1, $0x1, v2  }
.LBB2_86:
0x5a5: {  	_ =	sdelay $0x3  }
0x5a6: {  	[tilespmem:v7+s16+$0x0] =	vst.idx.add.s32.msk $0xffff, v8  }
.LBB2_87:
0x5a7: {  	s0 =	simm.s32 $0x0;
	s2 =	simm.s32 $0x18100  }
0x5a8: {  	s1 =	sand.u32 $0xF0, s0;
	v7 =	vld [tilespmem:s2+$0x0]  }
0x5a9: {  	v6 =	vld [tilespmem:s1+$0x18200]  }
0x5aa: {  	v8 =	vld [tilespmem:s1+$0x18300]  }
0x5ab: {  	v9 =	vld [tilespmem:s1+$0x18400]  }
0x5ac: {  	v10 =	vld [tilespmem:s1+$0x18500]  }
0x5ad: {  	v11 =	vld [tilespmem:s1+$0x18600]  }
0x5ae: {  	v6 =	vadd.s32 v7, v6;
	v7 =	vld [tilespmem:s1+$0x18700]  }
0x5af: {  	v6 =	vadd.s32 v8, v6;
	v8 =	vld [tilespmem:s1+$0x18800]  }
0x5b0: {  	v6 =	vadd.s32 v9, v6;
	v9 =	vld [tilespmem:s1+$0x18900]  }
0x5b1: {  	v6 =	vadd.s32 v10, v6;
	v10 =	vld [tilespmem:s1+$0x18A00]  }
0x5b2: {  	v6 =	vadd.s32 v11, v6;
	v11 =	vld [tilespmem:s1+$0x18B00]  }
0x5b3: {  	v6 =	vadd.s32 v7, v6;
	v7 =	vld [tilespmem:s1+$0x18C00]  }
0x5b4: {  	v6 =	vadd.s32 v8, v6;
	v8 =	vld [tilespmem:s1+$0x18D00]  }
0x5b5: {  	v6 =	vadd.s32 v9, v6;
	v9 =	vld [tilespmem:s1+$0x18E00]  }
0x5b6: {  	v6 =	vadd.s32 v10, v6;
	v10 =	vld [tilespmem:s1+$0x18F00]  }
0x5b7: {  	v6 =	vadd.s32 v11, v6;
	v11 =	vld [tilespmem:s1+$0x19000]  }
0x5b8: {  	v6 =	vadd.s32 v7, v6  }
0x5b9: {  	v6 =	vadd.s32 v8, v6  }
0x5ba: {  	v6 =	vadd.s32 v9, v6  }
0x5bb: {  	v6 =	vadd.s32 v10, v6  }
0x5bc: {  	v6 =	vadd.s32 v11, v6  }
0x5bd: {  	(xrf0) =	vadd.scan.msk.s32 $0xffff, v6;
	_ =	sdelay $0x5  }
0x5be: {  	v6, _, _ =	vpop (xrf0)  }
0x5bf: {  	s28 =	simm.s32 $0x19100;
	s21 =	simm.s32 $0x10;
	v6 =	vadd.s32 s0, v6  }
0x5c0: {  	s0 =	sand.u32 $0xF0, s21;
	[tilespmem:s28+$0x0] =	vst v6;
	v6 =	vxor.u32 $0x80000000, v6  }
0x5c1: {  	s29 =	simm.s32 $0x18110;
	v9 =	vld [tilespmem:s0+$0x18200];
	(xrf0) =	vmax.scan.msk.u32 $0xffff, v6  }
0x5c2: {  	v11 =	vld [tilespmem:s29+$0x0]  }
0x5c3: {  	v10 =	vld [tilespmem:s0+$0x18300]  }
0x5c4: {  	v8 =	vld [tilespmem:s0+$0x18400]  }
0x5c5: {  	s31 =	sxor.u32 $0x80000000, s30;
	v7 =	vld [tilespmem:s0+$0x18500]  }
0x5c6: {  	s1 =	ssub.s32 s31, s26;
	v6 =	vld [tilespmem:s0+$0x18600]  }
0x5c7: {  	s30 =	simm.s32 $0x30;
	s26 =	simm.s32 $0x20;
	s25 =	sadd.s32 s25, s1;
	v12 =	vadd.s32 v11, v9;
	v9 =	vld [tilespmem:s0+$0x18700];
	v11, _, _ =	vpop (xrf0)  }
.LBB2_88:
0x5c8: {  	p1 =	sne.s32 s30, $0xF0;
	v10 =	vadd.s32 v10, v12;
	v12 =	vld [tilespmem:s0+$0x18800];
	(v2sf) =	vpush v11, $0xF  }
0x5c9: {  	v8 =	vadd.s32 v8, v10;
	v10 =	vld [tilespmem:s0+$0x18900]  }
0x5ca: {  	v7 =	vadd.s32 v7, v8;
	v8 =	vld [tilespmem:s0+$0x18A00]  }
0x5cb: {  	v6 =	vadd.s32 v6, v7;
	v7 =	vld [tilespmem:s0+$0x18B00]  }
0x5cc: {  	v6 =	vadd.s32 v9, v6;
	v9 =	vld [tilespmem:s0+$0x18C00]  }
0x5cd: {  	v6 =	vadd.s32 v12, v6;
	v11 =	vld [tilespmem:s0+$0x18D00]  }
0x5ce: {  	v6 =	vadd.s32 v10, v6;
	v10 =	vld [tilespmem:s0+$0x18E00]  }
0x5cf: {  	v6 =	vadd.s32 v8, v6;
	v8 =	vld [tilespmem:s0+$0x18F00]  }
0x5d0: {  	v6 =	vadd.s32 v7, v6;
	v7 =	vld [tilespmem:s0+$0x19000]  }
0x5d1: {  	v6 =	vadd.s32 v9, v6  }
0x5d2: {  	v6 =	vadd.s32 v11, v6  }
0x5d3: {  	v6 =	vadd.s32 v10, v6  }
0x5d4: {  	v6 =	vadd.s32 v8, v6  }
0x5d5: {  	v6 =	vadd.s32 v7, v6  }
0x5d6: {  	(xrf0) =	vadd.scan.msk.s32 $0xffff, v6  }
0x5d7: {  	s0 =	spop (v2sf)  }
0x5d8: {  	s0 =	sxor.u32 $0x80000000, s0;
	_ =	sdelay $0x3  }
0x5d9: {  	v6, _, _ =	vpop (xrf0)  }
0x5da: {  	s28 =	sadd.s32 $0x10, s28;
	v6 =	vadd.s32 s0, v6  }
0x5db: {  	s0 =	sand.u32 $0xF0, s26;
	s26 =	smov.u32 s30;
	[tilespmem:s28+$0x0] =	vst v6;
	v6 =	vxor.u32 $0x80000000, v6  }
0x5dc: {  	s29 =	sadd.s32 $0x10, s29;
	v9 =	vld [tilespmem:s0+$0x18200];
	(xrf0) =	vmax.scan.msk.u32 $0xffff, v6  }
0x5dd: {  	v11 =	vld [tilespmem:s29+$0x0]  }
.Ltmp52:
0x5de: {  	v10 =	vld [tilespmem:s0+$0x18300];
	(pc) =	sbr.rel @p1 .LBB2_88-.Ltmp52, $4  }
0x5df: {  	v8 =	vld [tilespmem:s0+$0x18400]  }
0x5e0: {  	v7 =	vld [tilespmem:s0+$0x18500]  }
0x5e1: {  	v6 =	vld [tilespmem:s0+$0x18600]  }
0x5e2: {  	s30 =	sadd.s32 $0x10, s30;
	v12 =	vadd.s32 v11, v9;
	v9 =	vld [tilespmem:s0+$0x18700];
	v11, _, _ =	vpop (xrf0)  }
0x5e3: {  	v10 =	vadd.s32 v10, v12;
	v47 =	vld [tilespmem:s0+$0x18800]  }
0x5e4: {  	v48 =	vld [tilespmem:s0+$0x18900];
	v8 =	vadd.s32 v8, v10  }
0x5e5: {  	v7 =	vadd.s32 v7, v8;
	v8 =	vld [tilespmem:s0+$0x18A00]  }
0x5e6: {  	v6 =	vadd.s32 v6, v7;
	v7 =	vld [tilespmem:s0+$0x18B00]  }
0x5e7: {  	(v2sf) =	vpush v11, $0xF;
	v49 =	vld [tilespmem:s0+$0x18C00];
	v6 =	vadd.s32 v9, v6  }
0x5e8: {  	v50 =	vld [tilespmem:s0+$0x18D00];
	v6 =	vadd.s32 v47, v6  }
0x5e9: {  	v51 =	vld [tilespmem:s0+$0x18E00];
	v6 =	vadd.s32 v48, v6  }
0x5ea: {  	v6 =	vadd.s32 v8, v6;
	v8 =	vld [tilespmem:s0+$0x18F00]  }
0x5eb: {  	v6 =	vadd.s32 v7, v6;
	v7 =	vld [tilespmem:s0+$0x19000]  }
0x5ec: {  	v6 =	vadd.s32 v49, v6  }
0x5ed: {  	v6 =	vadd.s32 v50, v6  }
0x5ee: {  	v6 =	vadd.s32 v51, v6  }
0x5ef: {  	v6 =	vadd.s32 v8, v6  }
0x5f0: {  	v6 =	vadd.s32 v7, v6  }
0x5f1: {  	(xrf0) =	vadd.scan.msk.s32 $0xffff, v6;
	_ =	sdelay $0x4  }
0x5f2: {  	s21 =	spop (v2sf)  }
0x5f3: {  	s0 =	sxor.u32 $0x80000000, s21;
	v6, _, _ =	vpop (xrf0)  }
0x5f4: {  	s30 =	sadd.s32 $0x10, s28;
	v6 =	vadd.s32 s0, v6  }
0x5f5: {  	s1 =	sand.u32 $0xF0, s26;
	[tilespmem:s30+$0x0] =	vst v6  }
0x5f6: {  	s2 =	sadd.s32 $0x10, s29;
	v7 =	vld [tilespmem:s1+$0x18200]  }
0x5f7: {  	v8 =	vld [tilespmem:s2+$0x0]  }
0x5f8: {  	v52 =	vld [tilespmem:s1+$0x18300]  }
0x5f9: {  	v6 =	vxor.u32 $0x80000000, v6;
	v53 =	vld [tilespmem:s1+$0x18400]  }
0x5fa: {  	(xrf0) =	vmax.scan.msk.u32 $0xffff, v6;
	v6 =	vld [tilespmem:s1+$0x18500]  }
0x5fb: {  	v54 =	vld [tilespmem:s1+$0x18600]  }
0x5fc: {  	v7 =	vadd.s32 v8, v7;
	v8 =	vld [tilespmem:s1+$0x18700]  }
0x5fd: {  	v55 =	vld [tilespmem:s1+$0x18800];
	v7 =	vadd.s32 v52, v7  }
0x5fe: {  	v56 =	vld [tilespmem:s1+$0x18900];
	v7 =	vadd.s32 v53, v7  }
0x5ff: {  	v6 =	vadd.s32 v6, v7;
	v7 =	vld [tilespmem:s1+$0x18A00]  }
0x600: {  	v58 =	vld [tilespmem:s1+$0x18B00];
	v57, _, _ =	vpop (xrf0);
	v6 =	vadd.s32 v54, v6  }
0x601: {  	(v2sf) =	vpush v57, $0xF;
	v6 =	vadd.s32 v8, v6;
	v8 =	vld [tilespmem:s1+$0x18C00]  }
0x602: {  	v59 =	vld [tilespmem:s1+$0x18D00];
	v6 =	vadd.s32 v55, v6  }
0x603: {  	v60 =	vld [tilespmem:s1+$0x18E00];
	v6 =	vadd.s32 v56, v6  }
0x604: {  	v6 =	vadd.s32 v7, v6;
	v7 =	vld [tilespmem:s1+$0x18F00]  }
0x605: {  	v61 =	vld [tilespmem:s1+$0x19000];
	v6 =	vadd.s32 v58, v6  }
0x606: {  	v6 =	vadd.s32 v8, v6  }
0x607: {  	v6 =	vadd.s32 v59, v6  }
0x608: {  	v6 =	vadd.s32 v60, v6  }
0x609: {  	v6 =	vadd.s32 v7, v6  }
0x60a: {  	v6 =	vadd.s32 v61, v6  }
0x60b: {  	(xrf0) =	vadd.scan.msk.s32 $0xffff, v6;
	_ =	sdelay $0x4  }
0x60c: {  	s31 =	spop (v2sf)  }
0x60d: {  	s1 =	sxor.u32 $0x80000000, s31;
	v6, _, _ =	vpop (xrf0)  }
0x60e: {  	v6 =	vadd.s32 s1, v6  }
0x60f: {  	v7 =	vxor.u32 $0x80000000, v6  }
0x610: {  	(xrf0) =	vmax.scan.msk.u32 $0xffff, v7;
	_ =	sdelay $0x5  }
0x611: {  	v7, _, _ =	vpop (xrf0)  }
0x612: {  	(v2sf) =	vpush v7, $0xF;
	_ =	sdelay $0xb  }
0x613: {  	s0 =	sadd.s32 $0x10, s30  }
0x614: {  	s1 =	simm.s32 $0x0;
	[tilespmem:s0+$0x0] =	vst v6  }
0x615: {  	v7 =	vld [tilespmem:s1+$0x19100]  }
0x616: {  	s2 =	simm.s32 $0x10;
	s21 =	spop (v2sf)  }
0x617: {  	s26 =	simm.s32 $0x20;
	v8 =	vld [tilespmem:s2+$0x19100];
	s28 =	sxor.u32 $0x80000000, s21  }
0x618: {  	v62 =	vld [tilespmem:s26+$0x19100];
	s29 =	ssub.s32 s28, s25  }
0x619: {  	v6 =	vmov s29  }
0x61a: {  	vm1 =	vle.s32 v7, v6  }
0x61b: {  	v7 =	vmpcnt.ones.xlane vm1  }
0x61c: {  	vm1 =	vle.s32 v8, v6  }
0x61d: {  	v8 =	vmpcnt.ones.xlane vm1;
	vm1 =	vle.s32 v62, v6;
	v7 =	vxor.u32 $0x80000000, v7  }
0x61e: {  	v9 =	vmpcnt.ones.xlane vm1;
	(xrf0) =	vmax.scan.msk.u32 $0xffff, v7  }
0x61f: {  	v7 =	vxor.u32 $0x80000000, v8  }
0x620: {  	(xrf0) =	vmax.scan.msk.u32 $0xffff, v7;
	v7 =	vxor.u32 $0x80000000, v9  }
0x621: {  	(xrf0) =	vmax.scan.msk.u32 $0xffff, v7;
	_ =	sdelay $0x2  }
0x622: {  	v7, _, _ =	vpop (xrf0)  }
0x623: {  	(v2sf) =	vpush v7, $0xF  }
0x624: {  	s30 =	simm.s32 $0x30;
	v7, _, _ =	vpop (xrf0)  }
0x625: {  	v8 =	vld [tilespmem:s30+$0x19100];
	(v2sf) =	vpush v7, $0xF;
	v63, _, _ =	vpop (xrf0)  }
0x626: {  	(v2sf) =	vpush v63, $0xF;
	_ =	sdelay $0x3  }
0x627: {  	s31 =	simm.s32 $0x40;
	vm1 =	vle.s32 v8, v6  }
0x628: {  	v8 =	vmpcnt.ones.xlane vm1;
	v7 =	vld [tilespmem:s31+$0x19100];
	_ =	sdelay $0x1  }
0x629: {  	v8 =	vxor.u32 $0x80000000, v8  }
0x62a: {  	(xrf0) =	vmax.scan.msk.u32 $0xffff, v8  }
0x62b: {  	s0 =	simm.s32 $0x0;
	s26 =	simm.s32 $0x140  }
.LBB2_90:
0x62c: {  	s1 =	sshra.s32 s26, $0x2;
	p1 =	sne.s32 s26, $0x3C0;
	s26 =	sadd.s32 $0x40, s26;
	vm1 =	vle.s32 v7, v6  }
.Ltmp53:
0x62d: {  	v7 =	vld [tilespmem:s1+$0x19100];
	v10 =	vmpcnt.ones.xlane vm1;
	(pc) =	sbr.rel @p1 .LBB2_90-.Ltmp53, $4  }
0x62e: {  	s1 =	spop (v2sf)  }
0x62f: {  	v9 =	vxor.u32 $0x80000000, v10;
	s0 =	sadd.s32 s1, s0  }
0x630: {  	(xrf0) =	vmax.scan.msk.u32 $0xffff, v9;
	v8, _, _ =	vpop (xrf0);
	s0 =	sadd.s32 $0x80000000, s0  }
0x631: {  	(v2sf) =	vpush v8, $0xF  }
0x632: {  	vm1 =	vle.s32 v7, v6  }
0x633: {  	v6 =	vmpcnt.ones.xlane vm1;
	_ =	sdelay $0x1  }
0x634: {  	v6 =	vxor.u32 $0x80000000, v6  }
0x635: {  	(xrf0) =	vmax.scan.msk.u32 $0xffff, v6;
	_ =	sdelay $0x3  }
0x636: {  	v6, _, _ =	vpop (xrf0)  }
0x637: {  	(v2sf) =	vpush v6, $0xF  }
0x638: {  	v6, _, _ =	vpop (xrf0)  }
0x639: {  	(v2sf) =	vpush v6, $0xF;
	_ =	sdelay $0x6  }
0x63a: {  	s1 =	spop (v2sf)  }
0x63b: {  	s0 =	sadd.s32 s1, s0  }
0x63c: {  	s26 =	spop (v2sf);
	s0 =	sadd.s32 $0x80000000, s0  }
0x63d: {  	s0 =	sadd.s32 s26, s0  }
0x63e: {  	s0 =	sadd.s32 $0x80000000, s0;
	s29 =	spop (v2sf)  }
0x63f: {  	s0 =	sadd.s32 s29, s0  }
0x640: {  	s0 =	sadd.s32 $0x80000000, s0;
	s30 =	spop (v2sf)  }
0x641: {  	s0 =	sadd.s32 s30, s0  }
0x642: {  	s0 =	sadd.s32 $0x80000000, s0;
	s31 =	spop (v2sf)  }
0x643: {  	s0 =	sadd.s32 s31, s0  }
0x644: {  	s0 =	sadd.s32 $0x80000000, s0  }
0x645: {  	v6 =	vmov s0;
	_ =	sdelay $0x4  }
0x646: {  	s2 =	simm.s32 $0x0;
	s1 =	simm.s32 $0x40;
	v6 =	vld.idx.msk [tilespmem:v6+s13+$0x0], $0xffff  }
.LBB2_92:
0x647: {  	p1 =	sne.s32 s1, $0x3FC0;
	[tilespmem:s2+$0x18100] =	vst v2;
	s2 =	smov.u32 s1;
	s1 =	sadd.s32 $0x40, s1  }
.Ltmp54:
0x648: {  	(pc) =	sbr.rel @p1 .LBB2_92-.Ltmp54, $2  }
0x649: {  	_ =	sdelay $0x2  }
0x64a: {  	s2 =	sshra.s32 s2, $0x2  }
0x64b: {  	v6 =	vxor.u32 $0x80000000, v6  }
0x64c: {  	(xrf0) =	vmax.scan.msk.u32 $0xffff, v6;
	_ =	sdelay $0x5  }
0x64d: {  	v6, _, _ =	vpop (xrf0)  }
0x64e: {  	(v2sf) =	vpush v6, $0xF;
	_ =	sdelay $0xa  }
.Ltmp55:
0x64f: {  	_ = 	snop;
	(pc) =	sbr.rel @p0 .LBB2_97-.Ltmp55, $3  }
0x650: {  	_ =	sdelay $0x1  }
0x651: {  	s0 =	sshll.u32 s0, $0x8  }
0x652: {  	[tilespmem:s2+$0x18100] =	vst v2;
	s26 =	sor.u32 s24, s0;
	s31 =	spop (v2sf)  }
0x653: {  	s0 =	simm.s32 $0x8000  }
0x654: {  	v7 =	vld [tilespmem:s0+$0x0];
	_ =	sdelay $0x4  }
0x655: {  	p1 =	sne.s32 s23, $0x1;
	v9 =	vand.u32 $0xFFFFFF00, v7;
	v7 =	vand.u32 $0xFF, v7  }
.Ltmp56:
0x656: {  	s1 =	simm.s32 $0x0;
	v7 =	vor.u32 v1, v7;
	(pc) =	sbr.rel @!p1 .LBB2_96-.Ltmp56, $4  }
0x657: {  	v6 =	vmov s26;
	v8 =	vmov s1  }
0x658: {  	vm1 =	vlt.s32 v8, v5;
	vm2 =	veq.s32 v9, v6  }
0x659: {  	vm1 =	vmand vm1, vm2  }
0x65a: {  	s24 =	simm.s32 $0x1;
	v8 =	vsel vm1, $0x1, v2  }
.LBB2_95:
0x65b: {  	[tilespmem:v7+s16+$0x0] =	vst.idx.add.s32.msk $0xffff, v8;
	s0 =	sadd.s32 $0x10, s0;
	s1 =	smov.u32 s24;
	s24 =	sadd.s32 $0x1, s24  }
0x65c: {  	v7 =	vld [tilespmem:s0+$0x0];
	p1 =	sne.s32 s23, s24;
	_ =	sdelay $0x4  }
0x65d: {  	v8 =	vmov s1;
	v9 =	vand.u32 $0xFFFFFF00, v7;
	v7 =	vand.u32 $0xFF, v7  }
.Ltmp57:
0x65e: {  	vm1 =	vlt.s32 v8, v5;
	vm2 =	veq.s32 v9, v6;
	v7 =	vor.u32 v1, v7;
	(pc) =	sbr.rel @p1 .LBB2_95-.Ltmp57, $2  }
0x65f: {  	vm1 =	vmand vm1, vm2;
	_ =	sdelay $0x2  }
0x660: {  	v8 =	vsel vm1, $0x1, v2  }
.LBB2_96:
0x661: {  	_ =	sdelay $0x3  }
0x662: {  	[tilespmem:v7+s16+$0x0] =	vst.idx.add.s32.msk $0xffff, v8  }
.LBB2_97:
0x663: {  	s0 =	simm.s32 $0x0;
	s2 =	simm.s32 $0x18100  }
0x664: {  	s1 =	sand.u32 $0xF0, s0;
	v7 =	vld [tilespmem:s2+$0x0]  }
0x665: {  	v6 =	vld [tilespmem:s1+$0x18200]  }
0x666: {  	v8 =	vld [tilespmem:s1+$0x18300]  }
0x667: {  	v9 =	vld [tilespmem:s1+$0x18400]  }
0x668: {  	v10 =	vld [tilespmem:s1+$0x18500]  }
0x669: {  	v11 =	vld [tilespmem:s1+$0x18600]  }
0x66a: {  	v6 =	vadd.s32 v7, v6;
	v7 =	vld [tilespmem:s1+$0x18700]  }
0x66b: {  	v6 =	vadd.s32 v8, v6;
	v8 =	vld [tilespmem:s1+$0x18800]  }
0x66c: {  	v6 =	vadd.s32 v9, v6;
	v9 =	vld [tilespmem:s1+$0x18900]  }
0x66d: {  	v6 =	vadd.s32 v10, v6;
	v10 =	vld [tilespmem:s1+$0x18A00]  }
0x66e: {  	v6 =	vadd.s32 v11, v6;
	v11 =	vld [tilespmem:s1+$0x18B00]  }
0x66f: {  	v6 =	vadd.s32 v7, v6;
	v7 =	vld [tilespmem:s1+$0x18C00]  }
0x670: {  	v6 =	vadd.s32 v8, v6;
	v8 =	vld [tilespmem:s1+$0x18D00]  }
0x671: {  	v6 =	vadd.s32 v9, v6;
	v9 =	vld [tilespmem:s1+$0x18E00]  }
0x672: {  	v6 =	vadd.s32 v10, v6;
	v10 =	vld [tilespmem:s1+$0x18F00]  }
0x673: {  	v6 =	vadd.s32 v11, v6;
	v11 =	vld [tilespmem:s1+$0x19000]  }
0x674: {  	v6 =	vadd.s32 v7, v6  }
0x675: {  	v6 =	vadd.s32 v8, v6  }
0x676: {  	v6 =	vadd.s32 v9, v6  }
0x677: {  	v6 =	vadd.s32 v10, v6  }
0x678: {  	v6 =	vadd.s32 v11, v6  }
0x679: {  	(xrf0) =	vadd.scan.msk.s32 $0xffff, v6;
	_ =	sdelay $0x5  }
0x67a: {  	v6, _, _ =	vpop (xrf0)  }
0x67b: {  	s29 =	simm.s32 $0x19100;
	s24 =	simm.s32 $0x10;
	v6 =	vadd.s32 s0, v6  }
0x67c: {  	s0 =	sand.u32 $0xF0, s24;
	[tilespmem:s29+$0x0] =	vst v6;
	v6 =	vxor.u32 $0x80000000, v6  }
0x67d: {  	s30 =	simm.s32 $0x18110;
	v9 =	vld [tilespmem:s0+$0x18200];
	(xrf0) =	vmax.scan.msk.u32 $0xffff, v6  }
0x67e: {  	v11 =	vld [tilespmem:s30+$0x0]  }
0x67f: {  	v10 =	vld [tilespmem:s0+$0x18300]  }
0x680: {  	v8 =	vld [tilespmem:s0+$0x18400]  }
0x681: {  	s31 =	sxor.u32 $0x80000000, s31;
	v7 =	vld [tilespmem:s0+$0x18500]  }
0x682: {  	s1 =	ssub.s32 s31, s28;
	v6 =	vld [tilespmem:s0+$0x18600]  }
0x683: {  	s28 =	simm.s32 $0x30;
	s24 =	sadd.s32 s25, s1;
	s25 =	simm.s32 $0x20;
	v12 =	vadd.s32 v11, v9;
	v9 =	vld [tilespmem:s0+$0x18700];
	v11, _, _ =	vpop (xrf0)  }
.LBB2_98:
0x684: {  	p1 =	sne.s32 s28, $0xF0;
	v10 =	vadd.s32 v10, v12;
	v12 =	vld [tilespmem:s0+$0x18800];
	(v2sf) =	vpush v11, $0xF  }
0x685: {  	v8 =	vadd.s32 v8, v10;
	v10 =	vld [tilespmem:s0+$0x18900]  }
0x686: {  	v7 =	vadd.s32 v7, v8;
	v8 =	vld [tilespmem:s0+$0x18A00]  }
0x687: {  	v6 =	vadd.s32 v6, v7;
	v7 =	vld [tilespmem:s0+$0x18B00]  }
0x688: {  	v6 =	vadd.s32 v9, v6;
	v9 =	vld [tilespmem:s0+$0x18C00]  }
0x689: {  	v6 =	vadd.s32 v12, v6;
	v11 =	vld [tilespmem:s0+$0x18D00]  }
0x68a: {  	v6 =	vadd.s32 v10, v6;
	v10 =	vld [tilespmem:s0+$0x18E00]  }
0x68b: {  	v6 =	vadd.s32 v8, v6;
	v8 =	vld [tilespmem:s0+$0x18F00]  }
0x68c: {  	v6 =	vadd.s32 v7, v6;
	v7 =	vld [tilespmem:s0+$0x19000]  }
0x68d: {  	v6 =	vadd.s32 v9, v6  }
0x68e: {  	v6 =	vadd.s32 v11, v6  }
0x68f: {  	v6 =	vadd.s32 v10, v6  }
0x690: {  	v6 =	vadd.s32 v8, v6  }
0x691: {  	v6 =	vadd.s32 v7, v6  }
0x692: {  	(xrf0) =	vadd.scan.msk.s32 $0xffff, v6  }
0x693: {  	s0 =	spop (v2sf)  }
0x694: {  	s0 =	sxor.u32 $0x80000000, s0;
	_ =	sdelay $0x3  }
0x695: {  	v6, _, _ =	vpop (xrf0)  }
0x696: {  	s29 =	sadd.s32 $0x10, s29;
	v6 =	vadd.s32 s0, v6  }
0x697: {  	s0 =	sand.u32 $0xF0, s25;
	s25 =	smov.u32 s28;
	[tilespmem:s29+$0x0] =	vst v6;
	v6 =	vxor.u32 $0x80000000, v6  }
0x698: {  	s30 =	sadd.s32 $0x10, s30;
	v9 =	vld [tilespmem:s0+$0x18200];
	(xrf0) =	vmax.scan.msk.u32 $0xffff, v6  }
0x699: {  	v11 =	vld [tilespmem:s30+$0x0]  }
.Ltmp58:
0x69a: {  	v10 =	vld [tilespmem:s0+$0x18300];
	(pc) =	sbr.rel @p1 .LBB2_98-.Ltmp58, $4  }
0x69b: {  	v8 =	vld [tilespmem:s0+$0x18400]  }
0x69c: {  	v7 =	vld [tilespmem:s0+$0x18500]  }
0x69d: {  	v6 =	vld [tilespmem:s0+$0x18600]  }
0x69e: {  	s28 =	sadd.s32 $0x10, s28;
	v12 =	vadd.s32 v11, v9;
	v9 =	vld [tilespmem:s0+$0x18700];
	v11, _, _ =	vpop (xrf0)  }
0x69f: {  	v10 =	vadd.s32 v10, v12;
	v47 =	vld [tilespmem:s0+$0x18800]  }
0x6a0: {  	v48 =	vld [tilespmem:s0+$0x18900];
	v8 =	vadd.s32 v8, v10  }
0x6a1: {  	v7 =	vadd.s32 v7, v8;
	v8 =	vld [tilespmem:s0+$0x18A00]  }
0x6a2: {  	v6 =	vadd.s32 v6, v7;
	v7 =	vld [tilespmem:s0+$0x18B00]  }
0x6a3: {  	(v2sf) =	vpush v11, $0xF;
	v49 =	vld [tilespmem:s0+$0x18C00];
	v6 =	vadd.s32 v9, v6  }
0x6a4: {  	v50 =	vld [tilespmem:s0+$0x18D00];
	v6 =	vadd.s32 v47, v6  }
0x6a5: {  	v51 =	vld [tilespmem:s0+$0x18E00];
	v6 =	vadd.s32 v48, v6  }
0x6a6: {  	v6 =	vadd.s32 v8, v6;
	v8 =	vld [tilespmem:s0+$0x18F00]  }
0x6a7: {  	v6 =	vadd.s32 v7, v6;
	v7 =	vld [tilespmem:s0+$0x19000]  }
0x6a8: {  	v6 =	vadd.s32 v49, v6  }
0x6a9: {  	v6 =	vadd.s32 v50, v6  }
0x6aa: {  	v6 =	vadd.s32 v51, v6  }
0x6ab: {  	v6 =	vadd.s32 v8, v6  }
0x6ac: {  	v6 =	vadd.s32 v7, v6  }
0x6ad: {  	(xrf0) =	vadd.scan.msk.s32 $0xffff, v6;
	_ =	sdelay $0x4  }
0x6ae: {  	s21 =	spop (v2sf)  }
0x6af: {  	s0 =	sxor.u32 $0x80000000, s21;
	v6, _, _ =	vpop (xrf0)  }
0x6b0: {  	s29 =	sadd.s32 $0x10, s29;
	v6 =	vadd.s32 s0, v6  }
0x6b1: {  	s1 =	sand.u32 $0xF0, s25;
	[tilespmem:s29+$0x0] =	vst v6  }
0x6b2: {  	s2 =	sadd.s32 $0x10, s30;
	v7 =	vld [tilespmem:s1+$0x18200]  }
0x6b3: {  	v8 =	vld [tilespmem:s2+$0x0]  }
0x6b4: {  	v52 =	vld [tilespmem:s1+$0x18300]  }
0x6b5: {  	v6 =	vxor.u32 $0x80000000, v6;
	v53 =	vld [tilespmem:s1+$0x18400]  }
0x6b6: {  	(xrf0) =	vmax.scan.msk.u32 $0xffff, v6;
	v6 =	vld [tilespmem:s1+$0x18500]  }
0x6b7: {  	v54 =	vld [tilespmem:s1+$0x18600]  }
0x6b8: {  	v7 =	vadd.s32 v8, v7;
	v8 =	vld [tilespmem:s1+$0x18700]  }
0x6b9: {  	v55 =	vld [tilespmem:s1+$0x18800];
	v7 =	vadd.s32 v52, v7  }
0x6ba: {  	v56 =	vld [tilespmem:s1+$0x18900];
	v7 =	vadd.s32 v53, v7  }
0x6bb: {  	v6 =	vadd.s32 v6, v7;
	v7 =	vld [tilespmem:s1+$0x18A00]  }
0x6bc: {  	v58 =	vld [tilespmem:s1+$0x18B00];
	v57, _, _ =	vpop (xrf0);
	v6 =	vadd.s32 v54, v6  }
0x6bd: {  	(v2sf) =	vpush v57, $0xF;
	v6 =	vadd.s32 v8, v6;
	v8 =	vld [tilespmem:s1+$0x18C00]  }
0x6be: {  	v59 =	vld [tilespmem:s1+$0x18D00];
	v6 =	vadd.s32 v55, v6  }
0x6bf: {  	v60 =	vld [tilespmem:s1+$0x18E00];
	v6 =	vadd.s32 v56, v6  }
0x6c0: {  	v6 =	vadd.s32 v7, v6;
	v7 =	vld [tilespmem:s1+$0x18F00]  }
0x6c1: {  	v61 =	vld [tilespmem:s1+$0x19000];
	v6 =	vadd.s32 v58, v6  }
0x6c2: {  	v6 =	vadd.s32 v8, v6  }
0x6c3: {  	v6 =	vadd.s32 v59, v6  }
0x6c4: {  	v6 =	vadd.s32 v60, v6  }
0x6c5: {  	v6 =	vadd.s32 v7, v6  }
0x6c6: {  	v6 =	vadd.s32 v61, v6  }
0x6c7: {  	(xrf0) =	vadd.scan.msk.s32 $0xffff, v6;
	_ =	sdelay $0x4  }
0x6c8: {  	s30 =	spop (v2sf)  }
0x6c9: {  	s1 =	sxor.u32 $0x80000000, s30;
	v6, _, _ =	vpop (xrf0)  }
0x6ca: {  	v6 =	vadd.s32 s1, v6  }
0x6cb: {  	v7 =	vxor.u32 $0x80000000, v6  }
0x6cc: {  	(xrf0) =	vmax.scan.msk.u32 $0xffff, v7;
	_ =	sdelay $0x5  }
0x6cd: {  	v7, _, _ =	vpop (xrf0)  }
0x6ce: {  	(v2sf) =	vpush v7, $0xF;
	_ =	sdelay $0xb  }
0x6cf: {  	s0 =	sadd.s32 $0x10, s29  }
0x6d0: {  	s31 =	simm.s32 $0x0;
	[tilespmem:s0+$0x0] =	vst v6  }
0x6d1: {  	v7 =	vld [tilespmem:s31+$0x19100]  }
0x6d2: {  	s1 =	simm.s32 $0x10;
	s2 =	spop (v2sf)  }
0x6d3: {  	s21 =	simm.s32 $0x20;
	v8 =	vld [tilespmem:s1+$0x19100];
	s25 =	sxor.u32 $0x80000000, s2  }
0x6d4: {  	v62 =	vld [tilespmem:s21+$0x19100];
	s29 =	ssub.s32 s25, s24  }
0x6d5: {  	v6 =	vmov s29  }
0x6d6: {  	vm1 =	vle.s32 v7, v6  }
0x6d7: {  	v7 =	vmpcnt.ones.xlane vm1  }
0x6d8: {  	vm1 =	vle.s32 v8, v6  }
0x6d9: {  	v8 =	vmpcnt.ones.xlane vm1;
	vm1 =	vle.s32 v62, v6;
	v7 =	vxor.u32 $0x80000000, v7  }
0x6da: {  	v9 =	vmpcnt.ones.xlane vm1;
	(xrf0) =	vmax.scan.msk.u32 $0xffff, v7  }
0x6db: {  	v7 =	vxor.u32 $0x80000000, v8  }
0x6dc: {  	(xrf0) =	vmax.scan.msk.u32 $0xffff, v7;
	v7 =	vxor.u32 $0x80000000, v9  }
0x6dd: {  	(xrf0) =	vmax.scan.msk.u32 $0xffff, v7;
	_ =	sdelay $0x2  }
0x6de: {  	v7, _, _ =	vpop (xrf0)  }
0x6df: {  	(v2sf) =	vpush v7, $0xF  }
0x6e0: {  	s30 =	simm.s32 $0x30;
	v7, _, _ =	vpop (xrf0)  }
0x6e1: {  	v8 =	vld [tilespmem:s30+$0x19100];
	(v2sf) =	vpush v7, $0xF;
	v63, _, _ =	vpop (xrf0)  }
0x6e2: {  	(v2sf) =	vpush v63, $0xF;
	_ =	sdelay $0x3  }
0x6e3: {  	s31 =	simm.s32 $0x40;
	vm1 =	vle.s32 v8, v6  }
0x6e4: {  	v8 =	vmpcnt.ones.xlane vm1;
	v7 =	vld [tilespmem:s31+$0x19100];
	_ =	sdelay $0x1  }
0x6e5: {  	v8 =	vxor.u32 $0x80000000, v8  }
0x6e6: {  	(xrf0) =	vmax.scan.msk.u32 $0xffff, v8  }
0x6e7: {  	s28 =	simm.s32 $0x140;
	s0 =	simm.s32 $0x0  }
.LBB2_100:
0x6e8: {  	s1 =	sshra.s32 s28, $0x2;
	p1 =	sne.s32 s28, $0x3C0;
	s28 =	sadd.s32 $0x40, s28;
	vm1 =	vle.s32 v7, v6  }
.Ltmp59:
0x6e9: {  	v7 =	vld [tilespmem:s1+$0x19100];
	v10 =	vmpcnt.ones.xlane vm1;
	(pc) =	sbr.rel @p1 .LBB2_100-.Ltmp59, $4  }
0x6ea: {  	s1 =	spop (v2sf)  }
0x6eb: {  	v9 =	vxor.u32 $0x80000000, v10;
	s0 =	sadd.s32 s1, s0  }
0x6ec: {  	(xrf0) =	vmax.scan.msk.u32 $0xffff, v9;
	v8, _, _ =	vpop (xrf0);
	s0 =	sadd.s32 $0x80000000, s0  }
0x6ed: {  	(v2sf) =	vpush v8, $0xF  }
0x6ee: {  	vm1 =	vle.s32 v7, v6  }
0x6ef: {  	v6 =	vmpcnt.ones.xlane vm1;
	_ =	sdelay $0x1  }
0x6f0: {  	v6 =	vxor.u32 $0x80000000, v6  }
0x6f1: {  	(xrf0) =	vmax.scan.msk.u32 $0xffff, v6;
	_ =	sdelay $0x3  }
0x6f2: {  	v6, _, _ =	vpop (xrf0)  }
0x6f3: {  	(v2sf) =	vpush v6, $0xF  }
0x6f4: {  	v6, _, _ =	vpop (xrf0)  }
0x6f5: {  	(v2sf) =	vpush v6, $0xF;
	_ =	sdelay $0x6  }
0x6f6: {  	s1 =	spop (v2sf)  }
0x6f7: {  	s0 =	sadd.s32 s1, s0  }
0x6f8: {  	s21 =	spop (v2sf);
	s0 =	sadd.s32 $0x80000000, s0  }
0x6f9: {  	s0 =	sadd.s32 s21, s0  }
0x6fa: {  	s0 =	sadd.s32 $0x80000000, s0;
	s29 =	spop (v2sf)  }
0x6fb: {  	s0 =	sadd.s32 s29, s0  }
0x6fc: {  	s0 =	sadd.s32 $0x80000000, s0;
	s30 =	spop (v2sf)  }
0x6fd: {  	s0 =	sadd.s32 s30, s0  }
0x6fe: {  	s0 =	sadd.s32 $0x80000000, s0;
	s31 =	spop (v2sf)  }
0x6ff: {  	s0 =	sadd.s32 s31, s0  }
0x700: {  	s0 =	sadd.s32 $0x80000000, s0  }
0x701: {  	v6 =	vmov s0;
	_ =	sdelay $0x4  }
0x702: {  	v6 =	vld.idx.msk [tilespmem:v6+s13+$0x0], $0xffff;
	_ =	sdelay $0x4  }
0x703: {  	v6 =	vxor.u32 $0x80000000, v6  }
0x704: {  	(xrf0) =	vmax.scan.msk.u32 $0xffff, v6;
	_ =	sdelay $0x5  }
0x705: {  	v6, _, _ =	vpop (xrf0)  }
0x706: {  	(v2sf) =	vpush v6, $0xF;
	_ =	sdelay $0xa  }
.Ltmp60:
0x707: {  	_ = 	snop;
	(pc) =	sbr.rel @p0 .LBB2_108-.Ltmp60, $3  }
0x708: {  	_ =	sdelay $0x1  }
0x709: {  	s1 =	simm.s32 $0x0;
	s0 =	sor.u32 s26, s0  }
0x70a: {  	s26 =	simm.s32 $0x0;
	v6 =	vmov s0;
	s0 =	simm.s32 $0x0;
	s28 =	spop (v2sf)  }
0x70b: {  	s0 =	simm.s32 $0x8000  }
0x70c: {  	v7 =	vld [tilespmem:s0+$0x0];
	_ =	sdelay $0x3  }
0x70d: {  	v8 =	vmov s26  }
0x70e: {  	vm1 =	vlt.s32 v8, v5;
	vm2 =	vgt.s32 v7, v6  }
0x70f: {  	p1 =	sne.s32 s23, $0x1;
	vm3 =	veq.s32 v7, v6;
	vm2 =	vmand vm1, vm2  }
.Ltmp61:
0x710: {  	vm1 =	vmand vm1, vm3;
	v8 =	vmpcnt.ones.xlane vm2;
	(pc) =	sbr.rel @!p1 .LBB2_103-.Ltmp61, $4  }
0x711: {  	v9 =	vmpcnt.ones.xlane vm1  }
0x712: {  	v8 =	vxor.u32 $0x80000000, v8  }
0x713: {  	s31 =	simm.s32 $0x10080;
	v9 =	vxor.u32 $0x80000000, v9;
	(xrf0) =	vmax.scan.msk.u32 $0xffff, v8  }
0x714: {  	s1 =	simm.s32 $0x1;
	p0 =	por $0x0, $0x0;
	v8 =	vld [tilespmem:s31+$0x0];
	(xrf0) =	vmax.scan.msk.u32 $0xffff, v9  }
0x715: {  	_ =	sdelay $0x3  }
0x716: {  	v9, _, _ =	vpop (xrf0)  }
0x717: {  	[tilespmem:s26+$0x1A200] =	vst.msk vm2, v7;
	(v2sf) =	vpush v9, $0xF;
	v9, _, _ =	vpop (xrf0)  }
0x718: {  	[tilespmem:s26+$0x1A380] =	vst.msk vm2, v8;
	(v2sf) =	vpush v9, $0xF  }
0x719: {  	s0 =	simm.s32 $0x8010;
	[tilespmem:s26+$0x19200] =	vst.msk vm1, v8  }
0x71a: {  	v7 =	vld [tilespmem:s0+$0x0];
	_ =	sdelay $0x3  }
0x71b: {  	v8 =	vmov s1  }
0x71c: {  	vm1 =	vlt.s32 v8, v5;
	vm2 =	vgt.s32 v7, v6  }
0x71d: {  	vm3 =	veq.s32 v7, v6;
	vm2 =	vmand vm1, vm2  }
0x71e: {  	vm1 =	vmand vm1, vm3;
	v8 =	vmpcnt.ones.xlane vm2  }
0x71f: {  	p1 =	sne.s32 s23, $0x2;
	v9 =	vmpcnt.ones.xlane vm1  }
.Ltmp62:
0x720: {  	v8 =	vxor.u32 $0x80000000, v8;
	(pc) =	sbr.rel @!p1 .LBB2_105-.Ltmp62, $4  }
0x721: {  	v9 =	vxor.u32 $0x80000000, v9;
	(xrf0) =	vmax.scan.msk.u32 $0xffff, v8  }
0x722: {  	s30 =	simm.s32 $0x10090;
	(xrf0) =	vmax.scan.msk.u32 $0xffff, v9  }
0x723: {  	s29 =	simm.s32 $0x2;
	p0 =	por $0x1, $0x1;
	v8 =	vld [tilespmem:s30+$0x0];
	s21 =	spop (v2sf)  }
0x724: {  	s31 =	simm.s32 $0x0;
	s1 =	sadd.s32 $0x0, s21;
	s2 =	spop (v2sf)  }
.LBB2_106:
0x725: {  	s1 =	sadd.s32 $0x80000000, s1  }
0x726: {  	s2 =	sadd.s32 s2, s31;
	s21 =	smov.u32 s29;
	s29 =	sadd.s32 $0x1, s29  }
0x727: {  	p1 =	sne.s32 s23, s29;
	[tilespmem:s1+$0x1A200] =	vst.msk vm2, v7;
	v7, _, _ =	vpop (xrf0);
	s31 =	sadd.s32 $0x80000000, s2  }
0x728: {  	[tilespmem:s1+$0x1A380] =	vst.msk vm2, v8;
	(v2sf) =	vpush v7, $0xF;
	v7, _, _ =	vpop (xrf0)  }
0x729: {  	s0 =	sadd.s32 $0x10, s0;
	[tilespmem:s31+$0x19200] =	vst.msk vm1, v8;
	(v2sf) =	vpush v7, $0xF  }
0x72a: {  	v7 =	vld [tilespmem:s0+$0x0];
	_ =	sdelay $0x3  }
0x72b: {  	v8 =	vmov s21  }
0x72c: {  	vm1 =	vlt.s32 v8, v5;
	vm2 =	vgt.s32 v7, v6;
	vm3 =	veq.s32 v7, v6  }
0x72d: {  	vm2 =	vmand vm1, vm2;
	vm1 =	vmand vm1, vm3  }
0x72e: {  	v8 =	vmpcnt.ones.xlane vm2;
	v9 =	vmpcnt.ones.xlane vm1;
	_ =	sdelay $0x1  }
0x72f: {  	v8 =	vxor.u32 $0x80000000, v8;
	v9 =	vxor.u32 $0x80000000, v9  }
.Ltmp63:
0x730: {  	(xrf0) =	vmax.scan.msk.u32 $0xffff, v8;
	(pc) =	sbr.rel @p1 .LBB2_106-.Ltmp63, $4  }
0x731: {  	s30 =	sadd.s32 $0x10, s30;
	(xrf0) =	vmax.scan.msk.u32 $0xffff, v9  }
0x732: {  	v8 =	vld [tilespmem:s30+$0x0]  }
0x733: {  	s2 =	spop (v2sf)  }
0x734: {  	s1 =	sadd.s32 s2, s1;
	s2 =	spop (v2sf)  }
.LBB2_107:
0x735: {  	_ = 	snop  }
0x736: {  	v5, _, _ =	vpop (xrf0)  }
0x737: {  	(v2sf) =	vpush v5, $0xF;
	v5, _, _ =	vpop (xrf0)  }
0x738: {  	(v2sf) =	vpush v5, $0xF;
	_ =	sdelay $0xb  }
0x739: {  	s0 =	sadd.s32 @p0 $0x80000000, s1;
	s1 =	simm.s32 $0x0  }
0x73a: {  	s2 =	sadd.s32 @p0 s2, s31;
	s1 =	smov.u32 @p0 s0  }
0x73b: {  	s0 =	sadd.s32 @p0 $0x80000000, s2;
	s2 =	simm.s32 $0x0;
	s21 =	spop (v2sf)  }
0x73c: {  	[tilespmem:s1+$0x1A200] =	vst.msk vm2, v7;
	s2 =	smov.u32 @p0 s0;
	s31 =	spop (v2sf)  }
0x73d: {  	[tilespmem:s1+$0x1A380] =	vst.msk vm2, v8;
	s1 =	sadd.s32 s21, s1;
	s0 =	sadd.s32 s31, s2  }
0x73e: {  	[tilespmem:s2+$0x19200] =	vst.msk vm1, v8;
	s1 =	sadd.s32 $0x80000000, s1;
	s0 =	sadd.s32 $0x80000000, s0  }
.LBB2_108:
0x73f: {  	p0 =	slt.s32 s0, $0x1  }
.Ltmp64:
0x740: {  	_ = 	snop;
	(pc) =	sbr.rel @p0 .LBB2_115-.Ltmp64, $1  }
0x741: {  	_ =	sdelay $0x3  }
0x742: {  	s2 =	sadd.s32 $0xF, s0  }
0x743: {  	s21 =	ssub.s32 s24, s25;
	s23 =	sand.u32 $0xF, s2;
	s31 =	sshra.s32 s2, $0x1F  }
.Ltmp65:
0x744: {  	p1 =	slt.s32 s2, $0x1;
	p0 =	sne.s32 s23, $0x0;
	(pc) =	sbr.rel .LBB2_110-.Ltmp65, $4  }
0x745: {  	s21 =	sadd.s32 s28, s21;
	s23 =	sshrl.u32 s31, $0x1C;
	p0 =	por !p1, !p0  }
0x746: {  	s2 =	sadd.s32 s23, s2;
	s23 =	simm.s32 $0x1;
	p0 =	por !p0, !p0  }
0x747: {  	s21 =	sadd.s32 $0x80000000, s21;
	s2 =	sshra.s32 s2, $0x4;
	s23 =	simm.s32 @!p0 $0x0  }
0x748: {  	v5 =	vmov s1;
	v8 =	vmov s0;
	v7 =	vmov s21;
	s23 =	ssub.s32 s2, s23  }
.LBB2_113:
0x749: {  	vm1 =	vmand vm1, vm2  }
0x74a: {  	v11 =	vsel vm1, $0x1, v2  }
0x74b: {  	v10 =	vadd.s32 v11, v10  }
.LBB2_114:
0x74c: {  	(xrf0) =	vadd.scan.msk.s32 $0xffff, v10;
	_ =	sdelay $0x5  }
0x74d: {  	v10, _, _ =	vpop (xrf0)  }
0x74e: {  	v10 =	vbroadcast v10, $0xF;
	_ =	sdelay $0x1  }
0x74f: {  	vm1 =	vlt.s32 v10, v7  }
0x750: {  	vm1 =	vmand vm1, vm0  }
0x751: {  	s26 =	sadd.s32 $0x1, s26;
	v10 =	vadd.s32 v5, v10  }
0x752: {  	p0 =	sne.s32 s26, s0  }
.Ltmp66:
0x753: {  	_ = 	snop;
	(pc) =	sbr.rel @!p0 .LBB2_115-.Ltmp66, $3  }
0x754: {  	_ =	sdelay $0x1  }
0x755: {  	[tilespmem:v10+s17+$0x0] =	vst.idx.msk vm1, v6  }
0x756: {  	[tilespmem:v10+s18+$0x0] =	vst.idx.msk vm1, v9  }
.LBB2_110:
0x757: {  	v9 =	vmov s26;
	_ =	sdelay $0x3  }
0x758: {  	s1 =	simm.s32 $0x19200  }
0x759: {  	v9 =	vld.idx.msk [tilespmem:v9+s1+$0x0], $0xffff;
	_ =	sdelay $0x4  }
0x75a: {  	v9 =	vxor.u32 $0x80000000, v9  }
0x75b: {  	(xrf0) =	vmax.scan.msk.u32 $0xffff, v9;
	_ =	sdelay $0x5  }
0x75c: {  	v9, _, _ =	vpop (xrf0)  }
0x75d: {  	(v2sf) =	vpush v9, $0xF;
	_ =	sdelay $0xb  }
0x75e: {  	p0 =	slt.s32 s23, $0x1  }
.Ltmp67:
0x75f: {  	_ = 	snop;
	(pc) =	sbr.rel @p0 .LBB2_114-.Ltmp67, $4  }
0x760: {  	_ = 	snop  }
0x761: {  	s2 =	spop (v2sf)  }
0x762: {  	s2 =	sxor.u32 $0x80000000, s2  }
0x763: {  	v10 =	vimm.s32 $0x0;
	s24 =	simm.s32 $0x0;
	v9 =	vmov s2  }
0x764: {  	v11 =	vld [tilespmem:s1+$0x0];
	p0 =	sne.s32 s23, $0x1  }
.Ltmp68:
0x765: {  	_ = 	snop;
	(pc) =	sbr.rel @!p0 .LBB2_113-.Ltmp68, $3  }
0x766: {  	_ =	sdelay $0x1  }
0x767: {  	v12 =	vor.u32 s24, v0  }
0x768: {  	s25 =	sadd.s32 $0xFFFFFFFF, s23;
	s1 =	sadd.s32 $0x10, s1;
	vm1 =	vlt.s32 v12, v8;
	vm2 =	vlt.s32 v11, v9  }
.LBB2_112:
0x769: {  	v11 =	vld [tilespmem:s1+$0x0];
	p0 =	sne.s32 s25, $0x1;
	s25 =	sadd.s32 $0xFFFFFFFF, s25;
	vm1 =	vmand vm1, vm2  }
.Ltmp69:
0x76a: {  	v12 =	vsel vm1, $0x1, v2;
	(pc) =	sbr.rel @p0 .LBB2_112-.Ltmp69, $4  }
0x76b: {  	v10 =	vadd.s32 v12, v10  }
0x76c: {  	s24 =	sadd.s32 $0x10, s24  }
0x76d: {  	v12 =	vor.u32 s24, v0  }
0x76e: {  	s1 =	sadd.s32 $0x10, s1;
	vm1 =	vlt.s32 v12, v8;
	vm2 =	vlt.s32 v11, v9  }
.Ltmp70:
0x76f: {  	_ = 	snop;
	(pc) =	sbr.rel .LBB2_113-.Ltmp70, $1  }
0x770: {  	_ =	sdelay $0x3  }
.LBB2_115:
0x771: {  	s23 =	simm.s32 $0x0  }
.LBB2_116:
0x772: {  	s0 =	sshll.u32 s23, $0x2  }
0x773: {  	v5 =	vmov s0;
	s1 =	sor.u32 $0x1, s0  }
0x774: {  	s0 =	sor.u32 $0x2, s0;
	v5 =	vbroadcast v5, $0x0;
	v6 =	vmov s1  }
0x775: {  	v7 =	vmov s0;
	v6 =	vbroadcast v6, $0x0  }
0x776: {  	v7 =	vbroadcast v7, $0x0  }
0x777: {  	s29 =	sshllo.u32 s23, $0x2  }
0x778: {  	v8 =	vmov s29;
	_ =	sdelay $0x1  }
0x779: {  	v9 =	vld.idx.msk [tilespmem:v5+s17+$0x0], $0xffff  }
0x77a: {  	v10 =	vld.idx.msk [tilespmem:v6+s17+$0x0], $0xffff  }
0x77b: {  	v11 =	vld.idx.msk [tilespmem:v7+s17+$0x0], $0xffff  }
0x77c: {  	v12 =	vld.idx.msk [tilespmem:v8+s17+$0x0], $0xffff  }
0x77d: {  	v5 =	vld.idx.msk [tilespmem:v5+s18+$0x0], $0xffff  }
0x77e: {  	v6 =	vld.idx.msk [tilespmem:v6+s18+$0x0], $0xffff;
	v9 =	vxor.u32 $0x80000000, v9  }
0x77f: {  	v7 =	vld.idx.msk [tilespmem:v7+s18+$0x0], $0xffff;
	(xrf0) =	vmax.scan.msk.u32 $0xffff, v9;
	v9 =	vxor.u32 $0x80000000, v10  }
0x780: {  	(xrf0) =	vmax.scan.msk.u32 $0xffff, v9;
	v9 =	vxor.u32 $0x80000000, v11  }
0x781: {  	v8 =	vld.idx.msk [tilespmem:v8+s18+$0x0], $0xffff;
	(xrf0) =	vmax.scan.msk.u32 $0xffff, v9;
	v9 =	vxor.u32 $0x80000000, v12  }
0x782: {  	v5 =	vxor.u32 $0x80000000, v5;
	(xrf0) =	vmax.scan.msk.u32 $0xffff, v9  }
0x783: {  	(xrf0) =	vmax.scan.msk.u32 $0xffff, v5;
	v5 =	vxor.u32 $0x80000000, v6  }
0x784: {  	(xrf0) =	vmax.scan.msk.u32 $0xffff, v5;
	v5 =	vxor.u32 $0x80000000, v7  }
0x785: {  	v6, _, _ =	vpop (xrf0)  }
0x786: {  	(xrf0) =	vmax.scan.msk.u32 $0xffff, v5;
	(v2sf) =	vpush v6, $0xF;
	v6 =	vxor.u32 $0x80000000, v8  }
0x787: {  	v5, _, _ =	vpop (xrf0);
	(xrf0) =	vmax.scan.msk.u32 $0xffff, v6  }
0x788: {  	(v2sf) =	vpush v5, $0xF;
	v5, _, _ =	vpop (xrf0)  }
0x789: {  	v6, _, _ =	vpop (xrf0);
	(v2sf) =	vpush v5, $0xF  }
0x78a: {  	v5, _, _ =	vpop (xrf0);
	(v2sf) =	vpush v6, $0xF  }
0x78b: {  	v6, _, _ =	vpop (xrf0);
	(v2sf) =	vpush v5, $0xF  }
0x78c: {  	v5, _, _ =	vpop (xrf0);
	(v2sf) =	vpush v6, $0xF  }
0x78d: {  	(v2sf) =	vpush v5, $0xF;
	v5, _, _ =	vpop (xrf0)  }
0x78e: {  	(v2sf) =	vpush v5, $0xF;
	_ =	sdelay $0x7  }
0x78f: {  	s30 =	spop (v2sf)  }
0x790: {  	s26 =	simm.s32 $0x0;
	s31 =	spop (v2sf)  }
0x791: {  	v15 =	vld [tilespmem:s26+$0x1A200];
	s2 =	spop (v2sf)  }
0x792: {  	s21 =	spop (v2sf)  }
0x793: {  	s24 =	spop (v2sf)  }
0x794: {  	v14 =	vimm.s32 $0x0;
	v17 =	vimm.s32 $0x0;
	v13 =	vld [tilespmem:s26+$0x1A380];
	s0 =	sxor.u32 $0x80000000, s30;
	s1 =	sxor.u32 $0x80000000, s31;
	s25 =	spop (v2sf)  }
0x795: {  	v18 =	vimm.s32 $0x0;
	v7 =	vmov s0;
	s2 =	sxor.u32 $0x80000000, s2;
	v5 =	vmov s1;
	s28 =	spop (v2sf)  }
0x796: {  	vm1 =	veq.s32 v15, v7;
	s21 =	sxor.u32 $0x80000000, s21;
	v8 =	vmov s2;
	vm2 =	veq.s32 v15, v5;
	s24 =	sxor.u32 $0x80000000, s24;
	s26 =	spop (v2sf)  }
0x797: {  	v6 =	vmov s21;
	vm4 =	veq.s32 v15, v8;
	v10 =	vmov s24;
	s31 =	sxor.u32 $0x80000000, s26  }
0x798: {  	s29 =	sxor.u32 $0x80000000, s25;
	vm5 =	veq.s32 v15, v6;
	vm8 =	vgt.s32 v15, v6;
	v9 =	vmov s31  }
0x799: {  	s30 =	sxor.u32 $0x80000000, s28;
	v12 =	vmov s29;
	vm3 =	vlt.s32 v13, v10;
	vm6 =	vlt.s32 v13, v9  }
0x79a: {  	v11 =	vmov s30;
	vm7 =	vlt.s32 v13, v12;
	vm5 =	vmand vm5, vm6  }
0x79b: {  	vm1 =	vmand vm1, vm3;
	vm6 =	vlt.s32 v13, v11;
	vm5 =	vmor vm8, vm5  }
0x79c: {  	s24 =	simm.s32 $0x10;
	vm3 =	vmand vm2, vm7;
	vm2 =	vmand vm4, vm6;
	v13 =	vsel vm5, $0x1, v2  }
0x79d: {  	s0 =	simm.s32 $0x80;
	v16 =	vld [tilespmem:s24+$0x1A200];
	vm4 =	vgt.s32 v15, v7;
	vm5 =	vgt.s32 v15, v5;
	v13 =	vadd.s32 v13, v14  }
.LBB2_117:
0x79e: {  	p0 =	sne.s32 s0, $0x3C0;
	v19 =	vld [tilespmem:s24+$0x1A380];
	vm1 =	vmor vm4, vm1;
	vm3 =	vmor vm5, vm3;
	vm4 =	vgt.s32 v15, v8  }
0x79f: {  	v15 =	vsel vm1, $0x1, v2;
	v20 =	vsel vm3, $0x1, v2;
	vm1 =	vmor vm4, vm2  }
0x7a0: {  	v14 =	vadd.s32 v15, v14;
	v17 =	vadd.s32 v20, v17;
	v20 =	vsel vm1, $0x1, v2  }
0x7a1: {  	v18 =	vadd.s32 v20, v18  }
0x7a2: {  	vm1 =	veq.s32 v16, v7;
	vm2 =	veq.s32 v16, v5;
	vm4 =	veq.s32 v16, v8;
	v15 =	vmovc v16  }
.Ltmp71:
0x7a3: {  	vm3 =	vlt.s32 v19, v10;
	vm5 =	veq.s32 v15, v6;
	vm6 =	vlt.s32 v19, v9;
	(pc) =	sbr.rel @p0 .LBB2_117-.Ltmp71, $4  }
0x7a4: {  	vm7 =	vlt.s32 v19, v12;
	vm8 =	vgt.s32 v15, v6;
	vm5 =	vmand vm5, vm6  }
0x7a5: {  	vm1 =	vmand vm1, vm3;
	vm6 =	vlt.s32 v19, v11;
	vm5 =	vmor vm8, vm5  }
0x7a6: {  	s24 =	sshra.s32 s0, $0x2;
	vm3 =	vmand vm2, vm7;
	vm2 =	vmand vm4, vm6;
	v19 =	vsel vm5, $0x1, v2  }
0x7a7: {  	s0 =	sadd.s32 $0x40, s0;
	vm4 =	vgt.s32 v15, v7;
	vm5 =	vgt.s32 v15, v5;
	v16 =	vld [tilespmem:s24+$0x1A200];
	v13 =	vadd.s32 v19, v13  }
0x7a8: {  	v19 =	vld [tilespmem:s24+$0x1A380]  }
0x7a9: {  	vm6 =	vgt.s32 v15, v8  }
0x7aa: {  	vm1 =	vmor vm4, vm1;
	vm3 =	vmor vm5, vm3;
	vm2 =	vmor vm6, vm2  }
0x7ab: {  	v50 =	vsel vm1, $0x1, v2;
	v20 =	vsel vm3, $0x1, v2;
	v21 =	vsel vm2, $0x1, v2  }
0x7ac: {  	v14 =	vadd.s32 v50, v14;
	v51 =	vadd.s32 v20, v17;
	v52 =	vadd.s32 v21, v18  }
0x7ad: {  	vm1 =	veq.s32 v16, v7;
	vm2 =	veq.s32 v16, v5;
	vm3 =	vlt.s32 v19, v10  }
0x7ae: {  	vm13 =	veq.s32 v16, v8;
	vm1 =	vmand vm1, vm3;
	vm3 =	vgt.s32 v16, v7  }
0x7af: {  	vm14 =	veq.s32 v16, v6;
	vm15 =	vlt.s32 v19, v12;
	vm1 =	vmor vm3, vm1  }
0x7b0: {  	vm2 =	vmand vm2, vm15;
	vm3 =	vgt.s32 v16, v5;
	v53 =	vsel vm1, $0x1, v2  }
0x7b1: {  	vm1 =	vlt.s32 v19, v11;
	vm2 =	vmor vm3, vm2;
	v14 =	vadd.s32 v53, v14  }
0x7b2: {  	vm3 =	vgt.s32 v16, v8;
	vm1 =	vmand vm13, vm1;
	v54 =	vsel vm2, $0x1, v2;
	(xrf0) =	vadd.scan.msk.s32 $0xffff, v14  }
0x7b3: {  	vm2 =	vlt.s32 v19, v9;
	vm1 =	vmor vm3, vm1;
	v55 =	vadd.s32 v54, v51  }
0x7b4: {  	vm3 =	vgt.s32 v16, v6;
	vm2 =	vmand vm14, vm2;
	v56 =	vsel vm1, $0x1, v2;
	(xrf0) =	vadd.scan.msk.s32 $0xffff, v55  }
0x7b5: {  	vm1 =	vmor vm3, vm2;
	v57 =	vadd.s32 v56, v52  }
0x7b6: {  	v58 =	vsel vm1, $0x1, v2;
	(xrf0) =	vadd.scan.msk.s32 $0xffff, v57  }
0x7b7: {  	v13 =	vadd.s32 v58, v13  }
0x7b8: {  	v59, _, _ =	vpop (xrf0);
	(xrf0) =	vadd.scan.msk.s32 $0xffff, v13  }
0x7b9: {  	v60 =	vbroadcast v59, $0xF  }
0x7ba: {  	v61, _, _ =	vpop (xrf0)  }
0x7bb: {  	v14 =	vbroadcast v61, $0xF  }
0x7bc: {  	v62, _, _ =	vpop (xrf0)  }
0x7bd: {  	v15 =	vbroadcast v62, $0xF  }
0x7be: {  	v63, _, _ =	vpop (xrf0)  }
0x7bf: {  	[tilespmem:v60+s19+$0x0] =	vst.idx.msk $0x1, v7;
	v7 =	vbroadcast v63, $0xF  }
0x7c0: {  	s23 =	sadd.s32 $0x1, s23;
	[tilespmem:v60+s20+$0x0] =	vst.idx.msk $0x1, v10  }
0x7c1: {  	p0 =	sne.s32 s23, $0x40;
	[tilespmem:v14+s19+$0x0] =	vst.idx.msk $0x1, v5  }
.Ltmp72:
0x7c2: {  	[tilespmem:v14+s20+$0x0] =	vst.idx.msk $0x1, v12;
	(pc) =	sbr.rel @p0 .LBB2_116-.Ltmp72, $4  }
0x7c3: {  	[tilespmem:v15+s19+$0x0] =	vst.idx.msk $0x1, v8  }
0x7c4: {  	[tilespmem:v15+s20+$0x0] =	vst.idx.msk $0x1, v11  }
0x7c5: {  	[tilespmem:v7+s19+$0x0] =	vst.idx.msk $0x1, v6  }
0x7c6: {  	[tilespmem:v7+s20+$0x0] =	vst.idx.msk $0x1, v9  }
0x7c7: {  	s0 =	simm.s32 $0x0  }
0x7c8: {  	v5 =	vld [tilespmem:s0+$0x1A500];
	_ =	sdelay $0x3  }
0x7c9: {  	s1 =	simm.s32 $0x40  }
.LBB2_120:
0x7ca: {  	s2 =	sshra.s32 s1, $0x2;
	p0 =	sne.s32 s1, $0x3C0;
	s1 =	sadd.s32 $0x40, s1;
	v6 =	vshra.s32 v5, $0x1F;
	v7 =	vmov v5  }
.Ltmp73:
0x7cb: {  	v5 =	vld [tilespmem:s2+$0x1A500];
	v6 =	vand.u32 $0x7FFFFFFF, v6;
	(pc) =	sbr.rel @p0 .LBB2_120-.Ltmp73, $3  }
0x7cc: {  	v6 =	vxor.u32 v7, v6  }
0x7cd: {  	v6 =	vadd.f32 v6, v6;
	_ =	sdelay $0x1  }
0x7ce: {  	[tilespmem:s0+$0x1A700] =	vst v6;
	s0 =	smov.u32 s2  }
0x7cf: {  	v6 =	vshra.s32 v5, $0x1F  }
0x7d0: {  	v6 =	vand.u32 $0x7FFFFFFF, v6  }
0x7d1: {  	v5 =	vxor.u32 v5, v6  }
0x7d2: {  	v5 =	vadd.f32 v5, v5;
	_ =	sdelay $0x1  }
0x7d3: {  	s31 =	simm.s32 $0x1A700;
	[tilespmem:s0+$0x1A700] =	vst v5  }
0x7d4: {  	[hbm4b:s7+s10] =	stream.strided.scatter [tilespmem:s31], [sflag:$0x1], $0x100, s11, s10, $0x38;
	[tilespmem:$0x1A800] =	vst v63  }
0x7d5: {  	_ =	swait.ge [sflag:s12], $0x100  }
0x7d6: {  	s22 =	sadd.s32 $0x1, s22;
	[sflag:s12] =	ssyncset.done $0x0  }
0x7d7: {  	p0 =	sne.s32 s22, s9;
	[sflag:s12] =	ssyncadd.s32 $0xFFFFFF00  }
0x7d8: {  	[hbm4b:s8+s10] =	stream.strided.scatter [tilespmem:s20], [sflag:$0x1], $0x100, s11, s10, $0x38;
	[tilespmem:$0x1A800] =	vst v63  }
.Ltmp74:
0x7d9: {  	_ = 	snop;
	(pc) =	sbr.rel @p0 .LBB2_1-.Ltmp74, $4  }
.Ltmp75:
0x7da: {  	_ = 	snop;
	(pc) =	sbr.rel @!p0 .LBB2_122-.Ltmp75, $4  }
0x7db: {  	_ =	swait.ge [sflag:s12], $0x100  }
0x7dc: {  	[sflag:s12] =	ssyncset.done $0x0  }
0x7dd: {  	[sflag:s12] =	ssyncadd.s32 $0xFFFFFF00  }
0x7de: {  	_ = 	snop  }
.LBB2_43:
.Ltmp76:
0x7df: {  	(pc) =	sbr.rel .LBB2_47-.Ltmp76, $2  }
0x7e0: {  	_ =	sdelay $0x2  }
0x7e1: {  	s31 =	simm.s32 $0x0  }
.LBB2_103:
.Ltmp77:
0x7e2: {  	(pc) =	sbr.rel .LBB2_107-.Ltmp77, $2  }
0x7e3: {  	_ =	sdelay $0x2  }
0x7e4: {  	s31 =	simm.s32 $0x0  }
.LBB2_45:
.Ltmp78:
0x7e5: {  	(pc) =	sbr.rel .LBB2_47-.Ltmp78, $2  }
0x7e6: {  	_ =	sdelay $0x2  }
0x7e7: {  	s31 =	simm.s32 $0x0  }
.LBB2_105:
.Ltmp79:
0x7e8: {  	(pc) =	sbr.rel .LBB2_107-.Ltmp79, $2  }
0x7e9: {  	_ =	sdelay $0x2  }
0x7ea: {  	s31 =	simm.s32 $0x0  }
.LBB2_122:
0x7eb: {  	_ =	sfence.sel $0x180000  }
0x7ec: {  	[bflag:$0x0] =	sbarrier.arrive $0xFFFF  }
0x7ed: {  	_ =	strace $0x90000047  }
0x7ee: {  	s0 =	stileid.u32;
	[bflag:$0x2] =	sbarrier.arrive $0xFFFF  }
0x7ef: {  	p0 =	sne.s32 s0, $0x0;
	s0 =	rddreg [dreg:$0x3]  }
0x7f0: {  	s0 =	sadd.s32 @!p0 $0x100000, s0  }
0x7f1: {  	[sflag:s0] =	ssyncadd.tile.s32 @!p0 $0x1;
	_ =	shalt  }
.Lfunc_end2:
_tile_overlayer_lowered:
.L_overlay_start_2:
0x7f2: {  	(tag) =	ssettag $0x2  }
0x7f3: {  	s0 =	rddreg [dreg:$0x0];
	s2 =	stileid.u32  }
0x7f4: {  	s1 =	rddreg [dreg:$0x1];
	p0 =	sne.s32 s2, $0x0  }
0x7f5: {  	s3 =	rddreg [dreg:$0x2];
	[bflag:$0x3] =	sbarrier.arrive $0xFFFF;
	s2 =	simm.s32 @!p0 $0x1C01  }
0x7f6: {  	[timem:s3], [sflag:s2] =	dma.local @!p0 [hbm:s0], s1  }
0x7f7: {  	s0 =	simm.s32 @!p0 $0x1  }
0x7f8: {  	_ =	swait.ge @!p0 [sflag:s0], s1  }
0x7f9: {  	s1 =	ssub.s32 @!p0 $0x0, s1;
	[sflag:s0] =	ssyncset.done @!p0 $0x0  }
0x7fa: {  	[sflag:s0] =	ssyncadd.s32 @!p0 s1  }
0x7fb: {  	[bflag:$0x3] =	sbarrier.arrive $0xFFFF  }
0x7fc: {  	_ =	shalt  }

</sc_bundles>
